<compile_context>
chip_gen: v7x
topology: tpu7x:2x2x1
jax: 0.10.2.dev20260603
libtpu: 0.0.44.dev20260713+nightly
codegen_flags: <defaults>
</compile_context>

<pallas_src>
import functools

import jax
import jax.numpy as jnp
from jax import lax
from jax.experimental import pallas as pl
from jax.experimental.pallas import tpu as pltpu
from jax.experimental.pallas import tpu_sc as plsc

N_NODES = 10000
N_EDGES = 320000

NC = 2
NS = 16
L = 16
NW = NC * NS

K = 128
CHUNKS = 80
EPW = K * CHUNKS
E_PAD = EPW * NW
N_PAD = 10240
ZROWS = N_PAD // NS


def _fill_rows(rows, value, F):
    vecs_per_row = F // L
    vec = jnp.full((L,), value, jnp.float32)

    @pl.loop(0, K * vecs_per_row)
    def _(i):
        r = i // vecs_per_row
        c = (i % vecs_per_row) * L
        rows[r, pl.ds(c, L)] = vec


NBUF = 4
NBLK = CHUNKS // (2 * NBUF)


def _edge_pipeline(ysh, acc, sidx, didx, rows, gsA, gsB, ssA, ssB):

    def fire_gather(ci, b, sem):
        pltpu.async_copy(ysh.at[sidx.at[ci]], rows.at[b], sem)

    def wait_gather(b, sem):
        pltpu.make_async_copy(ysh.at[sidx.at[0]], rows.at[b], sem).wait()

    def fire_scatter(ci, b, sem):
        pltpu.async_copy(rows.at[b], acc.at[didx.at[ci]], sem, add=True)

    def wait_scatter(b, sem):
        pltpu.make_async_copy(rows.at[b], acc.at[didx.at[0]], sem).wait()

    for b in range(NBUF):
        fire_gather(b, b, gsA)

    @pl.loop(0, NBLK)
    def _(i):
        c0 = i * 2 * NBUF

        @pl.when(i > 0)
        def _():
            for b in range(NBUF):
                wait_scatter(NBUF + b, ssB)

        for b in range(NBUF):
            fire_gather(c0 + NBUF + b, NBUF + b, gsB)
        for b in range(NBUF):
            wait_gather(b, gsA)
        for b in range(NBUF):
            fire_scatter(c0 + b, b, ssA)
        for b in range(NBUF):
            wait_scatter(b, ssA)

        @pl.when(i < NBLK - 1)
        def _():
            for b in range(NBUF):
                fire_gather(c0 + 2 * NBUF + b, b, gsA)

        for b in range(NBUF):
            wait_gather(NBUF + b, gsB)
        for b in range(NBUF):
            fire_scatter(c0 + NBUF + b, NBUF + b, ssB)

    for b in range(NBUF):
        wait_scatter(NBUF + b, ssB)


def _propagate_body(F, stage_y, *refs):
    if stage_y:
        y, edges, out, sidx, didx, rows, acc, ysh, gsA, gsB, ssA, ssB = refs
    else:
        y, edges, out, sidx, didx, rows, acc, gsA, gsB, ssA, ssB = refs
        ysh = y
    srcr = edges.at[0]
    dstr = edges.at[1]
    c = lax.axis_index("c")
    s = lax.axis_index("s")
    wid = c * NS + s

    for b in range(NBUF):
        _fill_rows(rows.at[b], 0.0, F)
    for j in range(ZROWS // K):
        pltpu.async_copy(rows.at[j % NBUF],
                         acc.at[pl.ds(s * ZROWS + j * K, K), :], gsA)
    if stage_y:
        pltpu.async_copy(y.at[pl.ds(s * ZROWS, ZROWS), :],
                         ysh.at[pl.ds(s * ZROWS, ZROWS), :], gsB)
    for j in range(ZROWS // K):
        pltpu.make_async_copy(rows.at[0],
                              acc.at[pl.ds(s * ZROWS, K), :], gsA).wait()
    if stage_y:
        pltpu.make_async_copy(y.at[pl.ds(s * ZROWS, ZROWS), :],
                              ysh.at[pl.ds(s * ZROWS, ZROWS), :], gsB).wait()

    plsc.subcore_barrier()

    pltpu.sync_copy(dstr.at[pl.ds(wid * CHUNKS, CHUNKS), :], didx)
    pltpu.sync_copy(srcr.at[pl.ds(wid * CHUNKS, CHUNKS), :], sidx)
    _edge_pipeline(ysh, acc, sidx, didx, rows, gsA, gsB, ssA, ssB)

    plsc.subcore_barrier()

    pltpu.sync_copy(acc.at[pl.ds(s * ZROWS, ZROWS), :],
                    out.at[c, pl.ds(s * ZROWS, ZROWS), :])


def _make_propagate(F, stage_y):
    mesh = plsc.VectorSubcoreMesh(core_axis_name="c", subcore_axis_name="s")
    scratch = [
        pltpu.VMEM((CHUNKS, K), jnp.int32),
        pltpu.VMEM((CHUNKS, K), jnp.int32),
        pltpu.VMEM((2 * NBUF, K, F), jnp.float32),
        pltpu.VMEM_SHARED((N_PAD, F), jnp.float32),
    ]
    if stage_y:
        scratch.append(pltpu.VMEM_SHARED((N_PAD, F), jnp.float32))
    scratch += [pltpu.SemaphoreType.DMA] * 4
    return pl.kernel(
        functools.partial(_propagate_body, F, stage_y),
        out_type=jax.ShapeDtypeStruct((NC, N_PAD, F), jnp.float32),
        mesh=mesh,
        scratch_types=scratch,
        compiler_params=pltpu.CompilerParams(use_tc_tiling_on_sc=False),
    )


_prop32 = _make_propagate(32, stage_y=True)


def _prop64_split_body(y, edges, out, sidx, didx, rows,
                       accL, accH, ysh, gsA, gsB, ssA, ssB):
    srcr = edges.at[0]
    dstr = edges.at[1]
    c = lax.axis_index("c")
    s = lax.axis_index("s")
    wid = c * NS + s

    for b in range(NBUF):
        _fill_rows(rows.at[b], 0.0, 32)
    for j in range(ZROWS // K):
        pltpu.async_copy(rows.at[j % NBUF],
                         accL.at[pl.ds(s * ZROWS + j * K, K), :], gsA)
        pltpu.async_copy(rows.at[j % NBUF],
                         accH.at[pl.ds(s * ZROWS + j * K, K), :], gsA)
    pltpu.async_copy(y.at[pl.ds(s * ZROWS, ZROWS), pl.ds(0, 32)],
                     ysh.at[pl.ds(s * ZROWS, ZROWS), :], gsB)
    pltpu.sync_copy(dstr.at[pl.ds(wid * CHUNKS, CHUNKS), :], didx)
    pltpu.sync_copy(srcr.at[pl.ds(wid * CHUNKS, CHUNKS), :], sidx)
    for j in range(2 * (ZROWS // K)):
        pltpu.make_async_copy(rows.at[0],
                              accL.at[pl.ds(s * ZROWS, K), :], gsA).wait()
    pltpu.make_async_copy(y.at[pl.ds(s * ZROWS, ZROWS), pl.ds(0, 32)],
                          ysh.at[pl.ds(s * ZROWS, ZROWS), :], gsB).wait()
    plsc.subcore_barrier()

    _edge_pipeline(ysh, accL, sidx, didx, rows, gsA, gsB, ssA, ssB)

    plsc.subcore_barrier()
    pltpu.sync_copy(y.at[pl.ds(s * ZROWS, ZROWS), pl.ds(32, 32)],
                    ysh.at[pl.ds(s * ZROWS, ZROWS), :])
    plsc.subcore_barrier()

    _edge_pipeline(ysh, accH, sidx, didx, rows, gsA, gsB, ssA, ssB)

    plsc.subcore_barrier()
    pltpu.sync_copy(accL.at[pl.ds(s * ZROWS, ZROWS), :],
                    out.at[c, pl.ds(s * ZROWS, ZROWS), pl.ds(0, 32)])
    pltpu.sync_copy(accH.at[pl.ds(s * ZROWS, ZROWS), :],
                    out.at[c, pl.ds(s * ZROWS, ZROWS), pl.ds(32, 32)])


_prop64 = pl.kernel(
    _prop64_split_body,
    out_type=jax.ShapeDtypeStruct((NC, N_PAD, 64), jnp.float32),
    mesh=plsc.VectorSubcoreMesh(core_axis_name="c", subcore_axis_name="s"),
    scratch_types=[
        pltpu.VMEM((CHUNKS, K), jnp.int32),
        pltpu.VMEM((CHUNKS, K), jnp.int32),
        pltpu.VMEM((2 * NBUF, K, 32), jnp.float32),
        pltpu.VMEM_SHARED((N_PAD, 32), jnp.float32),
        pltpu.VMEM_SHARED((N_PAD, 32), jnp.float32),
        pltpu.VMEM_SHARED((N_PAD, 32), jnp.float32),
        pltpu.SemaphoreType.DMA,
        pltpu.SemaphoreType.DMA,
        pltpu.SemaphoreType.DMA,
        pltpu.SemaphoreType.DMA,
    ],
    compiler_params=pltpu.CompilerParams(use_tc_tiling_on_sc=False),
)


VPR = K // L


def _deg_body(edges, out, didx, accv):
    c = lax.axis_index("c")
    s = lax.axis_index("s")
    wid = c * NS + s

    zero = jnp.zeros((L,), jnp.float32)

    @pl.loop(0, N_PAD // L)
    def _(i):
        accv[pl.ds(i * L, L)] = zero

    pltpu.sync_copy(edges.at[1, pl.ds(wid * CHUNKS, CHUNKS), :], didx)
    ones = jnp.ones((L,), jnp.float32)

    @pl.loop(0, CHUNKS)
    def _(r):
        for v in range(VPR):
            dvec = didx[r, pl.ds(v * L, L)]
            plsc.addupdate_scatter(accv, [dvec], ones)

    pltpu.sync_copy(accv, out.at[wid])


_deg_sc = pl.kernel(
    _deg_body,
    out_type=jax.ShapeDtypeStruct((NW, N_PAD), jnp.float32),
    mesh=plsc.VectorSubcoreMesh(core_axis_name="c", subcore_axis_name="s"),
    scratch_types=[
        pltpu.VMEM((CHUNKS, K), jnp.int32),
        pltpu.VMEM((N_PAD,), jnp.float32),
    ],
    compiler_params=pltpu.CompilerParams(use_tc_tiling_on_sc=False,
                                         needs_layout_passes=False),
)


def _prop1_body(ybc, edges, out, yloc, sidx, didx, accv):
    c = lax.axis_index("c")
    s = lax.axis_index("s")
    wid = c * NS + s

    zero = jnp.zeros((L,), jnp.float32)

    @pl.loop(0, N_PAD // L)
    def _(i):
        accv[pl.ds(i * L, L)] = zero

    pltpu.sync_copy(ybc, yloc)
    pltpu.sync_copy(edges.at[0, pl.ds(wid * CHUNKS, CHUNKS), :], sidx)
    pltpu.sync_copy(edges.at[1, pl.ds(wid * CHUNKS, CHUNKS), :], didx)

    @pl.loop(0, CHUNKS)
    def _(r):
        for v in range(VPR):
            svec = sidx[r, pl.ds(v * L, L)]
            dvec = didx[r, pl.ds(v * L, L)]
            vals = plsc.load_gather(yloc, [svec])
            plsc.addupdate_scatter(accv, [dvec], vals)

    base = wid * (N_PAD // NW)

    @pl.loop(0, (N_PAD // NW) // L)
    def _(j):
        off = base + j * L
        cur = accv[pl.ds(off, L)]
        accv[pl.ds(off, L)] = cur + yloc[pl.ds(off, L)]

    pltpu.sync_copy(accv, out.at[wid])


_prop1 = pl.kernel(
    _prop1_body,
    out_type=jax.ShapeDtypeStruct((NW, N_PAD), jnp.float32),
    mesh=plsc.VectorSubcoreMesh(core_axis_name="c", subcore_axis_name="s"),
    scratch_types=[
        pltpu.VMEM((N_PAD,), jnp.float32),
        pltpu.VMEM((CHUNKS, K), jnp.int32),
        pltpu.VMEM((CHUNKS, K), jnp.int32),
        pltpu.VMEM((N_PAD,), jnp.float32),
    ],
    compiler_params=pltpu.CompilerParams(use_tc_tiling_on_sc=False,
                                         needs_layout_passes=False),
)



def _stage_a_body(degp, x, w1, y1_out, dinv_out, dinv1d_out):
    ones = jnp.ones((NW, 1), jnp.float32)
    degc = lax.dot_general(degp[...], ones, (((0,), (0,)), ((), ())),
                           preferred_element_type=jnp.float32)
    deg = degc[0:N_NODES, :] + 1.0
    dinv = lax.rsqrt(deg)
    dinv_out[...] = dinv
    dinv1d_out[...] = lax.rsqrt(jnp.sum(degp[...], axis=0) + 1.0)
    y1_out[0:N_NODES, :] = (x[...] @ w1[...]) * dinv


def _stage_mid_body(pp, y, dinv, b, w, out):
    t = (pp[0, :N_NODES] + pp[1, :N_NODES] + y[0:N_NODES, :]) * dinv[...] + b[...]
    h = jnp.maximum(t, 0.0)
    out[0:N_NODES, :] = (h @ w[...]) * dinv[...]


def _stage_c_body(pp, y, dinv, b, w, out):
    t = (pp[0, :N_NODES] + pp[1, :N_NODES] + y[0:N_NODES, :]) * dinv[...] + b[...]
    h = jnp.maximum(t, 0.0)
    out[0:N_NODES, :] = (h @ w[...]) * dinv[...]


def _stage_d_body(pp, dinv1d, b, out):
    out[...] = jnp.sum(pp[...], axis=0) * dinv1d[...] + b[0, 0]


def _tc(body, out_shape, *args):
    return pl.pallas_call(body, out_shape=out_shape)(*args)


def kernel(x, edge_index, W1, b1, W2, b2, W3, b3):
    ei = edge_index.astype(jnp.int32)
    npad = E_PAD - N_EDGES
    pad_block = jnp.concatenate(
        [jnp.zeros((1, npad), jnp.int32),
         jnp.full((1, npad), N_NODES, jnp.int32)], axis=0)
    edges = jnp.concatenate([ei, pad_block], axis=1).reshape(2, NW * CHUNKS, K)

    degp = _deg_sc(edges)
    y1, dinv, dinv1d = _tc(
        _stage_a_body,
        (jax.ShapeDtypeStruct((N_PAD, 64), jnp.float32),
         jax.ShapeDtypeStruct((N_NODES, 1), jnp.float32),
         jax.ShapeDtypeStruct((N_PAD,), jnp.float32)),
        degp, x, W1)
    p1 = _prop64(y1, edges)
    y2 = _tc(
        _stage_mid_body,
        jax.ShapeDtypeStruct((N_PAD, 32), jnp.float32),
        p1, y1, dinv, b1.reshape(1, 64), W2)
    p2 = _prop32(y2, edges)
    y3 = _tc(
        _stage_c_body,
        jax.ShapeDtypeStruct((N_PAD, 1), jnp.float32),
        p2, y2, dinv, b2.reshape(1, 32), W3)
    p3 = _prop1(y3.reshape(N_PAD), edges)
    out = _tc(
        _stage_d_body,
        jax.ShapeDtypeStruct((N_PAD,), jnp.float32),
        p3, dinv1d, b3.reshape(1, 1))
    return out[:N_NODES]

# --- scband reference (transcript-rebuilt; emitter-appended) ---
"""Pipeline reference for scband-structural-gcn-27178553049644 (READ-ONLY COPY).

The authoritative reference and input builder live on the scoring server;
editing this copy changes nothing except your own understanding.
"""

import jax, jax.numpy as jnp
import numpy as np

N_NODES = 10000
N_EDGES = 320000
IN_CH = 128
HID_CH = 64
MID_CH = 32


def setup_inputs(seed: int = 0) -> dict:
    key = jax.random.key(seed)
    ks = jax.random.split(key, 8)
    x = jax.random.normal(ks[0], (N_NODES, IN_CH), dtype=jnp.float32)
    edge_index = jax.random.randint(ks[1], (2, N_EDGES), 0, N_NODES, dtype=jnp.int64)
    W1 = jax.random.normal(ks[2], (IN_CH, HID_CH), dtype=jnp.float32) * (1.0 / np.sqrt(IN_CH))
    b1 = jnp.zeros((HID_CH,), dtype=jnp.float32)
    W2 = jax.random.normal(ks[3], (HID_CH, MID_CH), dtype=jnp.float32) * (1.0 / np.sqrt(HID_CH))
    b2 = jnp.zeros((MID_CH,), dtype=jnp.float32)
    W3 = jax.random.normal(ks[4], (MID_CH, 1), dtype=jnp.float32) * (1.0 / np.sqrt(MID_CH))
    b3 = jnp.zeros((1,), dtype=jnp.float32)
    return {"x": x, "edge_index": edge_index, "W1": W1, "b1": b1, "W2": W2, "b2": b2, "W3": W3, "b3": b3}


def _gcn_conv(x, W, b, src, dst, n):
    # GCNConv: x' = D^{-1/2} (A + I) D^{-1/2} X W + b  (self loops already appended to src/dst)
    h = x @ W
    ones = jnp.ones(src.shape[0], dtype=x.dtype)
    deg = jax.ops.segment_sum(ones, dst, num_segments=n)
    dinv = jnp.where(deg > 0, 1.0 / jnp.sqrt(deg), 0.0)
    norm = dinv[src] * dinv[dst]
    msg = h[src] * norm[:, None]
    out = jax.ops.segment_sum(msg, dst, num_segments=n)
    return out + b


def reference(x, edge_index, W1, b1, W2, b2, W3, b3):
    loops = jnp.arange(N_NODES, dtype=edge_index.dtype)
    src = jnp.concatenate([edge_index[0], loops])
    dst = jnp.concatenate([edge_index[1], loops])
    h = jax.nn.relu(_gcn_conv(x, W1, b1, src, dst, N_NODES))
    h = jax.nn.relu(_gcn_conv(h, W2, b2, src, dst, N_NODES))
    h = _gcn_conv(h, W3, b3, src, dst, N_NODES)
    return jnp.squeeze(h)

if __name__ == "__main__":
    import jax
    _d = setup_inputs()
    print(jax.jit(kernel)(*tuple(_d.values())))

</pallas_src>

<mosaic_0001>
#map = affine_map<(d0, d1) -> (0, 0)>
#map1 = affine_map<(d0, d1) -> (0, 0, 0)>
module attributes {stable_mosaic.version = 14 : i64} {
  func.func @_prop64_split_body(%arg0: i32, %arg1: i32, %arg2: memref<10240x64xf32, #tpu.memory_space<hbm>>, %arg3: memref<2x2560x128xi32, #tpu.memory_space<hbm>>, %arg4: memref<2x10240x64xf32, #tpu.memory_space<hbm>>, %arg5: memref<80x128xi32, #tpu.memory_space<vmem>>, %arg6: memref<80x128xi32, #tpu.memory_space<vmem>>, %arg7: memref<8x128x32xf32, #tpu.memory_space<vmem>>, %arg8: memref<10240x32xf32, #tpu.memory_space<vmem_shared>>, %arg9: memref<10240x32xf32, #tpu.memory_space<vmem_shared>>, %arg10: memref<10240x32xf32, #tpu.memory_space<vmem_shared>>, %arg11: memref<!tpu.dma_semaphore, #tpu.memory_space<semaphore_mem>>, %arg12: memref<!tpu.dma_semaphore, #tpu.memory_space<semaphore_mem>>, %arg13: memref<!tpu.dma_semaphore, #tpu.memory_space<semaphore_mem>>, %arg14: memref<!tpu.dma_semaphore, #tpu.memory_space<semaphore_mem>>) attributes {dimension_semantics = [#tpu.dimension_semantics<core_parallel>, #tpu.dimension_semantics<subcore_parallel>], iteration_bounds = array<i64: 2, 16>, scalar_prefetch = 0 : i64, scratch_operands = 10 : i64, tpu.core_type = #tpu.core_type<sc_vector_subcore>, window_params = [{transform_indices = #map}, {transform_indices = #map1}, {transform_indices = #map1}]} {
    %mul3A = arith.constant 16 : i32
    %mul3A_0 = arith.muli %arg0, %mul3A : i32
    %add3A = arith.addi %mul3A_0, %arg1 : i32
    %broadcast_in_dim3A = arith.constant 0.000000e+00 : f32
    %broadcast_in_dim3A_1 = vector.broadcast %broadcast_in_dim3A : f32 to vector<16xf32>
    %scan3A = arith.constant 0 : i32
    %scan3A_2 = arith.constant 0 : i32
    %scan3A_3 = arith.constant 256 : i32
    %scan3A_4 = arith.addi %scan3A_2, %scan3A_3 : i32
    %scan3A_5 = arith.constant 1 : i32
    scf.for %scan3A_587 = %scan3A_2 to %scan3A_4 step %scan3A_5  : i32 {
      %mul3A_588 = arith.constant 1 : i32
      %mul3A_589 = arith.muli %scan3A_587, %mul3A_588 : i32
      %add3A_590 = arith.constant 0 : i32
      %add3A_591 = arith.addi %add3A_590, %mul3A_589 : i32
      %jit3A = arith.constant 2 : i32
      %div3A = arith.divsi %add3A_591, %jit3A : i32
      %sign3A = arith.constant 0 : i32
      %sign3A_592 = arith.cmpi sgt, %add3A_591, %sign3A : i32
      %sign3A_593 = arith.extui %sign3A_592 : i1 to i32
      %sign3A_594 = arith.constant 0 : i32
      %sign3A_595 = arith.cmpi slt, %add3A_591, %sign3A_594 : i32
      %sign3A_596 = arith.extui %sign3A_595 : i1 to i32
      %sign3A_597 = arith.subi %sign3A_593, %sign3A_596 : i32
      %sign3A_598 = arith.constant 0 : i32
      %sign3A_599 = arith.cmpi sgt, %jit3A, %sign3A_598 : i32
      %sign3A_600 = arith.extui %sign3A_599 : i1 to i32
      %sign3A_601 = arith.constant 0 : i32
      %sign3A_602 = arith.cmpi slt, %jit3A, %sign3A_601 : i32
      %sign3A_603 = arith.extui %sign3A_602 : i1 to i32
      %sign3A_604 = arith.subi %sign3A_600, %sign3A_603 : i32
      %ne3A = arith.cmpi ne, %sign3A_597, %sign3A_604 : i32
      %rem3A = arith.remsi %add3A_591, %jit3A : i32
      %ne3A_605 = arith.constant 0 : i32
      %ne3A_606 = arith.cmpi ne, %rem3A, %ne3A_605 : i32
      %and3A = arith.andi %ne3A, %ne3A_606 : i1
      %sub3A = arith.constant 1 : i32
      %sub3A_607 = arith.subi %div3A, %sub3A : i32
      %select_n3A = arith.select %and3A, %sub3A_607, %div3A : i32
      %jit3A_608 = arith.constant 2 : i32
      %eq3A = arith.constant 0 : i32
      %eq3A_609 = arith.cmpi eq, %jit3A_608, %eq3A : i32
      %jit3A_610 = arith.constant 1 : i32
      %select_n3A_611 = arith.select %eq3A_609, %jit3A_610, %jit3A_608 : i32
      %rem3A_612 = arith.remsi %add3A_591, %select_n3A_611 : i32
      %ne3A_613 = arith.constant 0 : i32
      %ne3A_614 = arith.cmpi ne, %rem3A_612, %ne3A_613 : i32
      %lt3A = arith.constant 0 : i32
      %lt3A_615 = arith.cmpi slt, %rem3A_612, %lt3A : i32
      %lt3A_616 = arith.constant 0 : i32
      %lt3A_617 = arith.cmpi slt, %select_n3A_611, %lt3A_616 : i32
      %ne3A_618 = arith.xori %lt3A_615, %lt3A_617 : i1
      %and3A_619 = arith.andi %ne3A_618, %ne3A_614 : i1
      %add3A_620 = arith.addi %rem3A_612, %select_n3A_611 : i32
      %select_n3A_621 = arith.select %and3A_619, %add3A_620, %rem3A_612 : i32
      %mul3A_622 = arith.constant 16 : i32
      %mul3A_623 = arith.muli %select_n3A_621, %mul3A_622 : i32
      %swap3A = arith.constant 0 : i32
      %swap3A_624 = arith.constant 0 : i32
      %swap3A_625 = tpu.memref_slice %arg7[%scan3A, %swap3A, %swap3A_624] : memref<8x128x32xf32, #tpu.memory_space<vmem>> -> memref<1x128x32xf32, #tpu.memory_space<vmem>>
      %swap3A_626 = tpu.memref_squeeze %swap3A_625 : memref<1x128x32xf32, #tpu.memory_space<vmem>> -> memref<128x32xf32, #tpu.memory_space<vmem>>
      %swap3A_627 = arith.index_cast %select_n3A : i32 to index
      %swap3A_628 = arith.index_cast %mul3A_623 : i32 to index
      %swap3A_629 = tpu.vector_load %swap3A_626[%swap3A_627, %swap3A_628] {strides = array<i32>} : memref<128x32xf32, #tpu.memory_space<vmem>>, vector<1x16xf32>,
      %swap3A_630 = vector.shape_cast %swap3A_629 : vector<1x16xf32> to vector<16xf32>
      %swap3A_631 = vector.shape_cast %broadcast_in_dim3A_1 : vector<16xf32> to vector<1x16xf32>
      tpu.vector_store %swap3A_626[%swap3A_627, %swap3A_628], %swap3A_631 {strides = array<i32>} : memref<128x32xf32, #tpu.memory_space<vmem>>, vector<1x16xf32>,
    }
    %scan3A_6 = arith.constant 256 : i32
    %broadcast_in_dim3A_7 = arith.constant 0.000000e+00 : f32
    %broadcast_in_dim3A_8 = vector.broadcast %broadcast_in_dim3A_7 : f32 to vector<16xf32>
    %scan3A_9 = arith.constant 1 : i32
    %scan3A_10 = arith.constant 0 : i32
    %scan3A_11 = arith.constant 256 : i32
    %scan3A_12 = arith.addi %scan3A_10, %scan3A_11 : i32
    %scan3A_13 = arith.constant 1 : i32
    scf.for %scan3A_587 = %scan3A_10 to %scan3A_12 step %scan3A_13  : i32 {
      %mul3A_588 = arith.constant 1 : i32
      %mul3A_589 = arith.muli %scan3A_587, %mul3A_588 : i32
      %add3A_590 = arith.constant 0 : i32
      %add3A_591 = arith.addi %add3A_590, %mul3A_589 : i32
      %jit3A = arith.constant 2 : i32
      %div3A = arith.divsi %add3A_591, %jit3A : i32
      %sign3A = arith.constant 0 : i32
      %sign3A_592 = arith.cmpi sgt, %add3A_591, %sign3A : i32
      %sign3A_593 = arith.extui %sign3A_592 : i1 to i32
      %sign3A_594 = arith.constant 0 : i32
      %sign3A_595 = arith.cmpi slt, %add3A_591, %sign3A_594 : i32
      %sign3A_596 = arith.extui %sign3A_595 : i1 to i32
      %sign3A_597 = arith.subi %sign3A_593, %sign3A_596 : i32
      %sign3A_598 = arith.constant 0 : i32
      %sign3A_599 = arith.cmpi sgt, %jit3A, %sign3A_598 : i32
      %sign3A_600 = arith.extui %sign3A_599 : i1 to i32
      %sign3A_601 = arith.constant 0 : i32
      %sign3A_602 = arith.cmpi slt, %jit3A, %sign3A_601 : i32
      %sign3A_603 = arith.extui %sign3A_602 : i1 to i32
      %sign3A_604 = arith.subi %sign3A_600, %sign3A_603 : i32
      %ne3A = arith.cmpi ne, %sign3A_597, %sign3A_604 : i32
      %rem3A = arith.remsi %add3A_591, %jit3A : i32
      %ne3A_605 = arith.constant 0 : i32
      %ne3A_606 = arith.cmpi ne, %rem3A, %ne3A_605 : i32
      %and3A = arith.andi %ne3A, %ne3A_606 : i1
      %sub3A = arith.constant 1 : i32
      %sub3A_607 = arith.subi %div3A, %sub3A : i32
      %select_n3A = arith.select %and3A, %sub3A_607, %div3A : i32
      %jit3A_608 = arith.constant 2 : i32
      %eq3A = arith.constant 0 : i32
      %eq3A_609 = arith.cmpi eq, %jit3A_608, %eq3A : i32
      %jit3A_610 = arith.constant 1 : i32
      %select_n3A_611 = arith.select %eq3A_609, %jit3A_610, %jit3A_608 : i32
      %rem3A_612 = arith.remsi %add3A_591, %select_n3A_611 : i32
      %ne3A_613 = arith.constant 0 : i32
      %ne3A_614 = arith.cmpi ne, %rem3A_612, %ne3A_613 : i32
      %lt3A = arith.constant 0 : i32
      %lt3A_615 = arith.cmpi slt, %rem3A_612, %lt3A : i32
      %lt3A_616 = arith.constant 0 : i32
      %lt3A_617 = arith.cmpi slt, %select_n3A_611, %lt3A_616 : i32
      %ne3A_618 = arith.xori %lt3A_615, %lt3A_617 : i1
      %and3A_619 = arith.andi %ne3A_618, %ne3A_614 : i1
      %add3A_620 = arith.addi %rem3A_612, %select_n3A_611 : i32
      %select_n3A_621 = arith.select %and3A_619, %add3A_620, %rem3A_612 : i32
      %mul3A_622 = arith.constant 16 : i32
      %mul3A_623 = arith.muli %select_n3A_621, %mul3A_622 : i32
      %swap3A = arith.constant 0 : i32
      %swap3A_624 = arith.constant 0 : i32
      %swap3A_625 = tpu.memref_slice %arg7[%scan3A_9, %swap3A, %swap3A_624] : memref<8x128x32xf32, #tpu.memory_space<vmem>> -> memref<1x128x32xf32, #tpu.memory_space<vmem>>
      %swap3A_626 = tpu.memref_squeeze %swap3A_625 : memref<1x128x32xf32, #tpu.memory_space<vmem>> -> memref<128x32xf32, #tpu.memory_space<vmem>>
      %swap3A_627 = arith.index_cast %select_n3A : i32 to index
      %swap3A_628 = arith.index_cast %mul3A_623 : i32 to index
      %swap3A_629 = tpu.vector_load %swap3A_626[%swap3A_627, %swap3A_628] {strides = array<i32>} : memref<128x32xf32, #tpu.memory_space<vmem>>, vector<1x16xf32>,
      %swap3A_630 = vector.shape_cast %swap3A_629 : vector<1x16xf32> to vector<16xf32>
      %swap3A_631 = vector.shape_cast %broadcast_in_dim3A_8 : vector<16xf32> to vector<1x16xf32>
      tpu.vector_store %swap3A_626[%swap3A_627, %swap3A_628], %swap3A_631 {strides = array<i32>} : memref<128x32xf32, #tpu.memory_space<vmem>>, vector<1x16xf32>,
    }
    %scan3A_14 = arith.constant 256 : i32
    %broadcast_in_dim3A_15 = arith.constant 0.000000e+00 : f32
    %broadcast_in_dim3A_16 = vector.broadcast %broadcast_in_dim3A_15 : f32 to vector<16xf32>
    %scan3A_17 = arith.constant 2 : i32
    %scan3A_18 = arith.constant 0 : i32
    %scan3A_19 = arith.constant 256 : i32
    %scan3A_20 = arith.addi %scan3A_18, %scan3A_19 : i32
    %scan3A_21 = arith.constant 1 : i32
    scf.for %scan3A_587 = %scan3A_18 to %scan3A_20 step %scan3A_21  : i32 {
      %mul3A_588 = arith.constant 1 : i32
      %mul3A_589 = arith.muli %scan3A_587, %mul3A_588 : i32
      %add3A_590 = arith.constant 0 : i32
      %add3A_591 = arith.addi %add3A_590, %mul3A_589 : i32
      %jit3A = arith.constant 2 : i32
      %div3A = arith.divsi %add3A_591, %jit3A : i32
      %sign3A = arith.constant 0 : i32
      %sign3A_592 = arith.cmpi sgt, %add3A_591, %sign3A : i32
      %sign3A_593 = arith.extui %sign3A_592 : i1 to i32
      %sign3A_594 = arith.constant 0 : i32
      %sign3A_595 = arith.cmpi slt, %add3A_591, %sign3A_594 : i32
      %sign3A_596 = arith.extui %sign3A_595 : i1 to i32
      %sign3A_597 = arith.subi %sign3A_593, %sign3A_596 : i32
      %sign3A_598 = arith.constant 0 : i32
      %sign3A_599 = arith.cmpi sgt, %jit3A, %sign3A_598 : i32
      %sign3A_600 = arith.extui %sign3A_599 : i1 to i32
      %sign3A_601 = arith.constant 0 : i32
      %sign3A_602 = arith.cmpi slt, %jit3A, %sign3A_601 : i32
      %sign3A_603 = arith.extui %sign3A_602 : i1 to i32
      %sign3A_604 = arith.subi %sign3A_600, %sign3A_603 : i32
      %ne3A = arith.cmpi ne, %sign3A_597, %sign3A_604 : i32
      %rem3A = arith.remsi %add3A_591, %jit3A : i32
      %ne3A_605 = arith.constant 0 : i32
      %ne3A_606 = arith.cmpi ne, %rem3A, %ne3A_605 : i32
      %and3A = arith.andi %ne3A, %ne3A_606 : i1
      %sub3A = arith.constant 1 : i32
      %sub3A_607 = arith.subi %div3A, %sub3A : i32
      %select_n3A = arith.select %and3A, %sub3A_607, %div3A : i32
      %jit3A_608 = arith.constant 2 : i32
      %eq3A = arith.constant 0 : i32
      %eq3A_609 = arith.cmpi eq, %jit3A_608, %eq3A : i32
      %jit3A_610 = arith.constant 1 : i32
      %select_n3A_611 = arith.select %eq3A_609, %jit3A_610, %jit3A_608 : i32
      %rem3A_612 = arith.remsi %add3A_591, %select_n3A_611 : i32
      %ne3A_613 = arith.constant 0 : i32
      %ne3A_614 = arith.cmpi ne, %rem3A_612, %ne3A_613 : i32
      %lt3A = arith.constant 0 : i32
      %lt3A_615 = arith.cmpi slt, %rem3A_612, %lt3A : i32
      %lt3A_616 = arith.constant 0 : i32
      %lt3A_617 = arith.cmpi slt, %select_n3A_611, %lt3A_616 : i32
      %ne3A_618 = arith.xori %lt3A_615, %lt3A_617 : i1
      %and3A_619 = arith.andi %ne3A_618, %ne3A_614 : i1
      %add3A_620 = arith.addi %rem3A_612, %select_n3A_611 : i32
      %select_n3A_621 = arith.select %and3A_619, %add3A_620, %rem3A_612 : i32
      %mul3A_622 = arith.constant 16 : i32
      %mul3A_623 = arith.muli %select_n3A_621, %mul3A_622 : i32
      %swap3A = arith.constant 0 : i32
      %swap3A_624 = arith.constant 0 : i32
      %swap3A_625 = tpu.memref_slice %arg7[%scan3A_17, %swap3A, %swap3A_624] : memref<8x128x32xf32, #tpu.memory_space<vmem>> -> memref<1x128x32xf32, #tpu.memory_space<vmem>>
      %swap3A_626 = tpu.memref_squeeze %swap3A_625 : memref<1x128x32xf32, #tpu.memory_space<vmem>> -> memref<128x32xf32, #tpu.memory_space<vmem>>
      %swap3A_627 = arith.index_cast %select_n3A : i32 to index
      %swap3A_628 = arith.index_cast %mul3A_623 : i32 to index
      %swap3A_629 = tpu.vector_load %swap3A_626[%swap3A_627, %swap3A_628] {strides = array<i32>} : memref<128x32xf32, #tpu.memory_space<vmem>>, vector<1x16xf32>,
      %swap3A_630 = vector.shape_cast %swap3A_629 : vector<1x16xf32> to vector<16xf32>
      %swap3A_631 = vector.shape_cast %broadcast_in_dim3A_16 : vector<16xf32> to vector<1x16xf32>
      tpu.vector_store %swap3A_626[%swap3A_627, %swap3A_628], %swap3A_631 {strides = array<i32>} : memref<128x32xf32, #tpu.memory_space<vmem>>, vector<1x16xf32>,
    }
    %scan3A_22 = arith.constant 256 : i32
    %broadcast_in_dim3A_23 = arith.constant 0.000000e+00 : f32
    %broadcast_in_dim3A_24 = vector.broadcast %broadcast_in_dim3A_23 : f32 to vector<16xf32>
    %scan3A_25 = arith.constant 3 : i32
    %scan3A_26 = arith.constant 0 : i32
    %scan3A_27 = arith.constant 256 : i32
    %scan3A_28 = arith.addi %scan3A_26, %scan3A_27 : i32
    %scan3A_29 = arith.constant 1 : i32
    scf.for %scan3A_587 = %scan3A_26 to %scan3A_28 step %scan3A_29  : i32 {
      %mul3A_588 = arith.constant 1 : i32
      %mul3A_589 = arith.muli %scan3A_587, %mul3A_588 : i32
      %add3A_590 = arith.constant 0 : i32
      %add3A_591 = arith.addi %add3A_590, %mul3A_589 : i32
      %jit3A = arith.constant 2 : i32
      %div3A = arith.divsi %add3A_591, %jit3A : i32
      %sign3A = arith.constant 0 : i32
      %sign3A_592 = arith.cmpi sgt, %add3A_591, %sign3A : i32
      %sign3A_593 = arith.extui %sign3A_592 : i1 to i32
      %sign3A_594 = arith.constant 0 : i32
      %sign3A_595 = arith.cmpi slt, %add3A_591, %sign3A_594 : i32
      %sign3A_596 = arith.extui %sign3A_595 : i1 to i32
      %sign3A_597 = arith.subi %sign3A_593, %sign3A_596 : i32
      %sign3A_598 = arith.constant 0 : i32
      %sign3A_599 = arith.cmpi sgt, %jit3A, %sign3A_598 : i32
      %sign3A_600 = arith.extui %sign3A_599 : i1 to i32
      %sign3A_601 = arith.constant 0 : i32
      %sign3A_602 = arith.cmpi slt, %jit3A, %sign3A_601 : i32
      %sign3A_603 = arith.extui %sign3A_602 : i1 to i32
      %sign3A_604 = arith.subi %sign3A_600, %sign3A_603 : i32
      %ne3A = arith.cmpi ne, %sign3A_597, %sign3A_604 : i32
      %rem3A = arith.remsi %add3A_591, %jit3A : i32
      %ne3A_605 = arith.constant 0 : i32
      %ne3A_606 = arith.cmpi ne, %rem3A, %ne3A_605 : i32
      %and3A = arith.andi %ne3A, %ne3A_606 : i1
      %sub3A = arith.constant 1 : i32
      %sub3A_607 = arith.subi %div3A, %sub3A : i32
      %select_n3A = arith.select %and3A, %sub3A_607, %div3A : i32
      %jit3A_608 = arith.constant 2 : i32
      %eq3A = arith.constant 0 : i32
      %eq3A_609 = arith.cmpi eq, %jit3A_608, %eq3A : i32
      %jit3A_610 = arith.constant 1 : i32
      %select_n3A_611 = arith.select %eq3A_609, %jit3A_610, %jit3A_608 : i32
      %rem3A_612 = arith.remsi %add3A_591, %select_n3A_611 : i32
      %ne3A_613 = arith.constant 0 : i32
      %ne3A_614 = arith.cmpi ne, %rem3A_612, %ne3A_613 : i32
      %lt3A = arith.constant 0 : i32
      %lt3A_615 = arith.cmpi slt, %rem3A_612, %lt3A : i32
      %lt3A_616 = arith.constant 0 : i32
      %lt3A_617 = arith.cmpi slt, %select_n3A_611, %lt3A_616 : i32
      %ne3A_618 = arith.xori %lt3A_615, %lt3A_617 : i1
      %and3A_619 = arith.andi %ne3A_618, %ne3A_614 : i1
      %add3A_620 = arith.addi %rem3A_612, %select_n3A_611 : i32
      %select_n3A_621 = arith.select %and3A_619, %add3A_620, %rem3A_612 : i32
      %mul3A_622 = arith.constant 16 : i32
      %mul3A_623 = arith.muli %select_n3A_621, %mul3A_622 : i32
      %swap3A = arith.constant 0 : i32
      %swap3A_624 = arith.constant 0 : i32
      %swap3A_625 = tpu.memref_slice %arg7[%scan3A_25, %swap3A, %swap3A_624] : memref<8x128x32xf32, #tpu.memory_space<vmem>> -> memref<1x128x32xf32, #tpu.memory_space<vmem>>
      %swap3A_626 = tpu.memref_squeeze %swap3A_625 : memref<1x128x32xf32, #tpu.memory_space<vmem>> -> memref<128x32xf32, #tpu.memory_space<vmem>>
      %swap3A_627 = arith.index_cast %select_n3A : i32 to index
      %swap3A_628 = arith.index_cast %mul3A_623 : i32 to index
      %swap3A_629 = tpu.vector_load %swap3A_626[%swap3A_627, %swap3A_628] {strides = array<i32>} : memref<128x32xf32, #tpu.memory_space<vmem>>, vector<1x16xf32>,
      %swap3A_630 = vector.shape_cast %swap3A_629 : vector<1x16xf32> to vector<16xf32>
      %swap3A_631 = vector.shape_cast %broadcast_in_dim3A_24 : vector<16xf32> to vector<1x16xf32>
      tpu.vector_store %swap3A_626[%swap3A_627, %swap3A_628], %swap3A_631 {strides = array<i32>} : memref<128x32xf32, #tpu.memory_space<vmem>>, vector<1x16xf32>,
    }
    %scan3A_30 = arith.constant 256 : i32
    %mul3A_31 = arith.constant 640 : i32
    %mul3A_32 = arith.muli %arg1, %mul3A_31 : i32
    %add3A_33 = arith.constant 0 : i32
    %add3A_34 = arith.addi %mul3A_32, %add3A_33 : i32
    %dma_start3A = arith.constant 0 : i32
    %dma_start3A_35 = arith.constant 0 : i32
    %dma_start3A_36 = arith.constant 0 : i32
    %dma_start3A_37 = tpu.memref_slice %arg7[%dma_start3A, %dma_start3A_35, %dma_start3A_36] : memref<8x128x32xf32, #tpu.memory_space<vmem>> -> memref<1x128x32xf32, #tpu.memory_space<vmem>>
    %dma_start3A_38 = tpu.memref_squeeze %dma_start3A_37 : memref<1x128x32xf32, #tpu.memory_space<vmem>> -> memref<128x32xf32, #tpu.memory_space<vmem>>
    %dma_start3A_39 = arith.constant 0 : i32
    %dma_start3A_40 = tpu.memref_slice %arg8[%add3A_34, %dma_start3A_39] : memref<10240x32xf32, #tpu.memory_space<vmem_shared>> -> memref<128x32xf32, #tpu.memory_space<vmem_shared>>
    %dma_start3A_41 = arith.constant 0 : i32
    %dma_start3A_42 = tpu.memref_slice %arg8[%add3A_34, %dma_start3A_41] : memref<10240x32xf32, #tpu.memory_space<vmem_shared>> -> memref<128x32xf32, #tpu.memory_space<vmem_shared>>
    %dma_start3A_43 = arith.constant 0 : i32
    %dma_start3A_44 = arith.constant 0 : i32
    %dma_start3A_45 = tpu.memref_slice %arg7[%dma_start3A, %dma_start3A_43, %dma_start3A_44] : memref<8x128x32xf32, #tpu.memory_space<vmem>> -> memref<1x128x32xf32, #tpu.memory_space<vmem>>
    %dma_start3A_46 = tpu.memref_squeeze %dma_start3A_45 : memref<1x128x32xf32, #tpu.memory_space<vmem>> -> memref<128x32xf32, #tpu.memory_space<vmem>>
    tpu.enqueue_dma source(%dma_start3A_46 : memref<128x32xf32, #tpu.memory_space<vmem>>) target(%dma_start3A_42 : memref<128x32xf32, #tpu.memory_space<vmem_shared>>) target_semaphore(%arg11 : memref<!tpu.dma_semaphore, #tpu.memory_space<semaphore_mem>>)
    %mul3A_47 = arith.constant 640 : i32
    %mul3A_48 = arith.muli %arg1, %mul3A_47 : i32
    %add3A_49 = arith.constant 0 : i32
    %add3A_50 = arith.addi %mul3A_48, %add3A_49 : i32
    %dma_start3A_51 = arith.constant 0 : i32
    %dma_start3A_52 = arith.constant 0 : i32
    %dma_start3A_53 = arith.constant 0 : i32
    %dma_start3A_54 = tpu.memref_slice %arg7[%dma_start3A_51, %dma_start3A_52, %dma_start3A_53] : memref<8x128x32xf32, #tpu.memory_space<vmem>> -> memref<1x128x32xf32, #tpu.memory_space<vmem>>
    %dma_start3A_55 = tpu.memref_squeeze %dma_start3A_54 : memref<1x128x32xf32, #tpu.memory_space<vmem>> -> memref<128x32xf32, #tpu.memory_space<vmem>>
    %dma_start3A_56 = arith.constant 0 : i32
    %dma_start3A_57 = tpu.memref_slice %arg9[%add3A_50, %dma_start3A_56] : memref<10240x32xf32, #tpu.memory_space<vmem_shared>> -> memref<128x32xf32, #tpu.memory_space<vmem_shared>>
    %dma_start3A_58 = arith.constant 0 : i32
    %dma_start3A_59 = tpu.memref_slice %arg9[%add3A_50, %dma_start3A_58] : memref<10240x32xf32, #tpu.memory_space<vmem_shared>> -> memref<128x32xf32, #tpu.memory_space<vmem_shared>>
    %dma_start3A_60 = arith.constant 0 : i32
    %dma_start3A_61 = arith.constant 0 : i32
    %dma_start3A_62 = tpu.memref_slice %arg7[%dma_start3A_51, %dma_start3A_60, %dma_start3A_61] : memref<8x128x32xf32, #tpu.memory_space<vmem>> -> memref<1x128x32xf32, #tpu.memory_space<vmem>>
    %dma_start3A_63 = tpu.memref_squeeze %dma_start3A_62 : memref<1x128x32xf32, #tpu.memory_space<vmem>> -> memref<128x32xf32, #tpu.memory_space<vmem>>
    tpu.enqueue_dma source(%dma_start3A_63 : memref<128x32xf32, #tpu.memory_space<vmem>>) target(%dma_start3A_59 : memref<128x32xf32, #tpu.memory_space<vmem_shared>>) target_semaphore(%arg11 : memref<!tpu.dma_semaphore, #tpu.memory_space<semaphore_mem>>)
    %mul3A_64 = arith.constant 640 : i32
    %mul3A_65 = arith.muli %arg1, %mul3A_64 : i32
    %add3A_66 = arith.constant 128 : i32
    %add3A_67 = arith.addi %mul3A_65, %add3A_66 : i32
    %dma_start3A_68 = arith.constant 1 : i32
    %dma_start3A_69 = arith.constant 0 : i32
    %dma_start3A_70 = arith.constant 0 : i32
    %dma_start3A_71 = tpu.memref_slice %arg7[%dma_start3A_68, %dma_start3A_69, %dma_start3A_70] : memref<8x128x32xf32, #tpu.memory_space<vmem>> -> memref<1x128x32xf32, #tpu.memory_space<vmem>>
    %dma_start3A_72 = tpu.memref_squeeze %dma_start3A_71 : memref<1x128x32xf32, #tpu.memory_space<vmem>> -> memref<128x32xf32, #tpu.memory_space<vmem>>
    %dma_start3A_73 = arith.constant 0 : i32
    %dma_start3A_74 = tpu.memref_slice %arg8[%add3A_67, %dma_start3A_73] : memref<10240x32xf32, #tpu.memory_space<vmem_shared>> -> memref<128x32xf32, #tpu.memory_space<vmem_shared>>
    %dma_start3A_75 = arith.constant 0 : i32
    %dma_start3A_76 = tpu.memref_slice %arg8[%add3A_67, %dma_start3A_75] : memref<10240x32xf32, #tpu.memory_space<vmem_shared>> -> memref<128x32xf32, #tpu.memory_space<vmem_shared>>
    %dma_start3A_77 = arith.constant 0 : i32
    %dma_start3A_78 = arith.constant 0 : i32
    %dma_start3A_79 = tpu.memref_slice %arg7[%dma_start3A_68, %dma_start3A_77, %dma_start3A_78] : memref<8x128x32xf32, #tpu.memory_space<vmem>> -> memref<1x128x32xf32, #tpu.memory_space<vmem>>
    %dma_start3A_80 = tpu.memref_squeeze %dma_start3A_79 : memref<1x128x32xf32, #tpu.memory_space<vmem>> -> memref<128x32xf32, #tpu.memory_space<vmem>>
    tpu.enqueue_dma source(%dma_start3A_80 : memref<128x32xf32, #tpu.memory_space<vmem>>) target(%dma_start3A_76 : memref<128x32xf32, #tpu.memory_space<vmem_shared>>) target_semaphore(%arg11 : memref<!tpu.dma_semaphore, #tpu.memory_space<semaphore_mem>>)
    %mul3A_81 = arith.constant 640 : i32
    %mul3A_82 = arith.muli %arg1, %mul3A_81 : i32
    %add3A_83 = arith.constant 128 : i32
    %add3A_84 = arith.addi %mul3A_82, %add3A_83 : i32
    %dma_start3A_85 = arith.constant 1 : i32
    %dma_start3A_86 = arith.constant 0 : i32
    %dma_start3A_87 = arith.constant 0 : i32
    %dma_start3A_88 = tpu.memref_slice %arg7[%dma_start3A_85, %dma_start3A_86, %dma_start3A_87] : memref<8x128x32xf32, #tpu.memory_space<vmem>> -> memref<1x128x32xf32, #tpu.memory_space<vmem>>
    %dma_start3A_89 = tpu.memref_squeeze %dma_start3A_88 : memref<1x128x32xf32, #tpu.memory_space<vmem>> -> memref<128x32xf32, #tpu.memory_space<vmem>>
    %dma_start3A_90 = arith.constant 0 : i32
    %dma_start3A_91 = tpu.memref_slice %arg9[%add3A_84, %dma_start3A_90] : memref<10240x32xf32, #tpu.memory_space<vmem_shared>> -> memref<128x32xf32, #tpu.memory_space<vmem_shared>>
    %dma_start3A_92 = arith.constant 0 : i32
    %dma_start3A_93 = tpu.memref_slice %arg9[%add3A_84, %dma_start3A_92] : memref<10240x32xf32, #tpu.memory_space<vmem_shared>> -> memref<128x32xf32, #tpu.memory_space<vmem_shared>>
    %dma_start3A_94 = arith.constant 0 : i32
    %dma_start3A_95 = arith.constant 0 : i32
    %dma_start3A_96 = tpu.memref_slice %arg7[%dma_start3A_85, %dma_start3A_94, %dma_start3A_95] : memref<8x128x32xf32, #tpu.memory_space<vmem>> -> memref<1x128x32xf32, #tpu.memory_space<vmem>>
    %dma_start3A_97 = tpu.memref_squeeze %dma_start3A_96 : memref<1x128x32xf32, #tpu.memory_space<vmem>> -> memref<128x32xf32, #tpu.memory_space<vmem>>
    tpu.enqueue_dma source(%dma_start3A_97 : memref<128x32xf32, #tpu.memory_space<vmem>>) target(%dma_start3A_93 : memref<128x32xf32, #tpu.memory_space<vmem_shared>>) target_semaphore(%arg11 : memref<!tpu.dma_semaphore, #tpu.memory_space<semaphore_mem>>)
    %mul3A_98 = arith.constant 640 : i32
    %mul3A_99 = arith.muli %arg1, %mul3A_98 : i32
    %add3A_100 = arith.constant 256 : i32
    %add3A_101 = arith.addi %mul3A_99, %add3A_100 : i32
    %dma_start3A_102 = arith.constant 2 : i32
    %dma_start3A_103 = arith.constant 0 : i32
    %dma_start3A_104 = arith.constant 0 : i32
    %dma_start3A_105 = tpu.memref_slice %arg7[%dma_start3A_102, %dma_start3A_103, %dma_start3A_104] : memref<8x128x32xf32, #tpu.memory_space<vmem>> -> memref<1x128x32xf32, #tpu.memory_space<vmem>>
    %dma_start3A_106 = tpu.memref_squeeze %dma_start3A_105 : memref<1x128x32xf32, #tpu.memory_space<vmem>> -> memref<128x32xf32, #tpu.memory_space<vmem>>
    %dma_start3A_107 = arith.constant 0 : i32
    %dma_start3A_108 = tpu.memref_slice %arg8[%add3A_101, %dma_start3A_107] : memref<10240x32xf32, #tpu.memory_space<vmem_shared>> -> memref<128x32xf32, #tpu.memory_space<vmem_shared>>
    %dma_start3A_109 = arith.constant 0 : i32
    %dma_start3A_110 = tpu.memref_slice %arg8[%add3A_101, %dma_start3A_109] : memref<10240x32xf32, #tpu.memory_space<vmem_shared>> -> memref<128x32xf32, #tpu.memory_space<vmem_shared>>
    %dma_start3A_111 = arith.constant 0 : i32
    %dma_start3A_112 = arith.constant 0 : i32
    %dma_start3A_113 = tpu.memref_slice %arg7[%dma_start3A_102, %dma_start3A_111, %dma_start3A_112] : memref<8x128x32xf32, #tpu.memory_space<vmem>> -> memref<1x128x32xf32, #tpu.memory_space<vmem>>
    %dma_start3A_114 = tpu.memref_squeeze %dma_start3A_113 : memref<1x128x32xf32, #tpu.memory_space<vmem>> -> memref<128x32xf32, #tpu.memory_space<vmem>>
    tpu.enqueue_dma source(%dma_start3A_114 : memref<128x32xf32, #tpu.memory_space<vmem>>) target(%dma_start3A_110 : memref<128x32xf32, #tpu.memory_space<vmem_shared>>) target_semaphore(%arg11 : memref<!tpu.dma_semaphore, #tpu.memory_space<semaphore_mem>>)
    %mul3A_115 = arith.constant 640 : i32
    %mul3A_116 = arith.muli %arg1, %mul3A_115 : i32
    %add3A_117 = arith.constant 256 : i32
    %add3A_118 = arith.addi %mul3A_116, %add3A_117 : i32
    %dma_start3A_119 = arith.constant 2 : i32
    %dma_start3A_120 = arith.constant 0 : i32
    %dma_start3A_121 = arith.constant 0 : i32
    %dma_start3A_122 = tpu.memref_slice %arg7[%dma_start3A_119, %dma_start3A_120, %dma_start3A_121] : memref<8x128x32xf32, #tpu.memory_space<vmem>> -> memref<1x128x32xf32, #tpu.memory_space<vmem>>
    %dma_start3A_123 = tpu.memref_squeeze %dma_start3A_122 : memref<1x128x32xf32, #tpu.memory_space<vmem>> -> memref<128x32xf32, #tpu.memory_space<vmem>>
    %dma_start3A_124 = arith.constant 0 : i32
    %dma_start3A_125 = tpu.memref_slice %arg9[%add3A_118, %dma_start3A_124] : memref<10240x32xf32, #tpu.memory_space<vmem_shared>> -> memref<128x32xf32, #tpu.memory_space<vmem_shared>>
    %dma_start3A_126 = arith.constant 0 : i32
    %dma_start3A_127 = tpu.memref_slice %arg9[%add3A_118, %dma_start3A_126] : memref<10240x32xf32, #tpu.memory_space<vmem_shared>> -> memref<128x32xf32, #tpu.memory_space<vmem_shared>>
    %dma_start3A_128 = arith.constant 0 : i32
    %dma_start3A_129 = arith.constant 0 : i32
    %dma_start3A_130 = tpu.memref_slice %arg7[%dma_start3A_119, %dma_start3A_128, %dma_start3A_129] : memref<8x128x32xf32, #tpu.memory_space<vmem>> -> memref<1x128x32xf32, #tpu.memory_space<vmem>>
    %dma_start3A_131 = tpu.memref_squeeze %dma_start3A_130 : memref<1x128x32xf32, #tpu.memory_space<vmem>> -> memref<128x32xf32, #tpu.memory_space<vmem>>
    tpu.enqueue_dma source(%dma_start3A_131 : memref<128x32xf32, #tpu.memory_space<vmem>>) target(%dma_start3A_127 : memref<128x32xf32, #tpu.memory_space<vmem_shared>>) target_semaphore(%arg11 : memref<!tpu.dma_semaphore, #tpu.memory_space<semaphore_mem>>)
    %mul3A_132 = arith.constant 640 : i32
    %mul3A_133 = arith.muli %arg1, %mul3A_132 : i32
    %add3A_134 = arith.constant 384 : i32
    %add3A_135 = arith.addi %mul3A_133, %add3A_134 : i32
    %dma_start3A_136 = arith.constant 3 : i32
    %dma_start3A_137 = arith.constant 0 : i32
    %dma_start3A_138 = arith.constant 0 : i32
    %dma_start3A_139 = tpu.memref_slice %arg7[%dma_start3A_136, %dma_start3A_137, %dma_start3A_138] : memref<8x128x32xf32, #tpu.memory_space<vmem>> -> memref<1x128x32xf32, #tpu.memory_space<vmem>>
    %dma_start3A_140 = tpu.memref_squeeze %dma_start3A_139 : memref<1x128x32xf32, #tpu.memory_space<vmem>> -> memref<128x32xf32, #tpu.memory_space<vmem>>
    %dma_start3A_141 = arith.constant 0 : i32
    %dma_start3A_142 = tpu.memref_slice %arg8[%add3A_135, %dma_start3A_141] : memref<10240x32xf32, #tpu.memory_space<vmem_shared>> -> memref<128x32xf32, #tpu.memory_space<vmem_shared>>
    %dma_start3A_143 = arith.constant 0 : i32
    %dma_start3A_144 = tpu.memref_slice %arg8[%add3A_135, %dma_start3A_143] : memref<10240x32xf32, #tpu.memory_space<vmem_shared>> -> memref<128x32xf32, #tpu.memory_space<vmem_shared>>
    %dma_start3A_145 = arith.constant 0 : i32
    %dma_start3A_146 = arith.constant 0 : i32
    %dma_start3A_147 = tpu.memref_slice %arg7[%dma_start3A_136, %dma_start3A_145, %dma_start3A_146] : memref<8x128x32xf32, #tpu.memory_space<vmem>> -> memref<1x128x32xf32, #tpu.memory_space<vmem>>
    %dma_start3A_148 = tpu.memref_squeeze %dma_start3A_147 : memref<1x128x32xf32, #tpu.memory_space<vmem>> -> memref<128x32xf32, #tpu.memory_space<vmem>>
    tpu.enqueue_dma source(%dma_start3A_148 : memref<128x32xf32, #tpu.memory_space<vmem>>) target(%dma_start3A_144 : memref<128x32xf32, #tpu.memory_space<vmem_shared>>) target_semaphore(%arg11 : memref<!tpu.dma_semaphore, #tpu.memory_space<semaphore_mem>>)
    %mul3A_149 = arith.constant 640 : i32
    %mul3A_150 = arith.muli %arg1, %mul3A_149 : i32
    %add3A_151 = arith.constant 384 : i32
    %add3A_152 = arith.addi %mul3A_150, %add3A_151 : i32
    %dma_start3A_153 = arith.constant 3 : i32
    %dma_start3A_154 = arith.constant 0 : i32
    %dma_start3A_155 = arith.constant 0 : i32
    %dma_start3A_156 = tpu.memref_slice %arg7[%dma_start3A_153, %dma_start3A_154, %dma_start3A_155] : memref<8x128x32xf32, #tpu.memory_space<vmem>> -> memref<1x128x32xf32, #tpu.memory_space<vmem>>
    %dma_start3A_157 = tpu.memref_squeeze %dma_start3A_156 : memref<1x128x32xf32, #tpu.memory_space<vmem>> -> memref<128x32xf32, #tpu.memory_space<vmem>>
    %dma_start3A_158 = arith.constant 0 : i32
    %dma_start3A_159 = tpu.memref_slice %arg9[%add3A_152, %dma_start3A_158] : memref<10240x32xf32, #tpu.memory_space<vmem_shared>> -> memref<128x32xf32, #tpu.memory_space<vmem_shared>>
    %dma_start3A_160 = arith.constant 0 : i32
    %dma_start3A_161 = tpu.memref_slice %arg9[%add3A_152, %dma_start3A_160] : memref<10240x32xf32, #tpu.memory_space<vmem_shared>> -> memref<128x32xf32, #tpu.memory_space<vmem_shared>>
    %dma_start3A_162 = arith.constant 0 : i32
    %dma_start3A_163 = arith.constant 0 : i32
    %dma_start3A_164 = tpu.memref_slice %arg7[%dma_start3A_153, %dma_start3A_162, %dma_start3A_163] : memref<8x128x32xf32, #tpu.memory_space<vmem>> -> memref<1x128x32xf32, #tpu.memory_space<vmem>>
    %dma_start3A_165 = tpu.memref_squeeze %dma_start3A_164 : memref<1x128x32xf32, #tpu.memory_space<vmem>> -> memref<128x32xf32, #tpu.memory_space<vmem>>
    tpu.enqueue_dma source(%dma_start3A_165 : memref<128x32xf32, #tpu.memory_space<vmem>>) target(%dma_start3A_161 : memref<128x32xf32, #tpu.memory_space<vmem_shared>>) target_semaphore(%arg11 : memref<!tpu.dma_semaphore, #tpu.memory_space<semaphore_mem>>)
    %mul3A_166 = arith.constant 640 : i32
    %mul3A_167 = arith.muli %arg1, %mul3A_166 : i32
    %add3A_168 = arith.constant 512 : i32
    %add3A_169 = arith.addi %mul3A_167, %add3A_168 : i32
    %dma_start3A_170 = arith.constant 0 : i32
    %dma_start3A_171 = arith.constant 0 : i32
    %dma_start3A_172 = arith.constant 0 : i32
    %dma_start3A_173 = tpu.memref_slice %arg7[%dma_start3A_170, %dma_start3A_171, %dma_start3A_172] : memref<8x128x32xf32, #tpu.memory_space<vmem>> -> memref<1x128x32xf32, #tpu.memory_space<vmem>>
    %dma_start3A_174 = tpu.memref_squeeze %dma_start3A_173 : memref<1x128x32xf32, #tpu.memory_space<vmem>> -> memref<128x32xf32, #tpu.memory_space<vmem>>
    %dma_start3A_175 = arith.constant 0 : i32
    %dma_start3A_176 = tpu.memref_slice %arg8[%add3A_169, %dma_start3A_175] : memref<10240x32xf32, #tpu.memory_space<vmem_shared>> -> memref<128x32xf32, #tpu.memory_space<vmem_shared>>
    %dma_start3A_177 = arith.constant 0 : i32
    %dma_start3A_178 = tpu.memref_slice %arg8[%add3A_169, %dma_start3A_177] : memref<10240x32xf32, #tpu.memory_space<vmem_shared>> -> memref<128x32xf32, #tpu.memory_space<vmem_shared>>
    %dma_start3A_179 = arith.constant 0 : i32
    %dma_start3A_180 = arith.constant 0 : i32
    %dma_start3A_181 = tpu.memref_slice %arg7[%dma_start3A_170, %dma_start3A_179, %dma_start3A_180] : memref<8x128x32xf32, #tpu.memory_space<vmem>> -> memref<1x128x32xf32, #tpu.memory_space<vmem>>
    %dma_start3A_182 = tpu.memref_squeeze %dma_start3A_181 : memref<1x128x32xf32, #tpu.memory_space<vmem>> -> memref<128x32xf32, #tpu.memory_space<vmem>>
    tpu.enqueue_dma source(%dma_start3A_182 : memref<128x32xf32, #tpu.memory_space<vmem>>) target(%dma_start3A_178 : memref<128x32xf32, #tpu.memory_space<vmem_shared>>) target_semaphore(%arg11 : memref<!tpu.dma_semaphore, #tpu.memory_space<semaphore_mem>>)
    %mul3A_183 = arith.constant 640 : i32
    %mul3A_184 = arith.muli %arg1, %mul3A_183 : i32
    %add3A_185 = arith.constant 512 : i32
    %add3A_186 = arith.addi %mul3A_184, %add3A_185 : i32
    %dma_start3A_187 = arith.constant 0 : i32
    %dma_start3A_188 = arith.constant 0 : i32
    %dma_start3A_189 = arith.constant 0 : i32
    %dma_start3A_190 = tpu.memref_slice %arg7[%dma_start3A_187, %dma_start3A_188, %dma_start3A_189] : memref<8x128x32xf32, #tpu.memory_space<vmem>> -> memref<1x128x32xf32, #tpu.memory_space<vmem>>
    %dma_start3A_191 = tpu.memref_squeeze %dma_start3A_190 : memref<1x128x32xf32, #tpu.memory_space<vmem>> -> memref<128x32xf32, #tpu.memory_space<vmem>>
    %dma_start3A_192 = arith.constant 0 : i32
    %dma_start3A_193 = tpu.memref_slice %arg9[%add3A_186, %dma_start3A_192] : memref<10240x32xf32, #tpu.memory_space<vmem_shared>> -> memref<128x32xf32, #tpu.memory_space<vmem_shared>>
    %dma_start3A_194 = arith.constant 0 : i32
    %dma_start3A_195 = tpu.memref_slice %arg9[%add3A_186, %dma_start3A_194] : memref<10240x32xf32, #tpu.memory_space<vmem_shared>> -> memref<128x32xf32, #tpu.memory_space<vmem_shared>>
    %dma_start3A_196 = arith.constant 0 : i32
    %dma_start3A_197 = arith.constant 0 : i32
    %dma_start3A_198 = tpu.memref_slice %arg7[%dma_start3A_187, %dma_start3A_196, %dma_start3A_197] : memref<8x128x32xf32, #tpu.memory_space<vmem>> -> memref<1x128x32xf32, #tpu.memory_space<vmem>>
    %dma_start3A_199 = tpu.memref_squeeze %dma_start3A_198 : memref<1x128x32xf32, #tpu.memory_space<vmem>> -> memref<128x32xf32, #tpu.memory_space<vmem>>
    tpu.enqueue_dma source(%dma_start3A_199 : memref<128x32xf32, #tpu.memory_space<vmem>>) target(%dma_start3A_195 : memref<128x32xf32, #tpu.memory_space<vmem_shared>>) target_semaphore(%arg11 : memref<!tpu.dma_semaphore, #tpu.memory_space<semaphore_mem>>)
    %mul3A_200 = arith.constant 640 : i32
    %mul3A_201 = arith.muli %arg1, %mul3A_200 : i32
    %mul3A_202 = arith.constant 640 : i32
    %mul3A_203 = arith.muli %arg1, %mul3A_202 : i32
    %dma_start3A_204 = arith.constant 0 : i32
    %dma_start3A_205 = tpu.memref_slice %arg10[%mul3A_203, %dma_start3A_204] : memref<10240x32xf32, #tpu.memory_space<vmem_shared>> -> memref<640x32xf32, #tpu.memory_space<vmem_shared>>
    %dma_start3A_206 = arith.constant 0 : i32
    %dma_start3A_207 = tpu.memref_slice %arg2[%mul3A_201, %dma_start3A_206] : memref<10240x64xf32, #tpu.memory_space<hbm>> -> memref<640x32xf32, #tpu.memory_space<hbm>>
    tpu.enqueue_dma source(%dma_start3A_207 : memref<640x32xf32, #tpu.memory_space<hbm>>) target(%dma_start3A_205 : memref<640x32xf32, #tpu.memory_space<vmem_shared>>) target_semaphore(%arg12 : memref<!tpu.dma_semaphore, #tpu.memory_space<semaphore_mem>>)
    %mul3A_208 = arith.constant 80 : i32
    %mul3A_209 = arith.muli %add3A, %mul3A_208 : i32
    %run_scoped3A = arith.constant 1 : i32
    "tpu.region"() ({
      %run_scoped3A_587 = tpu.sem_alloc : memref<!tpu.dma_semaphore, #tpu.memory_space<semaphore_mem>>
      %dma_start3A_588 = arith.constant 0 : i32
      %dma_start3A_589 = arith.constant 0 : i32
      %dma_start3A_590 = tpu.memref_slice %arg3[%run_scoped3A, %dma_start3A_588, %dma_start3A_589] : memref<2x2560x128xi32, #tpu.memory_space<hbm>> -> memref<1x2560x128xi32, #tpu.memory_space<hbm>>
      %dma_start3A_591 = tpu.memref_squeeze %dma_start3A_590 : memref<1x2560x128xi32, #tpu.memory_space<hbm>> -> memref<2560x128xi32, #tpu.memory_space<hbm>>
      %dma_start3A_592 = arith.constant 0 : i32
      %dma_start3A_593 = tpu.memref_slice %dma_start3A_591[%mul3A_209, %dma_start3A_592] : memref<2560x128xi32, #tpu.memory_space<hbm>> -> memref<80x128xi32, #tpu.memory_space<hbm>>
      %dma_start3A_594 = arith.constant 0 : i32
      %dma_start3A_595 = arith.constant 0 : i32
      %dma_start3A_596 = tpu.memref_slice %arg3[%run_scoped3A, %dma_start3A_594, %dma_start3A_595] : memref<2x2560x128xi32, #tpu.memory_space<hbm>> -> memref<1x2560x128xi32, #tpu.memory_space<hbm>>
      %dma_start3A_597 = tpu.memref_squeeze %dma_start3A_596 : memref<1x2560x128xi32, #tpu.memory_space<hbm>> -> memref<2560x128xi32, #tpu.memory_space<hbm>>
      %dma_start3A_598 = arith.constant 0 : i32
      %dma_start3A_599 = tpu.memref_slice %dma_start3A_597[%mul3A_209, %dma_start3A_598] : memref<2560x128xi32, #tpu.memory_space<hbm>> -> memref<80x128xi32, #tpu.memory_space<hbm>>
      tpu.enqueue_dma source(%dma_start3A_599 : memref<80x128xi32, #tpu.memory_space<hbm>>) target(%arg6 : memref<80x128xi32, #tpu.memory_space<vmem>>) target_semaphore(%run_scoped3A_587 : memref<!tpu.dma_semaphore, #tpu.memory_space<semaphore_mem>>)
      %dma_wait3A_600 = arith.constant 0 : i32
      %dma_wait3A_601 = arith.constant 0 : i32
      %dma_wait3A_602 = tpu.memref_slice %arg3[%run_scoped3A, %dma_wait3A_600, %dma_wait3A_601] : memref<2x2560x128xi32, #tpu.memory_space<hbm>> -> memref<1x2560x128xi32, #tpu.memory_space<hbm>>
      %dma_wait3A_603 = tpu.memref_squeeze %dma_wait3A_602 : memref<1x2560x128xi32, #tpu.memory_space<hbm>> -> memref<2560x128xi32, #tpu.memory_space<hbm>>
      %dma_wait3A_604 = arith.constant 0 : i32
      %dma_wait3A_605 = tpu.memref_slice %dma_wait3A_603[%mul3A_209, %dma_wait3A_604] : memref<2560x128xi32, #tpu.memory_space<hbm>> -> memref<80x128xi32, #tpu.memory_space<hbm>>
      %dma_wait3A_606 = arith.constant 0 : i32
      %dma_wait3A_607 = arith.constant 0 : i32
      %dma_wait3A_608 = tpu.memref_slice %arg3[%run_scoped3A, %dma_wait3A_606, %dma_wait3A_607] : memref<2x2560x128xi32, #tpu.memory_space<hbm>> -> memref<1x2560x128xi32, #tpu.memory_space<hbm>>
      %dma_wait3A_609 = tpu.memref_squeeze %dma_wait3A_608 : memref<1x2560x128xi32, #tpu.memory_space<hbm>> -> memref<2560x128xi32, #tpu.memory_space<hbm>>
      %dma_wait3A_610 = arith.constant 0 : i32
      %dma_wait3A_611 = tpu.memref_slice %dma_wait3A_609[%mul3A_209, %dma_wait3A_610] : memref<2560x128xi32, #tpu.memory_space<hbm>> -> memref<80x128xi32, #tpu.memory_space<hbm>>
      tpu.wait_dma2 semaphore(%run_scoped3A_587 : memref<!tpu.dma_semaphore, #tpu.memory_space<semaphore_mem>>) src(%dma_wait3A_611 : memref<80x128xi32, #tpu.memory_space<hbm>>) dst(%arg6 : memref<80x128xi32, #tpu.memory_space<vmem>>)
      tpu.yield
    }) : () -> ()
    %mul3A_210 = arith.constant 80 : i32
    %mul3A_211 = arith.muli %add3A, %mul3A_210 : i32
    %run_scoped3A_212 = arith.constant 0 : i32
    "tpu.region"() ({
      %run_scoped3A_587 = tpu.sem_alloc : memref<!tpu.dma_semaphore, #tpu.memory_space<semaphore_mem>>
      %dma_start3A_588 = arith.constant 0 : i32
      %dma_start3A_589 = arith.constant 0 : i32
      %dma_start3A_590 = tpu.memref_slice %arg3[%run_scoped3A_212, %dma_start3A_588, %dma_start3A_589] : memref<2x2560x128xi32, #tpu.memory_space<hbm>> -> memref<1x2560x128xi32, #tpu.memory_space<hbm>>
      %dma_start3A_591 = tpu.memref_squeeze %dma_start3A_590 : memref<1x2560x128xi32, #tpu.memory_space<hbm>> -> memref<2560x128xi32, #tpu.memory_space<hbm>>
      %dma_start3A_592 = arith.constant 0 : i32
      %dma_start3A_593 = tpu.memref_slice %dma_start3A_591[%mul3A_211, %dma_start3A_592] : memref<2560x128xi32, #tpu.memory_space<hbm>> -> memref<80x128xi32, #tpu.memory_space<hbm>>
      %dma_start3A_594 = arith.constant 0 : i32
      %dma_start3A_595 = arith.constant 0 : i32
      %dma_start3A_596 = tpu.memref_slice %arg3[%run_scoped3A_212, %dma_start3A_594, %dma_start3A_595] : memref<2x2560x128xi32, #tpu.memory_space<hbm>> -> memref<1x2560x128xi32, #tpu.memory_space<hbm>>
      %dma_start3A_597 = tpu.memref_squeeze %dma_start3A_596 : memref<1x2560x128xi32, #tpu.memory_space<hbm>> -> memref<2560x128xi32, #tpu.memory_space<hbm>>
      %dma_start3A_598 = arith.constant 0 : i32
      %dma_start3A_599 = tpu.memref_slice %dma_start3A_597[%mul3A_211, %dma_start3A_598] : memref<2560x128xi32, #tpu.memory_space<hbm>> -> memref<80x128xi32, #tpu.memory_space<hbm>>
      tpu.enqueue_dma source(%dma_start3A_599 : memref<80x128xi32, #tpu.memory_space<hbm>>) target(%arg5 : memref<80x128xi32, #tpu.memory_space<vmem>>) target_semaphore(%run_scoped3A_587 : memref<!tpu.dma_semaphore, #tpu.memory_space<semaphore_mem>>)
      %dma_wait3A_600 = arith.constant 0 : i32
      %dma_wait3A_601 = arith.constant 0 : i32
      %dma_wait3A_602 = tpu.memref_slice %arg3[%run_scoped3A_212, %dma_wait3A_600, %dma_wait3A_601] : memref<2x2560x128xi32, #tpu.memory_space<hbm>> -> memref<1x2560x128xi32, #tpu.memory_space<hbm>>
      %dma_wait3A_603 = tpu.memref_squeeze %dma_wait3A_602 : memref<1x2560x128xi32, #tpu.memory_space<hbm>> -> memref<2560x128xi32, #tpu.memory_space<hbm>>
      %dma_wait3A_604 = arith.constant 0 : i32
      %dma_wait3A_605 = tpu.memref_slice %dma_wait3A_603[%mul3A_211, %dma_wait3A_604] : memref<2560x128xi32, #tpu.memory_space<hbm>> -> memref<80x128xi32, #tpu.memory_space<hbm>>
      %dma_wait3A_606 = arith.constant 0 : i32
      %dma_wait3A_607 = arith.constant 0 : i32
      %dma_wait3A_608 = tpu.memref_slice %arg3[%run_scoped3A_212, %dma_wait3A_606, %dma_wait3A_607] : memref<2x2560x128xi32, #tpu.memory_space<hbm>> -> memref<1x2560x128xi32, #tpu.memory_space<hbm>>
      %dma_wait3A_609 = tpu.memref_squeeze %dma_wait3A_608 : memref<1x2560x128xi32, #tpu.memory_space<hbm>> -> memref<2560x128xi32, #tpu.memory_space<hbm>>
      %dma_wait3A_610 = arith.constant 0 : i32
      %dma_wait3A_611 = tpu.memref_slice %dma_wait3A_609[%mul3A_211, %dma_wait3A_610] : memref<2560x128xi32, #tpu.memory_space<hbm>> -> memref<80x128xi32, #tpu.memory_space<hbm>>
      tpu.wait_dma2 semaphore(%run_scoped3A_587 : memref<!tpu.dma_semaphore, #tpu.memory_space<semaphore_mem>>) src(%dma_wait3A_611 : memref<80x128xi32, #tpu.memory_space<hbm>>) dst(%arg5 : memref<80x128xi32, #tpu.memory_space<vmem>>)
      tpu.yield
    }) : () -> ()
    %mul3A_213 = arith.constant 640 : i32
    %mul3A_214 = arith.muli %arg1, %mul3A_213 : i32
    %dma_wait3A = arith.constant 0 : i32
    %dma_wait3A_215 = arith.constant 0 : i32
    %dma_wait3A_216 = arith.constant 0 : i32
    %dma_wait3A_217 = tpu.memref_slice %arg7[%dma_wait3A, %dma_wait3A_215, %dma_wait3A_216] : memref<8x128x32xf32, #tpu.memory_space<vmem>> -> memref<1x128x32xf32, #tpu.memory_space<vmem>>
    %dma_wait3A_218 = tpu.memref_squeeze %dma_wait3A_217 : memref<1x128x32xf32, #tpu.memory_space<vmem>> -> memref<128x32xf32, #tpu.memory_space<vmem>>
    %dma_wait3A_219 = arith.constant 0 : i32
    %dma_wait3A_220 = tpu.memref_slice %arg8[%mul3A_214, %dma_wait3A_219] : memref<10240x32xf32, #tpu.memory_space<vmem_shared>> -> memref<128x32xf32, #tpu.memory_space<vmem_shared>>
    %dma_wait3A_221 = arith.constant 0 : i32
    %dma_wait3A_222 = tpu.memref_slice %arg8[%mul3A_214, %dma_wait3A_221] : memref<10240x32xf32, #tpu.memory_space<vmem_shared>> -> memref<128x32xf32, #tpu.memory_space<vmem_shared>>
    %dma_wait3A_223 = arith.constant 0 : i32
    %dma_wait3A_224 = arith.constant 0 : i32
    %dma_wait3A_225 = tpu.memref_slice %arg7[%dma_wait3A, %dma_wait3A_223, %dma_wait3A_224] : memref<8x128x32xf32, #tpu.memory_space<vmem>> -> memref<1x128x32xf32, #tpu.memory_space<vmem>>
    %dma_wait3A_226 = tpu.memref_squeeze %dma_wait3A_225 : memref<1x128x32xf32, #tpu.memory_space<vmem>> -> memref<128x32xf32, #tpu.memory_space<vmem>>
    tpu.wait_dma2 semaphore(%arg11 : memref<!tpu.dma_semaphore, #tpu.memory_space<semaphore_mem>>) src(%dma_wait3A_226 : memref<128x32xf32, #tpu.memory_space<vmem>>) dst(%dma_wait3A_222 : memref<128x32xf32, #tpu.memory_space<vmem_shared>>)
    %mul3A_227 = arith.constant 640 : i32
    %mul3A_228 = arith.muli %arg1, %mul3A_227 : i32
    %dma_wait3A_229 = arith.constant 0 : i32
    %dma_wait3A_230 = arith.constant 0 : i32
    %dma_wait3A_231 = arith.constant 0 : i32
    %dma_wait3A_232 = tpu.memref_slice %arg7[%dma_wait3A_229, %dma_wait3A_230, %dma_wait3A_231] : memref<8x128x32xf32, #tpu.memory_space<vmem>> -> memref<1x128x32xf32, #tpu.memory_space<vmem>>
    %dma_wait3A_233 = tpu.memref_squeeze %dma_wait3A_232 : memref<1x128x32xf32, #tpu.memory_space<vmem>> -> memref<128x32xf32, #tpu.memory_space<vmem>>
    %dma_wait3A_234 = arith.constant 0 : i32
    %dma_wait3A_235 = tpu.memref_slice %arg8[%mul3A_228, %dma_wait3A_234] : memref<10240x32xf32, #tpu.memory_space<vmem_shared>> -> memref<128x32xf32, #tpu.memory_space<vmem_shared>>
    %dma_wait3A_236 = arith.constant 0 : i32
    %dma_wait3A_237 = tpu.memref_slice %arg8[%mul3A_228, %dma_wait3A_236] : memref<10240x32xf32, #tpu.memory_space<vmem_shared>> -> memref<128x32xf32, #tpu.memory_space<vmem_shared>>
    %dma_wait3A_238 = arith.constant 0 : i32
    %dma_wait3A_239 = arith.constant 0 : i32
    %dma_wait3A_240 = tpu.memref_slice %arg7[%dma_wait3A_229, %dma_wait3A_238, %dma_wait3A_239] : memref<8x128x32xf32, #tpu.memory_space<vmem>> -> memref<1x128x32xf32, #tpu.memory_space<vmem>>
    %dma_wait3A_241 = tpu.memref_squeeze %dma_wait3A_240 : memref<1x128x32xf32, #tpu.memory_space<vmem>> -> memref<128x32xf32, #tpu.memory_space<vmem>>
    tpu.wait_dma2 semaphore(%arg11 : memref<!tpu.dma_semaphore, #tpu.memory_space<semaphore_mem>>) src(%dma_wait3A_241 : memref<128x32xf32, #tpu.memory_space<vmem>>) dst(%dma_wait3A_237 : memref<128x32xf32, #tpu.memory_space<vmem_shared>>)
    %mul3A_242 = arith.constant 640 : i32
    %mul3A_243 = arith.muli %arg1, %mul3A_242 : i32
    %dma_wait3A_244 = arith.constant 0 : i32
    %dma_wait3A_245 = arith.constant 0 : i32
    %dma_wait3A_246 = arith.constant 0 : i32
    %dma_wait3A_247 = tpu.memref_slice %arg7[%dma_wait3A_244, %dma_wait3A_245, %dma_wait3A_246] : memref<8x128x32xf32, #tpu.memory_space<vmem>> -> memref<1x128x32xf32, #tpu.memory_space<vmem>>
    %dma_wait3A_248 = tpu.memref_squeeze %dma_wait3A_247 : memref<1x128x32xf32, #tpu.memory_space<vmem>> -> memref<128x32xf32, #tpu.memory_space<vmem>>
    %dma_wait3A_249 = arith.constant 0 : i32
    %dma_wait3A_250 = tpu.memref_slice %arg8[%mul3A_243, %dma_wait3A_249] : memref<10240x32xf32, #tpu.memory_space<vmem_shared>> -> memref<128x32xf32, #tpu.memory_space<vmem_shared>>
    %dma_wait3A_251 = arith.constant 0 : i32
    %dma_wait3A_252 = tpu.memref_slice %arg8[%mul3A_243, %dma_wait3A_251] : memref<10240x32xf32, #tpu.memory_space<vmem_shared>> -> memref<128x32xf32, #tpu.memory_space<vmem_shared>>
    %dma_wait3A_253 = arith.constant 0 : i32
    %dma_wait3A_254 = arith.constant 0 : i32
    %dma_wait3A_255 = tpu.memref_slice %arg7[%dma_wait3A_244, %dma_wait3A_253, %dma_wait3A_254] : memref<8x128x32xf32, #tpu.memory_space<vmem>> -> memref<1x128x32xf32, #tpu.memory_space<vmem>>
    %dma_wait3A_256 = tpu.memref_squeeze %dma_wait3A_255 : memref<1x128x32xf32, #tpu.memory_space<vmem>> -> memref<128x32xf32, #tpu.memory_space<vmem>>
    tpu.wait_dma2 semaphore(%arg11 : memref<!tpu.dma_semaphore, #tpu.memory_space<semaphore_mem>>) src(%dma_wait3A_256 : memref<128x32xf32, #tpu.memory_space<vmem>>) dst(%dma_wait3A_252 : memref<128x32xf32, #tpu.memory_space<vmem_shared>>)
    %mul3A_257 = arith.constant 640 : i32
    %mul3A_258 = arith.muli %arg1, %mul3A_257 : i32
    %dma_wait3A_259 = arith.constant 0 : i32
    %dma_wait3A_260 = arith.constant 0 : i32
    %dma_wait3A_261 = arith.constant 0 : i32
    %dma_wait3A_262 = tpu.memref_slice %arg7[%dma_wait3A_259, %dma_wait3A_260, %dma_wait3A_261] : memref<8x128x32xf32, #tpu.memory_space<vmem>> -> memref<1x128x32xf32, #tpu.memory_space<vmem>>
    %dma_wait3A_263 = tpu.memref_squeeze %dma_wait3A_262 : memref<1x128x32xf32, #tpu.memory_space<vmem>> -> memref<128x32xf32, #tpu.memory_space<vmem>>
    %dma_wait3A_264 = arith.constant 0 : i32
    %dma_wait3A_265 = tpu.memref_slice %arg8[%mul3A_258, %dma_wait3A_264] : memref<10240x32xf32, #tpu.memory_space<vmem_shared>> -> memref<128x32xf32, #tpu.memory_space<vmem_shared>>
    %dma_wait3A_266 = arith.constant 0 : i32
    %dma_wait3A_267 = tpu.memref_slice %arg8[%mul3A_258, %dma_wait3A_266] : memref<10240x32xf32, #tpu.memory_space<vmem_shared>> -> memref<128x32xf32, #tpu.memory_space<vmem_shared>>
    %dma_wait3A_268 = arith.constant 0 : i32
    %dma_wait3A_269 = arith.constant 0 : i32
    %dma_wait3A_270 = tpu.memref_slice %arg7[%dma_wait3A_259, %dma_wait3A_268, %dma_wait3A_269] : memref<8x128x32xf32, #tpu.memory_space<vmem>> -> memref<1x128x32xf32, #tpu.memory_space<vmem>>
    %dma_wait3A_271 = tpu.memref_squeeze %dma_wait3A_270 : memref<1x128x32xf32, #tpu.memory_space<vmem>> -> memref<128x32xf32, #tpu.memory_space<vmem>>
    tpu.wait_dma2 semaphore(%arg11 : memref<!tpu.dma_semaphore, #tpu.memory_space<semaphore_mem>>) src(%dma_wait3A_271 : memref<128x32xf32, #tpu.memory_space<vmem>>) dst(%dma_wait3A_267 : memref<128x32xf32, #tpu.memory_space<vmem_shared>>)
    %mul3A_272 = arith.constant 640 : i32
    %mul3A_273 = arith.muli %arg1, %mul3A_272 : i32
    %dma_wait3A_274 = arith.constant 0 : i32
    %dma_wait3A_275 = arith.constant 0 : i32
    %dma_wait3A_276 = arith.constant 0 : i32
    %dma_wait3A_277 = tpu.memref_slice %arg7[%dma_wait3A_274, %dma_wait3A_275, %dma_wait3A_276] : memref<8x128x32xf32, #tpu.memory_space<vmem>> -> memref<1x128x32xf32, #tpu.memory_space<vmem>>
    %dma_wait3A_278 = tpu.memref_squeeze %dma_wait3A_277 : memref<1x128x32xf32, #tpu.memory_space<vmem>> -> memref<128x32xf32, #tpu.memory_space<vmem>>
    %dma_wait3A_279 = arith.constant 0 : i32
    %dma_wait3A_280 = tpu.memref_slice %arg8[%mul3A_273, %dma_wait3A_279] : memref<10240x32xf32, #tpu.memory_space<vmem_shared>> -> memref<128x32xf32, #tpu.memory_space<vmem_shared>>
    %dma_wait3A_281 = arith.constant 0 : i32
    %dma_wait3A_282 = tpu.memref_slice %arg8[%mul3A_273, %dma_wait3A_281] : memref<10240x32xf32, #tpu.memory_space<vmem_shared>> -> memref<128x32xf32, #tpu.memory_space<vmem_shared>>
    %dma_wait3A_283 = arith.constant 0 : i32
    %dma_wait3A_284 = arith.constant 0 : i32
    %dma_wait3A_285 = tpu.memref_slice %arg7[%dma_wait3A_274, %dma_wait3A_283, %dma_wait3A_284] : memref<8x128x32xf32, #tpu.memory_space<vmem>> -> memref<1x128x32xf32, #tpu.memory_space<vmem>>
    %dma_wait3A_286 = tpu.memref_squeeze %dma_wait3A_285 : memref<1x128x32xf32, #tpu.memory_space<vmem>> -> memref<128x32xf32, #tpu.memory_space<vmem>>
    tpu.wait_dma2 semaphore(%arg11 : memref<!tpu.dma_semaphore, #tpu.memory_space<semaphore_mem>>) src(%dma_wait3A_286 : memref<128x32xf32, #tpu.memory_space<vmem>>) dst(%dma_wait3A_282 : memref<128x32xf32, #tpu.memory_space<vmem_shared>>)
    %mul3A_287 = arith.constant 640 : i32
    %mul3A_288 = arith.muli %arg1, %mul3A_287 : i32
    %dma_wait3A_289 = arith.constant 0 : i32
    %dma_wait3A_290 = arith.constant 0 : i32
    %dma_wait3A_291 = arith.constant 0 : i32
    %dma_wait3A_292 = tpu.memref_slice %arg7[%dma_wait3A_289, %dma_wait3A_290, %dma_wait3A_291] : memref<8x128x32xf32, #tpu.memory_space<vmem>> -> memref<1x128x32xf32, #tpu.memory_space<vmem>>
    %dma_wait3A_293 = tpu.memref_squeeze %dma_wait3A_292 : memref<1x128x32xf32, #tpu.memory_space<vmem>> -> memref<128x32xf32, #tpu.memory_space<vmem>>
    %dma_wait3A_294 = arith.constant 0 : i32
    %dma_wait3A_295 = tpu.memref_slice %arg8[%mul3A_288, %dma_wait3A_294] : memref<10240x32xf32, #tpu.memory_space<vmem_shared>> -> memref<128x32xf32, #tpu.memory_space<vmem_shared>>
    %dma_wait3A_296 = arith.constant 0 : i32
    %dma_wait3A_297 = tpu.memref_slice %arg8[%mul3A_288, %dma_wait3A_296] : memref<10240x32xf32, #tpu.memory_space<vmem_shared>> -> memref<128x32xf32, #tpu.memory_space<vmem_shared>>
    %dma_wait3A_298 = arith.constant 0 : i32
    %dma_wait3A_299 = arith.constant 0 : i32
    %dma_wait3A_300 = tpu.memref_slice %arg7[%dma_wait3A_289, %dma_wait3A_298, %dma_wait3A_299] : memref<8x128x32xf32, #tpu.memory_space<vmem>> -> memref<1x128x32xf32, #tpu.memory_space<vmem>>
    %dma_wait3A_301 = tpu.memref_squeeze %dma_wait3A_300 : memref<1x128x32xf32, #tpu.memory_space<vmem>> -> memref<128x32xf32, #tpu.memory_space<vmem>>
    tpu.wait_dma2 semaphore(%arg11 : memref<!tpu.dma_semaphore, #tpu.memory_space<semaphore_mem>>) src(%dma_wait3A_301 : memref<128x32xf32, #tpu.memory_space<vmem>>) dst(%dma_wait3A_297 : memref<128x32xf32, #tpu.memory_space<vmem_shared>>)
    %mul3A_302 = arith.constant 640 : i32
    %mul3A_303 = arith.muli %arg1, %mul3A_302 : i32
    %dma_wait3A_304 = arith.constant 0 : i32
    %dma_wait3A_305 = arith.constant 0 : i32
    %dma_wait3A_306 = arith.constant 0 : i32
    %dma_wait3A_307 = tpu.memref_slice %arg7[%dma_wait3A_304, %dma_wait3A_305, %dma_wait3A_306] : memref<8x128x32xf32, #tpu.memory_space<vmem>> -> memref<1x128x32xf32, #tpu.memory_space<vmem>>
    %dma_wait3A_308 = tpu.memref_squeeze %dma_wait3A_307 : memref<1x128x32xf32, #tpu.memory_space<vmem>> -> memref<128x32xf32, #tpu.memory_space<vmem>>
    %dma_wait3A_309 = arith.constant 0 : i32
    %dma_wait3A_310 = tpu.memref_slice %arg8[%mul3A_303, %dma_wait3A_309] : memref<10240x32xf32, #tpu.memory_space<vmem_shared>> -> memref<128x32xf32, #tpu.memory_space<vmem_shared>>
    %dma_wait3A_311 = arith.constant 0 : i32
    %dma_wait3A_312 = tpu.memref_slice %arg8[%mul3A_303, %dma_wait3A_311] : memref<10240x32xf32, #tpu.memory_space<vmem_shared>> -> memref<128x32xf32, #tpu.memory_space<vmem_shared>>
    %dma_wait3A_313 = arith.constant 0 : i32
    %dma_wait3A_314 = arith.constant 0 : i32
    %dma_wait3A_315 = tpu.memref_slice %arg7[%dma_wait3A_304, %dma_wait3A_313, %dma_wait3A_314] : memref<8x128x32xf32, #tpu.memory_space<vmem>> -> memref<1x128x32xf32, #tpu.memory_space<vmem>>
    %dma_wait3A_316 = tpu.memref_squeeze %dma_wait3A_315 : memref<1x128x32xf32, #tpu.memory_space<vmem>> -> memref<128x32xf32, #tpu.memory_space<vmem>>
    tpu.wait_dma2 semaphore(%arg11 : memref<!tpu.dma_semaphore, #tpu.memory_space<semaphore_mem>>) src(%dma_wait3A_316 : memref<128x32xf32, #tpu.memory_space<vmem>>) dst(%dma_wait3A_312 : memref<128x32xf32, #tpu.memory_space<vmem_shared>>)
    %mul3A_317 = arith.constant 640 : i32
    %mul3A_318 = arith.muli %arg1, %mul3A_317 : i32
    %dma_wait3A_319 = arith.constant 0 : i32
    %dma_wait3A_320 = arith.constant 0 : i32
    %dma_wait3A_321 = arith.constant 0 : i32
    %dma_wait3A_322 = tpu.memref_slice %arg7[%dma_wait3A_319, %dma_wait3A_320, %dma_wait3A_321] : memref<8x128x32xf32, #tpu.memory_space<vmem>> -> memref<1x128x32xf32, #tpu.memory_space<vmem>>
    %dma_wait3A_323 = tpu.memref_squeeze %dma_wait3A_322 : memref<1x128x32xf32, #tpu.memory_space<vmem>> -> memref<128x32xf32, #tpu.memory_space<vmem>>
    %dma_wait3A_324 = arith.constant 0 : i32
    %dma_wait3A_325 = tpu.memref_slice %arg8[%mul3A_318, %dma_wait3A_324] : memref<10240x32xf32, #tpu.memory_space<vmem_shared>> -> memref<128x32xf32, #tpu.memory_space<vmem_shared>>
    %dma_wait3A_326 = arith.constant 0 : i32
    %dma_wait3A_327 = tpu.memref_slice %arg8[%mul3A_318, %dma_wait3A_326] : memref<10240x32xf32, #tpu.memory_space<vmem_shared>> -> memref<128x32xf32, #tpu.memory_space<vmem_shared>>
    %dma_wait3A_328 = arith.constant 0 : i32
    %dma_wait3A_329 = arith.constant 0 : i32
    %dma_wait3A_330 = tpu.memref_slice %arg7[%dma_wait3A_319, %dma_wait3A_328, %dma_wait3A_329] : memref<8x128x32xf32, #tpu.memory_space<vmem>> -> memref<1x128x32xf32, #tpu.memory_space<vmem>>
    %dma_wait3A_331 = tpu.memref_squeeze %dma_wait3A_330 : memref<1x128x32xf32, #tpu.memory_space<vmem>> -> memref<128x32xf32, #tpu.memory_space<vmem>>
    tpu.wait_dma2 semaphore(%arg11 : memref<!tpu.dma_semaphore, #tpu.memory_space<semaphore_mem>>) src(%dma_wait3A_331 : memref<128x32xf32, #tpu.memory_space<vmem>>) dst(%dma_wait3A_327 : memref<128x32xf32, #tpu.memory_space<vmem_shared>>)
    %mul3A_332 = arith.constant 640 : i32
    %mul3A_333 = arith.muli %arg1, %mul3A_332 : i32
    %dma_wait3A_334 = arith.constant 0 : i32
    %dma_wait3A_335 = arith.constant 0 : i32
    %dma_wait3A_336 = arith.constant 0 : i32
    %dma_wait3A_337 = tpu.memref_slice %arg7[%dma_wait3A_334, %dma_wait3A_335, %dma_wait3A_336] : memref<8x128x32xf32, #tpu.memory_space<vmem>> -> memref<1x128x32xf32, #tpu.memory_space<vmem>>
    %dma_wait3A_338 = tpu.memref_squeeze %dma_wait3A_337 : memref<1x128x32xf32, #tpu.memory_space<vmem>> -> memref<128x32xf32, #tpu.memory_space<vmem>>
    %dma_wait3A_339 = arith.constant 0 : i32
    %dma_wait3A_340 = tpu.memref_slice %arg8[%mul3A_333, %dma_wait3A_339] : memref<10240x32xf32, #tpu.memory_space<vmem_shared>> -> memref<128x32xf32, #tpu.memory_space<vmem_shared>>
    %dma_wait3A_341 = arith.constant 0 : i32
    %dma_wait3A_342 = tpu.memref_slice %arg8[%mul3A_333, %dma_wait3A_341] : memref<10240x32xf32, #tpu.memory_space<vmem_shared>> -> memref<128x32xf32, #tpu.memory_space<vmem_shared>>
    %dma_wait3A_343 = arith.constant 0 : i32
    %dma_wait3A_344 = arith.constant 0 : i32
    %dma_wait3A_345 = tpu.memref_slice %arg7[%dma_wait3A_334, %dma_wait3A_343, %dma_wait3A_344] : memref<8x128x32xf32, #tpu.memory_space<vmem>> -> memref<1x128x32xf32, #tpu.memory_space<vmem>>
    %dma_wait3A_346 = tpu.memref_squeeze %dma_wait3A_345 : memref<1x128x32xf32, #tpu.memory_space<vmem>> -> memref<128x32xf32, #tpu.memory_space<vmem>>
    tpu.wait_dma2 semaphore(%arg11 : memref<!tpu.dma_semaphore, #tpu.memory_space<semaphore_mem>>) src(%dma_wait3A_346 : memref<128x32xf32, #tpu.memory_space<vmem>>) dst(%dma_wait3A_342 : memref<128x32xf32, #tpu.memory_space<vmem_shared>>)
    %mul3A_347 = arith.constant 640 : i32
    %mul3A_348 = arith.muli %arg1, %mul3A_347 : i32
    %dma_wait3A_349 = arith.constant 0 : i32
    %dma_wait3A_350 = arith.constant 0 : i32
    %dma_wait3A_351 = arith.constant 0 : i32
    %dma_wait3A_352 = tpu.memref_slice %arg7[%dma_wait3A_349, %dma_wait3A_350, %dma_wait3A_351] : memref<8x128x32xf32, #tpu.memory_space<vmem>> -> memref<1x128x32xf32, #tpu.memory_space<vmem>>
    %dma_wait3A_353 = tpu.memref_squeeze %dma_wait3A_352 : memref<1x128x32xf32, #tpu.memory_space<vmem>> -> memref<128x32xf32, #tpu.memory_space<vmem>>
    %dma_wait3A_354 = arith.constant 0 : i32
    %dma_wait3A_355 = tpu.memref_slice %arg8[%mul3A_348, %dma_wait3A_354] : memref<10240x32xf32, #tpu.memory_space<vmem_shared>> -> memref<128x32xf32, #tpu.memory_space<vmem_shared>>
    %dma_wait3A_356 = arith.constant 0 : i32
    %dma_wait3A_357 = tpu.memref_slice %arg8[%mul3A_348, %dma_wait3A_356] : memref<10240x32xf32, #tpu.memory_space<vmem_shared>> -> memref<128x32xf32, #tpu.memory_space<vmem_shared>>
    %dma_wait3A_358 = arith.constant 0 : i32
    %dma_wait3A_359 = arith.constant 0 : i32
    %dma_wait3A_360 = tpu.memref_slice %arg7[%dma_wait3A_349, %dma_wait3A_358, %dma_wait3A_359] : memref<8x128x32xf32, #tpu.memory_space<vmem>> -> memref<1x128x32xf32, #tpu.memory_space<vmem>>
    %dma_wait3A_361 = tpu.memref_squeeze %dma_wait3A_360 : memref<1x128x32xf32, #tpu.memory_space<vmem>> -> memref<128x32xf32, #tpu.memory_space<vmem>>
    tpu.wait_dma2 semaphore(%arg11 : memref<!tpu.dma_semaphore, #tpu.memory_space<semaphore_mem>>) src(%dma_wait3A_361 : memref<128x32xf32, #tpu.memory_space<vmem>>) dst(%dma_wait3A_357 : memref<128x32xf32, #tpu.memory_space<vmem_shared>>)
    %mul3A_362 = arith.constant 640 : i32
    %mul3A_363 = arith.muli %arg1, %mul3A_362 : i32
    %mul3A_364 = arith.constant 640 : i32
    %mul3A_365 = arith.muli %arg1, %mul3A_364 : i32
    %dma_wait3A_366 = arith.constant 0 : i32
    %dma_wait3A_367 = tpu.memref_slice %arg10[%mul3A_365, %dma_wait3A_366] : memref<10240x32xf32, #tpu.memory_space<vmem_shared>> -> memref<640x32xf32, #tpu.memory_space<vmem_shared>>
    %dma_wait3A_368 = arith.constant 0 : i32
    %dma_wait3A_369 = tpu.memref_slice %arg2[%mul3A_363, %dma_wait3A_368] : memref<10240x64xf32, #tpu.memory_space<hbm>> -> memref<640x32xf32, #tpu.memory_space<hbm>>
    tpu.wait_dma2 semaphore(%arg12 : memref<!tpu.dma_semaphore, #tpu.memory_space<semaphore_mem>>) src(%dma_wait3A_369 : memref<640x32xf32, #tpu.memory_space<hbm>>) dst(%dma_wait3A_367 : memref<640x32xf32, #tpu.memory_space<vmem_shared>>)
    %barrier3A = arith.constant 0 : index
    tpu.barrier barrier_id(%barrier3A)
    %dma_start3A_370 = arith.constant 0 : i32
    %dma_start3A_371 = arith.constant 0 : i32
    %dma_start3A_372 = arith.constant 0 : i32
    %dma_start3A_373 = arith.constant 0 : i32
    %dma_start3A_374 = tpu.memref_slice %arg7[%dma_start3A_371, %dma_start3A_372, %dma_start3A_373] : memref<8x128x32xf32, #tpu.memory_space<vmem>> -> memref<1x128x32xf32, #tpu.memory_space<vmem>>
    %dma_start3A_375 = tpu.memref_squeeze %dma_start3A_374 : memref<1x128x32xf32, #tpu.memory_space<vmem>> -> memref<128x32xf32, #tpu.memory_space<vmem>>
    %dma_start3A_376 = arith.constant 0 : i32
    %dma_start3A_377 = tpu.memref_slice %arg5[%dma_start3A_370, %dma_start3A_376] : memref<80x128xi32, #tpu.memory_space<vmem>> -> memref<1x128xi32, #tpu.memory_space<vmem>>
    %dma_start3A_378 = tpu.memref_squeeze %dma_start3A_377 : memref<1x128xi32, #tpu.memory_space<vmem>> -> memref<128xi32, #tpu.memory_space<vmem>>
    %dma_start3A_379 = arith.constant 0 : i32
    %dma_start3A_380 = arith.constant 0 : i32
    %dma_start3A_381 = tpu.memref_slice %arg10[%dma_start3A_379, %dma_start3A_380] : memref<10240x32xf32, #tpu.memory_space<vmem_shared>> -> memref<10240x32xf32, #tpu.memory_space<vmem_shared>>
    tpu.enqueue_indirect_dma source(%dma_start3A_381 : memref<10240x32xf32, #tpu.memory_space<vmem_shared>>) target(%dma_start3A_375 : memref<128x32xf32, #tpu.memory_space<vmem>>) offsets(%dma_start3A_378 : memref<128xi32, #tpu.memory_space<vmem>>) semaphore(%arg11 : memref<!tpu.dma_semaphore, #tpu.memory_space<semaphore_mem>>)
    %dma_start3A_382 = arith.constant 1 : i32
    %dma_start3A_383 = arith.constant 1 : i32
    %dma_start3A_384 = arith.constant 0 : i32
    %dma_start3A_385 = arith.constant 0 : i32
    %dma_start3A_386 = tpu.memref_slice %arg7[%dma_start3A_383, %dma_start3A_384, %dma_start3A_385] : memref<8x128x32xf32, #tpu.memory_space<vmem>> -> memref<1x128x32xf32, #tpu.memory_space<vmem>>
    %dma_start3A_387 = tpu.memref_squeeze %dma_start3A_386 : memref<1x128x32xf32, #tpu.memory_space<vmem>> -> memref<128x32xf32, #tpu.memory_space<vmem>>
    %dma_start3A_388 = arith.constant 0 : i32
    %dma_start3A_389 = tpu.memref_slice %arg5[%dma_start3A_382, %dma_start3A_388] : memref<80x128xi32, #tpu.memory_space<vmem>> -> memref<1x128xi32, #tpu.memory_space<vmem>>
    %dma_start3A_390 = tpu.memref_squeeze %dma_start3A_389 : memref<1x128xi32, #tpu.memory_space<vmem>> -> memref<128xi32, #tpu.memory_space<vmem>>
    %dma_start3A_391 = arith.constant 0 : i32
    %dma_start3A_392 = arith.constant 0 : i32
    %dma_start3A_393 = tpu.memref_slice %arg10[%dma_start3A_391, %dma_start3A_392] : memref<10240x32xf32, #tpu.memory_space<vmem_shared>> -> memref<10240x32xf32, #tpu.memory_space<vmem_shared>>
    tpu.enqueue_indirect_dma source(%dma_start3A_393 : memref<10240x32xf32, #tpu.memory_space<vmem_shared>>) target(%dma_start3A_387 : memref<128x32xf32, #tpu.memory_space<vmem>>) offsets(%dma_start3A_390 : memref<128xi32, #tpu.memory_space<vmem>>) semaphore(%arg11 : memref<!tpu.dma_semaphore, #tpu.memory_space<semaphore_mem>>)
    %dma_start3A_394 = arith.constant 2 : i32
    %dma_start3A_395 = arith.constant 2 : i32
    %dma_start3A_396 = arith.constant 0 : i32
    %dma_start3A_397 = arith.constant 0 : i32
    %dma_start3A_398 = tpu.memref_slice %arg7[%dma_start3A_395, %dma_start3A_396, %dma_start3A_397] : memref<8x128x32xf32, #tpu.memory_space<vmem>> -> memref<1x128x32xf32, #tpu.memory_space<vmem>>
    %dma_start3A_399 = tpu.memref_squeeze %dma_start3A_398 : memref<1x128x32xf32, #tpu.memory_space<vmem>> -> memref<128x32xf32, #tpu.memory_space<vmem>>
    %dma_start3A_400 = arith.constant 0 : i32
    %dma_start3A_401 = tpu.memref_slice %arg5[%dma_start3A_394, %dma_start3A_400] : memref<80x128xi32, #tpu.memory_space<vmem>> -> memref<1x128xi32, #tpu.memory_space<vmem>>
    %dma_start3A_402 = tpu.memref_squeeze %dma_start3A_401 : memref<1x128xi32, #tpu.memory_space<vmem>> -> memref<128xi32, #tpu.memory_space<vmem>>
    %dma_start3A_403 = arith.constant 0 : i32
    %dma_start3A_404 = arith.constant 0 : i32
    %dma_start3A_405 = tpu.memref_slice %arg10[%dma_start3A_403, %dma_start3A_404] : memref<10240x32xf32, #tpu.memory_space<vmem_shared>> -> memref<10240x32xf32, #tpu.memory_space<vmem_shared>>
    tpu.enqueue_indirect_dma source(%dma_start3A_405 : memref<10240x32xf32, #tpu.memory_space<vmem_shared>>) target(%dma_start3A_399 : memref<128x32xf32, #tpu.memory_space<vmem>>) offsets(%dma_start3A_402 : memref<128xi32, #tpu.memory_space<vmem>>) semaphore(%arg11 : memref<!tpu.dma_semaphore, #tpu.memory_space<semaphore_mem>>)
    %dma_start3A_406 = arith.constant 3 : i32
    %dma_start3A_407 = arith.constant 3 : i32
    %dma_start3A_408 = arith.constant 0 : i32
    %dma_start3A_409 = arith.constant 0 : i32
    %dma_start3A_410 = tpu.memref_slice %arg7[%dma_start3A_407, %dma_start3A_408, %dma_start3A_409] : memref<8x128x32xf32, #tpu.memory_space<vmem>> -> memref<1x128x32xf32, #tpu.memory_space<vmem>>
    %dma_start3A_411 = tpu.memref_squeeze %dma_start3A_410 : memref<1x128x32xf32, #tpu.memory_space<vmem>> -> memref<128x32xf32, #tpu.memory_space<vmem>>
    %dma_start3A_412 = arith.constant 0 : i32
    %dma_start3A_413 = tpu.memref_slice %arg5[%dma_start3A_406, %dma_start3A_412] : memref<80x128xi32, #tpu.memory_space<vmem>> -> memref<1x128xi32, #tpu.memory_space<vmem>>
    %dma_start3A_414 = tpu.memref_squeeze %dma_start3A_413 : memref<1x128xi32, #tpu.memory_space<vmem>> -> memref<128xi32, #tpu.memory_space<vmem>>
    %dma_start3A_415 = arith.constant 0 : i32
    %dma_start3A_416 = arith.constant 0 : i32
    %dma_start3A_417 = tpu.memref_slice %arg10[%dma_start3A_415, %dma_start3A_416] : memref<10240x32xf32, #tpu.memory_space<vmem_shared>> -> memref<10240x32xf32, #tpu.memory_space<vmem_shared>>
    tpu.enqueue_indirect_dma source(%dma_start3A_417 : memref<10240x32xf32, #tpu.memory_space<vmem_shared>>) target(%dma_start3A_411 : memref<128x32xf32, #tpu.memory_space<vmem>>) offsets(%dma_start3A_414 : memref<128xi32, #tpu.memory_space<vmem>>) semaphore(%arg11 : memref<!tpu.dma_semaphore, #tpu.memory_space<semaphore_mem>>)
    %scan3A_418 = arith.constant 0 : i32
    %scan3A_419 = arith.constant 10 : i32
    %scan3A_420 = arith.addi %scan3A_418, %scan3A_419 : i32
    %scan3A_421 = arith.constant 1 : i32
    scf.for %scan3A_587 = %scan3A_418 to %scan3A_420 step %scan3A_421  : i32 {
      %mul3A_588 = arith.constant 1 : i32
      %mul3A_589 = arith.muli %scan3A_587, %mul3A_588 : i32
      %add3A_590 = arith.constant 0 : i32
      %add3A_591 = arith.addi %add3A_590, %mul3A_589 : i32
      %mul3A_592 = arith.constant 2 : i32
      %mul3A_593 = arith.muli %add3A_591, %mul3A_592 : i32
      %mul3A_594 = arith.constant 4 : i32
      %mul3A_595 = arith.muli %mul3A_593, %mul3A_594 : i32
      %gt3A = arith.constant 0 : i32
      %gt3A_596 = arith.cmpi sgt, %add3A_591, %gt3A : i32
      %convert_element_type3A = arith.extui %gt3A_596 : i1 to i32
      %cond3A = arith.constant 0 : i32
      %cond3A_597 = arith.cmpi ne, %convert_element_type3A, %cond3A : i32
      scf.if %cond3A_597 {
        %dma_wait3A_918 = arith.constant 4 : i32
        %dma_wait3A_919 = arith.constant 0 : i32
        %dma_wait3A_920 = arith.constant 0 : i32
        %dma_wait3A_921 = arith.constant 0 : i32
        %dma_wait3A_922 = tpu.memref_slice %arg7[%dma_wait3A_918, %dma_wait3A_920, %dma_wait3A_921] : memref<8x128x32xf32, #tpu.memory_space<vmem>> -> memref<1x128x32xf32, #tpu.memory_space<vmem>>
        %dma_wait3A_923 = tpu.memref_squeeze %dma_wait3A_922 : memref<1x128x32xf32, #tpu.memory_space<vmem>> -> memref<128x32xf32, #tpu.memory_space<vmem>>
        %dma_wait3A_924 = arith.constant 0 : i32
        %dma_wait3A_925 = tpu.memref_slice %arg6[%dma_wait3A_919, %dma_wait3A_924] : memref<80x128xi32, #tpu.memory_space<vmem>> -> memref<1x128xi32, #tpu.memory_space<vmem>>
        %dma_wait3A_926 = tpu.memref_squeeze %dma_wait3A_925 : memref<1x128xi32, #tpu.memory_space<vmem>> -> memref<128xi32, #tpu.memory_space<vmem>>
        %dma_wait3A_927 = arith.constant 0 : i32
        %dma_wait3A_928 = arith.constant 0 : i32
        %dma_wait3A_929 = tpu.memref_slice %arg8[%dma_wait3A_927, %dma_wait3A_928] : memref<10240x32xf32, #tpu.memory_space<vmem_shared>> -> memref<10240x32xf32, #tpu.memory_space<vmem_shared>>
        tpu.wait_indirect_dma semaphore(%arg14 : memref<!tpu.dma_semaphore, #tpu.memory_space<semaphore_mem>>) src(%dma_wait3A_923 : memref<128x32xf32, #tpu.memory_space<vmem>>) dst(%dma_wait3A_929 : memref<10240x32xf32, #tpu.memory_space<vmem_shared>>)
        %dma_wait3A_930 = arith.constant 5 : i32
        %dma_wait3A_931 = arith.constant 0 : i32
        %dma_wait3A_932 = arith.constant 0 : i32
        %dma_wait3A_933 = arith.constant 0 : i32
        %dma_wait3A_934 = tpu.memref_slice %arg7[%dma_wait3A_930, %dma_wait3A_932, %dma_wait3A_933] : memref<8x128x32xf32, #tpu.memory_space<vmem>> -> memref<1x128x32xf32, #tpu.memory_space<vmem>>
        %dma_wait3A_935 = tpu.memref_squeeze %dma_wait3A_934 : memref<1x128x32xf32, #tpu.memory_space<vmem>> -> memref<128x32xf32, #tpu.memory_space<vmem>>
        %dma_wait3A_936 = arith.constant 0 : i32
        %dma_wait3A_937 = tpu.memref_slice %arg6[%dma_wait3A_931, %dma_wait3A_936] : memref<80x128xi32, #tpu.memory_space<vmem>> -> memref<1x128xi32, #tpu.memory_space<vmem>>
        %dma_wait3A_938 = tpu.memref_squeeze %dma_wait3A_937 : memref<1x128xi32, #tpu.memory_space<vmem>> -> memref<128xi32, #tpu.memory_space<vmem>>
        %dma_wait3A_939 = arith.constant 0 : i32
        %dma_wait3A_940 = arith.constant 0 : i32
        %dma_wait3A_941 = tpu.memref_slice %arg8[%dma_wait3A_939, %dma_wait3A_940] : memref<10240x32xf32, #tpu.memory_space<vmem_shared>> -> memref<10240x32xf32, #tpu.memory_space<vmem_shared>>
        tpu.wait_indirect_dma semaphore(%arg14 : memref<!tpu.dma_semaphore, #tpu.memory_space<semaphore_mem>>) src(%dma_wait3A_935 : memref<128x32xf32, #tpu.memory_space<vmem>>) dst(%dma_wait3A_941 : memref<10240x32xf32, #tpu.memory_space<vmem_shared>>)
        %dma_wait3A_942 = arith.constant 6 : i32
        %dma_wait3A_943 = arith.constant 0 : i32
        %dma_wait3A_944 = arith.constant 0 : i32
        %dma_wait3A_945 = arith.constant 0 : i32
        %dma_wait3A_946 = tpu.memref_slice %arg7[%dma_wait3A_942, %dma_wait3A_944, %dma_wait3A_945] : memref<8x128x32xf32, #tpu.memory_space<vmem>> -> memref<1x128x32xf32, #tpu.memory_space<vmem>>
        %dma_wait3A_947 = tpu.memref_squeeze %dma_wait3A_946 : memref<1x128x32xf32, #tpu.memory_space<vmem>> -> memref<128x32xf32, #tpu.memory_space<vmem>>
        %dma_wait3A_948 = arith.constant 0 : i32
        %dma_wait3A_949 = tpu.memref_slice %arg6[%dma_wait3A_943, %dma_wait3A_948] : memref<80x128xi32, #tpu.memory_space<vmem>> -> memref<1x128xi32, #tpu.memory_space<vmem>>
        %dma_wait3A_950 = tpu.memref_squeeze %dma_wait3A_949 : memref<1x128xi32, #tpu.memory_space<vmem>> -> memref<128xi32, #tpu.memory_space<vmem>>
        %dma_wait3A_951 = arith.constant 0 : i32
        %dma_wait3A_952 = arith.constant 0 : i32
        %dma_wait3A_953 = tpu.memref_slice %arg8[%dma_wait3A_951, %dma_wait3A_952] : memref<10240x32xf32, #tpu.memory_space<vmem_shared>> -> memref<10240x32xf32, #tpu.memory_space<vmem_shared>>
        tpu.wait_indirect_dma semaphore(%arg14 : memref<!tpu.dma_semaphore, #tpu.memory_space<semaphore_mem>>) src(%dma_wait3A_947 : memref<128x32xf32, #tpu.memory_space<vmem>>) dst(%dma_wait3A_953 : memref<10240x32xf32, #tpu.memory_space<vmem_shared>>)
        %dma_wait3A_954 = arith.constant 7 : i32
        %dma_wait3A_955 = arith.constant 0 : i32
        %dma_wait3A_956 = arith.constant 0 : i32
        %dma_wait3A_957 = arith.constant 0 : i32
        %dma_wait3A_958 = tpu.memref_slice %arg7[%dma_wait3A_954, %dma_wait3A_956, %dma_wait3A_957] : memref<8x128x32xf32, #tpu.memory_space<vmem>> -> memref<1x128x32xf32, #tpu.memory_space<vmem>>
        %dma_wait3A_959 = tpu.memref_squeeze %dma_wait3A_958 : memref<1x128x32xf32, #tpu.memory_space<vmem>> -> memref<128x32xf32, #tpu.memory_space<vmem>>
        %dma_wait3A_960 = arith.constant 0 : i32
        %dma_wait3A_961 = tpu.memref_slice %arg6[%dma_wait3A_955, %dma_wait3A_960] : memref<80x128xi32, #tpu.memory_space<vmem>> -> memref<1x128xi32, #tpu.memory_space<vmem>>
        %dma_wait3A_962 = tpu.memref_squeeze %dma_wait3A_961 : memref<1x128xi32, #tpu.memory_space<vmem>> -> memref<128xi32, #tpu.memory_space<vmem>>
        %dma_wait3A_963 = arith.constant 0 : i32
        %dma_wait3A_964 = arith.constant 0 : i32
        %dma_wait3A_965 = tpu.memref_slice %arg8[%dma_wait3A_963, %dma_wait3A_964] : memref<10240x32xf32, #tpu.memory_space<vmem_shared>> -> memref<10240x32xf32, #tpu.memory_space<vmem_shared>>
        tpu.wait_indirect_dma semaphore(%arg14 : memref<!tpu.dma_semaphore, #tpu.memory_space<semaphore_mem>>) src(%dma_wait3A_959 : memref<128x32xf32, #tpu.memory_space<vmem>>) dst(%dma_wait3A_965 : memref<10240x32xf32, #tpu.memory_space<vmem_shared>>)
      } else {
      }
      %add3A_598 = arith.constant 4 : i32
      %add3A_599 = arith.addi %mul3A_595, %add3A_598 : i32
      %add3A_600 = arith.constant 0 : i32
      %add3A_601 = arith.addi %add3A_599, %add3A_600 : i32
      %dma_start3A_602 = arith.constant 4 : i32
      %dma_start3A_603 = arith.constant 0 : i32
      %dma_start3A_604 = arith.constant 0 : i32
      %dma_start3A_605 = tpu.memref_slice %arg7[%dma_start3A_602, %dma_start3A_603, %dma_start3A_604] : memref<8x128x32xf32, #tpu.memory_space<vmem>> -> memref<1x128x32xf32, #tpu.memory_space<vmem>>
      %dma_start3A_606 = tpu.memref_squeeze %dma_start3A_605 : memref<1x128x32xf32, #tpu.memory_space<vmem>> -> memref<128x32xf32, #tpu.memory_space<vmem>>
      %dma_start3A_607 = arith.constant 0 : i32
      %dma_start3A_608 = tpu.memref_slice %arg5[%add3A_601, %dma_start3A_607] : memref<80x128xi32, #tpu.memory_space<vmem>> -> memref<1x128xi32, #tpu.memory_space<vmem>>
      %dma_start3A_609 = tpu.memref_squeeze %dma_start3A_608 : memref<1x128xi32, #tpu.memory_space<vmem>> -> memref<128xi32, #tpu.memory_space<vmem>>
      %dma_start3A_610 = arith.constant 0 : i32
      %dma_start3A_611 = arith.constant 0 : i32
      %dma_start3A_612 = tpu.memref_slice %arg10[%dma_start3A_610, %dma_start3A_611] : memref<10240x32xf32, #tpu.memory_space<vmem_shared>> -> memref<10240x32xf32, #tpu.memory_space<vmem_shared>>
      tpu.enqueue_indirect_dma source(%dma_start3A_612 : memref<10240x32xf32, #tpu.memory_space<vmem_shared>>) target(%dma_start3A_606 : memref<128x32xf32, #tpu.memory_space<vmem>>) offsets(%dma_start3A_609 : memref<128xi32, #tpu.memory_space<vmem>>) semaphore(%arg12 : memref<!tpu.dma_semaphore, #tpu.memory_space<semaphore_mem>>)
      %add3A_613 = arith.constant 4 : i32
      %add3A_614 = arith.addi %mul3A_595, %add3A_613 : i32
      %add3A_615 = arith.constant 1 : i32
      %add3A_616 = arith.addi %add3A_614, %add3A_615 : i32
      %dma_start3A_617 = arith.constant 5 : i32
      %dma_start3A_618 = arith.constant 0 : i32
      %dma_start3A_619 = arith.constant 0 : i32
      %dma_start3A_620 = tpu.memref_slice %arg7[%dma_start3A_617, %dma_start3A_618, %dma_start3A_619] : memref<8x128x32xf32, #tpu.memory_space<vmem>> -> memref<1x128x32xf32, #tpu.memory_space<vmem>>
      %dma_start3A_621 = tpu.memref_squeeze %dma_start3A_620 : memref<1x128x32xf32, #tpu.memory_space<vmem>> -> memref<128x32xf32, #tpu.memory_space<vmem>>
      %dma_start3A_622 = arith.constant 0 : i32
      %dma_start3A_623 = tpu.memref_slice %arg5[%add3A_616, %dma_start3A_622] : memref<80x128xi32, #tpu.memory_space<vmem>> -> memref<1x128xi32, #tpu.memory_space<vmem>>
      %dma_start3A_624 = tpu.memref_squeeze %dma_start3A_623 : memref<1x128xi32, #tpu.memory_space<vmem>> -> memref<128xi32, #tpu.memory_space<vmem>>
      %dma_start3A_625 = arith.constant 0 : i32
      %dma_start3A_626 = arith.constant 0 : i32
      %dma_start3A_627 = tpu.memref_slice %arg10[%dma_start3A_625, %dma_start3A_626] : memref<10240x32xf32, #tpu.memory_space<vmem_shared>> -> memref<10240x32xf32, #tpu.memory_space<vmem_shared>>
      tpu.enqueue_indirect_dma source(%dma_start3A_627 : memref<10240x32xf32, #tpu.memory_space<vmem_shared>>) target(%dma_start3A_621 : memref<128x32xf32, #tpu.memory_space<vmem>>) offsets(%dma_start3A_624 : memref<128xi32, #tpu.memory_space<vmem>>) semaphore(%arg12 : memref<!tpu.dma_semaphore, #tpu.memory_space<semaphore_mem>>)
      %add3A_628 = arith.constant 4 : i32
      %add3A_629 = arith.addi %mul3A_595, %add3A_628 : i32
      %add3A_630 = arith.constant 2 : i32
      %add3A_631 = arith.addi %add3A_629, %add3A_630 : i32
      %dma_start3A_632 = arith.constant 6 : i32
      %dma_start3A_633 = arith.constant 0 : i32
      %dma_start3A_634 = arith.constant 0 : i32
      %dma_start3A_635 = tpu.memref_slice %arg7[%dma_start3A_632, %dma_start3A_633, %dma_start3A_634] : memref<8x128x32xf32, #tpu.memory_space<vmem>> -> memref<1x128x32xf32, #tpu.memory_space<vmem>>
      %dma_start3A_636 = tpu.memref_squeeze %dma_start3A_635 : memref<1x128x32xf32, #tpu.memory_space<vmem>> -> memref<128x32xf32, #tpu.memory_space<vmem>>
      %dma_start3A_637 = arith.constant 0 : i32
      %dma_start3A_638 = tpu.memref_slice %arg5[%add3A_631, %dma_start3A_637] : memref<80x128xi32, #tpu.memory_space<vmem>> -> memref<1x128xi32, #tpu.memory_space<vmem>>
      %dma_start3A_639 = tpu.memref_squeeze %dma_start3A_638 : memref<1x128xi32, #tpu.memory_space<vmem>> -> memref<128xi32, #tpu.memory_space<vmem>>
      %dma_start3A_640 = arith.constant 0 : i32
      %dma_start3A_641 = arith.constant 0 : i32
      %dma_start3A_642 = tpu.memref_slice %arg10[%dma_start3A_640, %dma_start3A_641] : memref<10240x32xf32, #tpu.memory_space<vmem_shared>> -> memref<10240x32xf32, #tpu.memory_space<vmem_shared>>
      tpu.enqueue_indirect_dma source(%dma_start3A_642 : memref<10240x32xf32, #tpu.memory_space<vmem_shared>>) target(%dma_start3A_636 : memref<128x32xf32, #tpu.memory_space<vmem>>) offsets(%dma_start3A_639 : memref<128xi32, #tpu.memory_space<vmem>>) semaphore(%arg12 : memref<!tpu.dma_semaphore, #tpu.memory_space<semaphore_mem>>)
      %add3A_643 = arith.constant 4 : i32
      %add3A_644 = arith.addi %mul3A_595, %add3A_643 : i32
      %add3A_645 = arith.constant 3 : i32
      %add3A_646 = arith.addi %add3A_644, %add3A_645 : i32
      %dma_start3A_647 = arith.constant 7 : i32
      %dma_start3A_648 = arith.constant 0 : i32
      %dma_start3A_649 = arith.constant 0 : i32
      %dma_start3A_650 = tpu.memref_slice %arg7[%dma_start3A_647, %dma_start3A_648, %dma_start3A_649] : memref<8x128x32xf32, #tpu.memory_space<vmem>> -> memref<1x128x32xf32, #tpu.memory_space<vmem>>
      %dma_start3A_651 = tpu.memref_squeeze %dma_start3A_650 : memref<1x128x32xf32, #tpu.memory_space<vmem>> -> memref<128x32xf32, #tpu.memory_space<vmem>>
      %dma_start3A_652 = arith.constant 0 : i32
      %dma_start3A_653 = tpu.memref_slice %arg5[%add3A_646, %dma_start3A_652] : memref<80x128xi32, #tpu.memory_space<vmem>> -> memref<1x128xi32, #tpu.memory_space<vmem>>
      %dma_start3A_654 = tpu.memref_squeeze %dma_start3A_653 : memref<1x128xi32, #tpu.memory_space<vmem>> -> memref<128xi32, #tpu.memory_space<vmem>>
      %dma_start3A_655 = arith.constant 0 : i32
      %dma_start3A_656 = arith.constant 0 : i32
      %dma_start3A_657 = tpu.memref_slice %arg10[%dma_start3A_655, %dma_start3A_656] : memref<10240x32xf32, #tpu.memory_space<vmem_shared>> -> memref<10240x32xf32, #tpu.memory_space<vmem_shared>>
      tpu.enqueue_indirect_dma source(%dma_start3A_657 : memref<10240x32xf32, #tpu.memory_space<vmem_shared>>) target(%dma_start3A_651 : memref<128x32xf32, #tpu.memory_space<vmem>>) offsets(%dma_start3A_654 : memref<128xi32, #tpu.memory_space<vmem>>) semaphore(%arg12 : memref<!tpu.dma_semaphore, #tpu.memory_space<semaphore_mem>>)
      %dma_wait3A_658 = arith.constant 0 : i32
      %dma_wait3A_659 = arith.constant 0 : i32
      %dma_wait3A_660 = arith.constant 0 : i32
      %dma_wait3A_661 = arith.constant 0 : i32
      %dma_wait3A_662 = tpu.memref_slice %arg7[%dma_wait3A_659, %dma_wait3A_660, %dma_wait3A_661] : memref<8x128x32xf32, #tpu.memory_space<vmem>> -> memref<1x128x32xf32, #tpu.memory_space<vmem>>
      %dma_wait3A_663 = tpu.memref_squeeze %dma_wait3A_662 : memref<1x128x32xf32, #tpu.memory_space<vmem>> -> memref<128x32xf32, #tpu.memory_space<vmem>>
      %dma_wait3A_664 = arith.constant 0 : i32
      %dma_wait3A_665 = tpu.memref_slice %arg5[%dma_wait3A_658, %dma_wait3A_664] : memref<80x128xi32, #tpu.memory_space<vmem>> -> memref<1x128xi32, #tpu.memory_space<vmem>>
      %dma_wait3A_666 = tpu.memref_squeeze %dma_wait3A_665 : memref<1x128xi32, #tpu.memory_space<vmem>> -> memref<128xi32, #tpu.memory_space<vmem>>
      %dma_wait3A_667 = arith.constant 0 : i32
      %dma_wait3A_668 = arith.constant 0 : i32
      %dma_wait3A_669 = tpu.memref_slice %arg10[%dma_wait3A_667, %dma_wait3A_668] : memref<10240x32xf32, #tpu.memory_space<vmem_shared>> -> memref<10240x32xf32, #tpu.memory_space<vmem_shared>>
      tpu.wait_indirect_dma semaphore(%arg11 : memref<!tpu.dma_semaphore, #tpu.memory_space<semaphore_mem>>) src(%dma_wait3A_669 : memref<10240x32xf32, #tpu.memory_space<vmem_shared>>) dst(%dma_wait3A_663 : memref<128x32xf32, #tpu.memory_space<vmem>>)
      %dma_wait3A_670 = arith.constant 0 : i32
      %dma_wait3A_671 = arith.constant 1 : i32
      %dma_wait3A_672 = arith.constant 0 : i32
      %dma_wait3A_673 = arith.constant 0 : i32
      %dma_wait3A_674 = tpu.memref_slice %arg7[%dma_wait3A_671, %dma_wait3A_672, %dma_wait3A_673] : memref<8x128x32xf32, #tpu.memory_space<vmem>> -> memref<1x128x32xf32, #tpu.memory_space<vmem>>
      %dma_wait3A_675 = tpu.memref_squeeze %dma_wait3A_674 : memref<1x128x32xf32, #tpu.memory_space<vmem>> -> memref<128x32xf32, #tpu.memory_space<vmem>>
      %dma_wait3A_676 = arith.constant 0 : i32
      %dma_wait3A_677 = tpu.memref_slice %arg5[%dma_wait3A_670, %dma_wait3A_676] : memref<80x128xi32, #tpu.memory_space<vmem>> -> memref<1x128xi32, #tpu.memory_space<vmem>>
      %dma_wait3A_678 = tpu.memref_squeeze %dma_wait3A_677 : memref<1x128xi32, #tpu.memory_space<vmem>> -> memref<128xi32, #tpu.memory_space<vmem>>
      %dma_wait3A_679 = arith.constant 0 : i32
      %dma_wait3A_680 = arith.constant 0 : i32
      %dma_wait3A_681 = tpu.memref_slice %arg10[%dma_wait3A_679, %dma_wait3A_680] : memref<10240x32xf32, #tpu.memory_space<vmem_shared>> -> memref<10240x32xf32, #tpu.memory_space<vmem_shared>>
      tpu.wait_indirect_dma semaphore(%arg11 : memref<!tpu.dma_semaphore, #tpu.memory_space<semaphore_mem>>) src(%dma_wait3A_681 : memref<10240x32xf32, #tpu.memory_space<vmem_shared>>) dst(%dma_wait3A_675 : memref<128x32xf32, #tpu.memory_space<vmem>>)
      %dma_wait3A_682 = arith.constant 0 : i32
      %dma_wait3A_683 = arith.constant 2 : i32
      %dma_wait3A_684 = arith.constant 0 : i32
      %dma_wait3A_685 = arith.constant 0 : i32
      %dma_wait3A_686 = tpu.memref_slice %arg7[%dma_wait3A_683, %dma_wait3A_684, %dma_wait3A_685] : memref<8x128x32xf32, #tpu.memory_space<vmem>> -> memref<1x128x32xf32, #tpu.memory_space<vmem>>
      %dma_wait3A_687 = tpu.memref_squeeze %dma_wait3A_686 : memref<1x128x32xf32, #tpu.memory_space<vmem>> -> memref<128x32xf32, #tpu.memory_space<vmem>>
      %dma_wait3A_688 = arith.constant 0 : i32
      %dma_wait3A_689 = tpu.memref_slice %arg5[%dma_wait3A_682, %dma_wait3A_688] : memref<80x128xi32, #tpu.memory_space<vmem>> -> memref<1x128xi32, #tpu.memory_space<vmem>>
      %dma_wait3A_690 = tpu.memref_squeeze %dma_wait3A_689 : memref<1x128xi32, #tpu.memory_space<vmem>> -> memref<128xi32, #tpu.memory_space<vmem>>
      %dma_wait3A_691 = arith.constant 0 : i32
      %dma_wait3A_692 = arith.constant 0 : i32
      %dma_wait3A_693 = tpu.memref_slice %arg10[%dma_wait3A_691, %dma_wait3A_692] : memref<10240x32xf32, #tpu.memory_space<vmem_shared>> -> memref<10240x32xf32, #tpu.memory_space<vmem_shared>>
      tpu.wait_indirect_dma semaphore(%arg11 : memref<!tpu.dma_semaphore, #tpu.memory_space<semaphore_mem>>) src(%dma_wait3A_693 : memref<10240x32xf32, #tpu.memory_space<vmem_shared>>) dst(%dma_wait3A_687 : memref<128x32xf32, #tpu.memory_space<vmem>>)
      %dma_wait3A_694 = arith.constant 0 : i32
      %dma_wait3A_695 = arith.constant 3 : i32
      %dma_wait3A_696 = arith.constant 0 : i32
      %dma_wait3A_697 = arith.constant 0 : i32
      %dma_wait3A_698 = tpu.memref_slice %arg7[%dma_wait3A_695, %dma_wait3A_696, %dma_wait3A_697] : memref<8x128x32xf32, #tpu.memory_space<vmem>> -> memref<1x128x32xf32, #tpu.memory_space<vmem>>
      %dma_wait3A_699 = tpu.memref_squeeze %dma_wait3A_698 : memref<1x128x32xf32, #tpu.memory_space<vmem>> -> memref<128x32xf32, #tpu.memory_space<vmem>>
      %dma_wait3A_700 = arith.constant 0 : i32
      %dma_wait3A_701 = tpu.memref_slice %arg5[%dma_wait3A_694, %dma_wait3A_700] : memref<80x128xi32, #tpu.memory_space<vmem>> -> memref<1x128xi32, #tpu.memory_space<vmem>>
      %dma_wait3A_702 = tpu.memref_squeeze %dma_wait3A_701 : memref<1x128xi32, #tpu.memory_space<vmem>> -> memref<128xi32, #tpu.memory_space<vmem>>
      %dma_wait3A_703 = arith.constant 0 : i32
      %dma_wait3A_704 = arith.constant 0 : i32
      %dma_wait3A_705 = tpu.memref_slice %arg10[%dma_wait3A_703, %dma_wait3A_704] : memref<10240x32xf32, #tpu.memory_space<vmem_shared>> -> memref<10240x32xf32, #tpu.memory_space<vmem_shared>>
      tpu.wait_indirect_dma semaphore(%arg11 : memref<!tpu.dma_semaphore, #tpu.memory_space<semaphore_mem>>) src(%dma_wait3A_705 : memref<10240x32xf32, #tpu.memory_space<vmem_shared>>) dst(%dma_wait3A_699 : memref<128x32xf32, #tpu.memory_space<vmem>>)
      %add3A_706 = arith.constant 0 : i32
      %add3A_707 = arith.addi %mul3A_595, %add3A_706 : i32
      %dma_start3A_708 = arith.constant 0 : i32
      %dma_start3A_709 = arith.constant 0 : i32
      %dma_start3A_710 = arith.constant 0 : i32
      %dma_start3A_711 = tpu.memref_slice %arg7[%dma_start3A_708, %dma_start3A_709, %dma_start3A_710] : memref<8x128x32xf32, #tpu.memory_space<vmem>> -> memref<1x128x32xf32, #tpu.memory_space<vmem>>
      %dma_start3A_712 = tpu.memref_squeeze %dma_start3A_711 : memref<1x128x32xf32, #tpu.memory_space<vmem>> -> memref<128x32xf32, #tpu.memory_space<vmem>>
      %dma_start3A_713 = arith.constant 0 : i32
      %dma_start3A_714 = tpu.memref_slice %arg6[%add3A_707, %dma_start3A_713] : memref<80x128xi32, #tpu.memory_space<vmem>> -> memref<1x128xi32, #tpu.memory_space<vmem>>
      %dma_start3A_715 = tpu.memref_squeeze %dma_start3A_714 : memref<1x128xi32, #tpu.memory_space<vmem>> -> memref<128xi32, #tpu.memory_space<vmem>>
      %dma_start3A_716 = arith.constant 0 : i32
      %dma_start3A_717 = arith.constant 0 : i32
      %dma_start3A_718 = tpu.memref_slice %arg8[%dma_start3A_716, %dma_start3A_717] : memref<10240x32xf32, #tpu.memory_space<vmem_shared>> -> memref<10240x32xf32, #tpu.memory_space<vmem_shared>>
      tpu.enqueue_indirect_dma source(%dma_start3A_712 : memref<128x32xf32, #tpu.memory_space<vmem>>) target(%dma_start3A_718 : memref<10240x32xf32, #tpu.memory_space<vmem_shared>>) offsets(%dma_start3A_715 : memref<128xi32, #tpu.memory_space<vmem>>) semaphore(%arg13 : memref<!tpu.dma_semaphore, #tpu.memory_space<semaphore_mem>>) {add = true}
      %add3A_719 = arith.constant 1 : i32
      %add3A_720 = arith.addi %mul3A_595, %add3A_719 : i32
      %dma_start3A_721 = arith.constant 1 : i32
      %dma_start3A_722 = arith.constant 0 : i32
      %dma_start3A_723 = arith.constant 0 : i32
      %dma_start3A_724 = tpu.memref_slice %arg7[%dma_start3A_721, %dma_start3A_722, %dma_start3A_723] : memref<8x128x32xf32, #tpu.memory_space<vmem>> -> memref<1x128x32xf32, #tpu.memory_space<vmem>>
      %dma_start3A_725 = tpu.memref_squeeze %dma_start3A_724 : memref<1x128x32xf32, #tpu.memory_space<vmem>> -> memref<128x32xf32, #tpu.memory_space<vmem>>
      %dma_start3A_726 = arith.constant 0 : i32
      %dma_start3A_727 = tpu.memref_slice %arg6[%add3A_720, %dma_start3A_726] : memref<80x128xi32, #tpu.memory_space<vmem>> -> memref<1x128xi32, #tpu.memory_space<vmem>>
      %dma_start3A_728 = tpu.memref_squeeze %dma_start3A_727 : memref<1x128xi32, #tpu.memory_space<vmem>> -> memref<128xi32, #tpu.memory_space<vmem>>
      %dma_start3A_729 = arith.constant 0 : i32
      %dma_start3A_730 = arith.constant 0 : i32
      %dma_start3A_731 = tpu.memref_slice %arg8[%dma_start3A_729, %dma_start3A_730] : memref<10240x32xf32, #tpu.memory_space<vmem_shared>> -> memref<10240x32xf32, #tpu.memory_space<vmem_shared>>
      tpu.enqueue_indirect_dma source(%dma_start3A_725 : memref<128x32xf32, #tpu.memory_space<vmem>>) target(%dma_start3A_731 : memref<10240x32xf32, #tpu.memory_space<vmem_shared>>) offsets(%dma_start3A_728 : memref<128xi32, #tpu.memory_space<vmem>>) semaphore(%arg13 : memref<!tpu.dma_semaphore, #tpu.memory_space<semaphore_mem>>) {add = true}
      %add3A_732 = arith.constant 2 : i32
      %add3A_733 = arith.addi %mul3A_595, %add3A_732 : i32
      %dma_start3A_734 = arith.constant 2 : i32
      %dma_start3A_735 = arith.constant 0 : i32
      %dma_start3A_736 = arith.constant 0 : i32
      %dma_start3A_737 = tpu.memref_slice %arg7[%dma_start3A_734, %dma_start3A_735, %dma_start3A_736] : memref<8x128x32xf32, #tpu.memory_space<vmem>> -> memref<1x128x32xf32, #tpu.memory_space<vmem>>
      %dma_start3A_738 = tpu.memref_squeeze %dma_start3A_737 : memref<1x128x32xf32, #tpu.memory_space<vmem>> -> memref<128x32xf32, #tpu.memory_space<vmem>>
      %dma_start3A_739 = arith.constant 0 : i32
      %dma_start3A_740 = tpu.memref_slice %arg6[%add3A_733, %dma_start3A_739] : memref<80x128xi32, #tpu.memory_space<vmem>> -> memref<1x128xi32, #tpu.memory_space<vmem>>
      %dma_start3A_741 = tpu.memref_squeeze %dma_start3A_740 : memref<1x128xi32, #tpu.memory_space<vmem>> -> memref<128xi32, #tpu.memory_space<vmem>>
      %dma_start3A_742 = arith.constant 0 : i32
      %dma_start3A_743 = arith.constant 0 : i32
      %dma_start3A_744 = tpu.memref_slice %arg8[%dma_start3A_742, %dma_start3A_743] : memref<10240x32xf32, #tpu.memory_space<vmem_shared>> -> memref<10240x32xf32, #tpu.memory_space<vmem_shared>>
      tpu.enqueue_indirect_dma source(%dma_start3A_738 : memref<128x32xf32, #tpu.memory_space<vmem>>) target(%dma_start3A_744 : memref<10240x32xf32, #tpu.memory_space<vmem_shared>>) offsets(%dma_start3A_741 : memref<128xi32, #tpu.memory_space<vmem>>) semaphore(%arg13 : memref<!tpu.dma_semaphore, #tpu.memory_space<semaphore_mem>>) {add = true}
      %add3A_745 = arith.constant 3 : i32
      %add3A_746 = arith.addi %mul3A_595, %add3A_745 : i32
      %dma_start3A_747 = arith.constant 3 : i32
      %dma_start3A_748 = arith.constant 0 : i32
      %dma_start3A_749 = arith.constant 0 : i32
      %dma_start3A_750 = tpu.memref_slice %arg7[%dma_start3A_747, %dma_start3A_748, %dma_start3A_749] : memref<8x128x32xf32, #tpu.memory_space<vmem>> -> memref<1x128x32xf32, #tpu.memory_space<vmem>>
      %dma_start3A_751 = tpu.memref_squeeze %dma_start3A_750 : memref<1x128x32xf32, #tpu.memory_space<vmem>> -> memref<128x32xf32, #tpu.memory_space<vmem>>
      %dma_start3A_752 = arith.constant 0 : i32
      %dma_start3A_753 = tpu.memref_slice %arg6[%add3A_746, %dma_start3A_752] : memref<80x128xi32, #tpu.memory_space<vmem>> -> memref<1x128xi32, #tpu.memory_space<vmem>>
      %dma_start3A_754 = tpu.memref_squeeze %dma_start3A_753 : memref<1x128xi32, #tpu.memory_space<vmem>> -> memref<128xi32, #tpu.memory_space<vmem>>
      %dma_start3A_755 = arith.constant 0 : i32
      %dma_start3A_756 = arith.constant 0 : i32
      %dma_start3A_757 = tpu.memref_slice %arg8[%dma_start3A_755, %dma_start3A_756] : memref<10240x32xf32, #tpu.memory_space<vmem_shared>> -> memref<10240x32xf32, #tpu.memory_space<vmem_shared>>
      tpu.enqueue_indirect_dma source(%dma_start3A_751 : memref<128x32xf32, #tpu.memory_space<vmem>>) target(%dma_start3A_757 : memref<10240x32xf32, #tpu.memory_space<vmem_shared>>) offsets(%dma_start3A_754 : memref<128xi32, #tpu.memory_space<vmem>>) semaphore(%arg13 : memref<!tpu.dma_semaphore, #tpu.memory_space<semaphore_mem>>) {add = true}
      %dma_wait3A_758 = arith.constant 0 : i32
      %dma_wait3A_759 = arith.constant 0 : i32
      %dma_wait3A_760 = arith.constant 0 : i32
      %dma_wait3A_761 = arith.constant 0 : i32
      %dma_wait3A_762 = tpu.memref_slice %arg7[%dma_wait3A_758, %dma_wait3A_760, %dma_wait3A_761] : memref<8x128x32xf32, #tpu.memory_space<vmem>> -> memref<1x128x32xf32, #tpu.memory_space<vmem>>
      %dma_wait3A_763 = tpu.memref_squeeze %dma_wait3A_762 : memref<1x128x32xf32, #tpu.memory_space<vmem>> -> memref<128x32xf32, #tpu.memory_space<vmem>>
      %dma_wait3A_764 = arith.constant 0 : i32
      %dma_wait3A_765 = tpu.memref_slice %arg6[%dma_wait3A_759, %dma_wait3A_764] : memref<80x128xi32, #tpu.memory_space<vmem>> -> memref<1x128xi32, #tpu.memory_space<vmem>>
      %dma_wait3A_766 = tpu.memref_squeeze %dma_wait3A_765 : memref<1x128xi32, #tpu.memory_space<vmem>> -> memref<128xi32, #tpu.memory_space<vmem>>
      %dma_wait3A_767 = arith.constant 0 : i32
      %dma_wait3A_768 = arith.constant 0 : i32
      %dma_wait3A_769 = tpu.memref_slice %arg8[%dma_wait3A_767, %dma_wait3A_768] : memref<10240x32xf32, #tpu.memory_space<vmem_shared>> -> memref<10240x32xf32, #tpu.memory_space<vmem_shared>>
      tpu.wait_indirect_dma semaphore(%arg13 : memref<!tpu.dma_semaphore, #tpu.memory_space<semaphore_mem>>) src(%dma_wait3A_763 : memref<128x32xf32, #tpu.memory_space<vmem>>) dst(%dma_wait3A_769 : memref<10240x32xf32, #tpu.memory_space<vmem_shared>>)
      %dma_wait3A_770 = arith.constant 1 : i32
      %dma_wait3A_771 = arith.constant 0 : i32
      %dma_wait3A_772 = arith.constant 0 : i32
      %dma_wait3A_773 = arith.constant 0 : i32
      %dma_wait3A_774 = tpu.memref_slice %arg7[%dma_wait3A_770, %dma_wait3A_772, %dma_wait3A_773] : memref<8x128x32xf32, #tpu.memory_space<vmem>> -> memref<1x128x32xf32, #tpu.memory_space<vmem>>
      %dma_wait3A_775 = tpu.memref_squeeze %dma_wait3A_774 : memref<1x128x32xf32, #tpu.memory_space<vmem>> -> memref<128x32xf32, #tpu.memory_space<vmem>>
      %dma_wait3A_776 = arith.constant 0 : i32
      %dma_wait3A_777 = tpu.memref_slice %arg6[%dma_wait3A_771, %dma_wait3A_776] : memref<80x128xi32, #tpu.memory_space<vmem>> -> memref<1x128xi32, #tpu.memory_space<vmem>>
      %dma_wait3A_778 = tpu.memref_squeeze %dma_wait3A_777 : memref<1x128xi32, #tpu.memory_space<vmem>> -> memref<128xi32, #tpu.memory_space<vmem>>
      %dma_wait3A_779 = arith.constant 0 : i32
      %dma_wait3A_780 = arith.constant 0 : i32
      %dma_wait3A_781 = tpu.memref_slice %arg8[%dma_wait3A_779, %dma_wait3A_780] : memref<10240x32xf32, #tpu.memory_space<vmem_shared>> -> memref<10240x32xf32, #tpu.memory_space<vmem_shared>>
      tpu.wait_indirect_dma semaphore(%arg13 : memref<!tpu.dma_semaphore, #tpu.memory_space<semaphore_mem>>) src(%dma_wait3A_775 : memref<128x32xf32, #tpu.memory_space<vmem>>) dst(%dma_wait3A_781 : memref<10240x32xf32, #tpu.memory_space<vmem_shared>>)
      %dma_wait3A_782 = arith.constant 2 : i32
      %dma_wait3A_783 = arith.constant 0 : i32
      %dma_wait3A_784 = arith.constant 0 : i32
      %dma_wait3A_785 = arith.constant 0 : i32
      %dma_wait3A_786 = tpu.memref_slice %arg7[%dma_wait3A_782, %dma_wait3A_784, %dma_wait3A_785] : memref<8x128x32xf32, #tpu.memory_space<vmem>> -> memref<1x128x32xf32, #tpu.memory_space<vmem>>
      %dma_wait3A_787 = tpu.memref_squeeze %dma_wait3A_786 : memref<1x128x32xf32, #tpu.memory_space<vmem>> -> memref<128x32xf32, #tpu.memory_space<vmem>>
      %dma_wait3A_788 = arith.constant 0 : i32
      %dma_wait3A_789 = tpu.memref_slice %arg6[%dma_wait3A_783, %dma_wait3A_788] : memref<80x128xi32, #tpu.memory_space<vmem>> -> memref<1x128xi32, #tpu.memory_space<vmem>>
      %dma_wait3A_790 = tpu.memref_squeeze %dma_wait3A_789 : memref<1x128xi32, #tpu.memory_space<vmem>> -> memref<128xi32, #tpu.memory_space<vmem>>
      %dma_wait3A_791 = arith.constant 0 : i32
      %dma_wait3A_792 = arith.constant 0 : i32
      %dma_wait3A_793 = tpu.memref_slice %arg8[%dma_wait3A_791, %dma_wait3A_792] : memref<10240x32xf32, #tpu.memory_space<vmem_shared>> -> memref<10240x32xf32, #tpu.memory_space<vmem_shared>>
      tpu.wait_indirect_dma semaphore(%arg13 : memref<!tpu.dma_semaphore, #tpu.memory_space<semaphore_mem>>) src(%dma_wait3A_787 : memref<128x32xf32, #tpu.memory_space<vmem>>) dst(%dma_wait3A_793 : memref<10240x32xf32, #tpu.memory_space<vmem_shared>>)
      %dma_wait3A_794 = arith.constant 3 : i32
      %dma_wait3A_795 = arith.constant 0 : i32
      %dma_wait3A_796 = arith.constant 0 : i32
      %dma_wait3A_797 = arith.constant 0 : i32
      %dma_wait3A_798 = tpu.memref_slice %arg7[%dma_wait3A_794, %dma_wait3A_796, %dma_wait3A_797] : memref<8x128x32xf32, #tpu.memory_space<vmem>> -> memref<1x128x32xf32, #tpu.memory_space<vmem>>
      %dma_wait3A_799 = tpu.memref_squeeze %dma_wait3A_798 : memref<1x128x32xf32, #tpu.memory_space<vmem>> -> memref<128x32xf32, #tpu.memory_space<vmem>>
      %dma_wait3A_800 = arith.constant 0 : i32
      %dma_wait3A_801 = tpu.memref_slice %arg6[%dma_wait3A_795, %dma_wait3A_800] : memref<80x128xi32, #tpu.memory_space<vmem>> -> memref<1x128xi32, #tpu.memory_space<vmem>>
      %dma_wait3A_802 = tpu.memref_squeeze %dma_wait3A_801 : memref<1x128xi32, #tpu.memory_space<vmem>> -> memref<128xi32, #tpu.memory_space<vmem>>
      %dma_wait3A_803 = arith.constant 0 : i32
      %dma_wait3A_804 = arith.constant 0 : i32
      %dma_wait3A_805 = tpu.memref_slice %arg8[%dma_wait3A_803, %dma_wait3A_804] : memref<10240x32xf32, #tpu.memory_space<vmem_shared>> -> memref<10240x32xf32, #tpu.memory_space<vmem_shared>>
      tpu.wait_indirect_dma semaphore(%arg13 : memref<!tpu.dma_semaphore, #tpu.memory_space<semaphore_mem>>) src(%dma_wait3A_799 : memref<128x32xf32, #tpu.memory_space<vmem>>) dst(%dma_wait3A_805 : memref<10240x32xf32, #tpu.memory_space<vmem_shared>>)
      %lt3A = arith.constant 9 : i32
      %lt3A_806 = arith.cmpi slt, %add3A_591, %lt3A : i32
      %convert_element_type3A_807 = arith.extui %lt3A_806 : i1 to i32
      %cond3A_808 = arith.constant 0 : i32
      %cond3A_809 = arith.cmpi ne, %convert_element_type3A_807, %cond3A_808 : i32
      scf.if %cond3A_809 {
        %add3A_918 = arith.constant 8 : i32
        %add3A_919 = arith.addi %mul3A_595, %add3A_918 : i32
        %add3A_920 = arith.constant 0 : i32
        %add3A_921 = arith.addi %add3A_919, %add3A_920 : i32
        %dma_start3A_922 = arith.constant 0 : i32
        %dma_start3A_923 = arith.constant 0 : i32
        %dma_start3A_924 = arith.constant 0 : i32
        %dma_start3A_925 = tpu.memref_slice %arg7[%dma_start3A_922, %dma_start3A_923, %dma_start3A_924] : memref<8x128x32xf32, #tpu.memory_space<vmem>> -> memref<1x128x32xf32, #tpu.memory_space<vmem>>
        %dma_start3A_926 = tpu.memref_squeeze %dma_start3A_925 : memref<1x128x32xf32, #tpu.memory_space<vmem>> -> memref<128x32xf32, #tpu.memory_space<vmem>>
        %dma_start3A_927 = arith.constant 0 : i32
        %dma_start3A_928 = tpu.memref_slice %arg5[%add3A_921, %dma_start3A_927] : memref<80x128xi32, #tpu.memory_space<vmem>> -> memref<1x128xi32, #tpu.memory_space<vmem>>
        %dma_start3A_929 = tpu.memref_squeeze %dma_start3A_928 : memref<1x128xi32, #tpu.memory_space<vmem>> -> memref<128xi32, #tpu.memory_space<vmem>>
        %dma_start3A_930 = arith.constant 0 : i32
        %dma_start3A_931 = arith.constant 0 : i32
        %dma_start3A_932 = tpu.memref_slice %arg10[%dma_start3A_930, %dma_start3A_931] : memref<10240x32xf32, #tpu.memory_space<vmem_shared>> -> memref<10240x32xf32, #tpu.memory_space<vmem_shared>>
        tpu.enqueue_indirect_dma source(%dma_start3A_932 : memref<10240x32xf32, #tpu.memory_space<vmem_shared>>) target(%dma_start3A_926 : memref<128x32xf32, #tpu.memory_space<vmem>>) offsets(%dma_start3A_929 : memref<128xi32, #tpu.memory_space<vmem>>) semaphore(%arg11 : memref<!tpu.dma_semaphore, #tpu.memory_space<semaphore_mem>>)
        %add3A_933 = arith.constant 8 : i32
        %add3A_934 = arith.addi %mul3A_595, %add3A_933 : i32
        %add3A_935 = arith.constant 1 : i32
        %add3A_936 = arith.addi %add3A_934, %add3A_935 : i32
        %dma_start3A_937 = arith.constant 1 : i32
        %dma_start3A_938 = arith.constant 0 : i32
        %dma_start3A_939 = arith.constant 0 : i32
        %dma_start3A_940 = tpu.memref_slice %arg7[%dma_start3A_937, %dma_start3A_938, %dma_start3A_939] : memref<8x128x32xf32, #tpu.memory_space<vmem>> -> memref<1x128x32xf32, #tpu.memory_space<vmem>>
        %dma_start3A_941 = tpu.memref_squeeze %dma_start3A_940 : memref<1x128x32xf32, #tpu.memory_space<vmem>> -> memref<128x32xf32, #tpu.memory_space<vmem>>
        %dma_start3A_942 = arith.constant 0 : i32
        %dma_start3A_943 = tpu.memref_slice %arg5[%add3A_936, %dma_start3A_942] : memref<80x128xi32, #tpu.memory_space<vmem>> -> memref<1x128xi32, #tpu.memory_space<vmem>>
        %dma_start3A_944 = tpu.memref_squeeze %dma_start3A_943 : memref<1x128xi32, #tpu.memory_space<vmem>> -> memref<128xi32, #tpu.memory_space<vmem>>
        %dma_start3A_945 = arith.constant 0 : i32
        %dma_start3A_946 = arith.constant 0 : i32
        %dma_start3A_947 = tpu.memref_slice %arg10[%dma_start3A_945, %dma_start3A_946] : memref<10240x32xf32, #tpu.memory_space<vmem_shared>> -> memref<10240x32xf32, #tpu.memory_space<vmem_shared>>
        tpu.enqueue_indirect_dma source(%dma_start3A_947 : memref<10240x32xf32, #tpu.memory_space<vmem_shared>>) target(%dma_start3A_941 : memref<128x32xf32, #tpu.memory_space<vmem>>) offsets(%dma_start3A_944 : memref<128xi32, #tpu.memory_space<vmem>>) semaphore(%arg11 : memref<!tpu.dma_semaphore, #tpu.memory_space<semaphore_mem>>)
        %add3A_948 = arith.constant 8 : i32
        %add3A_949 = arith.addi %mul3A_595, %add3A_948 : i32
        %add3A_950 = arith.constant 2 : i32
        %add3A_951 = arith.addi %add3A_949, %add3A_950 : i32
        %dma_start3A_952 = arith.constant 2 : i32
        %dma_start3A_953 = arith.constant 0 : i32
        %dma_start3A_954 = arith.constant 0 : i32
        %dma_start3A_955 = tpu.memref_slice %arg7[%dma_start3A_952, %dma_start3A_953, %dma_start3A_954] : memref<8x128x32xf32, #tpu.memory_space<vmem>> -> memref<1x128x32xf32, #tpu.memory_space<vmem>>
        %dma_start3A_956 = tpu.memref_squeeze %dma_start3A_955 : memref<1x128x32xf32, #tpu.memory_space<vmem>> -> memref<128x32xf32, #tpu.memory_space<vmem>>
        %dma_start3A_957 = arith.constant 0 : i32
        %dma_start3A_958 = tpu.memref_slice %arg5[%add3A_951, %dma_start3A_957] : memref<80x128xi32, #tpu.memory_space<vmem>> -> memref<1x128xi32, #tpu.memory_space<vmem>>
        %dma_start3A_959 = tpu.memref_squeeze %dma_start3A_958 : memref<1x128xi32, #tpu.memory_space<vmem>> -> memref<128xi32, #tpu.memory_space<vmem>>
        %dma_start3A_960 = arith.constant 0 : i32
        %dma_start3A_961 = arith.constant 0 : i32
        %dma_start3A_962 = tpu.memref_slice %arg10[%dma_start3A_960, %dma_start3A_961] : memref<10240x32xf32, #tpu.memory_space<vmem_shared>> -> memref<10240x32xf32, #tpu.memory_space<vmem_shared>>
        tpu.enqueue_indirect_dma source(%dma_start3A_962 : memref<10240x32xf32, #tpu.memory_space<vmem_shared>>) target(%dma_start3A_956 : memref<128x32xf32, #tpu.memory_space<vmem>>) offsets(%dma_start3A_959 : memref<128xi32, #tpu.memory_space<vmem>>) semaphore(%arg11 : memref<!tpu.dma_semaphore, #tpu.memory_space<semaphore_mem>>)
        %add3A_963 = arith.constant 8 : i32
        %add3A_964 = arith.addi %mul3A_595, %add3A_963 : i32
        %add3A_965 = arith.constant 3 : i32
        %add3A_966 = arith.addi %add3A_964, %add3A_965 : i32
        %dma_start3A_967 = arith.constant 3 : i32
        %dma_start3A_968 = arith.constant 0 : i32
        %dma_start3A_969 = arith.constant 0 : i32
        %dma_start3A_970 = tpu.memref_slice %arg7[%dma_start3A_967, %dma_start3A_968, %dma_start3A_969] : memref<8x128x32xf32, #tpu.memory_space<vmem>> -> memref<1x128x32xf32, #tpu.memory_space<vmem>>
        %dma_start3A_971 = tpu.memref_squeeze %dma_start3A_970 : memref<1x128x32xf32, #tpu.memory_space<vmem>> -> memref<128x32xf32, #tpu.memory_space<vmem>>
        %dma_start3A_972 = arith.constant 0 : i32
        %dma_start3A_973 = tpu.memref_slice %arg5[%add3A_966, %dma_start3A_972] : memref<80x128xi32, #tpu.memory_space<vmem>> -> memref<1x128xi32, #tpu.memory_space<vmem>>
        %dma_start3A_974 = tpu.memref_squeeze %dma_start3A_973 : memref<1x128xi32, #tpu.memory_space<vmem>> -> memref<128xi32, #tpu.memory_space<vmem>>
        %dma_start3A_975 = arith.constant 0 : i32
        %dma_start3A_976 = arith.constant 0 : i32
        %dma_start3A_977 = tpu.memref_slice %arg10[%dma_start3A_975, %dma_start3A_976] : memref<10240x32xf32, #tpu.memory_space<vmem_shared>> -> memref<10240x32xf32, #tpu.memory_space<vmem_shared>>
        tpu.enqueue_indirect_dma source(%dma_start3A_977 : memref<10240x32xf32, #tpu.memory_space<vmem_shared>>) target(%dma_start3A_971 : memref<128x32xf32, #tpu.memory_space<vmem>>) offsets(%dma_start3A_974 : memref<128xi32, #tpu.memory_space<vmem>>) semaphore(%arg11 : memref<!tpu.dma_semaphore, #tpu.memory_space<semaphore_mem>>)
      } else {
      }
      %dma_wait3A_810 = arith.constant 0 : i32
      %dma_wait3A_811 = arith.constant 4 : i32
      %dma_wait3A_812 = arith.constant 0 : i32
      %dma_wait3A_813 = arith.constant 0 : i32
      %dma_wait3A_814 = tpu.memref_slice %arg7[%dma_wait3A_811, %dma_wait3A_812, %dma_wait3A_813] : memref<8x128x32xf32, #tpu.memory_space<vmem>> -> memref<1x128x32xf32, #tpu.memory_space<vmem>>
      %dma_wait3A_815 = tpu.memref_squeeze %dma_wait3A_814 : memref<1x128x32xf32, #tpu.memory_space<vmem>> -> memref<128x32xf32, #tpu.memory_space<vmem>>
      %dma_wait3A_816 = arith.constant 0 : i32
      %dma_wait3A_817 = tpu.memref_slice %arg5[%dma_wait3A_810, %dma_wait3A_816] : memref<80x128xi32, #tpu.memory_space<vmem>> -> memref<1x128xi32, #tpu.memory_space<vmem>>
      %dma_wait3A_818 = tpu.memref_squeeze %dma_wait3A_817 : memref<1x128xi32, #tpu.memory_space<vmem>> -> memref<128xi32, #tpu.memory_space<vmem>>
      %dma_wait3A_819 = arith.constant 0 : i32
      %dma_wait3A_820 = arith.constant 0 : i32
      %dma_wait3A_821 = tpu.memref_slice %arg10[%dma_wait3A_819, %dma_wait3A_820] : memref<10240x32xf32, #tpu.memory_space<vmem_shared>> -> memref<10240x32xf32, #tpu.memory_space<vmem_shared>>
      tpu.wait_indirect_dma semaphore(%arg12 : memref<!tpu.dma_semaphore, #tpu.memory_space<semaphore_mem>>) src(%dma_wait3A_821 : memref<10240x32xf32, #tpu.memory_space<vmem_shared>>) dst(%dma_wait3A_815 : memref<128x32xf32, #tpu.memory_space<vmem>>)
      %dma_wait3A_822 = arith.constant 0 : i32
      %dma_wait3A_823 = arith.constant 5 : i32
      %dma_wait3A_824 = arith.constant 0 : i32
      %dma_wait3A_825 = arith.constant 0 : i32
      %dma_wait3A_826 = tpu.memref_slice %arg7[%dma_wait3A_823, %dma_wait3A_824, %dma_wait3A_825] : memref<8x128x32xf32, #tpu.memory_space<vmem>> -> memref<1x128x32xf32, #tpu.memory_space<vmem>>
      %dma_wait3A_827 = tpu.memref_squeeze %dma_wait3A_826 : memref<1x128x32xf32, #tpu.memory_space<vmem>> -> memref<128x32xf32, #tpu.memory_space<vmem>>
      %dma_wait3A_828 = arith.constant 0 : i32
      %dma_wait3A_829 = tpu.memref_slice %arg5[%dma_wait3A_822, %dma_wait3A_828] : memref<80x128xi32, #tpu.memory_space<vmem>> -> memref<1x128xi32, #tpu.memory_space<vmem>>
      %dma_wait3A_830 = tpu.memref_squeeze %dma_wait3A_829 : memref<1x128xi32, #tpu.memory_space<vmem>> -> memref<128xi32, #tpu.memory_space<vmem>>
      %dma_wait3A_831 = arith.constant 0 : i32
      %dma_wait3A_832 = arith.constant 0 : i32
      %dma_wait3A_833 = tpu.memref_slice %arg10[%dma_wait3A_831, %dma_wait3A_832] : memref<10240x32xf32, #tpu.memory_space<vmem_shared>> -> memref<10240x32xf32, #tpu.memory_space<vmem_shared>>
      tpu.wait_indirect_dma semaphore(%arg12 : memref<!tpu.dma_semaphore, #tpu.memory_space<semaphore_mem>>) src(%dma_wait3A_833 : memref<10240x32xf32, #tpu.memory_space<vmem_shared>>) dst(%dma_wait3A_827 : memref<128x32xf32, #tpu.memory_space<vmem>>)
      %dma_wait3A_834 = arith.constant 0 : i32
      %dma_wait3A_835 = arith.constant 6 : i32
      %dma_wait3A_836 = arith.constant 0 : i32
      %dma_wait3A_837 = arith.constant 0 : i32
      %dma_wait3A_838 = tpu.memref_slice %arg7[%dma_wait3A_835, %dma_wait3A_836, %dma_wait3A_837] : memref<8x128x32xf32, #tpu.memory_space<vmem>> -> memref<1x128x32xf32, #tpu.memory_space<vmem>>
      %dma_wait3A_839 = tpu.memref_squeeze %dma_wait3A_838 : memref<1x128x32xf32, #tpu.memory_space<vmem>> -> memref<128x32xf32, #tpu.memory_space<vmem>>
      %dma_wait3A_840 = arith.constant 0 : i32
      %dma_wait3A_841 = tpu.memref_slice %arg5[%dma_wait3A_834, %dma_wait3A_840] : memref<80x128xi32, #tpu.memory_space<vmem>> -> memref<1x128xi32, #tpu.memory_space<vmem>>
      %dma_wait3A_842 = tpu.memref_squeeze %dma_wait3A_841 : memref<1x128xi32, #tpu.memory_space<vmem>> -> memref<128xi32, #tpu.memory_space<vmem>>
      %dma_wait3A_843 = arith.constant 0 : i32
      %dma_wait3A_844 = arith.constant 0 : i32
      %dma_wait3A_845 = tpu.memref_slice %arg10[%dma_wait3A_843, %dma_wait3A_844] : memref<10240x32xf32, #tpu.memory_space<vmem_shared>> -> memref<10240x32xf32, #tpu.memory_space<vmem_shared>>
      tpu.wait_indirect_dma semaphore(%arg12 : memref<!tpu.dma_semaphore, #tpu.memory_space<semaphore_mem>>) src(%dma_wait3A_845 : memref<10240x32xf32, #tpu.memory_space<vmem_shared>>) dst(%dma_wait3A_839 : memref<128x32xf32, #tpu.memory_space<vmem>>)
      %dma_wait3A_846 = arith.constant 0 : i32
      %dma_wait3A_847 = arith.constant 7 : i32
      %dma_wait3A_848 = arith.constant 0 : i32
      %dma_wait3A_849 = arith.constant 0 : i32
      %dma_wait3A_850 = tpu.memref_slice %arg7[%dma_wait3A_847, %dma_wait3A_848, %dma_wait3A_849] : memref<8x128x32xf32, #tpu.memory_space<vmem>> -> memref<1x128x32xf32, #tpu.memory_space<vmem>>
      %dma_wait3A_851 = tpu.memref_squeeze %dma_wait3A_850 : memref<1x128x32xf32, #tpu.memory_space<vmem>> -> memref<128x32xf32, #tpu.memory_space<vmem>>
      %dma_wait3A_852 = arith.constant 0 : i32
      %dma_wait3A_853 = tpu.memref_slice %arg5[%dma_wait3A_846, %dma_wait3A_852] : memref<80x128xi32, #tpu.memory_space<vmem>> -> memref<1x128xi32, #tpu.memory_space<vmem>>
      %dma_wait3A_854 = tpu.memref_squeeze %dma_wait3A_853 : memref<1x128xi32, #tpu.memory_space<vmem>> -> memref<128xi32, #tpu.memory_space<vmem>>
      %dma_wait3A_855 = arith.constant 0 : i32
      %dma_wait3A_856 = arith.constant 0 : i32
      %dma_wait3A_857 = tpu.memref_slice %arg10[%dma_wait3A_855, %dma_wait3A_856] : memref<10240x32xf32, #tpu.memory_space<vmem_shared>> -> memref<10240x32xf32, #tpu.memory_space<vmem_shared>>
      tpu.wait_indirect_dma semaphore(%arg12 : memref<!tpu.dma_semaphore, #tpu.memory_space<semaphore_mem>>) src(%dma_wait3A_857 : memref<10240x32xf32, #tpu.memory_space<vmem_shared>>) dst(%dma_wait3A_851 : memref<128x32xf32, #tpu.memory_space<vmem>>)
      %add3A_858 = arith.constant 4 : i32
      %add3A_859 = arith.addi %mul3A_595, %add3A_858 : i32
      %add3A_860 = arith.constant 0 : i32
      %add3A_861 = arith.addi %add3A_859, %add3A_860 : i32
      %dma_start3A_862 = arith.constant 4 : i32
      %dma_start3A_863 = arith.constant 0 : i32
      %dma_start3A_864 = arith.constant 0 : i32
      %dma_start3A_865 = tpu.memref_slice %arg7[%dma_start3A_862, %dma_start3A_863, %dma_start3A_864] : memref<8x128x32xf32, #tpu.memory_space<vmem>> -> memref<1x128x32xf32, #tpu.memory_space<vmem>>
      %dma_start3A_866 = tpu.memref_squeeze %dma_start3A_865 : memref<1x128x32xf32, #tpu.memory_space<vmem>> -> memref<128x32xf32, #tpu.memory_space<vmem>>
      %dma_start3A_867 = arith.constant 0 : i32
      %dma_start3A_868 = tpu.memref_slice %arg6[%add3A_861, %dma_start3A_867] : memref<80x128xi32, #tpu.memory_space<vmem>> -> memref<1x128xi32, #tpu.memory_space<vmem>>
      %dma_start3A_869 = tpu.memref_squeeze %dma_start3A_868 : memref<1x128xi32, #tpu.memory_space<vmem>> -> memref<128xi32, #tpu.memory_space<vmem>>
      %dma_start3A_870 = arith.constant 0 : i32
      %dma_start3A_871 = arith.constant 0 : i32
      %dma_start3A_872 = tpu.memref_slice %arg8[%dma_start3A_870, %dma_start3A_871] : memref<10240x32xf32, #tpu.memory_space<vmem_shared>> -> memref<10240x32xf32, #tpu.memory_space<vmem_shared>>
      tpu.enqueue_indirect_dma source(%dma_start3A_866 : memref<128x32xf32, #tpu.memory_space<vmem>>) target(%dma_start3A_872 : memref<10240x32xf32, #tpu.memory_space<vmem_shared>>) offsets(%dma_start3A_869 : memref<128xi32, #tpu.memory_space<vmem>>) semaphore(%arg14 : memref<!tpu.dma_semaphore, #tpu.memory_space<semaphore_mem>>) {add = true}
      %add3A_873 = arith.constant 4 : i32
      %add3A_874 = arith.addi %mul3A_595, %add3A_873 : i32
      %add3A_875 = arith.constant 1 : i32
      %add3A_876 = arith.addi %add3A_874, %add3A_875 : i32
      %dma_start3A_877 = arith.constant 5 : i32
      %dma_start3A_878 = arith.constant 0 : i32
      %dma_start3A_879 = arith.constant 0 : i32
      %dma_start3A_880 = tpu.memref_slice %arg7[%dma_start3A_877, %dma_start3A_878, %dma_start3A_879] : memref<8x128x32xf32, #tpu.memory_space<vmem>> -> memref<1x128x32xf32, #tpu.memory_space<vmem>>
      %dma_start3A_881 = tpu.memref_squeeze %dma_start3A_880 : memref<1x128x32xf32, #tpu.memory_space<vmem>> -> memref<128x32xf32, #tpu.memory_space<vmem>>
      %dma_start3A_882 = arith.constant 0 : i32
      %dma_start3A_883 = tpu.memref_slice %arg6[%add3A_876, %dma_start3A_882] : memref<80x128xi32, #tpu.memory_space<vmem>> -> memref<1x128xi32, #tpu.memory_space<vmem>>
      %dma_start3A_884 = tpu.memref_squeeze %dma_start3A_883 : memref<1x128xi32, #tpu.memory_space<vmem>> -> memref<128xi32, #tpu.memory_space<vmem>>
      %dma_start3A_885 = arith.constant 0 : i32
      %dma_start3A_886 = arith.constant 0 : i32
      %dma_start3A_887 = tpu.memref_slice %arg8[%dma_start3A_885, %dma_start3A_886] : memref<10240x32xf32, #tpu.memory_space<vmem_shared>> -> memref<10240x32xf32, #tpu.memory_space<vmem_shared>>
      tpu.enqueue_indirect_dma source(%dma_start3A_881 : memref<128x32xf32, #tpu.memory_space<vmem>>) target(%dma_start3A_887 : memref<10240x32xf32, #tpu.memory_space<vmem_shared>>) offsets(%dma_start3A_884 : memref<128xi32, #tpu.memory_space<vmem>>) semaphore(%arg14 : memref<!tpu.dma_semaphore, #tpu.memory_space<semaphore_mem>>) {add = true}
      %add3A_888 = arith.constant 4 : i32
      %add3A_889 = arith.addi %mul3A_595, %add3A_888 : i32
      %add3A_890 = arith.constant 2 : i32
      %add3A_891 = arith.addi %add3A_889, %add3A_890 : i32
      %dma_start3A_892 = arith.constant 6 : i32
      %dma_start3A_893 = arith.constant 0 : i32
      %dma_start3A_894 = arith.constant 0 : i32
      %dma_start3A_895 = tpu.memref_slice %arg7[%dma_start3A_892, %dma_start3A_893, %dma_start3A_894] : memref<8x128x32xf32, #tpu.memory_space<vmem>> -> memref<1x128x32xf32, #tpu.memory_space<vmem>>
      %dma_start3A_896 = tpu.memref_squeeze %dma_start3A_895 : memref<1x128x32xf32, #tpu.memory_space<vmem>> -> memref<128x32xf32, #tpu.memory_space<vmem>>
      %dma_start3A_897 = arith.constant 0 : i32
      %dma_start3A_898 = tpu.memref_slice %arg6[%add3A_891, %dma_start3A_897] : memref<80x128xi32, #tpu.memory_space<vmem>> -> memref<1x128xi32, #tpu.memory_space<vmem>>
      %dma_start3A_899 = tpu.memref_squeeze %dma_start3A_898 : memref<1x128xi32, #tpu.memory_space<vmem>> -> memref<128xi32, #tpu.memory_space<vmem>>
      %dma_start3A_900 = arith.constant 0 : i32
      %dma_start3A_901 = arith.constant 0 : i32
      %dma_start3A_902 = tpu.memref_slice %arg8[%dma_start3A_900, %dma_start3A_901] : memref<10240x32xf32, #tpu.memory_space<vmem_shared>> -> memref<10240x32xf32, #tpu.memory_space<vmem_shared>>
      tpu.enqueue_indirect_dma source(%dma_start3A_896 : memref<128x32xf32, #tpu.memory_space<vmem>>) target(%dma_start3A_902 : memref<10240x32xf32, #tpu.memory_space<vmem_shared>>) offsets(%dma_start3A_899 : memref<128xi32, #tpu.memory_space<vmem>>) semaphore(%arg14 : memref<!tpu.dma_semaphore, #tpu.memory_space<semaphore_mem>>) {add = true}
      %add3A_903 = arith.constant 4 : i32
      %add3A_904 = arith.addi %mul3A_595, %add3A_903 : i32
      %add3A_905 = arith.constant 3 : i32
      %add3A_906 = arith.addi %add3A_904, %add3A_905 : i32
      %dma_start3A_907 = arith.constant 7 : i32
      %dma_start3A_908 = arith.constant 0 : i32
      %dma_start3A_909 = arith.constant 0 : i32
      %dma_start3A_910 = tpu.memref_slice %arg7[%dma_start3A_907, %dma_start3A_908, %dma_start3A_909] : memref<8x128x32xf32, #tpu.memory_space<vmem>> -> memref<1x128x32xf32, #tpu.memory_space<vmem>>
      %dma_start3A_911 = tpu.memref_squeeze %dma_start3A_910 : memref<1x128x32xf32, #tpu.memory_space<vmem>> -> memref<128x32xf32, #tpu.memory_space<vmem>>
      %dma_start3A_912 = arith.constant 0 : i32
      %dma_start3A_913 = tpu.memref_slice %arg6[%add3A_906, %dma_start3A_912] : memref<80x128xi32, #tpu.memory_space<vmem>> -> memref<1x128xi32, #tpu.memory_space<vmem>>
      %dma_start3A_914 = tpu.memref_squeeze %dma_start3A_913 : memref<1x128xi32, #tpu.memory_space<vmem>> -> memref<128xi32, #tpu.memory_space<vmem>>
      %dma_start3A_915 = arith.constant 0 : i32
      %dma_start3A_916 = arith.constant 0 : i32
      %dma_start3A_917 = tpu.memref_slice %arg8[%dma_start3A_915, %dma_start3A_916] : memref<10240x32xf32, #tpu.memory_space<vmem_shared>> -> memref<10240x32xf32, #tpu.memory_space<vmem_shared>>
      tpu.enqueue_indirect_dma source(%dma_start3A_911 : memref<128x32xf32, #tpu.memory_space<vmem>>) target(%dma_start3A_917 : memref<10240x32xf32, #tpu.memory_space<vmem_shared>>) offsets(%dma_start3A_914 : memref<128xi32, #tpu.memory_space<vmem>>) semaphore(%arg14 : memref<!tpu.dma_semaphore, #tpu.memory_space<semaphore_mem>>) {add = true}
    }
    %scan3A_422 = arith.constant 10 : i32
    %dma_wait3A_423 = arith.constant 4 : i32
    %dma_wait3A_424 = arith.constant 0 : i32
    %dma_wait3A_425 = arith.constant 0 : i32
    %dma_wait3A_426 = arith.constant 0 : i32
    %dma_wait3A_427 = tpu.memref_slice %arg7[%dma_wait3A_423, %dma_wait3A_425, %dma_wait3A_426] : memref<8x128x32xf32, #tpu.memory_space<vmem>> -> memref<1x128x32xf32, #tpu.memory_space<vmem>>
    %dma_wait3A_428 = tpu.memref_squeeze %dma_wait3A_427 : memref<1x128x32xf32, #tpu.memory_space<vmem>> -> memref<128x32xf32, #tpu.memory_space<vmem>>
    %dma_wait3A_429 = arith.constant 0 : i32
    %dma_wait3A_430 = tpu.memref_slice %arg6[%dma_wait3A_424, %dma_wait3A_429] : memref<80x128xi32, #tpu.memory_space<vmem>> -> memref<1x128xi32, #tpu.memory_space<vmem>>
    %dma_wait3A_431 = tpu.memref_squeeze %dma_wait3A_430 : memref<1x128xi32, #tpu.memory_space<vmem>> -> memref<128xi32, #tpu.memory_space<vmem>>
    %dma_wait3A_432 = arith.constant 0 : i32
    %dma_wait3A_433 = arith.constant 0 : i32
    %dma_wait3A_434 = tpu.memref_slice %arg8[%dma_wait3A_432, %dma_wait3A_433] : memref<10240x32xf32, #tpu.memory_space<vmem_shared>> -> memref<10240x32xf32, #tpu.memory_space<vmem_shared>>
    tpu.wait_indirect_dma semaphore(%arg14 : memref<!tpu.dma_semaphore, #tpu.memory_space<semaphore_mem>>) src(%dma_wait3A_428 : memref<128x32xf32, #tpu.memory_space<vmem>>) dst(%dma_wait3A_434 : memref<10240x32xf32, #tpu.memory_space<vmem_shared>>)
    %dma_wait3A_435 = arith.constant 5 : i32
    %dma_wait3A_436 = arith.constant 0 : i32
    %dma_wait3A_437 = arith.constant 0 : i32
    %dma_wait3A_438 = arith.constant 0 : i32
    %dma_wait3A_439 = tpu.memref_slice %arg7[%dma_wait3A_435, %dma_wait3A_437, %dma_wait3A_438] : memref<8x128x32xf32, #tpu.memory_space<vmem>> -> memref<1x128x32xf32, #tpu.memory_space<vmem>>
    %dma_wait3A_440 = tpu.memref_squeeze %dma_wait3A_439 : memref<1x128x32xf32, #tpu.memory_space<vmem>> -> memref<128x32xf32, #tpu.memory_space<vmem>>
    %dma_wait3A_441 = arith.constant 0 : i32
    %dma_wait3A_442 = tpu.memref_slice %arg6[%dma_wait3A_436, %dma_wait3A_441] : memref<80x128xi32, #tpu.memory_space<vmem>> -> memref<1x128xi32, #tpu.memory_space<vmem>>
    %dma_wait3A_443 = tpu.memref_squeeze %dma_wait3A_442 : memref<1x128xi32, #tpu.memory_space<vmem>> -> memref<128xi32, #tpu.memory_space<vmem>>
    %dma_wait3A_444 = arith.constant 0 : i32
    %dma_wait3A_445 = arith.constant 0 : i32
    %dma_wait3A_446 = tpu.memref_slice %arg8[%dma_wait3A_444, %dma_wait3A_445] : memref<10240x32xf32, #tpu.memory_space<vmem_shared>> -> memref<10240x32xf32, #tpu.memory_space<vmem_shared>>
    tpu.wait_indirect_dma semaphore(%arg14 : memref<!tpu.dma_semaphore, #tpu.memory_space<semaphore_mem>>) src(%dma_wait3A_440 : memref<128x32xf32, #tpu.memory_space<vmem>>) dst(%dma_wait3A_446 : memref<10240x32xf32, #tpu.memory_space<vmem_shared>>)
    %dma_wait3A_447 = arith.constant 6 : i32
    %dma_wait3A_448 = arith.constant 0 : i32
    %dma_wait3A_449 = arith.constant 0 : i32
    %dma_wait3A_450 = arith.constant 0 : i32
    %dma_wait3A_451 = tpu.memref_slice %arg7[%dma_wait3A_447, %dma_wait3A_449, %dma_wait3A_450] : memref<8x128x32xf32, #tpu.memory_space<vmem>> -> memref<1x128x32xf32, #tpu.memory_space<vmem>>
    %dma_wait3A_452 = tpu.memref_squeeze %dma_wait3A_451 : memref<1x128x32xf32, #tpu.memory_space<vmem>> -> memref<128x32xf32, #tpu.memory_space<vmem>>
    %dma_wait3A_453 = arith.constant 0 : i32
    %dma_wait3A_454 = tpu.memref_slice %arg6[%dma_wait3A_448, %dma_wait3A_453] : memref<80x128xi32, #tpu.memory_space<vmem>> -> memref<1x128xi32, #tpu.memory_space<vmem>>
    %dma_wait3A_455 = tpu.memref_squeeze %dma_wait3A_454 : memref<1x128xi32, #tpu.memory_space<vmem>> -> memref<128xi32, #tpu.memory_space<vmem>>
    %dma_wait3A_456 = arith.constant 0 : i32
    %dma_wait3A_457 = arith.constant 0 : i32
    %dma_wait3A_458 = tpu.memref_slice %arg8[%dma_wait3A_456, %dma_wait3A_457] : memref<10240x32xf32, #tpu.memory_space<vmem_shared>> -> memref<10240x32xf32, #tpu.memory_space<vmem_shared>>
    tpu.wait_indirect_dma semaphore(%arg14 : memref<!tpu.dma_semaphore, #tpu.memory_space<semaphore_mem>>) src(%dma_wait3A_452 : memref<128x32xf32, #tpu.memory_space<vmem>>) dst(%dma_wait3A_458 : memref<10240x32xf32, #tpu.memory_space<vmem_shared>>)
    %dma_wait3A_459 = arith.constant 7 : i32
    %dma_wait3A_460 = arith.constant 0 : i32
    %dma_wait3A_461 = arith.constant 0 : i32
    %dma_wait3A_462 = arith.constant 0 : i32
    %dma_wait3A_463 = tpu.memref_slice %arg7[%dma_wait3A_459, %dma_wait3A_461, %dma_wait3A_462] : memref<8x128x32xf32, #tpu.memory_space<vmem>> -> memref<1x128x32xf32, #tpu.memory_space<vmem>>
    %dma_wait3A_464 = tpu.memref_squeeze %dma_wait3A_463 : memref<1x128x32xf32, #tpu.memory_space<vmem>> -> memref<128x32xf32, #tpu.memory_space<vmem>>
    %dma_wait3A_465 = arith.constant 0 : i32
    %dma_wait3A_466 = tpu.memref_slice %arg6[%dma_wait3A_460, %dma_wait3A_465] : memref<80x128xi32, #tpu.memory_space<vmem>> -> memref<1x128xi32, #tpu.memory_space<vmem>>
    %dma_wait3A_467 = tpu.memref_squeeze %dma_wait3A_466 : memref<1x128xi32, #tpu.memory_space<vmem>> -> memref<128xi32, #tpu.memory_space<vmem>>
    %dma_wait3A_468 = arith.constant 0 : i32
    %dma_wait3A_469 = arith.constant 0 : i32
    %dma_wait3A_470 = tpu.memref_slice %arg8[%dma_wait3A_468, %dma_wait3A_469] : memref<10240x32xf32, #tpu.memory_space<vmem_shared>> -> memref<10240x32xf32, #tpu.memory_space<vmem_shared>>
    tpu.wait_indirect_dma semaphore(%arg14 : memref<!tpu.dma_semaphore, #tpu.memory_space<semaphore_mem>>) src(%dma_wait3A_464 : memref<128x32xf32, #tpu.memory_space<vmem>>) dst(%dma_wait3A_470 : memref<10240x32xf32, #tpu.memory_space<vmem_shared>>)
    %barrier3A_471 = arith.constant 0 : index
    tpu.barrier barrier_id(%barrier3A_471)
    %mul3A_472 = arith.constant 640 : i32
    %mul3A_473 = arith.muli %arg1, %mul3A_472 : i32
    %mul3A_474 = arith.constant 640 : i32
    %mul3A_475 = arith.muli %arg1, %mul3A_474 : i32
    "tpu.region"() ({
      %run_scoped3A_587 = tpu.sem_alloc : memref<!tpu.dma_semaphore, #tpu.memory_space<semaphore_mem>>
      %dma_start3A_588 = arith.constant 0 : i32
      %dma_start3A_589 = tpu.memref_slice %arg10[%mul3A_475, %dma_start3A_588] : memref<10240x32xf32, #tpu.memory_space<vmem_shared>> -> memref<640x32xf32, #tpu.memory_space<vmem_shared>>
      %dma_start3A_590 = arith.constant 32 : i32
      %dma_start3A_591 = tpu.memref_slice %arg2[%mul3A_473, %dma_start3A_590] : memref<10240x64xf32, #tpu.memory_space<hbm>> -> memref<640x32xf32, #tpu.memory_space<hbm>>
      tpu.enqueue_dma source(%dma_start3A_591 : memref<640x32xf32, #tpu.memory_space<hbm>>) target(%dma_start3A_589 : memref<640x32xf32, #tpu.memory_space<vmem_shared>>) target_semaphore(%run_scoped3A_587 : memref<!tpu.dma_semaphore, #tpu.memory_space<semaphore_mem>>)
      %dma_wait3A_592 = arith.constant 0 : i32
      %dma_wait3A_593 = tpu.memref_slice %arg10[%mul3A_475, %dma_wait3A_592] : memref<10240x32xf32, #tpu.memory_space<vmem_shared>> -> memref<640x32xf32, #tpu.memory_space<vmem_shared>>
      %dma_wait3A_594 = arith.constant 32 : i32
      %dma_wait3A_595 = tpu.memref_slice %arg2[%mul3A_473, %dma_wait3A_594] : memref<10240x64xf32, #tpu.memory_space<hbm>> -> memref<640x32xf32, #tpu.memory_space<hbm>>
      tpu.wait_dma2 semaphore(%run_scoped3A_587 : memref<!tpu.dma_semaphore, #tpu.memory_space<semaphore_mem>>) src(%dma_wait3A_595 : memref<640x32xf32, #tpu.memory_space<hbm>>) dst(%dma_wait3A_593 : memref<640x32xf32, #tpu.memory_space<vmem_shared>>)
      tpu.yield
    }) : () -> ()
    %barrier3A_476 = arith.constant 0 : index
    tpu.barrier barrier_id(%barrier3A_476)
    %dma_start3A_477 = arith.constant 0 : i32
    %dma_start3A_478 = arith.constant 0 : i32
    %dma_start3A_479 = arith.constant 0 : i32
    %dma_start3A_480 = arith.constant 0 : i32
    %dma_start3A_481 = tpu.memref_slice %arg7[%dma_start3A_478, %dma_start3A_479, %dma_start3A_480] : memref<8x128x32xf32, #tpu.memory_space<vmem>> -> memref<1x128x32xf32, #tpu.memory_space<vmem>>
    %dma_start3A_482 = tpu.memref_squeeze %dma_start3A_481 : memref<1x128x32xf32, #tpu.memory_space<vmem>> -> memref<128x32xf32, #tpu.memory_space<vmem>>
    %dma_start3A_483 = arith.constant 0 : i32
    %dma_start3A_484 = tpu.memref_slice %arg5[%dma_start3A_477, %dma_start3A_483] : memref<80x128xi32, #tpu.memory_space<vmem>> -> memref<1x128xi32, #tpu.memory_space<vmem>>
    %dma_start3A_485 = tpu.memref_squeeze %dma_start3A_484 : memref<1x128xi32, #tpu.memory_space<vmem>> -> memref<128xi32, #tpu.memory_space<vmem>>
    %dma_start3A_486 = arith.constant 0 : i32
    %dma_start3A_487 = arith.constant 0 : i32
    %dma_start3A_488 = tpu.memref_slice %arg10[%dma_start3A_486, %dma_start3A_487] : memref<10240x32xf32, #tpu.memory_space<vmem_shared>> -> memref<10240x32xf32, #tpu.memory_space<vmem_shared>>
    tpu.enqueue_indirect_dma source(%dma_start3A_488 : memref<10240x32xf32, #tpu.memory_space<vmem_shared>>) target(%dma_start3A_482 : memref<128x32xf32, #tpu.memory_space<vmem>>) offsets(%dma_start3A_485 : memref<128xi32, #tpu.memory_space<vmem>>) semaphore(%arg11 : memref<!tpu.dma_semaphore, #tpu.memory_space<semaphore_mem>>)
    %dma_start3A_489 = arith.constant 1 : i32
    %dma_start3A_490 = arith.constant 1 : i32
    %dma_start3A_491 = arith.constant 0 : i32
    %dma_start3A_492 = arith.constant 0 : i32
    %dma_start3A_493 = tpu.memref_slice %arg7[%dma_start3A_490, %dma_start3A_491, %dma_start3A_492] : memref<8x128x32xf32, #tpu.memory_space<vmem>> -> memref<1x128x32xf32, #tpu.memory_space<vmem>>
    %dma_start3A_494 = tpu.memref_squeeze %dma_start3A_493 : memref<1x128x32xf32, #tpu.memory_space<vmem>> -> memref<128x32xf32, #tpu.memory_space<vmem>>
    %dma_start3A_495 = arith.constant 0 : i32
    %dma_start3A_496 = tpu.memref_slice %arg5[%dma_start3A_489, %dma_start3A_495] : memref<80x128xi32, #tpu.memory_space<vmem>> -> memref<1x128xi32, #tpu.memory_space<vmem>>
    %dma_start3A_497 = tpu.memref_squeeze %dma_start3A_496 : memref<1x128xi32, #tpu.memory_space<vmem>> -> memref<128xi32, #tpu.memory_space<vmem>>
    %dma_start3A_498 = arith.constant 0 : i32
    %dma_start3A_499 = arith.constant 0 : i32
    %dma_start3A_500 = tpu.memref_slice %arg10[%dma_start3A_498, %dma_start3A_499] : memref<10240x32xf32, #tpu.memory_space<vmem_shared>> -> memref<10240x32xf32, #tpu.memory_space<vmem_shared>>
    tpu.enqueue_indirect_dma source(%dma_start3A_500 : memref<10240x32xf32, #tpu.memory_space<vmem_shared>>) target(%dma_start3A_494 : memref<128x32xf32, #tpu.memory_space<vmem>>) offsets(%dma_start3A_497 : memref<128xi32, #tpu.memory_space<vmem>>) semaphore(%arg11 : memref<!tpu.dma_semaphore, #tpu.memory_space<semaphore_mem>>)
    %dma_start3A_501 = arith.constant 2 : i32
    %dma_start3A_502 = arith.constant 2 : i32
    %dma_start3A_503 = arith.constant 0 : i32
    %dma_start3A_504 = arith.constant 0 : i32
    %dma_start3A_505 = tpu.memref_slice %arg7[%dma_start3A_502, %dma_start3A_503, %dma_start3A_504] : memref<8x128x32xf32, #tpu.memory_space<vmem>> -> memref<1x128x32xf32, #tpu.memory_space<vmem>>
    %dma_start3A_506 = tpu.memref_squeeze %dma_start3A_505 : memref<1x128x32xf32, #tpu.memory_space<vmem>> -> memref<128x32xf32, #tpu.memory_space<vmem>>
    %dma_start3A_507 = arith.constant 0 : i32
    %dma_start3A_508 = tpu.memref_slice %arg5[%dma_start3A_501, %dma_start3A_507] : memref<80x128xi32, #tpu.memory_space<vmem>> -> memref<1x128xi32, #tpu.memory_space<vmem>>
    %dma_start3A_509 = tpu.memref_squeeze %dma_start3A_508 : memref<1x128xi32, #tpu.memory_space<vmem>> -> memref<128xi32, #tpu.memory_space<vmem>>
    %dma_start3A_510 = arith.constant 0 : i32
    %dma_start3A_511 = arith.constant 0 : i32
    %dma_start3A_512 = tpu.memref_slice %arg10[%dma_start3A_510, %dma_start3A_511] : memref<10240x32xf32, #tpu.memory_space<vmem_shared>> -> memref<10240x32xf32, #tpu.memory_space<vmem_shared>>
    tpu.enqueue_indirect_dma source(%dma_start3A_512 : memref<10240x32xf32, #tpu.memory_space<vmem_shared>>) target(%dma_start3A_506 : memref<128x32xf32, #tpu.memory_space<vmem>>) offsets(%dma_start3A_509 : memref<128xi32, #tpu.memory_space<vmem>>) semaphore(%arg11 : memref<!tpu.dma_semaphore, #tpu.memory_space<semaphore_mem>>)
    %dma_start3A_513 = arith.constant 3 : i32
    %dma_start3A_514 = arith.constant 3 : i32
    %dma_start3A_515 = arith.constant 0 : i32
    %dma_start3A_516 = arith.constant 0 : i32
    %dma_start3A_517 = tpu.memref_slice %arg7[%dma_start3A_514, %dma_start3A_515, %dma_start3A_516] : memref<8x128x32xf32, #tpu.memory_space<vmem>> -> memref<1x128x32xf32, #tpu.memory_space<vmem>>
    %dma_start3A_518 = tpu.memref_squeeze %dma_start3A_517 : memref<1x128x32xf32, #tpu.memory_space<vmem>> -> memref<128x32xf32, #tpu.memory_space<vmem>>
    %dma_start3A_519 = arith.constant 0 : i32
    %dma_start3A_520 = tpu.memref_slice %arg5[%dma_start3A_513, %dma_start3A_519] : memref<80x128xi32, #tpu.memory_space<vmem>> -> memref<1x128xi32, #tpu.memory_space<vmem>>
    %dma_start3A_521 = tpu.memref_squeeze %dma_start3A_520 : memref<1x128xi32, #tpu.memory_space<vmem>> -> memref<128xi32, #tpu.memory_space<vmem>>
    %dma_start3A_522 = arith.constant 0 : i32
    %dma_start3A_523 = arith.constant 0 : i32
    %dma_start3A_524 = tpu.memref_slice %arg10[%dma_start3A_522, %dma_start3A_523] : memref<10240x32xf32, #tpu.memory_space<vmem_shared>> -> memref<10240x32xf32, #tpu.memory_space<vmem_shared>>
    tpu.enqueue_indirect_dma source(%dma_start3A_524 : memref<10240x32xf32, #tpu.memory_space<vmem_shared>>) target(%dma_start3A_518 : memref<128x32xf32, #tpu.memory_space<vmem>>) offsets(%dma_start3A_521 : memref<128xi32, #tpu.memory_space<vmem>>) semaphore(%arg11 : memref<!tpu.dma_semaphore, #tpu.memory_space<semaphore_mem>>)
    %scan3A_525 = arith.constant 0 : i32
    %scan3A_526 = arith.constant 10 : i32
    %scan3A_527 = arith.addi %scan3A_525, %scan3A_526 : i32
    %scan3A_528 = arith.constant 1 : i32
    scf.for %scan3A_587 = %scan3A_525 to %scan3A_527 step %scan3A_528  : i32 {
      %mul3A_588 = arith.constant 1 : i32
      %mul3A_589 = arith.muli %scan3A_587, %mul3A_588 : i32
      %add3A_590 = arith.constant 0 : i32
      %add3A_591 = arith.addi %add3A_590, %mul3A_589 : i32
      %mul3A_592 = arith.constant 2 : i32
      %mul3A_593 = arith.muli %add3A_591, %mul3A_592 : i32
      %mul3A_594 = arith.constant 4 : i32
      %mul3A_595 = arith.muli %mul3A_593, %mul3A_594 : i32
      %gt3A = arith.constant 0 : i32
      %gt3A_596 = arith.cmpi sgt, %add3A_591, %gt3A : i32
      %convert_element_type3A = arith.extui %gt3A_596 : i1 to i32
      %cond3A = arith.constant 0 : i32
      %cond3A_597 = arith.cmpi ne, %convert_element_type3A, %cond3A : i32
      scf.if %cond3A_597 {
        %dma_wait3A_918 = arith.constant 4 : i32
        %dma_wait3A_919 = arith.constant 0 : i32
        %dma_wait3A_920 = arith.constant 0 : i32
        %dma_wait3A_921 = arith.constant 0 : i32
        %dma_wait3A_922 = tpu.memref_slice %arg7[%dma_wait3A_918, %dma_wait3A_920, %dma_wait3A_921] : memref<8x128x32xf32, #tpu.memory_space<vmem>> -> memref<1x128x32xf32, #tpu.memory_space<vmem>>
        %dma_wait3A_923 = tpu.memref_squeeze %dma_wait3A_922 : memref<1x128x32xf32, #tpu.memory_space<vmem>> -> memref<128x32xf32, #tpu.memory_space<vmem>>
        %dma_wait3A_924 = arith.constant 0 : i32
        %dma_wait3A_925 = tpu.memref_slice %arg6[%dma_wait3A_919, %dma_wait3A_924] : memref<80x128xi32, #tpu.memory_space<vmem>> -> memref<1x128xi32, #tpu.memory_space<vmem>>
        %dma_wait3A_926 = tpu.memref_squeeze %dma_wait3A_925 : memref<1x128xi32, #tpu.memory_space<vmem>> -> memref<128xi32, #tpu.memory_space<vmem>>
        %dma_wait3A_927 = arith.constant 0 : i32
        %dma_wait3A_928 = arith.constant 0 : i32
        %dma_wait3A_929 = tpu.memref_slice %arg9[%dma_wait3A_927, %dma_wait3A_928] : memref<10240x32xf32, #tpu.memory_space<vmem_shared>> -> memref<10240x32xf32, #tpu.memory_space<vmem_shared>>
        tpu.wait_indirect_dma semaphore(%arg14 : memref<!tpu.dma_semaphore, #tpu.memory_space<semaphore_mem>>) src(%dma_wait3A_923 : memref<128x32xf32, #tpu.memory_space<vmem>>) dst(%dma_wait3A_929 : memref<10240x32xf32, #tpu.memory_space<vmem_shared>>)
        %dma_wait3A_930 = arith.constant 5 : i32
        %dma_wait3A_931 = arith.constant 0 : i32
        %dma_wait3A_932 = arith.constant 0 : i32
        %dma_wait3A_933 = arith.constant 0 : i32
        %dma_wait3A_934 = tpu.memref_slice %arg7[%dma_wait3A_930, %dma_wait3A_932, %dma_wait3A_933] : memref<8x128x32xf32, #tpu.memory_space<vmem>> -> memref<1x128x32xf32, #tpu.memory_space<vmem>>
        %dma_wait3A_935 = tpu.memref_squeeze %dma_wait3A_934 : memref<1x128x32xf32, #tpu.memory_space<vmem>> -> memref<128x32xf32, #tpu.memory_space<vmem>>
        %dma_wait3A_936 = arith.constant 0 : i32
        %dma_wait3A_937 = tpu.memref_slice %arg6[%dma_wait3A_931, %dma_wait3A_936] : memref<80x128xi32, #tpu.memory_space<vmem>> -> memref<1x128xi32, #tpu.memory_space<vmem>>
        %dma_wait3A_938 = tpu.memref_squeeze %dma_wait3A_937 : memref<1x128xi32, #tpu.memory_space<vmem>> -> memref<128xi32, #tpu.memory_space<vmem>>
        %dma_wait3A_939 = arith.constant 0 : i32
        %dma_wait3A_940 = arith.constant 0 : i32
        %dma_wait3A_941 = tpu.memref_slice %arg9[%dma_wait3A_939, %dma_wait3A_940] : memref<10240x32xf32, #tpu.memory_space<vmem_shared>> -> memref<10240x32xf32, #tpu.memory_space<vmem_shared>>
        tpu.wait_indirect_dma semaphore(%arg14 : memref<!tpu.dma_semaphore, #tpu.memory_space<semaphore_mem>>) src(%dma_wait3A_935 : memref<128x32xf32, #tpu.memory_space<vmem>>) dst(%dma_wait3A_941 : memref<10240x32xf32, #tpu.memory_space<vmem_shared>>)
        %dma_wait3A_942 = arith.constant 6 : i32
        %dma_wait3A_943 = arith.constant 0 : i32
        %dma_wait3A_944 = arith.constant 0 : i32
        %dma_wait3A_945 = arith.constant 0 : i32
        %dma_wait3A_946 = tpu.memref_slice %arg7[%dma_wait3A_942, %dma_wait3A_944, %dma_wait3A_945] : memref<8x128x32xf32, #tpu.memory_space<vmem>> -> memref<1x128x32xf32, #tpu.memory_space<vmem>>
        %dma_wait3A_947 = tpu.memref_squeeze %dma_wait3A_946 : memref<1x128x32xf32, #tpu.memory_space<vmem>> -> memref<128x32xf32, #tpu.memory_space<vmem>>
        %dma_wait3A_948 = arith.constant 0 : i32
        %dma_wait3A_949 = tpu.memref_slice %arg6[%dma_wait3A_943, %dma_wait3A_948] : memref<80x128xi32, #tpu.memory_space<vmem>> -> memref<1x128xi32, #tpu.memory_space<vmem>>
        %dma_wait3A_950 = tpu.memref_squeeze %dma_wait3A_949 : memref<1x128xi32, #tpu.memory_space<vmem>> -> memref<128xi32, #tpu.memory_space<vmem>>
        %dma_wait3A_951 = arith.constant 0 : i32
        %dma_wait3A_952 = arith.constant 0 : i32
        %dma_wait3A_953 = tpu.memref_slice %arg9[%dma_wait3A_951, %dma_wait3A_952] : memref<10240x32xf32, #tpu.memory_space<vmem_shared>> -> memref<10240x32xf32, #tpu.memory_space<vmem_shared>>
        tpu.wait_indirect_dma semaphore(%arg14 : memref<!tpu.dma_semaphore, #tpu.memory_space<semaphore_mem>>) src(%dma_wait3A_947 : memref<128x32xf32, #tpu.memory_space<vmem>>) dst(%dma_wait3A_953 : memref<10240x32xf32, #tpu.memory_space<vmem_shared>>)
        %dma_wait3A_954 = arith.constant 7 : i32
        %dma_wait3A_955 = arith.constant 0 : i32
        %dma_wait3A_956 = arith.constant 0 : i32
        %dma_wait3A_957 = arith.constant 0 : i32
        %dma_wait3A_958 = tpu.memref_slice %arg7[%dma_wait3A_954, %dma_wait3A_956, %dma_wait3A_957] : memref<8x128x32xf32, #tpu.memory_space<vmem>> -> memref<1x128x32xf32, #tpu.memory_space<vmem>>
        %dma_wait3A_959 = tpu.memref_squeeze %dma_wait3A_958 : memref<1x128x32xf32, #tpu.memory_space<vmem>> -> memref<128x32xf32, #tpu.memory_space<vmem>>
        %dma_wait3A_960 = arith.constant 0 : i32
        %dma_wait3A_961 = tpu.memref_slice %arg6[%dma_wait3A_955, %dma_wait3A_960] : memref<80x128xi32, #tpu.memory_space<vmem>> -> memref<1x128xi32, #tpu.memory_space<vmem>>
        %dma_wait3A_962 = tpu.memref_squeeze %dma_wait3A_961 : memref<1x128xi32, #tpu.memory_space<vmem>> -> memref<128xi32, #tpu.memory_space<vmem>>
        %dma_wait3A_963 = arith.constant 0 : i32
        %dma_wait3A_964 = arith.constant 0 : i32
        %dma_wait3A_965 = tpu.memref_slice %arg9[%dma_wait3A_963, %dma_wait3A_964] : memref<10240x32xf32, #tpu.memory_space<vmem_shared>> -> memref<10240x32xf32, #tpu.memory_space<vmem_shared>>
        tpu.wait_indirect_dma semaphore(%arg14 : memref<!tpu.dma_semaphore, #tpu.memory_space<semaphore_mem>>) src(%dma_wait3A_959 : memref<128x32xf32, #tpu.memory_space<vmem>>) dst(%dma_wait3A_965 : memref<10240x32xf32, #tpu.memory_space<vmem_shared>>)
      } else {
      }
      %add3A_598 = arith.constant 4 : i32
      %add3A_599 = arith.addi %mul3A_595, %add3A_598 : i32
      %add3A_600 = arith.constant 0 : i32
      %add3A_601 = arith.addi %add3A_599, %add3A_600 : i32
      %dma_start3A_602 = arith.constant 4 : i32
      %dma_start3A_603 = arith.constant 0 : i32
      %dma_start3A_604 = arith.constant 0 : i32
      %dma_start3A_605 = tpu.memref_slice %arg7[%dma_start3A_602, %dma_start3A_603, %dma_start3A_604] : memref<8x128x32xf32, #tpu.memory_space<vmem>> -> memref<1x128x32xf32, #tpu.memory_space<vmem>>
      %dma_start3A_606 = tpu.memref_squeeze %dma_start3A_605 : memref<1x128x32xf32, #tpu.memory_space<vmem>> -> memref<128x32xf32, #tpu.memory_space<vmem>>
      %dma_start3A_607 = arith.constant 0 : i32
      %dma_start3A_608 = tpu.memref_slice %arg5[%add3A_601, %dma_start3A_607] : memref<80x128xi32, #tpu.memory_space<vmem>> -> memref<1x128xi32, #tpu.memory_space<vmem>>
      %dma_start3A_609 = tpu.memref_squeeze %dma_start3A_608 : memref<1x128xi32, #tpu.memory_space<vmem>> -> memref<128xi32, #tpu.memory_space<vmem>>
      %dma_start3A_610 = arith.constant 0 : i32
      %dma_start3A_611 = arith.constant 0 : i32
      %dma_start3A_612 = tpu.memref_slice %arg10[%dma_start3A_610, %dma_start3A_611] : memref<10240x32xf32, #tpu.memory_space<vmem_shared>> -> memref<10240x32xf32, #tpu.memory_space<vmem_shared>>
      tpu.enqueue_indirect_dma source(%dma_start3A_612 : memref<10240x32xf32, #tpu.memory_space<vmem_shared>>) target(%dma_start3A_606 : memref<128x32xf32, #tpu.memory_space<vmem>>) offsets(%dma_start3A_609 : memref<128xi32, #tpu.memory_space<vmem>>) semaphore(%arg12 : memref<!tpu.dma_semaphore, #tpu.memory_space<semaphore_mem>>)
      %add3A_613 = arith.constant 4 : i32
      %add3A_614 = arith.addi %mul3A_595, %add3A_613 : i32
      %add3A_615 = arith.constant 1 : i32
      %add3A_616 = arith.addi %add3A_614, %add3A_615 : i32
      %dma_start3A_617 = arith.constant 5 : i32
      %dma_start3A_618 = arith.constant 0 : i32
      %dma_start3A_619 = arith.constant 0 : i32
      %dma_start3A_620 = tpu.memref_slice %arg7[%dma_start3A_617, %dma_start3A_618, %dma_start3A_619] : memref<8x128x32xf32, #tpu.memory_space<vmem>> -> memref<1x128x32xf32, #tpu.memory_space<vmem>>
      %dma_start3A_621 = tpu.memref_squeeze %dma_start3A_620 : memref<1x128x32xf32, #tpu.memory_space<vmem>> -> memref<128x32xf32, #tpu.memory_space<vmem>>
      %dma_start3A_622 = arith.constant 0 : i32
      %dma_start3A_623 = tpu.memref_slice %arg5[%add3A_616, %dma_start3A_622] : memref<80x128xi32, #tpu.memory_space<vmem>> -> memref<1x128xi32, #tpu.memory_space<vmem>>
      %dma_start3A_624 = tpu.memref_squeeze %dma_start3A_623 : memref<1x128xi32, #tpu.memory_space<vmem>> -> memref<128xi32, #tpu.memory_space<vmem>>
      %dma_start3A_625 = arith.constant 0 : i32
      %dma_start3A_626 = arith.constant 0 : i32
      %dma_start3A_627 = tpu.memref_slice %arg10[%dma_start3A_625, %dma_start3A_626] : memref<10240x32xf32, #tpu.memory_space<vmem_shared>> -> memref<10240x32xf32, #tpu.memory_space<vmem_shared>>
      tpu.enqueue_indirect_dma source(%dma_start3A_627 : memref<10240x32xf32, #tpu.memory_space<vmem_shared>>) target(%dma_start3A_621 : memref<128x32xf32, #tpu.memory_space<vmem>>) offsets(%dma_start3A_624 : memref<128xi32, #tpu.memory_space<vmem>>) semaphore(%arg12 : memref<!tpu.dma_semaphore, #tpu.memory_space<semaphore_mem>>)
      %add3A_628 = arith.constant 4 : i32
      %add3A_629 = arith.addi %mul3A_595, %add3A_628 : i32
      %add3A_630 = arith.constant 2 : i32
      %add3A_631 = arith.addi %add3A_629, %add3A_630 : i32
      %dma_start3A_632 = arith.constant 6 : i32
      %dma_start3A_633 = arith.constant 0 : i32
      %dma_start3A_634 = arith.constant 0 : i32
      %dma_start3A_635 = tpu.memref_slice %arg7[%dma_start3A_632, %dma_start3A_633, %dma_start3A_634] : memref<8x128x32xf32, #tpu.memory_space<vmem>> -> memref<1x128x32xf32, #tpu.memory_space<vmem>>
      %dma_start3A_636 = tpu.memref_squeeze %dma_start3A_635 : memref<1x128x32xf32, #tpu.memory_space<vmem>> -> memref<128x32xf32, #tpu.memory_space<vmem>>
      %dma_start3A_637 = arith.constant 0 : i32
      %dma_start3A_638 = tpu.memref_slice %arg5[%add3A_631, %dma_start3A_637] : memref<80x128xi32, #tpu.memory_space<vmem>> -> memref<1x128xi32, #tpu.memory_space<vmem>>
      %dma_start3A_639 = tpu.memref_squeeze %dma_start3A_638 : memref<1x128xi32, #tpu.memory_space<vmem>> -> memref<128xi32, #tpu.memory_space<vmem>>
      %dma_start3A_640 = arith.constant 0 : i32
      %dma_start3A_641 = arith.constant 0 : i32
      %dma_start3A_642 = tpu.memref_slice %arg10[%dma_start3A_640, %dma_start3A_641] : memref<10240x32xf32, #tpu.memory_space<vmem_shared>> -> memref<10240x32xf32, #tpu.memory_space<vmem_shared>>
      tpu.enqueue_indirect_dma source(%dma_start3A_642 : memref<10240x32xf32, #tpu.memory_space<vmem_shared>>) target(%dma_start3A_636 : memref<128x32xf32, #tpu.memory_space<vmem>>) offsets(%dma_start3A_639 : memref<128xi32, #tpu.memory_space<vmem>>) semaphore(%arg12 : memref<!tpu.dma_semaphore, #tpu.memory_space<semaphore_mem>>)
      %add3A_643 = arith.constant 4 : i32
      %add3A_644 = arith.addi %mul3A_595, %add3A_643 : i32
      %add3A_645 = arith.constant 3 : i32
      %add3A_646 = arith.addi %add3A_644, %add3A_645 : i32
      %dma_start3A_647 = arith.constant 7 : i32
      %dma_start3A_648 = arith.constant 0 : i32
      %dma_start3A_649 = arith.constant 0 : i32
      %dma_start3A_650 = tpu.memref_slice %arg7[%dma_start3A_647, %dma_start3A_648, %dma_start3A_649] : memref<8x128x32xf32, #tpu.memory_space<vmem>> -> memref<1x128x32xf32, #tpu.memory_space<vmem>>
      %dma_start3A_651 = tpu.memref_squeeze %dma_start3A_650 : memref<1x128x32xf32, #tpu.memory_space<vmem>> -> memref<128x32xf32, #tpu.memory_space<vmem>>
      %dma_start3A_652 = arith.constant 0 : i32
      %dma_start3A_653 = tpu.memref_slice %arg5[%add3A_646, %dma_start3A_652] : memref<80x128xi32, #tpu.memory_space<vmem>> -> memref<1x128xi32, #tpu.memory_space<vmem>>
      %dma_start3A_654 = tpu.memref_squeeze %dma_start3A_653 : memref<1x128xi32, #tpu.memory_space<vmem>> -> memref<128xi32, #tpu.memory_space<vmem>>
      %dma_start3A_655 = arith.constant 0 : i32
      %dma_start3A_656 = arith.constant 0 : i32
      %dma_start3A_657 = tpu.memref_slice %arg10[%dma_start3A_655, %dma_start3A_656] : memref<10240x32xf32, #tpu.memory_space<vmem_shared>> -> memref<10240x32xf32, #tpu.memory_space<vmem_shared>>
      tpu.enqueue_indirect_dma source(%dma_start3A_657 : memref<10240x32xf32, #tpu.memory_space<vmem_shared>>) target(%dma_start3A_651 : memref<128x32xf32, #tpu.memory_space<vmem>>) offsets(%dma_start3A_654 : memref<128xi32, #tpu.memory_space<vmem>>) semaphore(%arg12 : memref<!tpu.dma_semaphore, #tpu.memory_space<semaphore_mem>>)
      %dma_wait3A_658 = arith.constant 0 : i32
      %dma_wait3A_659 = arith.constant 0 : i32
      %dma_wait3A_660 = arith.constant 0 : i32
      %dma_wait3A_661 = arith.constant 0 : i32
      %dma_wait3A_662 = tpu.memref_slice %arg7[%dma_wait3A_659, %dma_wait3A_660, %dma_wait3A_661] : memref<8x128x32xf32, #tpu.memory_space<vmem>> -> memref<1x128x32xf32, #tpu.memory_space<vmem>>
      %dma_wait3A_663 = tpu.memref_squeeze %dma_wait3A_662 : memref<1x128x32xf32, #tpu.memory_space<vmem>> -> memref<128x32xf32, #tpu.memory_space<vmem>>
      %dma_wait3A_664 = arith.constant 0 : i32
      %dma_wait3A_665 = tpu.memref_slice %arg5[%dma_wait3A_658, %dma_wait3A_664] : memref<80x128xi32, #tpu.memory_space<vmem>> -> memref<1x128xi32, #tpu.memory_space<vmem>>
      %dma_wait3A_666 = tpu.memref_squeeze %dma_wait3A_665 : memref<1x128xi32, #tpu.memory_space<vmem>> -> memref<128xi32, #tpu.memory_space<vmem>>
      %dma_wait3A_667 = arith.constant 0 : i32
      %dma_wait3A_668 = arith.constant 0 : i32
      %dma_wait3A_669 = tpu.memref_slice %arg10[%dma_wait3A_667, %dma_wait3A_668] : memref<10240x32xf32, #tpu.memory_space<vmem_shared>> -> memref<10240x32xf32, #tpu.memory_space<vmem_shared>>
      tpu.wait_indirect_dma semaphore(%arg11 : memref<!tpu.dma_semaphore, #tpu.memory_space<semaphore_mem>>) src(%dma_wait3A_669 : memref<10240x32xf32, #tpu.memory_space<vmem_shared>>) dst(%dma_wait3A_663 : memref<128x32xf32, #tpu.memory_space<vmem>>)
      %dma_wait3A_670 = arith.constant 0 : i32
      %dma_wait3A_671 = arith.constant 1 : i32
      %dma_wait3A_672 = arith.constant 0 : i32
      %dma_wait3A_673 = arith.constant 0 : i32
      %dma_wait3A_674 = tpu.memref_slice %arg7[%dma_wait3A_671, %dma_wait3A_672, %dma_wait3A_673] : memref<8x128x32xf32, #tpu.memory_space<vmem>> -> memref<1x128x32xf32, #tpu.memory_space<vmem>>
      %dma_wait3A_675 = tpu.memref_squeeze %dma_wait3A_674 : memref<1x128x32xf32, #tpu.memory_space<vmem>> -> memref<128x32xf32, #tpu.memory_space<vmem>>
      %dma_wait3A_676 = arith.constant 0 : i32
      %dma_wait3A_677 = tpu.memref_slice %arg5[%dma_wait3A_670, %dma_wait3A_676] : memref<80x128xi32, #tpu.memory_space<vmem>> -> memref<1x128xi32, #tpu.memory_space<vmem>>
      %dma_wait3A_678 = tpu.memref_squeeze %dma_wait3A_677 : memref<1x128xi32, #tpu.memory_space<vmem>> -> memref<128xi32, #tpu.memory_space<vmem>>
      %dma_wait3A_679 = arith.constant 0 : i32
      %dma_wait3A_680 = arith.constant 0 : i32
      %dma_wait3A_681 = tpu.memref_slice %arg10[%dma_wait3A_679, %dma_wait3A_680] : memref<10240x32xf32, #tpu.memory_space<vmem_shared>> -> memref<10240x32xf32, #tpu.memory_space<vmem_shared>>
      tpu.wait_indirect_dma semaphore(%arg11 : memref<!tpu.dma_semaphore, #tpu.memory_space<semaphore_mem>>) src(%dma_wait3A_681 : memref<10240x32xf32, #tpu.memory_space<vmem_shared>>) dst(%dma_wait3A_675 : memref<128x32xf32, #tpu.memory_space<vmem>>)
      %dma_wait3A_682 = arith.constant 0 : i32
      %dma_wait3A_683 = arith.constant 2 : i32
      %dma_wait3A_684 = arith.constant 0 : i32
      %dma_wait3A_685 = arith.constant 0 : i32
      %dma_wait3A_686 = tpu.memref_slice %arg7[%dma_wait3A_683, %dma_wait3A_684, %dma_wait3A_685] : memref<8x128x32xf32, #tpu.memory_space<vmem>> -> memref<1x128x32xf32, #tpu.memory_space<vmem>>
      %dma_wait3A_687 = tpu.memref_squeeze %dma_wait3A_686 : memref<1x128x32xf32, #tpu.memory_space<vmem>> -> memref<128x32xf32, #tpu.memory_space<vmem>>
      %dma_wait3A_688 = arith.constant 0 : i32
      %dma_wait3A_689 = tpu.memref_slice %arg5[%dma_wait3A_682, %dma_wait3A_688] : memref<80x128xi32, #tpu.memory_space<vmem>> -> memref<1x128xi32, #tpu.memory_space<vmem>>
      %dma_wait3A_690 = tpu.memref_squeeze %dma_wait3A_689 : memref<1x128xi32, #tpu.memory_space<vmem>> -> memref<128xi32, #tpu.memory_space<vmem>>
      %dma_wait3A_691 = arith.constant 0 : i32
      %dma_wait3A_692 = arith.constant 0 : i32
      %dma_wait3A_693 = tpu.memref_slice %arg10[%dma_wait3A_691, %dma_wait3A_692] : memref<10240x32xf32, #tpu.memory_space<vmem_shared>> -> memref<10240x32xf32, #tpu.memory_space<vmem_shared>>
      tpu.wait_indirect_dma semaphore(%arg11 : memref<!tpu.dma_semaphore, #tpu.memory_space<semaphore_mem>>) src(%dma_wait3A_693 : memref<10240x32xf32, #tpu.memory_space<vmem_shared>>) dst(%dma_wait3A_687 : memref<128x32xf32, #tpu.memory_space<vmem>>)
      %dma_wait3A_694 = arith.constant 0 : i32
      %dma_wait3A_695 = arith.constant 3 : i32
      %dma_wait3A_696 = arith.constant 0 : i32
      %dma_wait3A_697 = arith.constant 0 : i32
      %dma_wait3A_698 = tpu.memref_slice %arg7[%dma_wait3A_695, %dma_wait3A_696, %dma_wait3A_697] : memref<8x128x32xf32, #tpu.memory_space<vmem>> -> memref<1x128x32xf32, #tpu.memory_space<vmem>>
      %dma_wait3A_699 = tpu.memref_squeeze %dma_wait3A_698 : memref<1x128x32xf32, #tpu.memory_space<vmem>> -> memref<128x32xf32, #tpu.memory_space<vmem>>
      %dma_wait3A_700 = arith.constant 0 : i32
      %dma_wait3A_701 = tpu.memref_slice %arg5[%dma_wait3A_694, %dma_wait3A_700] : memref<80x128xi32, #tpu.memory_space<vmem>> -> memref<1x128xi32, #tpu.memory_space<vmem>>
      %dma_wait3A_702 = tpu.memref_squeeze %dma_wait3A_701 : memref<1x128xi32, #tpu.memory_space<vmem>> -> memref<128xi32, #tpu.memory_space<vmem>>
      %dma_wait3A_703 = arith.constant 0 : i32
      %dma_wait3A_704 = arith.constant 0 : i32
      %dma_wait3A_705 = tpu.memref_slice %arg10[%dma_wait3A_703, %dma_wait3A_704] : memref<10240x32xf32, #tpu.memory_space<vmem_shared>> -> memref<10240x32xf32, #tpu.memory_space<vmem_shared>>
      tpu.wait_indirect_dma semaphore(%arg11 : memref<!tpu.dma_semaphore, #tpu.memory_space<semaphore_mem>>) src(%dma_wait3A_705 : memref<10240x32xf32, #tpu.memory_space<vmem_shared>>) dst(%dma_wait3A_699 : memref<128x32xf32, #tpu.memory_space<vmem>>)
      %add3A_706 = arith.constant 0 : i32
      %add3A_707 = arith.addi %mul3A_595, %add3A_706 : i32
      %dma_start3A_708 = arith.constant 0 : i32
      %dma_start3A_709 = arith.constant 0 : i32
      %dma_start3A_710 = arith.constant 0 : i32
      %dma_start3A_711 = tpu.memref_slice %arg7[%dma_start3A_708, %dma_start3A_709, %dma_start3A_710] : memref<8x128x32xf32, #tpu.memory_space<vmem>> -> memref<1x128x32xf32, #tpu.memory_space<vmem>>
      %dma_start3A_712 = tpu.memref_squeeze %dma_start3A_711 : memref<1x128x32xf32, #tpu.memory_space<vmem>> -> memref<128x32xf32, #tpu.memory_space<vmem>>
      %dma_start3A_713 = arith.constant 0 : i32
      %dma_start3A_714 = tpu.memref_slice %arg6[%add3A_707, %dma_start3A_713] : memref<80x128xi32, #tpu.memory_space<vmem>> -> memref<1x128xi32, #tpu.memory_space<vmem>>
      %dma_start3A_715 = tpu.memref_squeeze %dma_start3A_714 : memref<1x128xi32, #tpu.memory_space<vmem>> -> memref<128xi32, #tpu.memory_space<vmem>>
      %dma_start3A_716 = arith.constant 0 : i32
      %dma_start3A_717 = arith.constant 0 : i32
      %dma_start3A_718 = tpu.memref_slice %arg9[%dma_start3A_716, %dma_start3A_717] : memref<10240x32xf32, #tpu.memory_space<vmem_shared>> -> memref<10240x32xf32, #tpu.memory_space<vmem_shared>>
      tpu.enqueue_indirect_dma source(%dma_start3A_712 : memref<128x32xf32, #tpu.memory_space<vmem>>) target(%dma_start3A_718 : memref<10240x32xf32, #tpu.memory_space<vmem_shared>>) offsets(%dma_start3A_715 : memref<128xi32, #tpu.memory_space<vmem>>) semaphore(%arg13 : memref<!tpu.dma_semaphore, #tpu.memory_space<semaphore_mem>>) {add = true}
      %add3A_719 = arith.constant 1 : i32
      %add3A_720 = arith.addi %mul3A_595, %add3A_719 : i32
      %dma_start3A_721 = arith.constant 1 : i32
      %dma_start3A_722 = arith.constant 0 : i32
      %dma_start3A_723 = arith.constant 0 : i32
      %dma_start3A_724 = tpu.memref_slice %arg7[%dma_start3A_721, %dma_start3A_722, %dma_start3A_723] : memref<8x128x32xf32, #tpu.memory_space<vmem>> -> memref<1x128x32xf32, #tpu.memory_space<vmem>>
      %dma_start3A_725 = tpu.memref_squeeze %dma_start3A_724 : memref<1x128x32xf32, #tpu.memory_space<vmem>> -> memref<128x32xf32, #tpu.memory_space<vmem>>
      %dma_start3A_726 = arith.constant 0 : i32
      %dma_start3A_727 = tpu.memref_slice %arg6[%add3A_720, %dma_start3A_726] : memref<80x128xi32, #tpu.memory_space<vmem>> -> memref<1x128xi32, #tpu.memory_space<vmem>>
      %dma_start3A_728 = tpu.memref_squeeze %dma_start3A_727 : memref<1x128xi32, #tpu.memory_space<vmem>> -> memref<128xi32, #tpu.memory_space<vmem>>
      %dma_start3A_729 = arith.constant 0 : i32
      %dma_start3A_730 = arith.constant 0 : i32
      %dma_start3A_731 = tpu.memref_slice %arg9[%dma_start3A_729, %dma_start3A_730] : memref<10240x32xf32, #tpu.memory_space<vmem_shared>> -> memref<10240x32xf32, #tpu.memory_space<vmem_shared>>
      tpu.enqueue_indirect_dma source(%dma_start3A_725 : memref<128x32xf32, #tpu.memory_space<vmem>>) target(%dma_start3A_731 : memref<10240x32xf32, #tpu.memory_space<vmem_shared>>) offsets(%dma_start3A_728 : memref<128xi32, #tpu.memory_space<vmem>>) semaphore(%arg13 : memref<!tpu.dma_semaphore, #tpu.memory_space<semaphore_mem>>) {add = true}
      %add3A_732 = arith.constant 2 : i32
      %add3A_733 = arith.addi %mul3A_595, %add3A_732 : i32
      %dma_start3A_734 = arith.constant 2 : i32
      %dma_start3A_735 = arith.constant 0 : i32
      %dma_start3A_736 = arith.constant 0 : i32
      %dma_start3A_737 = tpu.memref_slice %arg7[%dma_start3A_734, %dma_start3A_735, %dma_start3A_736] : memref<8x128x32xf32, #tpu.memory_space<vmem>> -> memref<1x128x32xf32, #tpu.memory_space<vmem>>
      %dma_start3A_738 = tpu.memref_squeeze %dma_start3A_737 : memref<1x128x32xf32, #tpu.memory_space<vmem>> -> memref<128x32xf32, #tpu.memory_space<vmem>>
      %dma_start3A_739 = arith.constant 0 : i32
      %dma_start3A_740 = tpu.memref_slice %arg6[%add3A_733, %dma_start3A_739] : memref<80x128xi32, #tpu.memory_space<vmem>> -> memref<1x128xi32, #tpu.memory_space<vmem>>
      %dma_start3A_741 = tpu.memref_squeeze %dma_start3A_740 : memref<1x128xi32, #tpu.memory_space<vmem>> -> memref<128xi32, #tpu.memory_space<vmem>>
      %dma_start3A_742 = arith.constant 0 : i32
      %dma_start3A_743 = arith.constant 0 : i32
      %dma_start3A_744 = tpu.memref_slice %arg9[%dma_start3A_742, %dma_start3A_743] : memref<10240x32xf32, #tpu.memory_space<vmem_shared>> -> memref<10240x32xf32, #tpu.memory_space<vmem_shared>>
      tpu.enqueue_indirect_dma source(%dma_start3A_738 : memref<128x32xf32, #tpu.memory_space<vmem>>) target(%dma_start3A_744 : memref<10240x32xf32, #tpu.memory_space<vmem_shared>>) offsets(%dma_start3A_741 : memref<128xi32, #tpu.memory_space<vmem>>) semaphore(%arg13 : memref<!tpu.dma_semaphore, #tpu.memory_space<semaphore_mem>>) {add = true}
      %add3A_745 = arith.constant 3 : i32
      %add3A_746 = arith.addi %mul3A_595, %add3A_745 : i32
      %dma_start3A_747 = arith.constant 3 : i32
      %dma_start3A_748 = arith.constant 0 : i32
      %dma_start3A_749 = arith.constant 0 : i32
      %dma_start3A_750 = tpu.memref_slice %arg7[%dma_start3A_747, %dma_start3A_748, %dma_start3A_749] : memref<8x128x32xf32, #tpu.memory_space<vmem>> -> memref<1x128x32xf32, #tpu.memory_space<vmem>>
      %dma_start3A_751 = tpu.memref_squeeze %dma_start3A_750 : memref<1x128x32xf32, #tpu.memory_space<vmem>> -> memref<128x32xf32, #tpu.memory_space<vmem>>
      %dma_start3A_752 = arith.constant 0 : i32
      %dma_start3A_753 = tpu.memref_slice %arg6[%add3A_746, %dma_start3A_752] : memref<80x128xi32, #tpu.memory_space<vmem>> -> memref<1x128xi32, #tpu.memory_space<vmem>>
      %dma_start3A_754 = tpu.memref_squeeze %dma_start3A_753 : memref<1x128xi32, #tpu.memory_space<vmem>> -> memref<128xi32, #tpu.memory_space<vmem>>
      %dma_start3A_755 = arith.constant 0 : i32
      %dma_start3A_756 = arith.constant 0 : i32
      %dma_start3A_757 = tpu.memref_slice %arg9[%dma_start3A_755, %dma_start3A_756] : memref<10240x32xf32, #tpu.memory_space<vmem_shared>> -> memref<10240x32xf32, #tpu.memory_space<vmem_shared>>
      tpu.enqueue_indirect_dma source(%dma_start3A_751 : memref<128x32xf32, #tpu.memory_space<vmem>>) target(%dma_start3A_757 : memref<10240x32xf32, #tpu.memory_space<vmem_shared>>) offsets(%dma_start3A_754 : memref<128xi32, #tpu.memory_space<vmem>>) semaphore(%arg13 : memref<!tpu.dma_semaphore, #tpu.memory_space<semaphore_mem>>) {add = true}
      %dma_wait3A_758 = arith.constant 0 : i32
      %dma_wait3A_759 = arith.constant 0 : i32
      %dma_wait3A_760 = arith.constant 0 : i32
      %dma_wait3A_761 = arith.constant 0 : i32
      %dma_wait3A_762 = tpu.memref_slice %arg7[%dma_wait3A_758, %dma_wait3A_760, %dma_wait3A_761] : memref<8x128x32xf32, #tpu.memory_space<vmem>> -> memref<1x128x32xf32, #tpu.memory_space<vmem>>
      %dma_wait3A_763 = tpu.memref_squeeze %dma_wait3A_762 : memref<1x128x32xf32, #tpu.memory_space<vmem>> -> memref<128x32xf32, #tpu.memory_space<vmem>>
      %dma_wait3A_764 = arith.constant 0 : i32
      %dma_wait3A_765 = tpu.memref_slice %arg6[%dma_wait3A_759, %dma_wait3A_764] : memref<80x128xi32, #tpu.memory_space<vmem>> -> memref<1x128xi32, #tpu.memory_space<vmem>>
      %dma_wait3A_766 = tpu.memref_squeeze %dma_wait3A_765 : memref<1x128xi32, #tpu.memory_space<vmem>> -> memref<128xi32, #tpu.memory_space<vmem>>
      %dma_wait3A_767 = arith.constant 0 : i32
      %dma_wait3A_768 = arith.constant 0 : i32
      %dma_wait3A_769 = tpu.memref_slice %arg9[%dma_wait3A_767, %dma_wait3A_768] : memref<10240x32xf32, #tpu.memory_space<vmem_shared>> -> memref<10240x32xf32, #tpu.memory_space<vmem_shared>>
      tpu.wait_indirect_dma semaphore(%arg13 : memref<!tpu.dma_semaphore, #tpu.memory_space<semaphore_mem>>) src(%dma_wait3A_763 : memref<128x32xf32, #tpu.memory_space<vmem>>) dst(%dma_wait3A_769 : memref<10240x32xf32, #tpu.memory_space<vmem_shared>>)
      %dma_wait3A_770 = arith.constant 1 : i32
      %dma_wait3A_771 = arith.constant 0 : i32
      %dma_wait3A_772 = arith.constant 0 : i32
      %dma_wait3A_773 = arith.constant 0 : i32
      %dma_wait3A_774 = tpu.memref_slice %arg7[%dma_wait3A_770, %dma_wait3A_772, %dma_wait3A_773] : memref<8x128x32xf32, #tpu.memory_space<vmem>> -> memref<1x128x32xf32, #tpu.memory_space<vmem>>
      %dma_wait3A_775 = tpu.memref_squeeze %dma_wait3A_774 : memref<1x128x32xf32, #tpu.memory_space<vmem>> -> memref<128x32xf32, #tpu.memory_space<vmem>>
      %dma_wait3A_776 = arith.constant 0 : i32
      %dma_wait3A_777 = tpu.memref_slice %arg6[%dma_wait3A_771, %dma_wait3A_776] : memref<80x128xi32, #tpu.memory_space<vmem>> -> memref<1x128xi32, #tpu.memory_space<vmem>>
      %dma_wait3A_778 = tpu.memref_squeeze %dma_wait3A_777 : memref<1x128xi32, #tpu.memory_space<vmem>> -> memref<128xi32, #tpu.memory_space<vmem>>
      %dma_wait3A_779 = arith.constant 0 : i32
      %dma_wait3A_780 = arith.constant 0 : i32
      %dma_wait3A_781 = tpu.memref_slice %arg9[%dma_wait3A_779, %dma_wait3A_780] : memref<10240x32xf32, #tpu.memory_space<vmem_shared>> -> memref<10240x32xf32, #tpu.memory_space<vmem_shared>>
      tpu.wait_indirect_dma semaphore(%arg13 : memref<!tpu.dma_semaphore, #tpu.memory_space<semaphore_mem>>) src(%dma_wait3A_775 : memref<128x32xf32, #tpu.memory_space<vmem>>) dst(%dma_wait3A_781 : memref<10240x32xf32, #tpu.memory_space<vmem_shared>>)
      %dma_wait3A_782 = arith.constant 2 : i32
      %dma_wait3A_783 = arith.constant 0 : i32
      %dma_wait3A_784 = arith.constant 0 : i32
      %dma_wait3A_785 = arith.constant 0 : i32
      %dma_wait3A_786 = tpu.memref_slice %arg7[%dma_wait3A_782, %dma_wait3A_784, %dma_wait3A_785] : memref<8x128x32xf32, #tpu.memory_space<vmem>> -> memref<1x128x32xf32, #tpu.memory_space<vmem>>
      %dma_wait3A_787 = tpu.memref_squeeze %dma_wait3A_786 : memref<1x128x32xf32, #tpu.memory_space<vmem>> -> memref<128x32xf32, #tpu.memory_space<vmem>>
      %dma_wait3A_788 = arith.constant 0 : i32
      %dma_wait3A_789 = tpu.memref_slice %arg6[%dma_wait3A_783, %dma_wait3A_788] : memref<80x128xi32, #tpu.memory_space<vmem>> -> memref<1x128xi32, #tpu.memory_space<vmem>>
      %dma_wait3A_790 = tpu.memref_squeeze %dma_wait3A_789 : memref<1x128xi32, #tpu.memory_space<vmem>> -> memref<128xi32, #tpu.memory_space<vmem>>
      %dma_wait3A_791 = arith.constant 0 : i32
      %dma_wait3A_792 = arith.constant 0 : i32
      %dma_wait3A_793 = tpu.memref_slice %arg9[%dma_wait3A_791, %dma_wait3A_792] : memref<10240x32xf32, #tpu.memory_space<vmem_shared>> -> memref<10240x32xf32, #tpu.memory_space<vmem_shared>>
      tpu.wait_indirect_dma semaphore(%arg13 : memref<!tpu.dma_semaphore, #tpu.memory_space<semaphore_mem>>) src(%dma_wait3A_787 : memref<128x32xf32, #tpu.memory_space<vmem>>) dst(%dma_wait3A_793 : memref<10240x32xf32, #tpu.memory_space<vmem_shared>>)
      %dma_wait3A_794 = arith.constant 3 : i32
      %dma_wait3A_795 = arith.constant 0 : i32
      %dma_wait3A_796 = arith.constant 0 : i32
      %dma_wait3A_797 = arith.constant 0 : i32
      %dma_wait3A_798 = tpu.memref_slice %arg7[%dma_wait3A_794, %dma_wait3A_796, %dma_wait3A_797] : memref<8x128x32xf32, #tpu.memory_space<vmem>> -> memref<1x128x32xf32, #tpu.memory_space<vmem>>
      %dma_wait3A_799 = tpu.memref_squeeze %dma_wait3A_798 : memref<1x128x32xf32, #tpu.memory_space<vmem>> -> memref<128x32xf32, #tpu.memory_space<vmem>>
      %dma_wait3A_800 = arith.constant 0 : i32
      %dma_wait3A_801 = tpu.memref_slice %arg6[%dma_wait3A_795, %dma_wait3A_800] : memref<80x128xi32, #tpu.memory_space<vmem>> -> memref<1x128xi32, #tpu.memory_space<vmem>>
      %dma_wait3A_802 = tpu.memref_squeeze %dma_wait3A_801 : memref<1x128xi32, #tpu.memory_space<vmem>> -> memref<128xi32, #tpu.memory_space<vmem>>
      %dma_wait3A_803 = arith.constant 0 : i32
      %dma_wait3A_804 = arith.constant 0 : i32
      %dma_wait3A_805 = tpu.memref_slice %arg9[%dma_wait3A_803, %dma_wait3A_804] : memref<10240x32xf32, #tpu.memory_space<vmem_shared>> -> memref<10240x32xf32, #tpu.memory_space<vmem_shared>>
      tpu.wait_indirect_dma semaphore(%arg13 : memref<!tpu.dma_semaphore, #tpu.memory_space<semaphore_mem>>) src(%dma_wait3A_799 : memref<128x32xf32, #tpu.memory_space<vmem>>) dst(%dma_wait3A_805 : memref<10240x32xf32, #tpu.memory_space<vmem_shared>>)
      %lt3A = arith.constant 9 : i32
      %lt3A_806 = arith.cmpi slt, %add3A_591, %lt3A : i32
      %convert_element_type3A_807 = arith.extui %lt3A_806 : i1 to i32
      %cond3A_808 = arith.constant 0 : i32
      %cond3A_809 = arith.cmpi ne, %convert_element_type3A_807, %cond3A_808 : i32
      scf.if %cond3A_809 {
        %add3A_918 = arith.constant 8 : i32
        %add3A_919 = arith.addi %mul3A_595, %add3A_918 : i32
        %add3A_920 = arith.constant 0 : i32
        %add3A_921 = arith.addi %add3A_919, %add3A_920 : i32
        %dma_start3A_922 = arith.constant 0 : i32
        %dma_start3A_923 = arith.constant 0 : i32
        %dma_start3A_924 = arith.constant 0 : i32
        %dma_start3A_925 = tpu.memref_slice %arg7[%dma_start3A_922, %dma_start3A_923, %dma_start3A_924] : memref<8x128x32xf32, #tpu.memory_space<vmem>> -> memref<1x128x32xf32, #tpu.memory_space<vmem>>
        %dma_start3A_926 = tpu.memref_squeeze %dma_start3A_925 : memref<1x128x32xf32, #tpu.memory_space<vmem>> -> memref<128x32xf32, #tpu.memory_space<vmem>>
        %dma_start3A_927 = arith.constant 0 : i32
        %dma_start3A_928 = tpu.memref_slice %arg5[%add3A_921, %dma_start3A_927] : memref<80x128xi32, #tpu.memory_space<vmem>> -> memref<1x128xi32, #tpu.memory_space<vmem>>
        %dma_start3A_929 = tpu.memref_squeeze %dma_start3A_928 : memref<1x128xi32, #tpu.memory_space<vmem>> -> memref<128xi32, #tpu.memory_space<vmem>>
        %dma_start3A_930 = arith.constant 0 : i32
        %dma_start3A_931 = arith.constant 0 : i32
        %dma_start3A_932 = tpu.memref_slice %arg10[%dma_start3A_930, %dma_start3A_931] : memref<10240x32xf32, #tpu.memory_space<vmem_shared>> -> memref<10240x32xf32, #tpu.memory_space<vmem_shared>>
        tpu.enqueue_indirect_dma source(%dma_start3A_932 : memref<10240x32xf32, #tpu.memory_space<vmem_shared>>) target(%dma_start3A_926 : memref<128x32xf32, #tpu.memory_space<vmem>>) offsets(%dma_start3A_929 : memref<128xi32, #tpu.memory_space<vmem>>) semaphore(%arg11 : memref<!tpu.dma_semaphore, #tpu.memory_space<semaphore_mem>>)
        %add3A_933 = arith.constant 8 : i32
        %add3A_934 = arith.addi %mul3A_595, %add3A_933 : i32
        %add3A_935 = arith.constant 1 : i32
        %add3A_936 = arith.addi %add3A_934, %add3A_935 : i32
        %dma_start3A_937 = arith.constant 1 : i32
        %dma_start3A_938 = arith.constant 0 : i32
        %dma_start3A_939 = arith.constant 0 : i32
        %dma_start3A_940 = tpu.memref_slice %arg7[%dma_start3A_937, %dma_start3A_938, %dma_start3A_939] : memref<8x128x32xf32, #tpu.memory_space<vmem>> -> memref<1x128x32xf32, #tpu.memory_space<vmem>>
        %dma_start3A_941 = tpu.memref_squeeze %dma_start3A_940 : memref<1x128x32xf32, #tpu.memory_space<vmem>> -> memref<128x32xf32, #tpu.memory_space<vmem>>
        %dma_start3A_942 = arith.constant 0 : i32
        %dma_start3A_943 = tpu.memref_slice %arg5[%add3A_936, %dma_start3A_942] : memref<80x128xi32, #tpu.memory_space<vmem>> -> memref<1x128xi32, #tpu.memory_space<vmem>>
        %dma_start3A_944 = tpu.memref_squeeze %dma_start3A_943 : memref<1x128xi32, #tpu.memory_space<vmem>> -> memref<128xi32, #tpu.memory_space<vmem>>
        %dma_start3A_945 = arith.constant 0 : i32
        %dma_start3A_946 = arith.constant 0 : i32
        %dma_start3A_947 = tpu.memref_slice %arg10[%dma_start3A_945, %dma_start3A_946] : memref<10240x32xf32, #tpu.memory_space<vmem_shared>> -> memref<10240x32xf32, #tpu.memory_space<vmem_shared>>
        tpu.enqueue_indirect_dma source(%dma_start3A_947 : memref<10240x32xf32, #tpu.memory_space<vmem_shared>>) target(%dma_start3A_941 : memref<128x32xf32, #tpu.memory_space<vmem>>) offsets(%dma_start3A_944 : memref<128xi32, #tpu.memory_space<vmem>>) semaphore(%arg11 : memref<!tpu.dma_semaphore, #tpu.memory_space<semaphore_mem>>)
        %add3A_948 = arith.constant 8 : i32
        %add3A_949 = arith.addi %mul3A_595, %add3A_948 : i32
        %add3A_950 = arith.constant 2 : i32
        %add3A_951 = arith.addi %add3A_949, %add3A_950 : i32
        %dma_start3A_952 = arith.constant 2 : i32
        %dma_start3A_953 = arith.constant 0 : i32
        %dma_start3A_954 = arith.constant 0 : i32
        %dma_start3A_955 = tpu.memref_slice %arg7[%dma_start3A_952, %dma_start3A_953, %dma_start3A_954] : memref<8x128x32xf32, #tpu.memory_space<vmem>> -> memref<1x128x32xf32, #tpu.memory_space<vmem>>
        %dma_start3A_956 = tpu.memref_squeeze %dma_start3A_955 : memref<1x128x32xf32, #tpu.memory_space<vmem>> -> memref<128x32xf32, #tpu.memory_space<vmem>>
        %dma_start3A_957 = arith.constant 0 : i32
        %dma_start3A_958 = tpu.memref_slice %arg5[%add3A_951, %dma_start3A_957] : memref<80x128xi32, #tpu.memory_space<vmem>> -> memref<1x128xi32, #tpu.memory_space<vmem>>
        %dma_start3A_959 = tpu.memref_squeeze %dma_start3A_958 : memref<1x128xi32, #tpu.memory_space<vmem>> -> memref<128xi32, #tpu.memory_space<vmem>>
        %dma_start3A_960 = arith.constant 0 : i32
        %dma_start3A_961 = arith.constant 0 : i32
        %dma_start3A_962 = tpu.memref_slice %arg10[%dma_start3A_960, %dma_start3A_961] : memref<10240x32xf32, #tpu.memory_space<vmem_shared>> -> memref<10240x32xf32, #tpu.memory_space<vmem_shared>>
        tpu.enqueue_indirect_dma source(%dma_start3A_962 : memref<10240x32xf32, #tpu.memory_space<vmem_shared>>) target(%dma_start3A_956 : memref<128x32xf32, #tpu.memory_space<vmem>>) offsets(%dma_start3A_959 : memref<128xi32, #tpu.memory_space<vmem>>) semaphore(%arg11 : memref<!tpu.dma_semaphore, #tpu.memory_space<semaphore_mem>>)
        %add3A_963 = arith.constant 8 : i32
        %add3A_964 = arith.addi %mul3A_595, %add3A_963 : i32
        %add3A_965 = arith.constant 3 : i32
        %add3A_966 = arith.addi %add3A_964, %add3A_965 : i32
        %dma_start3A_967 = arith.constant 3 : i32
        %dma_start3A_968 = arith.constant 0 : i32
        %dma_start3A_969 = arith.constant 0 : i32
        %dma_start3A_970 = tpu.memref_slice %arg7[%dma_start3A_967, %dma_start3A_968, %dma_start3A_969] : memref<8x128x32xf32, #tpu.memory_space<vmem>> -> memref<1x128x32xf32, #tpu.memory_space<vmem>>
        %dma_start3A_971 = tpu.memref_squeeze %dma_start3A_970 : memref<1x128x32xf32, #tpu.memory_space<vmem>> -> memref<128x32xf32, #tpu.memory_space<vmem>>
        %dma_start3A_972 = arith.constant 0 : i32
        %dma_start3A_973 = tpu.memref_slice %arg5[%add3A_966, %dma_start3A_972] : memref<80x128xi32, #tpu.memory_space<vmem>> -> memref<1x128xi32, #tpu.memory_space<vmem>>
        %dma_start3A_974 = tpu.memref_squeeze %dma_start3A_973 : memref<1x128xi32, #tpu.memory_space<vmem>> -> memref<128xi32, #tpu.memory_space<vmem>>
        %dma_start3A_975 = arith.constant 0 : i32
        %dma_start3A_976 = arith.constant 0 : i32
        %dma_start3A_977 = tpu.memref_slice %arg10[%dma_start3A_975, %dma_start3A_976] : memref<10240x32xf32, #tpu.memory_space<vmem_shared>> -> memref<10240x32xf32, #tpu.memory_space<vmem_shared>>
        tpu.enqueue_indirect_dma source(%dma_start3A_977 : memref<10240x32xf32, #tpu.memory_space<vmem_shared>>) target(%dma_start3A_971 : memref<128x32xf32, #tpu.memory_space<vmem>>) offsets(%dma_start3A_974 : memref<128xi32, #tpu.memory_space<vmem>>) semaphore(%arg11 : memref<!tpu.dma_semaphore, #tpu.memory_space<semaphore_mem>>)
      } else {
      }
      %dma_wait3A_810 = arith.constant 0 : i32
      %dma_wait3A_811 = arith.constant 4 : i32
      %dma_wait3A_812 = arith.constant 0 : i32
      %dma_wait3A_813 = arith.constant 0 : i32
      %dma_wait3A_814 = tpu.memref_slice %arg7[%dma_wait3A_811, %dma_wait3A_812, %dma_wait3A_813] : memref<8x128x32xf32, #tpu.memory_space<vmem>> -> memref<1x128x32xf32, #tpu.memory_space<vmem>>
      %dma_wait3A_815 = tpu.memref_squeeze %dma_wait3A_814 : memref<1x128x32xf32, #tpu.memory_space<vmem>> -> memref<128x32xf32, #tpu.memory_space<vmem>>
      %dma_wait3A_816 = arith.constant 0 : i32
      %dma_wait3A_817 = tpu.memref_slice %arg5[%dma_wait3A_810, %dma_wait3A_816] : memref<80x128xi32, #tpu.memory_space<vmem>> -> memref<1x128xi32, #tpu.memory_space<vmem>>
      %dma_wait3A_818 = tpu.memref_squeeze %dma_wait3A_817 : memref<1x128xi32, #tpu.memory_space<vmem>> -> memref<128xi32, #tpu.memory_space<vmem>>
      %dma_wait3A_819 = arith.constant 0 : i32
      %dma_wait3A_820 = arith.constant 0 : i32
      %dma_wait3A_821 = tpu.memref_slice %arg10[%dma_wait3A_819, %dma_wait3A_820] : memref<10240x32xf32, #tpu.memory_space<vmem_shared>> -> memref<10240x32xf32, #tpu.memory_space<vmem_shared>>
      tpu.wait_indirect_dma semaphore(%arg12 : memref<!tpu.dma_semaphore, #tpu.memory_space<semaphore_mem>>) src(%dma_wait3A_821 : memref<10240x32xf32, #tpu.memory_space<vmem_shared>>) dst(%dma_wait3A_815 : memref<128x32xf32, #tpu.memory_space<vmem>>)
      %dma_wait3A_822 = arith.constant 0 : i32
      %dma_wait3A_823 = arith.constant 5 : i32
      %dma_wait3A_824 = arith.constant 0 : i32
      %dma_wait3A_825 = arith.constant 0 : i32
      %dma_wait3A_826 = tpu.memref_slice %arg7[%dma_wait3A_823, %dma_wait3A_824, %dma_wait3A_825] : memref<8x128x32xf32, #tpu.memory_space<vmem>> -> memref<1x128x32xf32, #tpu.memory_space<vmem>>
      %dma_wait3A_827 = tpu.memref_squeeze %dma_wait3A_826 : memref<1x128x32xf32, #tpu.memory_space<vmem>> -> memref<128x32xf32, #tpu.memory_space<vmem>>
      %dma_wait3A_828 = arith.constant 0 : i32
      %dma_wait3A_829 = tpu.memref_slice %arg5[%dma_wait3A_822, %dma_wait3A_828] : memref<80x128xi32, #tpu.memory_space<vmem>> -> memref<1x128xi32, #tpu.memory_space<vmem>>
      %dma_wait3A_830 = tpu.memref_squeeze %dma_wait3A_829 : memref<1x128xi32, #tpu.memory_space<vmem>> -> memref<128xi32, #tpu.memory_space<vmem>>
      %dma_wait3A_831 = arith.constant 0 : i32
      %dma_wait3A_832 = arith.constant 0 : i32
      %dma_wait3A_833 = tpu.memref_slice %arg10[%dma_wait3A_831, %dma_wait3A_832] : memref<10240x32xf32, #tpu.memory_space<vmem_shared>> -> memref<10240x32xf32, #tpu.memory_space<vmem_shared>>
      tpu.wait_indirect_dma semaphore(%arg12 : memref<!tpu.dma_semaphore, #tpu.memory_space<semaphore_mem>>) src(%dma_wait3A_833 : memref<10240x32xf32, #tpu.memory_space<vmem_shared>>) dst(%dma_wait3A_827 : memref<128x32xf32, #tpu.memory_space<vmem>>)
      %dma_wait3A_834 = arith.constant 0 : i32
      %dma_wait3A_835 = arith.constant 6 : i32
      %dma_wait3A_836 = arith.constant 0 : i32
      %dma_wait3A_837 = arith.constant 0 : i32
      %dma_wait3A_838 = tpu.memref_slice %arg7[%dma_wait3A_835, %dma_wait3A_836, %dma_wait3A_837] : memref<8x128x32xf32, #tpu.memory_space<vmem>> -> memref<1x128x32xf32, #tpu.memory_space<vmem>>
      %dma_wait3A_839 = tpu.memref_squeeze %dma_wait3A_838 : memref<1x128x32xf32, #tpu.memory_space<vmem>> -> memref<128x32xf32, #tpu.memory_space<vmem>>
      %dma_wait3A_840 = arith.constant 0 : i32
      %dma_wait3A_841 = tpu.memref_slice %arg5[%dma_wait3A_834, %dma_wait3A_840] : memref<80x128xi32, #tpu.memory_space<vmem>> -> memref<1x128xi32, #tpu.memory_space<vmem>>
      %dma_wait3A_842 = tpu.memref_squeeze %dma_wait3A_841 : memref<1x128xi32, #tpu.memory_space<vmem>> -> memref<128xi32, #tpu.memory_space<vmem>>
      %dma_wait3A_843 = arith.constant 0 : i32
      %dma_wait3A_844 = arith.constant 0 : i32
      %dma_wait3A_845 = tpu.memref_slice %arg10[%dma_wait3A_843, %dma_wait3A_844] : memref<10240x32xf32, #tpu.memory_space<vmem_shared>> -> memref<10240x32xf32, #tpu.memory_space<vmem_shared>>
      tpu.wait_indirect_dma semaphore(%arg12 : memref<!tpu.dma_semaphore, #tpu.memory_space<semaphore_mem>>) src(%dma_wait3A_845 : memref<10240x32xf32, #tpu.memory_space<vmem_shared>>) dst(%dma_wait3A_839 : memref<128x32xf32, #tpu.memory_space<vmem>>)
      %dma_wait3A_846 = arith.constant 0 : i32
      %dma_wait3A_847 = arith.constant 7 : i32
      %dma_wait3A_848 = arith.constant 0 : i32
      %dma_wait3A_849 = arith.constant 0 : i32
      %dma_wait3A_850 = tpu.memref_slice %arg7[%dma_wait3A_847, %dma_wait3A_848, %dma_wait3A_849] : memref<8x128x32xf32, #tpu.memory_space<vmem>> -> memref<1x128x32xf32, #tpu.memory_space<vmem>>
      %dma_wait3A_851 = tpu.memref_squeeze %dma_wait3A_850 : memref<1x128x32xf32, #tpu.memory_space<vmem>> -> memref<128x32xf32, #tpu.memory_space<vmem>>
      %dma_wait3A_852 = arith.constant 0 : i32
      %dma_wait3A_853 = tpu.memref_slice %arg5[%dma_wait3A_846, %dma_wait3A_852] : memref<80x128xi32, #tpu.memory_space<vmem>> -> memref<1x128xi32, #tpu.memory_space<vmem>>
      %dma_wait3A_854 = tpu.memref_squeeze %dma_wait3A_853 : memref<1x128xi32, #tpu.memory_space<vmem>> -> memref<128xi32, #tpu.memory_space<vmem>>
      %dma_wait3A_855 = arith.constant 0 : i32
      %dma_wait3A_856 = arith.constant 0 : i32
      %dma_wait3A_857 = tpu.memref_slice %arg10[%dma_wait3A_855, %dma_wait3A_856] : memref<10240x32xf32, #tpu.memory_space<vmem_shared>> -> memref<10240x32xf32, #tpu.memory_space<vmem_shared>>
      tpu.wait_indirect_dma semaphore(%arg12 : memref<!tpu.dma_semaphore, #tpu.memory_space<semaphore_mem>>) src(%dma_wait3A_857 : memref<10240x32xf32, #tpu.memory_space<vmem_shared>>) dst(%dma_wait3A_851 : memref<128x32xf32, #tpu.memory_space<vmem>>)
      %add3A_858 = arith.constant 4 : i32
      %add3A_859 = arith.addi %mul3A_595, %add3A_858 : i32
      %add3A_860 = arith.constant 0 : i32
      %add3A_861 = arith.addi %add3A_859, %add3A_860 : i32
      %dma_start3A_862 = arith.constant 4 : i32
      %dma_start3A_863 = arith.constant 0 : i32
      %dma_start3A_864 = arith.constant 0 : i32
      %dma_start3A_865 = tpu.memref_slice %arg7[%dma_start3A_862, %dma_start3A_863, %dma_start3A_864] : memref<8x128x32xf32, #tpu.memory_space<vmem>> -> memref<1x128x32xf32, #tpu.memory_space<vmem>>
      %dma_start3A_866 = tpu.memref_squeeze %dma_start3A_865 : memref<1x128x32xf32, #tpu.memory_space<vmem>> -> memref<128x32xf32, #tpu.memory_space<vmem>>
      %dma_start3A_867 = arith.constant 0 : i32
      %dma_start3A_868 = tpu.memref_slice %arg6[%add3A_861, %dma_start3A_867] : memref<80x128xi32, #tpu.memory_space<vmem>> -> memref<1x128xi32, #tpu.memory_space<vmem>>
      %dma_start3A_869 = tpu.memref_squeeze %dma_start3A_868 : memref<1x128xi32, #tpu.memory_space<vmem>> -> memref<128xi32, #tpu.memory_space<vmem>>
      %dma_start3A_870 = arith.constant 0 : i32
      %dma_start3A_871 = arith.constant 0 : i32
      %dma_start3A_872 = tpu.memref_slice %arg9[%dma_start3A_870, %dma_start3A_871] : memref<10240x32xf32, #tpu.memory_space<vmem_shared>> -> memref<10240x32xf32, #tpu.memory_space<vmem_shared>>
      tpu.enqueue_indirect_dma source(%dma_start3A_866 : memref<128x32xf32, #tpu.memory_space<vmem>>) target(%dma_start3A_872 : memref<10240x32xf32, #tpu.memory_space<vmem_shared>>) offsets(%dma_start3A_869 : memref<128xi32, #tpu.memory_space<vmem>>) semaphore(%arg14 : memref<!tpu.dma_semaphore, #tpu.memory_space<semaphore_mem>>) {add = true}
      %add3A_873 = arith.constant 4 : i32
      %add3A_874 = arith.addi %mul3A_595, %add3A_873 : i32
      %add3A_875 = arith.constant 1 : i32
      %add3A_876 = arith.addi %add3A_874, %add3A_875 : i32
      %dma_start3A_877 = arith.constant 5 : i32
      %dma_start3A_878 = arith.constant 0 : i32
      %dma_start3A_879 = arith.constant 0 : i32
      %dma_start3A_880 = tpu.memref_slice %arg7[%dma_start3A_877, %dma_start3A_878, %dma_start3A_879] : memref<8x128x32xf32, #tpu.memory_space<vmem>> -> memref<1x128x32xf32, #tpu.memory_space<vmem>>
      %dma_start3A_881 = tpu.memref_squeeze %dma_start3A_880 : memref<1x128x32xf32, #tpu.memory_space<vmem>> -> memref<128x32xf32, #tpu.memory_space<vmem>>
      %dma_start3A_882 = arith.constant 0 : i32
      %dma_start3A_883 = tpu.memref_slice %arg6[%add3A_876, %dma_start3A_882] : memref<80x128xi32, #tpu.memory_space<vmem>> -> memref<1x128xi32, #tpu.memory_space<vmem>>
      %dma_start3A_884 = tpu.memref_squeeze %dma_start3A_883 : memref<1x128xi32, #tpu.memory_space<vmem>> -> memref<128xi32, #tpu.memory_space<vmem>>
      %dma_start3A_885 = arith.constant 0 : i32
      %dma_start3A_886 = arith.constant 0 : i32
      %dma_start3A_887 = tpu.memref_slice %arg9[%dma_start3A_885, %dma_start3A_886] : memref<10240x32xf32, #tpu.memory_space<vmem_shared>> -> memref<10240x32xf32, #tpu.memory_space<vmem_shared>>
      tpu.enqueue_indirect_dma source(%dma_start3A_881 : memref<128x32xf32, #tpu.memory_space<vmem>>) target(%dma_start3A_887 : memref<10240x32xf32, #tpu.memory_space<vmem_shared>>) offsets(%dma_start3A_884 : memref<128xi32, #tpu.memory_space<vmem>>) semaphore(%arg14 : memref<!tpu.dma_semaphore, #tpu.memory_space<semaphore_mem>>) {add = true}
      %add3A_888 = arith.constant 4 : i32
      %add3A_889 = arith.addi %mul3A_595, %add3A_888 : i32
      %add3A_890 = arith.constant 2 : i32
      %add3A_891 = arith.addi %add3A_889, %add3A_890 : i32
      %dma_start3A_892 = arith.constant 6 : i32
      %dma_start3A_893 = arith.constant 0 : i32
      %dma_start3A_894 = arith.constant 0 : i32
      %dma_start3A_895 = tpu.memref_slice %arg7[%dma_start3A_892, %dma_start3A_893, %dma_start3A_894] : memref<8x128x32xf32, #tpu.memory_space<vmem>> -> memref<1x128x32xf32, #tpu.memory_space<vmem>>
      %dma_start3A_896 = tpu.memref_squeeze %dma_start3A_895 : memref<1x128x32xf32, #tpu.memory_space<vmem>> -> memref<128x32xf32, #tpu.memory_space<vmem>>
      %dma_start3A_897 = arith.constant 0 : i32
      %dma_start3A_898 = tpu.memref_slice %arg6[%add3A_891, %dma_start3A_897] : memref<80x128xi32, #tpu.memory_space<vmem>> -> memref<1x128xi32, #tpu.memory_space<vmem>>
      %dma_start3A_899 = tpu.memref_squeeze %dma_start3A_898 : memref<1x128xi32, #tpu.memory_space<vmem>> -> memref<128xi32, #tpu.memory_space<vmem>>
      %dma_start3A_900 = arith.constant 0 : i32
      %dma_start3A_901 = arith.constant 0 : i32
      %dma_start3A_902 = tpu.memref_slice %arg9[%dma_start3A_900, %dma_start3A_901] : memref<10240x32xf32, #tpu.memory_space<vmem_shared>> -> memref<10240x32xf32, #tpu.memory_space<vmem_shared>>
      tpu.enqueue_indirect_dma source(%dma_start3A_896 : memref<128x32xf32, #tpu.memory_space<vmem>>) target(%dma_start3A_902 : memref<10240x32xf32, #tpu.memory_space<vmem_shared>>) offsets(%dma_start3A_899 : memref<128xi32, #tpu.memory_space<vmem>>) semaphore(%arg14 : memref<!tpu.dma_semaphore, #tpu.memory_space<semaphore_mem>>) {add = true}
      %add3A_903 = arith.constant 4 : i32
      %add3A_904 = arith.addi %mul3A_595, %add3A_903 : i32
      %add3A_905 = arith.constant 3 : i32
      %add3A_906 = arith.addi %add3A_904, %add3A_905 : i32
      %dma_start3A_907 = arith.constant 7 : i32
      %dma_start3A_908 = arith.constant 0 : i32
      %dma_start3A_909 = arith.constant 0 : i32
      %dma_start3A_910 = tpu.memref_slice %arg7[%dma_start3A_907, %dma_start3A_908, %dma_start3A_909] : memref<8x128x32xf32, #tpu.memory_space<vmem>> -> memref<1x128x32xf32, #tpu.memory_space<vmem>>
      %dma_start3A_911 = tpu.memref_squeeze %dma_start3A_910 : memref<1x128x32xf32, #tpu.memory_space<vmem>> -> memref<128x32xf32, #tpu.memory_space<vmem>>
      %dma_start3A_912 = arith.constant 0 : i32
      %dma_start3A_913 = tpu.memref_slice %arg6[%add3A_906, %dma_start3A_912] : memref<80x128xi32, #tpu.memory_space<vmem>> -> memref<1x128xi32, #tpu.memory_space<vmem>>
      %dma_start3A_914 = tpu.memref_squeeze %dma_start3A_913 : memref<1x128xi32, #tpu.memory_space<vmem>> -> memref<128xi32, #tpu.memory_space<vmem>>
      %dma_start3A_915 = arith.constant 0 : i32
      %dma_start3A_916 = arith.constant 0 : i32
      %dma_start3A_917 = tpu.memref_slice %arg9[%dma_start3A_915, %dma_start3A_916] : memref<10240x32xf32, #tpu.memory_space<vmem_shared>> -> memref<10240x32xf32, #tpu.memory_space<vmem_shared>>
      tpu.enqueue_indirect_dma source(%dma_start3A_911 : memref<128x32xf32, #tpu.memory_space<vmem>>) target(%dma_start3A_917 : memref<10240x32xf32, #tpu.memory_space<vmem_shared>>) offsets(%dma_start3A_914 : memref<128xi32, #tpu.memory_space<vmem>>) semaphore(%arg14 : memref<!tpu.dma_semaphore, #tpu.memory_space<semaphore_mem>>) {add = true}
    }
    %scan3A_529 = arith.constant 10 : i32
    %dma_wait3A_530 = arith.constant 4 : i32
    %dma_wait3A_531 = arith.constant 0 : i32
    %dma_wait3A_532 = arith.constant 0 : i32
    %dma_wait3A_533 = arith.constant 0 : i32
    %dma_wait3A_534 = tpu.memref_slice %arg7[%dma_wait3A_530, %dma_wait3A_532, %dma_wait3A_533] : memref<8x128x32xf32, #tpu.memory_space<vmem>> -> memref<1x128x32xf32, #tpu.memory_space<vmem>>
    %dma_wait3A_535 = tpu.memref_squeeze %dma_wait3A_534 : memref<1x128x32xf32, #tpu.memory_space<vmem>> -> memref<128x32xf32, #tpu.memory_space<vmem>>
    %dma_wait3A_536 = arith.constant 0 : i32
    %dma_wait3A_537 = tpu.memref_slice %arg6[%dma_wait3A_531, %dma_wait3A_536] : memref<80x128xi32, #tpu.memory_space<vmem>> -> memref<1x128xi32, #tpu.memory_space<vmem>>
    %dma_wait3A_538 = tpu.memref_squeeze %dma_wait3A_537 : memref<1x128xi32, #tpu.memory_space<vmem>> -> memref<128xi32, #tpu.memory_space<vmem>>
    %dma_wait3A_539 = arith.constant 0 : i32
    %dma_wait3A_540 = arith.constant 0 : i32
    %dma_wait3A_541 = tpu.memref_slice %arg9[%dma_wait3A_539, %dma_wait3A_540] : memref<10240x32xf32, #tpu.memory_space<vmem_shared>> -> memref<10240x32xf32, #tpu.memory_space<vmem_shared>>
    tpu.wait_indirect_dma semaphore(%arg14 : memref<!tpu.dma_semaphore, #tpu.memory_space<semaphore_mem>>) src(%dma_wait3A_535 : memref<128x32xf32, #tpu.memory_space<vmem>>) dst(%dma_wait3A_541 : memref<10240x32xf32, #tpu.memory_space<vmem_shared>>)
    %dma_wait3A_542 = arith.constant 5 : i32
    %dma_wait3A_543 = arith.constant 0 : i32
    %dma_wait3A_544 = arith.constant 0 : i32
    %dma_wait3A_545 = arith.constant 0 : i32
    %dma_wait3A_546 = tpu.memref_slice %arg7[%dma_wait3A_542, %dma_wait3A_544, %dma_wait3A_545] : memref<8x128x32xf32, #tpu.memory_space<vmem>> -> memref<1x128x32xf32, #tpu.memory_space<vmem>>
    %dma_wait3A_547 = tpu.memref_squeeze %dma_wait3A_546 : memref<1x128x32xf32, #tpu.memory_space<vmem>> -> memref<128x32xf32, #tpu.memory_space<vmem>>
    %dma_wait3A_548 = arith.constant 0 : i32
    %dma_wait3A_549 = tpu.memref_slice %arg6[%dma_wait3A_543, %dma_wait3A_548] : memref<80x128xi32, #tpu.memory_space<vmem>> -> memref<1x128xi32, #tpu.memory_space<vmem>>
    %dma_wait3A_550 = tpu.memref_squeeze %dma_wait3A_549 : memref<1x128xi32, #tpu.memory_space<vmem>> -> memref<128xi32, #tpu.memory_space<vmem>>
    %dma_wait3A_551 = arith.constant 0 : i32
    %dma_wait3A_552 = arith.constant 0 : i32
    %dma_wait3A_553 = tpu.memref_slice %arg9[%dma_wait3A_551, %dma_wait3A_552] : memref<10240x32xf32, #tpu.memory_space<vmem_shared>> -> memref<10240x32xf32, #tpu.memory_space<vmem_shared>>
    tpu.wait_indirect_dma semaphore(%arg14 : memref<!tpu.dma_semaphore, #tpu.memory_space<semaphore_mem>>) src(%dma_wait3A_547 : memref<128x32xf32, #tpu.memory_space<vmem>>) dst(%dma_wait3A_553 : memref<10240x32xf32, #tpu.memory_space<vmem_shared>>)
    %dma_wait3A_554 = arith.constant 6 : i32
    %dma_wait3A_555 = arith.constant 0 : i32
    %dma_wait3A_556 = arith.constant 0 : i32
    %dma_wait3A_557 = arith.constant 0 : i32
    %dma_wait3A_558 = tpu.memref_slice %arg7[%dma_wait3A_554, %dma_wait3A_556, %dma_wait3A_557] : memref<8x128x32xf32, #tpu.memory_space<vmem>> -> memref<1x128x32xf32, #tpu.memory_space<vmem>>
    %dma_wait3A_559 = tpu.memref_squeeze %dma_wait3A_558 : memref<1x128x32xf32, #tpu.memory_space<vmem>> -> memref<128x32xf32, #tpu.memory_space<vmem>>
    %dma_wait3A_560 = arith.constant 0 : i32
    %dma_wait3A_561 = tpu.memref_slice %arg6[%dma_wait3A_555, %dma_wait3A_560] : memref<80x128xi32, #tpu.memory_space<vmem>> -> memref<1x128xi32, #tpu.memory_space<vmem>>
    %dma_wait3A_562 = tpu.memref_squeeze %dma_wait3A_561 : memref<1x128xi32, #tpu.memory_space<vmem>> -> memref<128xi32, #tpu.memory_space<vmem>>
    %dma_wait3A_563 = arith.constant 0 : i32
    %dma_wait3A_564 = arith.constant 0 : i32
    %dma_wait3A_565 = tpu.memref_slice %arg9[%dma_wait3A_563, %dma_wait3A_564] : memref<10240x32xf32, #tpu.memory_space<vmem_shared>> -> memref<10240x32xf32, #tpu.memory_space<vmem_shared>>
    tpu.wait_indirect_dma semaphore(%arg14 : memref<!tpu.dma_semaphore, #tpu.memory_space<semaphore_mem>>) src(%dma_wait3A_559 : memref<128x32xf32, #tpu.memory_space<vmem>>) dst(%dma_wait3A_565 : memref<10240x32xf32, #tpu.memory_space<vmem_shared>>)
    %dma_wait3A_566 = arith.constant 7 : i32
    %dma_wait3A_567 = arith.constant 0 : i32
    %dma_wait3A_568 = arith.constant 0 : i32
    %dma_wait3A_569 = arith.constant 0 : i32
    %dma_wait3A_570 = tpu.memref_slice %arg7[%dma_wait3A_566, %dma_wait3A_568, %dma_wait3A_569] : memref<8x128x32xf32, #tpu.memory_space<vmem>> -> memref<1x128x32xf32, #tpu.memory_space<vmem>>
    %dma_wait3A_571 = tpu.memref_squeeze %dma_wait3A_570 : memref<1x128x32xf32, #tpu.memory_space<vmem>> -> memref<128x32xf32, #tpu.memory_space<vmem>>
    %dma_wait3A_572 = arith.constant 0 : i32
    %dma_wait3A_573 = tpu.memref_slice %arg6[%dma_wait3A_567, %dma_wait3A_572] : memref<80x128xi32, #tpu.memory_space<vmem>> -> memref<1x128xi32, #tpu.memory_space<vmem>>
    %dma_wait3A_574 = tpu.memref_squeeze %dma_wait3A_573 : memref<1x128xi32, #tpu.memory_space<vmem>> -> memref<128xi32, #tpu.memory_space<vmem>>
    %dma_wait3A_575 = arith.constant 0 : i32
    %dma_wait3A_576 = arith.constant 0 : i32
    %dma_wait3A_577 = tpu.memref_slice %arg9[%dma_wait3A_575, %dma_wait3A_576] : memref<10240x32xf32, #tpu.memory_space<vmem_shared>> -> memref<10240x32xf32, #tpu.memory_space<vmem_shared>>
    tpu.wait_indirect_dma semaphore(%arg14 : memref<!tpu.dma_semaphore, #tpu.memory_space<semaphore_mem>>) src(%dma_wait3A_571 : memref<128x32xf32, #tpu.memory_space<vmem>>) dst(%dma_wait3A_577 : memref<10240x32xf32, #tpu.memory_space<vmem_shared>>)
    %barrier3A_578 = arith.constant 0 : index
    tpu.barrier barrier_id(%barrier3A_578)
    %mul3A_579 = arith.constant 640 : i32
    %mul3A_580 = arith.muli %arg1, %mul3A_579 : i32
    %mul3A_581 = arith.constant 640 : i32
    %mul3A_582 = arith.muli %arg1, %mul3A_581 : i32
    "tpu.region"() ({
      %run_scoped3A_587 = tpu.sem_alloc : memref<!tpu.dma_semaphore, #tpu.memory_space<semaphore_mem>>
      %dma_start3A_588 = arith.constant 0 : i32
      %dma_start3A_589 = tpu.memref_slice %arg4[%arg0, %mul3A_582, %dma_start3A_588] : memref<2x10240x64xf32, #tpu.memory_space<hbm>> -> memref<1x640x32xf32, #tpu.memory_space<hbm>>
      %dma_start3A_590 = tpu.memref_squeeze %dma_start3A_589 : memref<1x640x32xf32, #tpu.memory_space<hbm>> -> memref<640x32xf32, #tpu.memory_space<hbm>>
      %dma_start3A_591 = arith.constant 0 : i32
      %dma_start3A_592 = tpu.memref_slice %arg8[%mul3A_580, %dma_start3A_591] : memref<10240x32xf32, #tpu.memory_space<vmem_shared>> -> memref<640x32xf32, #tpu.memory_space<vmem_shared>>
      tpu.enqueue_dma source(%dma_start3A_592 : memref<640x32xf32, #tpu.memory_space<vmem_shared>>) target(%dma_start3A_590 : memref<640x32xf32, #tpu.memory_space<hbm>>) target_semaphore(%run_scoped3A_587 : memref<!tpu.dma_semaphore, #tpu.memory_space<semaphore_mem>>)
      %dma_wait3A_593 = arith.constant 0 : i32
      %dma_wait3A_594 = tpu.memref_slice %arg4[%arg0, %mul3A_582, %dma_wait3A_593] : memref<2x10240x64xf32, #tpu.memory_space<hbm>> -> memref<1x640x32xf32, #tpu.memory_space<hbm>>
      %dma_wait3A_595 = tpu.memref_squeeze %dma_wait3A_594 : memref<1x640x32xf32, #tpu.memory_space<hbm>> -> memref<640x32xf32, #tpu.memory_space<hbm>>
      %dma_wait3A_596 = arith.constant 0 : i32
      %dma_wait3A_597 = tpu.memref_slice %arg8[%mul3A_580, %dma_wait3A_596] : memref<10240x32xf32, #tpu.memory_space<vmem_shared>> -> memref<640x32xf32, #tpu.memory_space<vmem_shared>>
      tpu.wait_dma2 semaphore(%run_scoped3A_587 : memref<!tpu.dma_semaphore, #tpu.memory_space<semaphore_mem>>) src(%dma_wait3A_597 : memref<640x32xf32, #tpu.memory_space<vmem_shared>>) dst(%dma_wait3A_595 : memref<640x32xf32, #tpu.memory_space<hbm>>)
      tpu.yield
    }) : () -> ()
    %mul3A_583 = arith.constant 640 : i32
    %mul3A_584 = arith.muli %arg1, %mul3A_583 : i32
    %mul3A_585 = arith.constant 640 : i32
    %mul3A_586 = arith.muli %arg1, %mul3A_585 : i32
    "tpu.region"() ({
      %run_scoped3A_587 = tpu.sem_alloc : memref<!tpu.dma_semaphore, #tpu.memory_space<semaphore_mem>>
      %dma_start3A_588 = arith.constant 32 : i32
      %dma_start3A_589 = tpu.memref_slice %arg4[%arg0, %mul3A_586, %dma_start3A_588] : memref<2x10240x64xf32, #tpu.memory_space<hbm>> -> memref<1x640x32xf32, #tpu.memory_space<hbm>>
      %dma_start3A_590 = tpu.memref_squeeze %dma_start3A_589 : memref<1x640x32xf32, #tpu.memory_space<hbm>> -> memref<640x32xf32, #tpu.memory_space<hbm>>
      %dma_start3A_591 = arith.constant 0 : i32
      %dma_start3A_592 = tpu.memref_slice %arg9[%mul3A_584, %dma_start3A_591] : memref<10240x32xf32, #tpu.memory_space<vmem_shared>> -> memref<640x32xf32, #tpu.memory_space<vmem_shared>>
      tpu.enqueue_dma source(%dma_start3A_592 : memref<640x32xf32, #tpu.memory_space<vmem_shared>>) target(%dma_start3A_590 : memref<640x32xf32, #tpu.memory_space<hbm>>) target_semaphore(%run_scoped3A_587 : memref<!tpu.dma_semaphore, #tpu.memory_space<semaphore_mem>>)
      %dma_wait3A_593 = arith.constant 32 : i32
      %dma_wait3A_594 = tpu.memref_slice %arg4[%arg0, %mul3A_586, %dma_wait3A_593] : memref<2x10240x64xf32, #tpu.memory_space<hbm>> -> memref<1x640x32xf32, #tpu.memory_space<hbm>>
      %dma_wait3A_595 = tpu.memref_squeeze %dma_wait3A_594 : memref<1x640x32xf32, #tpu.memory_space<hbm>> -> memref<640x32xf32, #tpu.memory_space<hbm>>
      %dma_wait3A_596 = arith.constant 0 : i32
      %dma_wait3A_597 = tpu.memref_slice %arg9[%mul3A_584, %dma_wait3A_596] : memref<10240x32xf32, #tpu.memory_space<vmem_shared>> -> memref<640x32xf32, #tpu.memory_space<vmem_shared>>
      tpu.wait_dma2 semaphore(%run_scoped3A_587 : memref<!tpu.dma_semaphore, #tpu.memory_space<semaphore_mem>>) src(%dma_wait3A_597 : memref<640x32xf32, #tpu.memory_space<vmem_shared>>) dst(%dma_wait3A_595 : memref<640x32xf32, #tpu.memory_space<hbm>>)
      tpu.yield
    }) : () -> ()
    return
  }
}

#map = affine_map<(d0, d1) -> (0, 0, 0)>
#map1 = affine_map<(d0, d1) -> (0, 0)>
module attributes {stable_mosaic.version = 14 : i64} {
  func.func @_deg_body(%arg0: i32, %arg1: i32, %arg2: memref<2x2560x128xi32, #tpu.memory_space<hbm>>, %arg3: memref<32x10240xf32, #tpu.memory_space<hbm>>, %arg4: memref<80x128xi32, #tpu.memory_space<vmem>>, %arg5: memref<10240xf32, #tpu.memory_space<vmem>>) attributes {dimension_semantics = [#tpu.dimension_semantics<core_parallel>, #tpu.dimension_semantics<subcore_parallel>], iteration_bounds = array<i64: 2, 16>, scalar_prefetch = 0 : i64, scratch_operands = 2 : i64, tpu.core_type = #tpu.core_type<sc_vector_subcore>, window_params = [{transform_indices = #map}, {transform_indices = #map1}]} {
    %mul3A = arith.constant 16 : i32
    %mul3A_0 = arith.muli %arg0, %mul3A : i32
    %add3A = arith.addi %mul3A_0, %arg1 : i32
    %broadcast_in_dim3A = arith.constant 0.000000e+00 : f32
    %broadcast_in_dim3A_1 = vector.broadcast %broadcast_in_dim3A : f32 to vector<16xf32>
    %scan3A = arith.constant 0 : i32
    %scan3A_2 = arith.constant 640 : i32
    %scan3A_3 = arith.addi %scan3A, %scan3A_2 : i32
    %scan3A_4 = arith.constant 1 : i32
    scf.for %scan3A_15 = %scan3A to %scan3A_3 step %scan3A_4  : i32 {
      %mul3A_16 = arith.constant 1 : i32
      %mul3A_17 = arith.muli %scan3A_15, %mul3A_16 : i32
      %add3A_18 = arith.constant 0 : i32
      %add3A_19 = arith.addi %add3A_18, %mul3A_17 : i32
      %mul3A_20 = arith.constant 16 : i32
      %mul3A_21 = arith.muli %add3A_19, %mul3A_20 : i32
      %swap3A = arith.index_cast %mul3A_21 : i32 to index
      %swap3A_22 = tpu.vector_load %arg5[%swap3A] {strides = array<i32>} : memref<10240xf32, #tpu.memory_space<vmem>>, vector<16xf32>,
      tpu.vector_store %arg5[%swap3A], %broadcast_in_dim3A_1 {strides = array<i32>} : memref<10240xf32, #tpu.memory_space<vmem>>, vector<16xf32>,
    }
    %scan3A_5 = arith.constant 640 : i32
    %mul3A_6 = arith.constant 80 : i32
    %mul3A_7 = arith.muli %add3A, %mul3A_6 : i32
    %run_scoped3A = arith.constant 1 : i32
    "tpu.region"() ({
      %run_scoped3A_15 = tpu.sem_alloc : memref<!tpu.dma_semaphore, #tpu.memory_space<semaphore_mem>>
      %dma_start3A = arith.constant 0 : i32
      %dma_start3A_16 = tpu.memref_slice %arg2[%run_scoped3A, %mul3A_7, %dma_start3A] : memref<2x2560x128xi32, #tpu.memory_space<hbm>> -> memref<1x80x128xi32, #tpu.memory_space<hbm>>
      %dma_start3A_17 = tpu.memref_squeeze %dma_start3A_16 : memref<1x80x128xi32, #tpu.memory_space<hbm>> -> memref<80x128xi32, #tpu.memory_space<hbm>>
      %dma_start3A_18 = arith.constant 0 : i32
      %dma_start3A_19 = tpu.memref_slice %arg2[%run_scoped3A, %mul3A_7, %dma_start3A_18] : memref<2x2560x128xi32, #tpu.memory_space<hbm>> -> memref<1x80x128xi32, #tpu.memory_space<hbm>>
      %dma_start3A_20 = tpu.memref_squeeze %dma_start3A_19 : memref<1x80x128xi32, #tpu.memory_space<hbm>> -> memref<80x128xi32, #tpu.memory_space<hbm>>
      tpu.enqueue_dma source(%dma_start3A_20 : memref<80x128xi32, #tpu.memory_space<hbm>>) target(%arg4 : memref<80x128xi32, #tpu.memory_space<vmem>>) target_semaphore(%run_scoped3A_15 : memref<!tpu.dma_semaphore, #tpu.memory_space<semaphore_mem>>)
      %dma_wait3A = arith.constant 0 : i32
      %dma_wait3A_21 = tpu.memref_slice %arg2[%run_scoped3A, %mul3A_7, %dma_wait3A] : memref<2x2560x128xi32, #tpu.memory_space<hbm>> -> memref<1x80x128xi32, #tpu.memory_space<hbm>>
      %dma_wait3A_22 = tpu.memref_squeeze %dma_wait3A_21 : memref<1x80x128xi32, #tpu.memory_space<hbm>> -> memref<80x128xi32, #tpu.memory_space<hbm>>
      %dma_wait3A_23 = arith.constant 0 : i32
      %dma_wait3A_24 = tpu.memref_slice %arg2[%run_scoped3A, %mul3A_7, %dma_wait3A_23] : memref<2x2560x128xi32, #tpu.memory_space<hbm>> -> memref<1x80x128xi32, #tpu.memory_space<hbm>>
      %dma_wait3A_25 = tpu.memref_squeeze %dma_wait3A_24 : memref<1x80x128xi32, #tpu.memory_space<hbm>> -> memref<80x128xi32, #tpu.memory_space<hbm>>
      tpu.wait_dma2 semaphore(%run_scoped3A_15 : memref<!tpu.dma_semaphore, #tpu.memory_space<semaphore_mem>>) src(%dma_wait3A_25 : memref<80x128xi32, #tpu.memory_space<hbm>>) dst(%arg4 : memref<80x128xi32, #tpu.memory_space<vmem>>)
      tpu.yield
    }) : () -> ()
    %broadcast_in_dim3A_8 = arith.constant 1.000000e+00 : f32
    %broadcast_in_dim3A_9 = vector.broadcast %broadcast_in_dim3A_8 : f32 to vector<16xf32>
    %scan3A_10 = arith.constant 0 : i32
    %scan3A_11 = arith.constant 80 : i32
    %scan3A_12 = arith.addi %scan3A_10, %scan3A_11 : i32
    %scan3A_13 = arith.constant 1 : i32
    scf.for %scan3A_15 = %scan3A_10 to %scan3A_12 step %scan3A_13  : i32 {
      %mul3A_16 = arith.constant 1 : i32
      %mul3A_17 = arith.muli %scan3A_15, %mul3A_16 : i32
      %add3A_18 = arith.constant 0 : i32
      %add3A_19 = arith.addi %add3A_18, %mul3A_17 : i32
      %get3A = arith.index_cast %add3A_19 : i32 to index
      %get3A_20 = arith.constant 0 : index
      %get3A_21 = tpu.vector_load %arg4[%get3A, %get3A_20] {strides = array<i32>} : memref<80x128xi32, #tpu.memory_space<vmem>>, vector<16xi32>,
      tpu.vector_store_idx %arg5[%get3A_21], %broadcast_in_dim3A_9 {add = true} : memref<10240xf32, #tpu.memory_space<vmem>>[vector<16xi32>], vector<16xf32>,
      %get3A_22 = arith.index_cast %add3A_19 : i32 to index
      %get3A_23 = arith.constant 16 : index
      %get3A_24 = tpu.vector_load %arg4[%get3A_22, %get3A_23] {strides = array<i32>} : memref<80x128xi32, #tpu.memory_space<vmem>>, vector<16xi32>,
      tpu.vector_store_idx %arg5[%get3A_24], %broadcast_in_dim3A_9 {add = true} : memref<10240xf32, #tpu.memory_space<vmem>>[vector<16xi32>], vector<16xf32>,
      %get3A_25 = arith.index_cast %add3A_19 : i32 to index
      %get3A_26 = arith.constant 32 : index
      %get3A_27 = tpu.vector_load %arg4[%get3A_25, %get3A_26] {strides = array<i32>} : memref<80x128xi32, #tpu.memory_space<vmem>>, vector<16xi32>,
      tpu.vector_store_idx %arg5[%get3A_27], %broadcast_in_dim3A_9 {add = true} : memref<10240xf32, #tpu.memory_space<vmem>>[vector<16xi32>], vector<16xf32>,
      %get3A_28 = arith.index_cast %add3A_19 : i32 to index
      %get3A_29 = arith.constant 48 : index
      %get3A_30 = tpu.vector_load %arg4[%get3A_28, %get3A_29] {strides = array<i32>} : memref<80x128xi32, #tpu.memory_space<vmem>>, vector<16xi32>,
      tpu.vector_store_idx %arg5[%get3A_30], %broadcast_in_dim3A_9 {add = true} : memref<10240xf32, #tpu.memory_space<vmem>>[vector<16xi32>], vector<16xf32>,
      %get3A_31 = arith.index_cast %add3A_19 : i32 to index
      %get3A_32 = arith.constant 64 : index
      %get3A_33 = tpu.vector_load %arg4[%get3A_31, %get3A_32] {strides = array<i32>} : memref<80x128xi32, #tpu.memory_space<vmem>>, vector<16xi32>,
      tpu.vector_store_idx %arg5[%get3A_33], %broadcast_in_dim3A_9 {add = true} : memref<10240xf32, #tpu.memory_space<vmem>>[vector<16xi32>], vector<16xf32>,
      %get3A_34 = arith.index_cast %add3A_19 : i32 to index
      %get3A_35 = arith.constant 80 : index
      %get3A_36 = tpu.vector_load %arg4[%get3A_34, %get3A_35] {strides = array<i32>} : memref<80x128xi32, #tpu.memory_space<vmem>>, vector<16xi32>,
      tpu.vector_store_idx %arg5[%get3A_36], %broadcast_in_dim3A_9 {add = true} : memref<10240xf32, #tpu.memory_space<vmem>>[vector<16xi32>], vector<16xf32>,
      %get3A_37 = arith.index_cast %add3A_19 : i32 to index
      %get3A_38 = arith.constant 96 : index
      %get3A_39 = tpu.vector_load %arg4[%get3A_37, %get3A_38] {strides = array<i32>} : memref<80x128xi32, #tpu.memory_space<vmem>>, vector<16xi32>,
      tpu.vector_store_idx %arg5[%get3A_39], %broadcast_in_dim3A_9 {add = true} : memref<10240xf32, #tpu.memory_space<vmem>>[vector<16xi32>], vector<16xf32>,
      %get3A_40 = arith.index_cast %add3A_19 : i32 to index
      %get3A_41 = arith.constant 112 : index
      %get3A_42 = tpu.vector_load %arg4[%get3A_40, %get3A_41] {strides = array<i32>} : memref<80x128xi32, #tpu.memory_space<vmem>>, vector<16xi32>,
      tpu.vector_store_idx %arg5[%get3A_42], %broadcast_in_dim3A_9 {add = true} : memref<10240xf32, #tpu.memory_space<vmem>>[vector<16xi32>], vector<16xf32>,
    }
    %scan3A_14 = arith.constant 80 : i32
    "tpu.region"() ({
      %run_scoped3A_15 = tpu.sem_alloc : memref<!tpu.dma_semaphore, #tpu.memory_space<semaphore_mem>>
      %dma_start3A = arith.constant 0 : i32
      %dma_start3A_16 = tpu.memref_slice %arg3[%add3A, %dma_start3A] : memref<32x10240xf32, #tpu.memory_space<hbm>> -> memref<1x10240xf32, #tpu.memory_space<hbm>>
      %dma_start3A_17 = tpu.memref_squeeze %dma_start3A_16 : memref<1x10240xf32, #tpu.memory_space<hbm>> -> memref<10240xf32, #tpu.memory_space<hbm>>
      %dma_start3A_18 = arith.constant 0 : i32
      %dma_start3A_19 = tpu.memref_slice %arg3[%add3A, %dma_start3A_18] : memref<32x10240xf32, #tpu.memory_space<hbm>> -> memref<1x10240xf32, #tpu.memory_space<hbm>>
      %dma_start3A_20 = tpu.memref_squeeze %dma_start3A_19 : memref<1x10240xf32, #tpu.memory_space<hbm>> -> memref<10240xf32, #tpu.memory_space<hbm>>
      tpu.enqueue_dma source(%arg5 : memref<10240xf32, #tpu.memory_space<vmem>>) target(%dma_start3A_20 : memref<10240xf32, #tpu.memory_space<hbm>>) target_semaphore(%run_scoped3A_15 : memref<!tpu.dma_semaphore, #tpu.memory_space<semaphore_mem>>)
      %dma_wait3A = arith.constant 0 : i32
      %dma_wait3A_21 = tpu.memref_slice %arg3[%add3A, %dma_wait3A] : memref<32x10240xf32, #tpu.memory_space<hbm>> -> memref<1x10240xf32, #tpu.memory_space<hbm>>
      %dma_wait3A_22 = tpu.memref_squeeze %dma_wait3A_21 : memref<1x10240xf32, #tpu.memory_space<hbm>> -> memref<10240xf32, #tpu.memory_space<hbm>>
      %dma_wait3A_23 = arith.constant 0 : i32
      %dma_wait3A_24 = tpu.memref_slice %arg3[%add3A, %dma_wait3A_23] : memref<32x10240xf32, #tpu.memory_space<hbm>> -> memref<1x10240xf32, #tpu.memory_space<hbm>>
      %dma_wait3A_25 = tpu.memref_squeeze %dma_wait3A_24 : memref<1x10240xf32, #tpu.memory_space<hbm>> -> memref<10240xf32, #tpu.memory_space<hbm>>
      tpu.wait_dma2 semaphore(%run_scoped3A_15 : memref<!tpu.dma_semaphore, #tpu.memory_space<semaphore_mem>>) src(%arg5 : memref<10240xf32, #tpu.memory_space<vmem>>) dst(%dma_wait3A_25 : memref<10240xf32, #tpu.memory_space<hbm>>)
      tpu.yield
    }) : () -> ()
    return
  }
}

#map = affine_map<(d0, d1) -> (0)>
#map1 = affine_map<(d0, d1) -> (0, 0, 0)>
#map2 = affine_map<(d0, d1) -> (0, 0)>
module attributes {stable_mosaic.version = 14 : i64} {
  func.func @_prop1_body(%arg0: i32, %arg1: i32, %arg2: memref<10240xf32, #tpu.memory_space<hbm>>, %arg3: memref<2x2560x128xi32, #tpu.memory_space<hbm>>, %arg4: memref<32x10240xf32, #tpu.memory_space<hbm>>, %arg5: memref<10240xf32, #tpu.memory_space<vmem>>, %arg6: memref<80x128xi32, #tpu.memory_space<vmem>>, %arg7: memref<80x128xi32, #tpu.memory_space<vmem>>, %arg8: memref<10240xf32, #tpu.memory_space<vmem>>) attributes {dimension_semantics = [#tpu.dimension_semantics<core_parallel>, #tpu.dimension_semantics<subcore_parallel>], iteration_bounds = array<i64: 2, 16>, scalar_prefetch = 0 : i64, scratch_operands = 4 : i64, tpu.core_type = #tpu.core_type<sc_vector_subcore>, window_params = [{transform_indices = #map}, {transform_indices = #map1}, {transform_indices = #map2}]} {
    %mul3A = arith.constant 16 : i32
    %mul3A_0 = arith.muli %arg0, %mul3A : i32
    %add3A = arith.addi %mul3A_0, %arg1 : i32
    %broadcast_in_dim3A = arith.constant 0.000000e+00 : f32
    %broadcast_in_dim3A_1 = vector.broadcast %broadcast_in_dim3A : f32 to vector<16xf32>
    %scan3A = arith.constant 0 : i32
    %scan3A_2 = arith.constant 640 : i32
    %scan3A_3 = arith.addi %scan3A, %scan3A_2 : i32
    %scan3A_4 = arith.constant 1 : i32
    scf.for %scan3A_23 = %scan3A to %scan3A_3 step %scan3A_4  : i32 {
      %mul3A_24 = arith.constant 1 : i32
      %mul3A_25 = arith.muli %scan3A_23, %mul3A_24 : i32
      %add3A_26 = arith.constant 0 : i32
      %add3A_27 = arith.addi %add3A_26, %mul3A_25 : i32
      %mul3A_28 = arith.constant 16 : i32
      %mul3A_29 = arith.muli %add3A_27, %mul3A_28 : i32
      %swap3A = arith.index_cast %mul3A_29 : i32 to index
      %swap3A_30 = tpu.vector_load %arg8[%swap3A] {strides = array<i32>} : memref<10240xf32, #tpu.memory_space<vmem>>, vector<16xf32>,
      tpu.vector_store %arg8[%swap3A], %broadcast_in_dim3A_1 {strides = array<i32>} : memref<10240xf32, #tpu.memory_space<vmem>>, vector<16xf32>,
    }
    %scan3A_5 = arith.constant 640 : i32
    "tpu.region"() ({
      %run_scoped3A_23 = tpu.sem_alloc : memref<!tpu.dma_semaphore, #tpu.memory_space<semaphore_mem>>
      tpu.enqueue_dma source(%arg2 : memref<10240xf32, #tpu.memory_space<hbm>>) target(%arg5 : memref<10240xf32, #tpu.memory_space<vmem>>) target_semaphore(%run_scoped3A_23 : memref<!tpu.dma_semaphore, #tpu.memory_space<semaphore_mem>>)
      tpu.wait_dma2 semaphore(%run_scoped3A_23 : memref<!tpu.dma_semaphore, #tpu.memory_space<semaphore_mem>>) src(%arg2 : memref<10240xf32, #tpu.memory_space<hbm>>) dst(%arg5 : memref<10240xf32, #tpu.memory_space<vmem>>)
      tpu.yield
    }) : () -> ()
    %mul3A_6 = arith.constant 80 : i32
    %mul3A_7 = arith.muli %add3A, %mul3A_6 : i32
    %run_scoped3A = arith.constant 0 : i32
    "tpu.region"() ({
      %run_scoped3A_23 = tpu.sem_alloc : memref<!tpu.dma_semaphore, #tpu.memory_space<semaphore_mem>>
      %dma_start3A = arith.constant 0 : i32
      %dma_start3A_24 = tpu.memref_slice %arg3[%run_scoped3A, %mul3A_7, %dma_start3A] : memref<2x2560x128xi32, #tpu.memory_space<hbm>> -> memref<1x80x128xi32, #tpu.memory_space<hbm>>
      %dma_start3A_25 = tpu.memref_squeeze %dma_start3A_24 : memref<1x80x128xi32, #tpu.memory_space<hbm>> -> memref<80x128xi32, #tpu.memory_space<hbm>>
      %dma_start3A_26 = arith.constant 0 : i32
      %dma_start3A_27 = tpu.memref_slice %arg3[%run_scoped3A, %mul3A_7, %dma_start3A_26] : memref<2x2560x128xi32, #tpu.memory_space<hbm>> -> memref<1x80x128xi32, #tpu.memory_space<hbm>>
      %dma_start3A_28 = tpu.memref_squeeze %dma_start3A_27 : memref<1x80x128xi32, #tpu.memory_space<hbm>> -> memref<80x128xi32, #tpu.memory_space<hbm>>
      tpu.enqueue_dma source(%dma_start3A_28 : memref<80x128xi32, #tpu.memory_space<hbm>>) target(%arg6 : memref<80x128xi32, #tpu.memory_space<vmem>>) target_semaphore(%run_scoped3A_23 : memref<!tpu.dma_semaphore, #tpu.memory_space<semaphore_mem>>)
      %dma_wait3A = arith.constant 0 : i32
      %dma_wait3A_29 = tpu.memref_slice %arg3[%run_scoped3A, %mul3A_7, %dma_wait3A] : memref<2x2560x128xi32, #tpu.memory_space<hbm>> -> memref<1x80x128xi32, #tpu.memory_space<hbm>>
      %dma_wait3A_30 = tpu.memref_squeeze %dma_wait3A_29 : memref<1x80x128xi32, #tpu.memory_space<hbm>> -> memref<80x128xi32, #tpu.memory_space<hbm>>
      %dma_wait3A_31 = arith.constant 0 : i32
      %dma_wait3A_32 = tpu.memref_slice %arg3[%run_scoped3A, %mul3A_7, %dma_wait3A_31] : memref<2x2560x128xi32, #tpu.memory_space<hbm>> -> memref<1x80x128xi32, #tpu.memory_space<hbm>>
      %dma_wait3A_33 = tpu.memref_squeeze %dma_wait3A_32 : memref<1x80x128xi32, #tpu.memory_space<hbm>> -> memref<80x128xi32, #tpu.memory_space<hbm>>
      tpu.wait_dma2 semaphore(%run_scoped3A_23 : memref<!tpu.dma_semaphore, #tpu.memory_space<semaphore_mem>>) src(%dma_wait3A_33 : memref<80x128xi32, #tpu.memory_space<hbm>>) dst(%arg6 : memref<80x128xi32, #tpu.memory_space<vmem>>)
      tpu.yield
    }) : () -> ()
    %mul3A_8 = arith.constant 80 : i32
    %mul3A_9 = arith.muli %add3A, %mul3A_8 : i32
    %run_scoped3A_10 = arith.constant 1 : i32
    "tpu.region"() ({
      %run_scoped3A_23 = tpu.sem_alloc : memref<!tpu.dma_semaphore, #tpu.memory_space<semaphore_mem>>
      %dma_start3A = arith.constant 0 : i32
      %dma_start3A_24 = tpu.memref_slice %arg3[%run_scoped3A_10, %mul3A_9, %dma_start3A] : memref<2x2560x128xi32, #tpu.memory_space<hbm>> -> memref<1x80x128xi32, #tpu.memory_space<hbm>>
      %dma_start3A_25 = tpu.memref_squeeze %dma_start3A_24 : memref<1x80x128xi32, #tpu.memory_space<hbm>> -> memref<80x128xi32, #tpu.memory_space<hbm>>
      %dma_start3A_26 = arith.constant 0 : i32
      %dma_start3A_27 = tpu.memref_slice %arg3[%run_scoped3A_10, %mul3A_9, %dma_start3A_26] : memref<2x2560x128xi32, #tpu.memory_space<hbm>> -> memref<1x80x128xi32, #tpu.memory_space<hbm>>
      %dma_start3A_28 = tpu.memref_squeeze %dma_start3A_27 : memref<1x80x128xi32, #tpu.memory_space<hbm>> -> memref<80x128xi32, #tpu.memory_space<hbm>>
      tpu.enqueue_dma source(%dma_start3A_28 : memref<80x128xi32, #tpu.memory_space<hbm>>) target(%arg7 : memref<80x128xi32, #tpu.memory_space<vmem>>) target_semaphore(%run_scoped3A_23 : memref<!tpu.dma_semaphore, #tpu.memory_space<semaphore_mem>>)
      %dma_wait3A = arith.constant 0 : i32
      %dma_wait3A_29 = tpu.memref_slice %arg3[%run_scoped3A_10, %mul3A_9, %dma_wait3A] : memref<2x2560x128xi32, #tpu.memory_space<hbm>> -> memref<1x80x128xi32, #tpu.memory_space<hbm>>
      %dma_wait3A_30 = tpu.memref_squeeze %dma_wait3A_29 : memref<1x80x128xi32, #tpu.memory_space<hbm>> -> memref<80x128xi32, #tpu.memory_space<hbm>>
      %dma_wait3A_31 = arith.constant 0 : i32
      %dma_wait3A_32 = tpu.memref_slice %arg3[%run_scoped3A_10, %mul3A_9, %dma_wait3A_31] : memref<2x2560x128xi32, #tpu.memory_space<hbm>> -> memref<1x80x128xi32, #tpu.memory_space<hbm>>
      %dma_wait3A_33 = tpu.memref_squeeze %dma_wait3A_32 : memref<1x80x128xi32, #tpu.memory_space<hbm>> -> memref<80x128xi32, #tpu.memory_space<hbm>>
      tpu.wait_dma2 semaphore(%run_scoped3A_23 : memref<!tpu.dma_semaphore, #tpu.memory_space<semaphore_mem>>) src(%dma_wait3A_33 : memref<80x128xi32, #tpu.memory_space<hbm>>) dst(%arg7 : memref<80x128xi32, #tpu.memory_space<vmem>>)
      tpu.yield
    }) : () -> ()
    %scan3A_11 = arith.constant 0 : i32
    %scan3A_12 = arith.constant 80 : i32
    %scan3A_13 = arith.addi %scan3A_11, %scan3A_12 : i32
    %scan3A_14 = arith.constant 1 : i32
    scf.for %scan3A_23 = %scan3A_11 to %scan3A_13 step %scan3A_14  : i32 {
      %mul3A_24 = arith.constant 1 : i32
      %mul3A_25 = arith.muli %scan3A_23, %mul3A_24 : i32
      %add3A_26 = arith.constant 0 : i32
      %add3A_27 = arith.addi %add3A_26, %mul3A_25 : i32
      %get3A = arith.index_cast %add3A_27 : i32 to index
      %get3A_28 = arith.constant 0 : index
      %get3A_29 = tpu.vector_load %arg6[%get3A, %get3A_28] {strides = array<i32>} : memref<80x128xi32, #tpu.memory_space<vmem>>, vector<16xi32>,
      %get3A_30 = arith.index_cast %add3A_27 : i32 to index
      %get3A_31 = arith.constant 0 : index
      %get3A_32 = tpu.vector_load %arg7[%get3A_30, %get3A_31] {strides = array<i32>} : memref<80x128xi32, #tpu.memory_space<vmem>>, vector<16xi32>,
      %gather3A = tpu.vector_load_idx %arg5[%get3A_29] : memref<10240xf32, #tpu.memory_space<vmem>>[vector<16xi32>], vector<16xf32>,
      tpu.vector_store_idx %arg8[%get3A_32], %gather3A {add = true} : memref<10240xf32, #tpu.memory_space<vmem>>[vector<16xi32>], vector<16xf32>,
      %get3A_33 = arith.index_cast %add3A_27 : i32 to index
      %get3A_34 = arith.constant 16 : index
      %get3A_35 = tpu.vector_load %arg6[%get3A_33, %get3A_34] {strides = array<i32>} : memref<80x128xi32, #tpu.memory_space<vmem>>, vector<16xi32>,
      %get3A_36 = arith.index_cast %add3A_27 : i32 to index
      %get3A_37 = arith.constant 16 : index
      %get3A_38 = tpu.vector_load %arg7[%get3A_36, %get3A_37] {strides = array<i32>} : memref<80x128xi32, #tpu.memory_space<vmem>>, vector<16xi32>,
      %gather3A_39 = tpu.vector_load_idx %arg5[%get3A_35] : memref<10240xf32, #tpu.memory_space<vmem>>[vector<16xi32>], vector<16xf32>,
      tpu.vector_store_idx %arg8[%get3A_38], %gather3A_39 {add = true} : memref<10240xf32, #tpu.memory_space<vmem>>[vector<16xi32>], vector<16xf32>,
      %get3A_40 = arith.index_cast %add3A_27 : i32 to index
      %get3A_41 = arith.constant 32 : index
      %get3A_42 = tpu.vector_load %arg6[%get3A_40, %get3A_41] {strides = array<i32>} : memref<80x128xi32, #tpu.memory_space<vmem>>, vector<16xi32>,
      %get3A_43 = arith.index_cast %add3A_27 : i32 to index
      %get3A_44 = arith.constant 32 : index
      %get3A_45 = tpu.vector_load %arg7[%get3A_43, %get3A_44] {strides = array<i32>} : memref<80x128xi32, #tpu.memory_space<vmem>>, vector<16xi32>,
      %gather3A_46 = tpu.vector_load_idx %arg5[%get3A_42] : memref<10240xf32, #tpu.memory_space<vmem>>[vector<16xi32>], vector<16xf32>,
      tpu.vector_store_idx %arg8[%get3A_45], %gather3A_46 {add = true} : memref<10240xf32, #tpu.memory_space<vmem>>[vector<16xi32>], vector<16xf32>,
      %get3A_47 = arith.index_cast %add3A_27 : i32 to index
      %get3A_48 = arith.constant 48 : index
      %get3A_49 = tpu.vector_load %arg6[%get3A_47, %get3A_48] {strides = array<i32>} : memref<80x128xi32, #tpu.memory_space<vmem>>, vector<16xi32>,
      %get3A_50 = arith.index_cast %add3A_27 : i32 to index
      %get3A_51 = arith.constant 48 : index
      %get3A_52 = tpu.vector_load %arg7[%get3A_50, %get3A_51] {strides = array<i32>} : memref<80x128xi32, #tpu.memory_space<vmem>>, vector<16xi32>,
      %gather3A_53 = tpu.vector_load_idx %arg5[%get3A_49] : memref<10240xf32, #tpu.memory_space<vmem>>[vector<16xi32>], vector<16xf32>,
      tpu.vector_store_idx %arg8[%get3A_52], %gather3A_53 {add = true} : memref<10240xf32, #tpu.memory_space<vmem>>[vector<16xi32>], vector<16xf32>,
      %get3A_54 = arith.index_cast %add3A_27 : i32 to index
      %get3A_55 = arith.constant 64 : index
      %get3A_56 = tpu.vector_load %arg6[%get3A_54, %get3A_55] {strides = array<i32>} : memref<80x128xi32, #tpu.memory_space<vmem>>, vector<16xi32>,
      %get3A_57 = arith.index_cast %add3A_27 : i32 to index
      %get3A_58 = arith.constant 64 : index
      %get3A_59 = tpu.vector_load %arg7[%get3A_57, %get3A_58] {strides = array<i32>} : memref<80x128xi32, #tpu.memory_space<vmem>>, vector<16xi32>,
      %gather3A_60 = tpu.vector_load_idx %arg5[%get3A_56] : memref<10240xf32, #tpu.memory_space<vmem>>[vector<16xi32>], vector<16xf32>,
      tpu.vector_store_idx %arg8[%get3A_59], %gather3A_60 {add = true} : memref<10240xf32, #tpu.memory_space<vmem>>[vector<16xi32>], vector<16xf32>,
      %get3A_61 = arith.index_cast %add3A_27 : i32 to index
      %get3A_62 = arith.constant 80 : index
      %get3A_63 = tpu.vector_load %arg6[%get3A_61, %get3A_62] {strides = array<i32>} : memref<80x128xi32, #tpu.memory_space<vmem>>, vector<16xi32>,
      %get3A_64 = arith.index_cast %add3A_27 : i32 to index
      %get3A_65 = arith.constant 80 : index
      %get3A_66 = tpu.vector_load %arg7[%get3A_64, %get3A_65] {strides = array<i32>} : memref<80x128xi32, #tpu.memory_space<vmem>>, vector<16xi32>,
      %gather3A_67 = tpu.vector_load_idx %arg5[%get3A_63] : memref<10240xf32, #tpu.memory_space<vmem>>[vector<16xi32>], vector<16xf32>,
      tpu.vector_store_idx %arg8[%get3A_66], %gather3A_67 {add = true} : memref<10240xf32, #tpu.memory_space<vmem>>[vector<16xi32>], vector<16xf32>,
      %get3A_68 = arith.index_cast %add3A_27 : i32 to index
      %get3A_69 = arith.constant 96 : index
      %get3A_70 = tpu.vector_load %arg6[%get3A_68, %get3A_69] {strides = array<i32>} : memref<80x128xi32, #tpu.memory_space<vmem>>, vector<16xi32>,
      %get3A_71 = arith.index_cast %add3A_27 : i32 to index
      %get3A_72 = arith.constant 96 : index
      %get3A_73 = tpu.vector_load %arg7[%get3A_71, %get3A_72] {strides = array<i32>} : memref<80x128xi32, #tpu.memory_space<vmem>>, vector<16xi32>,
      %gather3A_74 = tpu.vector_load_idx %arg5[%get3A_70] : memref<10240xf32, #tpu.memory_space<vmem>>[vector<16xi32>], vector<16xf32>,
      tpu.vector_store_idx %arg8[%get3A_73], %gather3A_74 {add = true} : memref<10240xf32, #tpu.memory_space<vmem>>[vector<16xi32>], vector<16xf32>,
      %get3A_75 = arith.index_cast %add3A_27 : i32 to index
      %get3A_76 = arith.constant 112 : index
      %get3A_77 = tpu.vector_load %arg6[%get3A_75, %get3A_76] {strides = array<i32>} : memref<80x128xi32, #tpu.memory_space<vmem>>, vector<16xi32>,
      %get3A_78 = arith.index_cast %add3A_27 : i32 to index
      %get3A_79 = arith.constant 112 : index
      %get3A_80 = tpu.vector_load %arg7[%get3A_78, %get3A_79] {strides = array<i32>} : memref<80x128xi32, #tpu.memory_space<vmem>>, vector<16xi32>,
      %gather3A_81 = tpu.vector_load_idx %arg5[%get3A_77] : memref<10240xf32, #tpu.memory_space<vmem>>[vector<16xi32>], vector<16xf32>,
      tpu.vector_store_idx %arg8[%get3A_80], %gather3A_81 {add = true} : memref<10240xf32, #tpu.memory_space<vmem>>[vector<16xi32>], vector<16xf32>,
    }
    %scan3A_15 = arith.constant 80 : i32
    %mul3A_16 = arith.constant 320 : i32
    %mul3A_17 = arith.muli %add3A, %mul3A_16 : i32
    %scan3A_18 = arith.constant 0 : i32
    %scan3A_19 = arith.constant 20 : i32
    %scan3A_20 = arith.addi %scan3A_18, %scan3A_19 : i32
    %scan3A_21 = arith.constant 1 : i32
    scf.for %scan3A_23 = %scan3A_18 to %scan3A_20 step %scan3A_21  : i32 {
      %mul3A_24 = arith.constant 1 : i32
      %mul3A_25 = arith.muli %scan3A_23, %mul3A_24 : i32
      %add3A_26 = arith.constant 0 : i32
      %add3A_27 = arith.addi %add3A_26, %mul3A_25 : i32
      %mul3A_28 = arith.constant 16 : i32
      %mul3A_29 = arith.muli %add3A_27, %mul3A_28 : i32
      %add3A_30 = arith.addi %mul3A_17, %mul3A_29 : i32
      %get3A = arith.index_cast %add3A_30 : i32 to index
      %get3A_31 = tpu.vector_load %arg8[%get3A] {strides = array<i32>} : memref<10240xf32, #tpu.memory_space<vmem>>, vector<16xf32>,
      %get3A_32 = arith.index_cast %add3A_30 : i32 to index
      %get3A_33 = tpu.vector_load %arg5[%get3A_32] {strides = array<i32>} : memref<10240xf32, #tpu.memory_space<vmem>>, vector<16xf32>,
      %add3A_34 = arith.addf %get3A_31, %get3A_33 : vector<16xf32>
      %swap3A = arith.index_cast %add3A_30 : i32 to index
      %swap3A_35 = tpu.vector_load %arg8[%swap3A] {strides = array<i32>} : memref<10240xf32, #tpu.memory_space<vmem>>, vector<16xf32>,
      tpu.vector_store %arg8[%swap3A], %add3A_34 {strides = array<i32>} : memref<10240xf32, #tpu.memory_space<vmem>>, vector<16xf32>,
    }
    %scan3A_22 = arith.constant 20 : i32
    "tpu.region"() ({
      %run_scoped3A_23 = tpu.sem_alloc : memref<!tpu.dma_semaphore, #tpu.memory_space<semaphore_mem>>
      %dma_start3A = arith.constant 0 : i32
      %dma_start3A_24 = tpu.memref_slice %arg4[%add3A, %dma_start3A] : memref<32x10240xf32, #tpu.memory_space<hbm>> -> memref<1x10240xf32, #tpu.memory_space<hbm>>
      %dma_start3A_25 = tpu.memref_squeeze %dma_start3A_24 : memref<1x10240xf32, #tpu.memory_space<hbm>> -> memref<10240xf32, #tpu.memory_space<hbm>>
      %dma_start3A_26 = arith.constant 0 : i32
      %dma_start3A_27 = tpu.memref_slice %arg4[%add3A, %dma_start3A_26] : memref<32x10240xf32, #tpu.memory_space<hbm>> -> memref<1x10240xf32, #tpu.memory_space<hbm>>
      %dma_start3A_28 = tpu.memref_squeeze %dma_start3A_27 : memref<1x10240xf32, #tpu.memory_space<hbm>> -> memref<10240xf32, #tpu.memory_space<hbm>>
      tpu.enqueue_dma source(%arg8 : memref<10240xf32, #tpu.memory_space<vmem>>) target(%dma_start3A_28 : memref<10240xf32, #tpu.memory_space<hbm>>) target_semaphore(%run_scoped3A_23 : memref<!tpu.dma_semaphore, #tpu.memory_space<semaphore_mem>>)
      %dma_wait3A = arith.constant 0 : i32
      %dma_wait3A_29 = tpu.memref_slice %arg4[%add3A, %dma_wait3A] : memref<32x10240xf32, #tpu.memory_space<hbm>> -> memref<1x10240xf32, #tpu.memory_space<hbm>>
      %dma_wait3A_30 = tpu.memref_squeeze %dma_wait3A_29 : memref<1x10240xf32, #tpu.memory_space<hbm>> -> memref<10240xf32, #tpu.memory_space<hbm>>
      %dma_wait3A_31 = arith.constant 0 : i32
      %dma_wait3A_32 = tpu.memref_slice %arg4[%add3A, %dma_wait3A_31] : memref<32x10240xf32, #tpu.memory_space<hbm>> -> memref<1x10240xf32, #tpu.memory_space<hbm>>
      %dma_wait3A_33 = tpu.memref_squeeze %dma_wait3A_32 : memref<1x10240xf32, #tpu.memory_space<hbm>> -> memref<10240xf32, #tpu.memory_space<hbm>>
      tpu.wait_dma2 semaphore(%run_scoped3A_23 : memref<!tpu.dma_semaphore, #tpu.memory_space<semaphore_mem>>) src(%arg8 : memref<10240xf32, #tpu.memory_space<vmem>>) dst(%dma_wait3A_33 : memref<10240xf32, #tpu.memory_space<hbm>>)
      tpu.yield
    }) : () -> ()
    return
  }
}

#map = affine_map<(d0, d1) -> (0, 0)>
#map1 = affine_map<(d0, d1) -> (0, 0, 0)>
module attributes {stable_mosaic.version = 14 : i64} {
  func.func @_propagate_body(%arg0: i32, %arg1: i32, %arg2: memref<10240x32xf32, #tpu.memory_space<hbm>>, %arg3: memref<2x2560x128xi32, #tpu.memory_space<hbm>>, %arg4: memref<2x10240x32xf32, #tpu.memory_space<hbm>>, %arg5: memref<80x128xi32, #tpu.memory_space<vmem>>, %arg6: memref<80x128xi32, #tpu.memory_space<vmem>>, %arg7: memref<8x128x32xf32, #tpu.memory_space<vmem>>, %arg8: memref<10240x32xf32, #tpu.memory_space<vmem_shared>>, %arg9: memref<10240x32xf32, #tpu.memory_space<vmem_shared>>, %arg10: memref<!tpu.dma_semaphore, #tpu.memory_space<semaphore_mem>>, %arg11: memref<!tpu.dma_semaphore, #tpu.memory_space<semaphore_mem>>, %arg12: memref<!tpu.dma_semaphore, #tpu.memory_space<semaphore_mem>>, %arg13: memref<!tpu.dma_semaphore, #tpu.memory_space<semaphore_mem>>) attributes {dimension_semantics = [#tpu.dimension_semantics<core_parallel>, #tpu.dimension_semantics<subcore_parallel>], iteration_bounds = array<i64: 2, 16>, scalar_prefetch = 0 : i64, scratch_operands = 9 : i64, tpu.core_type = #tpu.core_type<sc_vector_subcore>, window_params = [{transform_indices = #map}, {transform_indices = #map1}, {transform_indices = #map1}]} {
    %mul3A = arith.constant 16 : i32
    %mul3A_0 = arith.muli %arg0, %mul3A : i32
    %add3A = arith.addi %mul3A_0, %arg1 : i32
    %broadcast_in_dim3A = arith.constant 0.000000e+00 : f32
    %broadcast_in_dim3A_1 = vector.broadcast %broadcast_in_dim3A : f32 to vector<16xf32>
    %scan3A = arith.constant 0 : i32
    %scan3A_2 = arith.constant 0 : i32
    %scan3A_3 = arith.constant 256 : i32
    %scan3A_4 = arith.addi %scan3A_2, %scan3A_3 : i32
    %scan3A_5 = arith.constant 1 : i32
    scf.for %scan3A_316 = %scan3A_2 to %scan3A_4 step %scan3A_5  : i32 {
      %mul3A_317 = arith.constant 1 : i32
      %mul3A_318 = arith.muli %scan3A_316, %mul3A_317 : i32
      %add3A_319 = arith.constant 0 : i32
      %add3A_320 = arith.addi %add3A_319, %mul3A_318 : i32
      %jit3A = arith.constant 2 : i32
      %div3A = arith.divsi %add3A_320, %jit3A : i32
      %sign3A = arith.constant 0 : i32
      %sign3A_321 = arith.cmpi sgt, %add3A_320, %sign3A : i32
      %sign3A_322 = arith.extui %sign3A_321 : i1 to i32
      %sign3A_323 = arith.constant 0 : i32
      %sign3A_324 = arith.cmpi slt, %add3A_320, %sign3A_323 : i32
      %sign3A_325 = arith.extui %sign3A_324 : i1 to i32
      %sign3A_326 = arith.subi %sign3A_322, %sign3A_325 : i32
      %sign3A_327 = arith.constant 0 : i32
      %sign3A_328 = arith.cmpi sgt, %jit3A, %sign3A_327 : i32
      %sign3A_329 = arith.extui %sign3A_328 : i1 to i32
      %sign3A_330 = arith.constant 0 : i32
      %sign3A_331 = arith.cmpi slt, %jit3A, %sign3A_330 : i32
      %sign3A_332 = arith.extui %sign3A_331 : i1 to i32
      %sign3A_333 = arith.subi %sign3A_329, %sign3A_332 : i32
      %ne3A = arith.cmpi ne, %sign3A_326, %sign3A_333 : i32
      %rem3A = arith.remsi %add3A_320, %jit3A : i32
      %ne3A_334 = arith.constant 0 : i32
      %ne3A_335 = arith.cmpi ne, %rem3A, %ne3A_334 : i32
      %and3A = arith.andi %ne3A, %ne3A_335 : i1
      %sub3A = arith.constant 1 : i32
      %sub3A_336 = arith.subi %div3A, %sub3A : i32
      %select_n3A = arith.select %and3A, %sub3A_336, %div3A : i32
      %jit3A_337 = arith.constant 2 : i32
      %eq3A = arith.constant 0 : i32
      %eq3A_338 = arith.cmpi eq, %jit3A_337, %eq3A : i32
      %jit3A_339 = arith.constant 1 : i32
      %select_n3A_340 = arith.select %eq3A_338, %jit3A_339, %jit3A_337 : i32
      %rem3A_341 = arith.remsi %add3A_320, %select_n3A_340 : i32
      %ne3A_342 = arith.constant 0 : i32
      %ne3A_343 = arith.cmpi ne, %rem3A_341, %ne3A_342 : i32
      %lt3A = arith.constant 0 : i32
      %lt3A_344 = arith.cmpi slt, %rem3A_341, %lt3A : i32
      %lt3A_345 = arith.constant 0 : i32
      %lt3A_346 = arith.cmpi slt, %select_n3A_340, %lt3A_345 : i32
      %ne3A_347 = arith.xori %lt3A_344, %lt3A_346 : i1
      %and3A_348 = arith.andi %ne3A_347, %ne3A_343 : i1
      %add3A_349 = arith.addi %rem3A_341, %select_n3A_340 : i32
      %select_n3A_350 = arith.select %and3A_348, %add3A_349, %rem3A_341 : i32
      %mul3A_351 = arith.constant 16 : i32
      %mul3A_352 = arith.muli %select_n3A_350, %mul3A_351 : i32
      %swap3A = arith.constant 0 : i32
      %swap3A_353 = arith.constant 0 : i32
      %swap3A_354 = tpu.memref_slice %arg7[%scan3A, %swap3A, %swap3A_353] : memref<8x128x32xf32, #tpu.memory_space<vmem>> -> memref<1x128x32xf32, #tpu.memory_space<vmem>>
      %swap3A_355 = tpu.memref_squeeze %swap3A_354 : memref<1x128x32xf32, #tpu.memory_space<vmem>> -> memref<128x32xf32, #tpu.memory_space<vmem>>
      %swap3A_356 = arith.index_cast %select_n3A : i32 to index
      %swap3A_357 = arith.index_cast %mul3A_352 : i32 to index
      %swap3A_358 = tpu.vector_load %swap3A_355[%swap3A_356, %swap3A_357] {strides = array<i32>} : memref<128x32xf32, #tpu.memory_space<vmem>>, vector<1x16xf32>,
      %swap3A_359 = vector.shape_cast %swap3A_358 : vector<1x16xf32> to vector<16xf32>
      %swap3A_360 = vector.shape_cast %broadcast_in_dim3A_1 : vector<16xf32> to vector<1x16xf32>
      tpu.vector_store %swap3A_355[%swap3A_356, %swap3A_357], %swap3A_360 {strides = array<i32>} : memref<128x32xf32, #tpu.memory_space<vmem>>, vector<1x16xf32>,
    }
    %scan3A_6 = arith.constant 256 : i32
    %broadcast_in_dim3A_7 = arith.constant 0.000000e+00 : f32
    %broadcast_in_dim3A_8 = vector.broadcast %broadcast_in_dim3A_7 : f32 to vector<16xf32>
    %scan3A_9 = arith.constant 1 : i32
    %scan3A_10 = arith.constant 0 : i32
    %scan3A_11 = arith.constant 256 : i32
    %scan3A_12 = arith.addi %scan3A_10, %scan3A_11 : i32
    %scan3A_13 = arith.constant 1 : i32
    scf.for %scan3A_316 = %scan3A_10 to %scan3A_12 step %scan3A_13  : i32 {
      %mul3A_317 = arith.constant 1 : i32
      %mul3A_318 = arith.muli %scan3A_316, %mul3A_317 : i32
      %add3A_319 = arith.constant 0 : i32
      %add3A_320 = arith.addi %add3A_319, %mul3A_318 : i32
      %jit3A = arith.constant 2 : i32
      %div3A = arith.divsi %add3A_320, %jit3A : i32
      %sign3A = arith.constant 0 : i32
      %sign3A_321 = arith.cmpi sgt, %add3A_320, %sign3A : i32
      %sign3A_322 = arith.extui %sign3A_321 : i1 to i32
      %sign3A_323 = arith.constant 0 : i32
      %sign3A_324 = arith.cmpi slt, %add3A_320, %sign3A_323 : i32
      %sign3A_325 = arith.extui %sign3A_324 : i1 to i32
      %sign3A_326 = arith.subi %sign3A_322, %sign3A_325 : i32
      %sign3A_327 = arith.constant 0 : i32
      %sign3A_328 = arith.cmpi sgt, %jit3A, %sign3A_327 : i32
      %sign3A_329 = arith.extui %sign3A_328 : i1 to i32
      %sign3A_330 = arith.constant 0 : i32
      %sign3A_331 = arith.cmpi slt, %jit3A, %sign3A_330 : i32
      %sign3A_332 = arith.extui %sign3A_331 : i1 to i32
      %sign3A_333 = arith.subi %sign3A_329, %sign3A_332 : i32
      %ne3A = arith.cmpi ne, %sign3A_326, %sign3A_333 : i32
      %rem3A = arith.remsi %add3A_320, %jit3A : i32
      %ne3A_334 = arith.constant 0 : i32
      %ne3A_335 = arith.cmpi ne, %rem3A, %ne3A_334 : i32
      %and3A = arith.andi %ne3A, %ne3A_335 : i1
      %sub3A = arith.constant 1 : i32
      %sub3A_336 = arith.subi %div3A, %sub3A : i32
      %select_n3A = arith.select %and3A, %sub3A_336, %div3A : i32
      %jit3A_337 = arith.constant 2 : i32
      %eq3A = arith.constant 0 : i32
      %eq3A_338 = arith.cmpi eq, %jit3A_337, %eq3A : i32
      %jit3A_339 = arith.constant 1 : i32
      %select_n3A_340 = arith.select %eq3A_338, %jit3A_339, %jit3A_337 : i32
      %rem3A_341 = arith.remsi %add3A_320, %select_n3A_340 : i32
      %ne3A_342 = arith.constant 0 : i32
      %ne3A_343 = arith.cmpi ne, %rem3A_341, %ne3A_342 : i32
      %lt3A = arith.constant 0 : i32
      %lt3A_344 = arith.cmpi slt, %rem3A_341, %lt3A : i32
      %lt3A_345 = arith.constant 0 : i32
      %lt3A_346 = arith.cmpi slt, %select_n3A_340, %lt3A_345 : i32
      %ne3A_347 = arith.xori %lt3A_344, %lt3A_346 : i1
      %and3A_348 = arith.andi %ne3A_347, %ne3A_343 : i1
      %add3A_349 = arith.addi %rem3A_341, %select_n3A_340 : i32
      %select_n3A_350 = arith.select %and3A_348, %add3A_349, %rem3A_341 : i32
      %mul3A_351 = arith.constant 16 : i32
      %mul3A_352 = arith.muli %select_n3A_350, %mul3A_351 : i32
      %swap3A = arith.constant 0 : i32
      %swap3A_353 = arith.constant 0 : i32
      %swap3A_354 = tpu.memref_slice %arg7[%scan3A_9, %swap3A, %swap3A_353] : memref<8x128x32xf32, #tpu.memory_space<vmem>> -> memref<1x128x32xf32, #tpu.memory_space<vmem>>
      %swap3A_355 = tpu.memref_squeeze %swap3A_354 : memref<1x128x32xf32, #tpu.memory_space<vmem>> -> memref<128x32xf32, #tpu.memory_space<vmem>>
      %swap3A_356 = arith.index_cast %select_n3A : i32 to index
      %swap3A_357 = arith.index_cast %mul3A_352 : i32 to index
      %swap3A_358 = tpu.vector_load %swap3A_355[%swap3A_356, %swap3A_357] {strides = array<i32>} : memref<128x32xf32, #tpu.memory_space<vmem>>, vector<1x16xf32>,
      %swap3A_359 = vector.shape_cast %swap3A_358 : vector<1x16xf32> to vector<16xf32>
      %swap3A_360 = vector.shape_cast %broadcast_in_dim3A_8 : vector<16xf32> to vector<1x16xf32>
      tpu.vector_store %swap3A_355[%swap3A_356, %swap3A_357], %swap3A_360 {strides = array<i32>} : memref<128x32xf32, #tpu.memory_space<vmem>>, vector<1x16xf32>,
    }
    %scan3A_14 = arith.constant 256 : i32
    %broadcast_in_dim3A_15 = arith.constant 0.000000e+00 : f32
    %broadcast_in_dim3A_16 = vector.broadcast %broadcast_in_dim3A_15 : f32 to vector<16xf32>
    %scan3A_17 = arith.constant 2 : i32
    %scan3A_18 = arith.constant 0 : i32
    %scan3A_19 = arith.constant 256 : i32
    %scan3A_20 = arith.addi %scan3A_18, %scan3A_19 : i32
    %scan3A_21 = arith.constant 1 : i32
    scf.for %scan3A_316 = %scan3A_18 to %scan3A_20 step %scan3A_21  : i32 {
      %mul3A_317 = arith.constant 1 : i32
      %mul3A_318 = arith.muli %scan3A_316, %mul3A_317 : i32
      %add3A_319 = arith.constant 0 : i32
      %add3A_320 = arith.addi %add3A_319, %mul3A_318 : i32
      %jit3A = arith.constant 2 : i32
      %div3A = arith.divsi %add3A_320, %jit3A : i32
      %sign3A = arith.constant 0 : i32
      %sign3A_321 = arith.cmpi sgt, %add3A_320, %sign3A : i32
      %sign3A_322 = arith.extui %sign3A_321 : i1 to i32
      %sign3A_323 = arith.constant 0 : i32
      %sign3A_324 = arith.cmpi slt, %add3A_320, %sign3A_323 : i32
      %sign3A_325 = arith.extui %sign3A_324 : i1 to i32
      %sign3A_326 = arith.subi %sign3A_322, %sign3A_325 : i32
      %sign3A_327 = arith.constant 0 : i32
      %sign3A_328 = arith.cmpi sgt, %jit3A, %sign3A_327 : i32
      %sign3A_329 = arith.extui %sign3A_328 : i1 to i32
      %sign3A_330 = arith.constant 0 : i32
      %sign3A_331 = arith.cmpi slt, %jit3A, %sign3A_330 : i32
      %sign3A_332 = arith.extui %sign3A_331 : i1 to i32
      %sign3A_333 = arith.subi %sign3A_329, %sign3A_332 : i32
      %ne3A = arith.cmpi ne, %sign3A_326, %sign3A_333 : i32
      %rem3A = arith.remsi %add3A_320, %jit3A : i32
      %ne3A_334 = arith.constant 0 : i32
      %ne3A_335 = arith.cmpi ne, %rem3A, %ne3A_334 : i32
      %and3A = arith.andi %ne3A, %ne3A_335 : i1
      %sub3A = arith.constant 1 : i32
      %sub3A_336 = arith.subi %div3A, %sub3A : i32
      %select_n3A = arith.select %and3A, %sub3A_336, %div3A : i32
      %jit3A_337 = arith.constant 2 : i32
      %eq3A = arith.constant 0 : i32
      %eq3A_338 = arith.cmpi eq, %jit3A_337, %eq3A : i32
      %jit3A_339 = arith.constant 1 : i32
      %select_n3A_340 = arith.select %eq3A_338, %jit3A_339, %jit3A_337 : i32
      %rem3A_341 = arith.remsi %add3A_320, %select_n3A_340 : i32
      %ne3A_342 = arith.constant 0 : i32
      %ne3A_343 = arith.cmpi ne, %rem3A_341, %ne3A_342 : i32
      %lt3A = arith.constant 0 : i32
      %lt3A_344 = arith.cmpi slt, %rem3A_341, %lt3A : i32
      %lt3A_345 = arith.constant 0 : i32
      %lt3A_346 = arith.cmpi slt, %select_n3A_340, %lt3A_345 : i32
      %ne3A_347 = arith.xori %lt3A_344, %lt3A_346 : i1
      %and3A_348 = arith.andi %ne3A_347, %ne3A_343 : i1
      %add3A_349 = arith.addi %rem3A_341, %select_n3A_340 : i32
      %select_n3A_350 = arith.select %and3A_348, %add3A_349, %rem3A_341 : i32
      %mul3A_351 = arith.constant 16 : i32
      %mul3A_352 = arith.muli %select_n3A_350, %mul3A_351 : i32
      %swap3A = arith.constant 0 : i32
      %swap3A_353 = arith.constant 0 : i32
      %swap3A_354 = tpu.memref_slice %arg7[%scan3A_17, %swap3A, %swap3A_353] : memref<8x128x32xf32, #tpu.memory_space<vmem>> -> memref<1x128x32xf32, #tpu.memory_space<vmem>>
      %swap3A_355 = tpu.memref_squeeze %swap3A_354 : memref<1x128x32xf32, #tpu.memory_space<vmem>> -> memref<128x32xf32, #tpu.memory_space<vmem>>
      %swap3A_356 = arith.index_cast %select_n3A : i32 to index
      %swap3A_357 = arith.index_cast %mul3A_352 : i32 to index
      %swap3A_358 = tpu.vector_load %swap3A_355[%swap3A_356, %swap3A_357] {strides = array<i32>} : memref<128x32xf32, #tpu.memory_space<vmem>>, vector<1x16xf32>,
      %swap3A_359 = vector.shape_cast %swap3A_358 : vector<1x16xf32> to vector<16xf32>
      %swap3A_360 = vector.shape_cast %broadcast_in_dim3A_16 : vector<16xf32> to vector<1x16xf32>
      tpu.vector_store %swap3A_355[%swap3A_356, %swap3A_357], %swap3A_360 {strides = array<i32>} : memref<128x32xf32, #tpu.memory_space<vmem>>, vector<1x16xf32>,
    }
    %scan3A_22 = arith.constant 256 : i32
    %broadcast_in_dim3A_23 = arith.constant 0.000000e+00 : f32
    %broadcast_in_dim3A_24 = vector.broadcast %broadcast_in_dim3A_23 : f32 to vector<16xf32>
    %scan3A_25 = arith.constant 3 : i32
    %scan3A_26 = arith.constant 0 : i32
    %scan3A_27 = arith.constant 256 : i32
    %scan3A_28 = arith.addi %scan3A_26, %scan3A_27 : i32
    %scan3A_29 = arith.constant 1 : i32
    scf.for %scan3A_316 = %scan3A_26 to %scan3A_28 step %scan3A_29  : i32 {
      %mul3A_317 = arith.constant 1 : i32
      %mul3A_318 = arith.muli %scan3A_316, %mul3A_317 : i32
      %add3A_319 = arith.constant 0 : i32
      %add3A_320 = arith.addi %add3A_319, %mul3A_318 : i32
      %jit3A = arith.constant 2 : i32
      %div3A = arith.divsi %add3A_320, %jit3A : i32
      %sign3A = arith.constant 0 : i32
      %sign3A_321 = arith.cmpi sgt, %add3A_320, %sign3A : i32
      %sign3A_322 = arith.extui %sign3A_321 : i1 to i32
      %sign3A_323 = arith.constant 0 : i32
      %sign3A_324 = arith.cmpi slt, %add3A_320, %sign3A_323 : i32
      %sign3A_325 = arith.extui %sign3A_324 : i1 to i32
      %sign3A_326 = arith.subi %sign3A_322, %sign3A_325 : i32
      %sign3A_327 = arith.constant 0 : i32
      %sign3A_328 = arith.cmpi sgt, %jit3A, %sign3A_327 : i32
      %sign3A_329 = arith.extui %sign3A_328 : i1 to i32
      %sign3A_330 = arith.constant 0 : i32
      %sign3A_331 = arith.cmpi slt, %jit3A, %sign3A_330 : i32
      %sign3A_332 = arith.extui %sign3A_331 : i1 to i32
      %sign3A_333 = arith.subi %sign3A_329, %sign3A_332 : i32
      %ne3A = arith.cmpi ne, %sign3A_326, %sign3A_333 : i32
      %rem3A = arith.remsi %add3A_320, %jit3A : i32
      %ne3A_334 = arith.constant 0 : i32
      %ne3A_335 = arith.cmpi ne, %rem3A, %ne3A_334 : i32
      %and3A = arith.andi %ne3A, %ne3A_335 : i1
      %sub3A = arith.constant 1 : i32
      %sub3A_336 = arith.subi %div3A, %sub3A : i32
      %select_n3A = arith.select %and3A, %sub3A_336, %div3A : i32
      %jit3A_337 = arith.constant 2 : i32
      %eq3A = arith.constant 0 : i32
      %eq3A_338 = arith.cmpi eq, %jit3A_337, %eq3A : i32
      %jit3A_339 = arith.constant 1 : i32
      %select_n3A_340 = arith.select %eq3A_338, %jit3A_339, %jit3A_337 : i32
      %rem3A_341 = arith.remsi %add3A_320, %select_n3A_340 : i32
      %ne3A_342 = arith.constant 0 : i32
      %ne3A_343 = arith.cmpi ne, %rem3A_341, %ne3A_342 : i32
      %lt3A = arith.constant 0 : i32
      %lt3A_344 = arith.cmpi slt, %rem3A_341, %lt3A : i32
      %lt3A_345 = arith.constant 0 : i32
      %lt3A_346 = arith.cmpi slt, %select_n3A_340, %lt3A_345 : i32
      %ne3A_347 = arith.xori %lt3A_344, %lt3A_346 : i1
      %and3A_348 = arith.andi %ne3A_347, %ne3A_343 : i1
      %add3A_349 = arith.addi %rem3A_341, %select_n3A_340 : i32
      %select_n3A_350 = arith.select %and3A_348, %add3A_349, %rem3A_341 : i32
      %mul3A_351 = arith.constant 16 : i32
      %mul3A_352 = arith.muli %select_n3A_350, %mul3A_351 : i32
      %swap3A = arith.constant 0 : i32
      %swap3A_353 = arith.constant 0 : i32
      %swap3A_354 = tpu.memref_slice %arg7[%scan3A_25, %swap3A, %swap3A_353] : memref<8x128x32xf32, #tpu.memory_space<vmem>> -> memref<1x128x32xf32, #tpu.memory_space<vmem>>
      %swap3A_355 = tpu.memref_squeeze %swap3A_354 : memref<1x128x32xf32, #tpu.memory_space<vmem>> -> memref<128x32xf32, #tpu.memory_space<vmem>>
      %swap3A_356 = arith.index_cast %select_n3A : i32 to index
      %swap3A_357 = arith.index_cast %mul3A_352 : i32 to index
      %swap3A_358 = tpu.vector_load %swap3A_355[%swap3A_356, %swap3A_357] {strides = array<i32>} : memref<128x32xf32, #tpu.memory_space<vmem>>, vector<1x16xf32>,
      %swap3A_359 = vector.shape_cast %swap3A_358 : vector<1x16xf32> to vector<16xf32>
      %swap3A_360 = vector.shape_cast %broadcast_in_dim3A_24 : vector<16xf32> to vector<1x16xf32>
      tpu.vector_store %swap3A_355[%swap3A_356, %swap3A_357], %swap3A_360 {strides = array<i32>} : memref<128x32xf32, #tpu.memory_space<vmem>>, vector<1x16xf32>,
    }
    %scan3A_30 = arith.constant 256 : i32
    %mul3A_31 = arith.constant 640 : i32
    %mul3A_32 = arith.muli %arg1, %mul3A_31 : i32
    %add3A_33 = arith.constant 0 : i32
    %add3A_34 = arith.addi %mul3A_32, %add3A_33 : i32
    %dma_start3A = arith.constant 0 : i32
    %dma_start3A_35 = arith.constant 0 : i32
    %dma_start3A_36 = arith.constant 0 : i32
    %dma_start3A_37 = tpu.memref_slice %arg7[%dma_start3A, %dma_start3A_35, %dma_start3A_36] : memref<8x128x32xf32, #tpu.memory_space<vmem>> -> memref<1x128x32xf32, #tpu.memory_space<vmem>>
    %dma_start3A_38 = tpu.memref_squeeze %dma_start3A_37 : memref<1x128x32xf32, #tpu.memory_space<vmem>> -> memref<128x32xf32, #tpu.memory_space<vmem>>
    %dma_start3A_39 = arith.constant 0 : i32
    %dma_start3A_40 = tpu.memref_slice %arg8[%add3A_34, %dma_start3A_39] : memref<10240x32xf32, #tpu.memory_space<vmem_shared>> -> memref<128x32xf32, #tpu.memory_space<vmem_shared>>
    %dma_start3A_41 = arith.constant 0 : i32
    %dma_start3A_42 = tpu.memref_slice %arg8[%add3A_34, %dma_start3A_41] : memref<10240x32xf32, #tpu.memory_space<vmem_shared>> -> memref<128x32xf32, #tpu.memory_space<vmem_shared>>
    %dma_start3A_43 = arith.constant 0 : i32
    %dma_start3A_44 = arith.constant 0 : i32
    %dma_start3A_45 = tpu.memref_slice %arg7[%dma_start3A, %dma_start3A_43, %dma_start3A_44] : memref<8x128x32xf32, #tpu.memory_space<vmem>> -> memref<1x128x32xf32, #tpu.memory_space<vmem>>
    %dma_start3A_46 = tpu.memref_squeeze %dma_start3A_45 : memref<1x128x32xf32, #tpu.memory_space<vmem>> -> memref<128x32xf32, #tpu.memory_space<vmem>>
    tpu.enqueue_dma source(%dma_start3A_46 : memref<128x32xf32, #tpu.memory_space<vmem>>) target(%dma_start3A_42 : memref<128x32xf32, #tpu.memory_space<vmem_shared>>) target_semaphore(%arg10 : memref<!tpu.dma_semaphore, #tpu.memory_space<semaphore_mem>>)
    %mul3A_47 = arith.constant 640 : i32
    %mul3A_48 = arith.muli %arg1, %mul3A_47 : i32
    %add3A_49 = arith.constant 128 : i32
    %add3A_50 = arith.addi %mul3A_48, %add3A_49 : i32
    %dma_start3A_51 = arith.constant 1 : i32
    %dma_start3A_52 = arith.constant 0 : i32
    %dma_start3A_53 = arith.constant 0 : i32
    %dma_start3A_54 = tpu.memref_slice %arg7[%dma_start3A_51, %dma_start3A_52, %dma_start3A_53] : memref<8x128x32xf32, #tpu.memory_space<vmem>> -> memref<1x128x32xf32, #tpu.memory_space<vmem>>
    %dma_start3A_55 = tpu.memref_squeeze %dma_start3A_54 : memref<1x128x32xf32, #tpu.memory_space<vmem>> -> memref<128x32xf32, #tpu.memory_space<vmem>>
    %dma_start3A_56 = arith.constant 0 : i32
    %dma_start3A_57 = tpu.memref_slice %arg8[%add3A_50, %dma_start3A_56] : memref<10240x32xf32, #tpu.memory_space<vmem_shared>> -> memref<128x32xf32, #tpu.memory_space<vmem_shared>>
    %dma_start3A_58 = arith.constant 0 : i32
    %dma_start3A_59 = tpu.memref_slice %arg8[%add3A_50, %dma_start3A_58] : memref<10240x32xf32, #tpu.memory_space<vmem_shared>> -> memref<128x32xf32, #tpu.memory_space<vmem_shared>>
    %dma_start3A_60 = arith.constant 0 : i32
    %dma_start3A_61 = arith.constant 0 : i32
    %dma_start3A_62 = tpu.memref_slice %arg7[%dma_start3A_51, %dma_start3A_60, %dma_start3A_61] : memref<8x128x32xf32, #tpu.memory_space<vmem>> -> memref<1x128x32xf32, #tpu.memory_space<vmem>>
    %dma_start3A_63 = tpu.memref_squeeze %dma_start3A_62 : memref<1x128x32xf32, #tpu.memory_space<vmem>> -> memref<128x32xf32, #tpu.memory_space<vmem>>
    tpu.enqueue_dma source(%dma_start3A_63 : memref<128x32xf32, #tpu.memory_space<vmem>>) target(%dma_start3A_59 : memref<128x32xf32, #tpu.memory_space<vmem_shared>>) target_semaphore(%arg10 : memref<!tpu.dma_semaphore, #tpu.memory_space<semaphore_mem>>)
    %mul3A_64 = arith.constant 640 : i32
    %mul3A_65 = arith.muli %arg1, %mul3A_64 : i32
    %add3A_66 = arith.constant 256 : i32
    %add3A_67 = arith.addi %mul3A_65, %add3A_66 : i32
    %dma_start3A_68 = arith.constant 2 : i32
    %dma_start3A_69 = arith.constant 0 : i32
    %dma_start3A_70 = arith.constant 0 : i32
    %dma_start3A_71 = tpu.memref_slice %arg7[%dma_start3A_68, %dma_start3A_69, %dma_start3A_70] : memref<8x128x32xf32, #tpu.memory_space<vmem>> -> memref<1x128x32xf32, #tpu.memory_space<vmem>>
    %dma_start3A_72 = tpu.memref_squeeze %dma_start3A_71 : memref<1x128x32xf32, #tpu.memory_space<vmem>> -> memref<128x32xf32, #tpu.memory_space<vmem>>
    %dma_start3A_73 = arith.constant 0 : i32
    %dma_start3A_74 = tpu.memref_slice %arg8[%add3A_67, %dma_start3A_73] : memref<10240x32xf32, #tpu.memory_space<vmem_shared>> -> memref<128x32xf32, #tpu.memory_space<vmem_shared>>
    %dma_start3A_75 = arith.constant 0 : i32
    %dma_start3A_76 = tpu.memref_slice %arg8[%add3A_67, %dma_start3A_75] : memref<10240x32xf32, #tpu.memory_space<vmem_shared>> -> memref<128x32xf32, #tpu.memory_space<vmem_shared>>
    %dma_start3A_77 = arith.constant 0 : i32
    %dma_start3A_78 = arith.constant 0 : i32
    %dma_start3A_79 = tpu.memref_slice %arg7[%dma_start3A_68, %dma_start3A_77, %dma_start3A_78] : memref<8x128x32xf32, #tpu.memory_space<vmem>> -> memref<1x128x32xf32, #tpu.memory_space<vmem>>
    %dma_start3A_80 = tpu.memref_squeeze %dma_start3A_79 : memref<1x128x32xf32, #tpu.memory_space<vmem>> -> memref<128x32xf32, #tpu.memory_space<vmem>>
    tpu.enqueue_dma source(%dma_start3A_80 : memref<128x32xf32, #tpu.memory_space<vmem>>) target(%dma_start3A_76 : memref<128x32xf32, #tpu.memory_space<vmem_shared>>) target_semaphore(%arg10 : memref<!tpu.dma_semaphore, #tpu.memory_space<semaphore_mem>>)
    %mul3A_81 = arith.constant 640 : i32
    %mul3A_82 = arith.muli %arg1, %mul3A_81 : i32
    %add3A_83 = arith.constant 384 : i32
    %add3A_84 = arith.addi %mul3A_82, %add3A_83 : i32
    %dma_start3A_85 = arith.constant 3 : i32
    %dma_start3A_86 = arith.constant 0 : i32
    %dma_start3A_87 = arith.constant 0 : i32
    %dma_start3A_88 = tpu.memref_slice %arg7[%dma_start3A_85, %dma_start3A_86, %dma_start3A_87] : memref<8x128x32xf32, #tpu.memory_space<vmem>> -> memref<1x128x32xf32, #tpu.memory_space<vmem>>
    %dma_start3A_89 = tpu.memref_squeeze %dma_start3A_88 : memref<1x128x32xf32, #tpu.memory_space<vmem>> -> memref<128x32xf32, #tpu.memory_space<vmem>>
    %dma_start3A_90 = arith.constant 0 : i32
    %dma_start3A_91 = tpu.memref_slice %arg8[%add3A_84, %dma_start3A_90] : memref<10240x32xf32, #tpu.memory_space<vmem_shared>> -> memref<128x32xf32, #tpu.memory_space<vmem_shared>>
    %dma_start3A_92 = arith.constant 0 : i32
    %dma_start3A_93 = tpu.memref_slice %arg8[%add3A_84, %dma_start3A_92] : memref<10240x32xf32, #tpu.memory_space<vmem_shared>> -> memref<128x32xf32, #tpu.memory_space<vmem_shared>>
    %dma_start3A_94 = arith.constant 0 : i32
    %dma_start3A_95 = arith.constant 0 : i32
    %dma_start3A_96 = tpu.memref_slice %arg7[%dma_start3A_85, %dma_start3A_94, %dma_start3A_95] : memref<8x128x32xf32, #tpu.memory_space<vmem>> -> memref<1x128x32xf32, #tpu.memory_space<vmem>>
    %dma_start3A_97 = tpu.memref_squeeze %dma_start3A_96 : memref<1x128x32xf32, #tpu.memory_space<vmem>> -> memref<128x32xf32, #tpu.memory_space<vmem>>
    tpu.enqueue_dma source(%dma_start3A_97 : memref<128x32xf32, #tpu.memory_space<vmem>>) target(%dma_start3A_93 : memref<128x32xf32, #tpu.memory_space<vmem_shared>>) target_semaphore(%arg10 : memref<!tpu.dma_semaphore, #tpu.memory_space<semaphore_mem>>)
    %mul3A_98 = arith.constant 640 : i32
    %mul3A_99 = arith.muli %arg1, %mul3A_98 : i32
    %add3A_100 = arith.constant 512 : i32
    %add3A_101 = arith.addi %mul3A_99, %add3A_100 : i32
    %dma_start3A_102 = arith.constant 0 : i32
    %dma_start3A_103 = arith.constant 0 : i32
    %dma_start3A_104 = arith.constant 0 : i32
    %dma_start3A_105 = tpu.memref_slice %arg7[%dma_start3A_102, %dma_start3A_103, %dma_start3A_104] : memref<8x128x32xf32, #tpu.memory_space<vmem>> -> memref<1x128x32xf32, #tpu.memory_space<vmem>>
    %dma_start3A_106 = tpu.memref_squeeze %dma_start3A_105 : memref<1x128x32xf32, #tpu.memory_space<vmem>> -> memref<128x32xf32, #tpu.memory_space<vmem>>
    %dma_start3A_107 = arith.constant 0 : i32
    %dma_start3A_108 = tpu.memref_slice %arg8[%add3A_101, %dma_start3A_107] : memref<10240x32xf32, #tpu.memory_space<vmem_shared>> -> memref<128x32xf32, #tpu.memory_space<vmem_shared>>
    %dma_start3A_109 = arith.constant 0 : i32
    %dma_start3A_110 = tpu.memref_slice %arg8[%add3A_101, %dma_start3A_109] : memref<10240x32xf32, #tpu.memory_space<vmem_shared>> -> memref<128x32xf32, #tpu.memory_space<vmem_shared>>
    %dma_start3A_111 = arith.constant 0 : i32
    %dma_start3A_112 = arith.constant 0 : i32
    %dma_start3A_113 = tpu.memref_slice %arg7[%dma_start3A_102, %dma_start3A_111, %dma_start3A_112] : memref<8x128x32xf32, #tpu.memory_space<vmem>> -> memref<1x128x32xf32, #tpu.memory_space<vmem>>
    %dma_start3A_114 = tpu.memref_squeeze %dma_start3A_113 : memref<1x128x32xf32, #tpu.memory_space<vmem>> -> memref<128x32xf32, #tpu.memory_space<vmem>>
    tpu.enqueue_dma source(%dma_start3A_114 : memref<128x32xf32, #tpu.memory_space<vmem>>) target(%dma_start3A_110 : memref<128x32xf32, #tpu.memory_space<vmem_shared>>) target_semaphore(%arg10 : memref<!tpu.dma_semaphore, #tpu.memory_space<semaphore_mem>>)
    %mul3A_115 = arith.constant 640 : i32
    %mul3A_116 = arith.muli %arg1, %mul3A_115 : i32
    %mul3A_117 = arith.constant 640 : i32
    %mul3A_118 = arith.muli %arg1, %mul3A_117 : i32
    %dma_start3A_119 = arith.constant 0 : i32
    %dma_start3A_120 = tpu.memref_slice %arg9[%mul3A_118, %dma_start3A_119] : memref<10240x32xf32, #tpu.memory_space<vmem_shared>> -> memref<640x32xf32, #tpu.memory_space<vmem_shared>>
    %dma_start3A_121 = arith.constant 0 : i32
    %dma_start3A_122 = tpu.memref_slice %arg2[%mul3A_116, %dma_start3A_121] : memref<10240x32xf32, #tpu.memory_space<hbm>> -> memref<640x32xf32, #tpu.memory_space<hbm>>
    tpu.enqueue_dma source(%dma_start3A_122 : memref<640x32xf32, #tpu.memory_space<hbm>>) target(%dma_start3A_120 : memref<640x32xf32, #tpu.memory_space<vmem_shared>>) target_semaphore(%arg11 : memref<!tpu.dma_semaphore, #tpu.memory_space<semaphore_mem>>)
    %mul3A_123 = arith.constant 640 : i32
    %mul3A_124 = arith.muli %arg1, %mul3A_123 : i32
    %dma_wait3A = arith.constant 0 : i32
    %dma_wait3A_125 = arith.constant 0 : i32
    %dma_wait3A_126 = arith.constant 0 : i32
    %dma_wait3A_127 = tpu.memref_slice %arg7[%dma_wait3A, %dma_wait3A_125, %dma_wait3A_126] : memref<8x128x32xf32, #tpu.memory_space<vmem>> -> memref<1x128x32xf32, #tpu.memory_space<vmem>>
    %dma_wait3A_128 = tpu.memref_squeeze %dma_wait3A_127 : memref<1x128x32xf32, #tpu.memory_space<vmem>> -> memref<128x32xf32, #tpu.memory_space<vmem>>
    %dma_wait3A_129 = arith.constant 0 : i32
    %dma_wait3A_130 = tpu.memref_slice %arg8[%mul3A_124, %dma_wait3A_129] : memref<10240x32xf32, #tpu.memory_space<vmem_shared>> -> memref<128x32xf32, #tpu.memory_space<vmem_shared>>
    %dma_wait3A_131 = arith.constant 0 : i32
    %dma_wait3A_132 = tpu.memref_slice %arg8[%mul3A_124, %dma_wait3A_131] : memref<10240x32xf32, #tpu.memory_space<vmem_shared>> -> memref<128x32xf32, #tpu.memory_space<vmem_shared>>
    %dma_wait3A_133 = arith.constant 0 : i32
    %dma_wait3A_134 = arith.constant 0 : i32
    %dma_wait3A_135 = tpu.memref_slice %arg7[%dma_wait3A, %dma_wait3A_133, %dma_wait3A_134] : memref<8x128x32xf32, #tpu.memory_space<vmem>> -> memref<1x128x32xf32, #tpu.memory_space<vmem>>
    %dma_wait3A_136 = tpu.memref_squeeze %dma_wait3A_135 : memref<1x128x32xf32, #tpu.memory_space<vmem>> -> memref<128x32xf32, #tpu.memory_space<vmem>>
    tpu.wait_dma2 semaphore(%arg10 : memref<!tpu.dma_semaphore, #tpu.memory_space<semaphore_mem>>) src(%dma_wait3A_136 : memref<128x32xf32, #tpu.memory_space<vmem>>) dst(%dma_wait3A_132 : memref<128x32xf32, #tpu.memory_space<vmem_shared>>)
    %mul3A_137 = arith.constant 640 : i32
    %mul3A_138 = arith.muli %arg1, %mul3A_137 : i32
    %dma_wait3A_139 = arith.constant 0 : i32
    %dma_wait3A_140 = arith.constant 0 : i32
    %dma_wait3A_141 = arith.constant 0 : i32
    %dma_wait3A_142 = tpu.memref_slice %arg7[%dma_wait3A_139, %dma_wait3A_140, %dma_wait3A_141] : memref<8x128x32xf32, #tpu.memory_space<vmem>> -> memref<1x128x32xf32, #tpu.memory_space<vmem>>
    %dma_wait3A_143 = tpu.memref_squeeze %dma_wait3A_142 : memref<1x128x32xf32, #tpu.memory_space<vmem>> -> memref<128x32xf32, #tpu.memory_space<vmem>>
    %dma_wait3A_144 = arith.constant 0 : i32
    %dma_wait3A_145 = tpu.memref_slice %arg8[%mul3A_138, %dma_wait3A_144] : memref<10240x32xf32, #tpu.memory_space<vmem_shared>> -> memref<128x32xf32, #tpu.memory_space<vmem_shared>>
    %dma_wait3A_146 = arith.constant 0 : i32
    %dma_wait3A_147 = tpu.memref_slice %arg8[%mul3A_138, %dma_wait3A_146] : memref<10240x32xf32, #tpu.memory_space<vmem_shared>> -> memref<128x32xf32, #tpu.memory_space<vmem_shared>>
    %dma_wait3A_148 = arith.constant 0 : i32
    %dma_wait3A_149 = arith.constant 0 : i32
    %dma_wait3A_150 = tpu.memref_slice %arg7[%dma_wait3A_139, %dma_wait3A_148, %dma_wait3A_149] : memref<8x128x32xf32, #tpu.memory_space<vmem>> -> memref<1x128x32xf32, #tpu.memory_space<vmem>>
    %dma_wait3A_151 = tpu.memref_squeeze %dma_wait3A_150 : memref<1x128x32xf32, #tpu.memory_space<vmem>> -> memref<128x32xf32, #tpu.memory_space<vmem>>
    tpu.wait_dma2 semaphore(%arg10 : memref<!tpu.dma_semaphore, #tpu.memory_space<semaphore_mem>>) src(%dma_wait3A_151 : memref<128x32xf32, #tpu.memory_space<vmem>>) dst(%dma_wait3A_147 : memref<128x32xf32, #tpu.memory_space<vmem_shared>>)
    %mul3A_152 = arith.constant 640 : i32
    %mul3A_153 = arith.muli %arg1, %mul3A_152 : i32
    %dma_wait3A_154 = arith.constant 0 : i32
    %dma_wait3A_155 = arith.constant 0 : i32
    %dma_wait3A_156 = arith.constant 0 : i32
    %dma_wait3A_157 = tpu.memref_slice %arg7[%dma_wait3A_154, %dma_wait3A_155, %dma_wait3A_156] : memref<8x128x32xf32, #tpu.memory_space<vmem>> -> memref<1x128x32xf32, #tpu.memory_space<vmem>>
    %dma_wait3A_158 = tpu.memref_squeeze %dma_wait3A_157 : memref<1x128x32xf32, #tpu.memory_space<vmem>> -> memref<128x32xf32, #tpu.memory_space<vmem>>
    %dma_wait3A_159 = arith.constant 0 : i32
    %dma_wait3A_160 = tpu.memref_slice %arg8[%mul3A_153, %dma_wait3A_159] : memref<10240x32xf32, #tpu.memory_space<vmem_shared>> -> memref<128x32xf32, #tpu.memory_space<vmem_shared>>
    %dma_wait3A_161 = arith.constant 0 : i32
    %dma_wait3A_162 = tpu.memref_slice %arg8[%mul3A_153, %dma_wait3A_161] : memref<10240x32xf32, #tpu.memory_space<vmem_shared>> -> memref<128x32xf32, #tpu.memory_space<vmem_shared>>
    %dma_wait3A_163 = arith.constant 0 : i32
    %dma_wait3A_164 = arith.constant 0 : i32
    %dma_wait3A_165 = tpu.memref_slice %arg7[%dma_wait3A_154, %dma_wait3A_163, %dma_wait3A_164] : memref<8x128x32xf32, #tpu.memory_space<vmem>> -> memref<1x128x32xf32, #tpu.memory_space<vmem>>
    %dma_wait3A_166 = tpu.memref_squeeze %dma_wait3A_165 : memref<1x128x32xf32, #tpu.memory_space<vmem>> -> memref<128x32xf32, #tpu.memory_space<vmem>>
    tpu.wait_dma2 semaphore(%arg10 : memref<!tpu.dma_semaphore, #tpu.memory_space<semaphore_mem>>) src(%dma_wait3A_166 : memref<128x32xf32, #tpu.memory_space<vmem>>) dst(%dma_wait3A_162 : memref<128x32xf32, #tpu.memory_space<vmem_shared>>)
    %mul3A_167 = arith.constant 640 : i32
    %mul3A_168 = arith.muli %arg1, %mul3A_167 : i32
    %dma_wait3A_169 = arith.constant 0 : i32
    %dma_wait3A_170 = arith.constant 0 : i32
    %dma_wait3A_171 = arith.constant 0 : i32
    %dma_wait3A_172 = tpu.memref_slice %arg7[%dma_wait3A_169, %dma_wait3A_170, %dma_wait3A_171] : memref<8x128x32xf32, #tpu.memory_space<vmem>> -> memref<1x128x32xf32, #tpu.memory_space<vmem>>
    %dma_wait3A_173 = tpu.memref_squeeze %dma_wait3A_172 : memref<1x128x32xf32, #tpu.memory_space<vmem>> -> memref<128x32xf32, #tpu.memory_space<vmem>>
    %dma_wait3A_174 = arith.constant 0 : i32
    %dma_wait3A_175 = tpu.memref_slice %arg8[%mul3A_168, %dma_wait3A_174] : memref<10240x32xf32, #tpu.memory_space<vmem_shared>> -> memref<128x32xf32, #tpu.memory_space<vmem_shared>>
    %dma_wait3A_176 = arith.constant 0 : i32
    %dma_wait3A_177 = tpu.memref_slice %arg8[%mul3A_168, %dma_wait3A_176] : memref<10240x32xf32, #tpu.memory_space<vmem_shared>> -> memref<128x32xf32, #tpu.memory_space<vmem_shared>>
    %dma_wait3A_178 = arith.constant 0 : i32
    %dma_wait3A_179 = arith.constant 0 : i32
    %dma_wait3A_180 = tpu.memref_slice %arg7[%dma_wait3A_169, %dma_wait3A_178, %dma_wait3A_179] : memref<8x128x32xf32, #tpu.memory_space<vmem>> -> memref<1x128x32xf32, #tpu.memory_space<vmem>>
    %dma_wait3A_181 = tpu.memref_squeeze %dma_wait3A_180 : memref<1x128x32xf32, #tpu.memory_space<vmem>> -> memref<128x32xf32, #tpu.memory_space<vmem>>
    tpu.wait_dma2 semaphore(%arg10 : memref<!tpu.dma_semaphore, #tpu.memory_space<semaphore_mem>>) src(%dma_wait3A_181 : memref<128x32xf32, #tpu.memory_space<vmem>>) dst(%dma_wait3A_177 : memref<128x32xf32, #tpu.memory_space<vmem_shared>>)
    %mul3A_182 = arith.constant 640 : i32
    %mul3A_183 = arith.muli %arg1, %mul3A_182 : i32
    %dma_wait3A_184 = arith.constant 0 : i32
    %dma_wait3A_185 = arith.constant 0 : i32
    %dma_wait3A_186 = arith.constant 0 : i32
    %dma_wait3A_187 = tpu.memref_slice %arg7[%dma_wait3A_184, %dma_wait3A_185, %dma_wait3A_186] : memref<8x128x32xf32, #tpu.memory_space<vmem>> -> memref<1x128x32xf32, #tpu.memory_space<vmem>>
    %dma_wait3A_188 = tpu.memref_squeeze %dma_wait3A_187 : memref<1x128x32xf32, #tpu.memory_space<vmem>> -> memref<128x32xf32, #tpu.memory_space<vmem>>
    %dma_wait3A_189 = arith.constant 0 : i32
    %dma_wait3A_190 = tpu.memref_slice %arg8[%mul3A_183, %dma_wait3A_189] : memref<10240x32xf32, #tpu.memory_space<vmem_shared>> -> memref<128x32xf32, #tpu.memory_space<vmem_shared>>
    %dma_wait3A_191 = arith.constant 0 : i32
    %dma_wait3A_192 = tpu.memref_slice %arg8[%mul3A_183, %dma_wait3A_191] : memref<10240x32xf32, #tpu.memory_space<vmem_shared>> -> memref<128x32xf32, #tpu.memory_space<vmem_shared>>
    %dma_wait3A_193 = arith.constant 0 : i32
    %dma_wait3A_194 = arith.constant 0 : i32
    %dma_wait3A_195 = tpu.memref_slice %arg7[%dma_wait3A_184, %dma_wait3A_193, %dma_wait3A_194] : memref<8x128x32xf32, #tpu.memory_space<vmem>> -> memref<1x128x32xf32, #tpu.memory_space<vmem>>
    %dma_wait3A_196 = tpu.memref_squeeze %dma_wait3A_195 : memref<1x128x32xf32, #tpu.memory_space<vmem>> -> memref<128x32xf32, #tpu.memory_space<vmem>>
    tpu.wait_dma2 semaphore(%arg10 : memref<!tpu.dma_semaphore, #tpu.memory_space<semaphore_mem>>) src(%dma_wait3A_196 : memref<128x32xf32, #tpu.memory_space<vmem>>) dst(%dma_wait3A_192 : memref<128x32xf32, #tpu.memory_space<vmem_shared>>)
    %mul3A_197 = arith.constant 640 : i32
    %mul3A_198 = arith.muli %arg1, %mul3A_197 : i32
    %mul3A_199 = arith.constant 640 : i32
    %mul3A_200 = arith.muli %arg1, %mul3A_199 : i32
    %dma_wait3A_201 = arith.constant 0 : i32
    %dma_wait3A_202 = tpu.memref_slice %arg9[%mul3A_200, %dma_wait3A_201] : memref<10240x32xf32, #tpu.memory_space<vmem_shared>> -> memref<640x32xf32, #tpu.memory_space<vmem_shared>>
    %dma_wait3A_203 = arith.constant 0 : i32
    %dma_wait3A_204 = tpu.memref_slice %arg2[%mul3A_198, %dma_wait3A_203] : memref<10240x32xf32, #tpu.memory_space<hbm>> -> memref<640x32xf32, #tpu.memory_space<hbm>>
    tpu.wait_dma2 semaphore(%arg11 : memref<!tpu.dma_semaphore, #tpu.memory_space<semaphore_mem>>) src(%dma_wait3A_204 : memref<640x32xf32, #tpu.memory_space<hbm>>) dst(%dma_wait3A_202 : memref<640x32xf32, #tpu.memory_space<vmem_shared>>)
    %barrier3A = arith.constant 0 : index
    tpu.barrier barrier_id(%barrier3A)
    %mul3A_205 = arith.constant 80 : i32
    %mul3A_206 = arith.muli %add3A, %mul3A_205 : i32
    %run_scoped3A = arith.constant 1 : i32
    "tpu.region"() ({
      %run_scoped3A_316 = tpu.sem_alloc : memref<!tpu.dma_semaphore, #tpu.memory_space<semaphore_mem>>
      %dma_start3A_317 = arith.constant 0 : i32
      %dma_start3A_318 = arith.constant 0 : i32
      %dma_start3A_319 = tpu.memref_slice %arg3[%run_scoped3A, %dma_start3A_317, %dma_start3A_318] : memref<2x2560x128xi32, #tpu.memory_space<hbm>> -> memref<1x2560x128xi32, #tpu.memory_space<hbm>>
      %dma_start3A_320 = tpu.memref_squeeze %dma_start3A_319 : memref<1x2560x128xi32, #tpu.memory_space<hbm>> -> memref<2560x128xi32, #tpu.memory_space<hbm>>
      %dma_start3A_321 = arith.constant 0 : i32
      %dma_start3A_322 = tpu.memref_slice %dma_start3A_320[%mul3A_206, %dma_start3A_321] : memref<2560x128xi32, #tpu.memory_space<hbm>> -> memref<80x128xi32, #tpu.memory_space<hbm>>
      %dma_start3A_323 = arith.constant 0 : i32
      %dma_start3A_324 = arith.constant 0 : i32
      %dma_start3A_325 = tpu.memref_slice %arg3[%run_scoped3A, %dma_start3A_323, %dma_start3A_324] : memref<2x2560x128xi32, #tpu.memory_space<hbm>> -> memref<1x2560x128xi32, #tpu.memory_space<hbm>>
      %dma_start3A_326 = tpu.memref_squeeze %dma_start3A_325 : memref<1x2560x128xi32, #tpu.memory_space<hbm>> -> memref<2560x128xi32, #tpu.memory_space<hbm>>
      %dma_start3A_327 = arith.constant 0 : i32
      %dma_start3A_328 = tpu.memref_slice %dma_start3A_326[%mul3A_206, %dma_start3A_327] : memref<2560x128xi32, #tpu.memory_space<hbm>> -> memref<80x128xi32, #tpu.memory_space<hbm>>
      tpu.enqueue_dma source(%dma_start3A_328 : memref<80x128xi32, #tpu.memory_space<hbm>>) target(%arg6 : memref<80x128xi32, #tpu.memory_space<vmem>>) target_semaphore(%run_scoped3A_316 : memref<!tpu.dma_semaphore, #tpu.memory_space<semaphore_mem>>)
      %dma_wait3A_329 = arith.constant 0 : i32
      %dma_wait3A_330 = arith.constant 0 : i32
      %dma_wait3A_331 = tpu.memref_slice %arg3[%run_scoped3A, %dma_wait3A_329, %dma_wait3A_330] : memref<2x2560x128xi32, #tpu.memory_space<hbm>> -> memref<1x2560x128xi32, #tpu.memory_space<hbm>>
      %dma_wait3A_332 = tpu.memref_squeeze %dma_wait3A_331 : memref<1x2560x128xi32, #tpu.memory_space<hbm>> -> memref<2560x128xi32, #tpu.memory_space<hbm>>
      %dma_wait3A_333 = arith.constant 0 : i32
      %dma_wait3A_334 = tpu.memref_slice %dma_wait3A_332[%mul3A_206, %dma_wait3A_333] : memref<2560x128xi32, #tpu.memory_space<hbm>> -> memref<80x128xi32, #tpu.memory_space<hbm>>
      %dma_wait3A_335 = arith.constant 0 : i32
      %dma_wait3A_336 = arith.constant 0 : i32
      %dma_wait3A_337 = tpu.memref_slice %arg3[%run_scoped3A, %dma_wait3A_335, %dma_wait3A_336] : memref<2x2560x128xi32, #tpu.memory_space<hbm>> -> memref<1x2560x128xi32, #tpu.memory_space<hbm>>
      %dma_wait3A_338 = tpu.memref_squeeze %dma_wait3A_337 : memref<1x2560x128xi32, #tpu.memory_space<hbm>> -> memref<2560x128xi32, #tpu.memory_space<hbm>>
      %dma_wait3A_339 = arith.constant 0 : i32
      %dma_wait3A_340 = tpu.memref_slice %dma_wait3A_338[%mul3A_206, %dma_wait3A_339] : memref<2560x128xi32, #tpu.memory_space<hbm>> -> memref<80x128xi32, #tpu.memory_space<hbm>>
      tpu.wait_dma2 semaphore(%run_scoped3A_316 : memref<!tpu.dma_semaphore, #tpu.memory_space<semaphore_mem>>) src(%dma_wait3A_340 : memref<80x128xi32, #tpu.memory_space<hbm>>) dst(%arg6 : memref<80x128xi32, #tpu.memory_space<vmem>>)
      tpu.yield
    }) : () -> ()
    %mul3A_207 = arith.constant 80 : i32
    %mul3A_208 = arith.muli %add3A, %mul3A_207 : i32
    %run_scoped3A_209 = arith.constant 0 : i32
    "tpu.region"() ({
      %run_scoped3A_316 = tpu.sem_alloc : memref<!tpu.dma_semaphore, #tpu.memory_space<semaphore_mem>>
      %dma_start3A_317 = arith.constant 0 : i32
      %dma_start3A_318 = arith.constant 0 : i32
      %dma_start3A_319 = tpu.memref_slice %arg3[%run_scoped3A_209, %dma_start3A_317, %dma_start3A_318] : memref<2x2560x128xi32, #tpu.memory_space<hbm>> -> memref<1x2560x128xi32, #tpu.memory_space<hbm>>
      %dma_start3A_320 = tpu.memref_squeeze %dma_start3A_319 : memref<1x2560x128xi32, #tpu.memory_space<hbm>> -> memref<2560x128xi32, #tpu.memory_space<hbm>>
      %dma_start3A_321 = arith.constant 0 : i32
      %dma_start3A_322 = tpu.memref_slice %dma_start3A_320[%mul3A_208, %dma_start3A_321] : memref<2560x128xi32, #tpu.memory_space<hbm>> -> memref<80x128xi32, #tpu.memory_space<hbm>>
      %dma_start3A_323 = arith.constant 0 : i32
      %dma_start3A_324 = arith.constant 0 : i32
      %dma_start3A_325 = tpu.memref_slice %arg3[%run_scoped3A_209, %dma_start3A_323, %dma_start3A_324] : memref<2x2560x128xi32, #tpu.memory_space<hbm>> -> memref<1x2560x128xi32, #tpu.memory_space<hbm>>
      %dma_start3A_326 = tpu.memref_squeeze %dma_start3A_325 : memref<1x2560x128xi32, #tpu.memory_space<hbm>> -> memref<2560x128xi32, #tpu.memory_space<hbm>>
      %dma_start3A_327 = arith.constant 0 : i32
      %dma_start3A_328 = tpu.memref_slice %dma_start3A_326[%mul3A_208, %dma_start3A_327] : memref<2560x128xi32, #tpu.memory_space<hbm>> -> memref<80x128xi32, #tpu.memory_space<hbm>>
      tpu.enqueue_dma source(%dma_start3A_328 : memref<80x128xi32, #tpu.memory_space<hbm>>) target(%arg5 : memref<80x128xi32, #tpu.memory_space<vmem>>) target_semaphore(%run_scoped3A_316 : memref<!tpu.dma_semaphore, #tpu.memory_space<semaphore_mem>>)
      %dma_wait3A_329 = arith.constant 0 : i32
      %dma_wait3A_330 = arith.constant 0 : i32
      %dma_wait3A_331 = tpu.memref_slice %arg3[%run_scoped3A_209, %dma_wait3A_329, %dma_wait3A_330] : memref<2x2560x128xi32, #tpu.memory_space<hbm>> -> memref<1x2560x128xi32, #tpu.memory_space<hbm>>
      %dma_wait3A_332 = tpu.memref_squeeze %dma_wait3A_331 : memref<1x2560x128xi32, #tpu.memory_space<hbm>> -> memref<2560x128xi32, #tpu.memory_space<hbm>>
      %dma_wait3A_333 = arith.constant 0 : i32
      %dma_wait3A_334 = tpu.memref_slice %dma_wait3A_332[%mul3A_208, %dma_wait3A_333] : memref<2560x128xi32, #tpu.memory_space<hbm>> -> memref<80x128xi32, #tpu.memory_space<hbm>>
      %dma_wait3A_335 = arith.constant 0 : i32
      %dma_wait3A_336 = arith.constant 0 : i32
      %dma_wait3A_337 = tpu.memref_slice %arg3[%run_scoped3A_209, %dma_wait3A_335, %dma_wait3A_336] : memref<2x2560x128xi32, #tpu.memory_space<hbm>> -> memref<1x2560x128xi32, #tpu.memory_space<hbm>>
      %dma_wait3A_338 = tpu.memref_squeeze %dma_wait3A_337 : memref<1x2560x128xi32, #tpu.memory_space<hbm>> -> memref<2560x128xi32, #tpu.memory_space<hbm>>
      %dma_wait3A_339 = arith.constant 0 : i32
      %dma_wait3A_340 = tpu.memref_slice %dma_wait3A_338[%mul3A_208, %dma_wait3A_339] : memref<2560x128xi32, #tpu.memory_space<hbm>> -> memref<80x128xi32, #tpu.memory_space<hbm>>
      tpu.wait_dma2 semaphore(%run_scoped3A_316 : memref<!tpu.dma_semaphore, #tpu.memory_space<semaphore_mem>>) src(%dma_wait3A_340 : memref<80x128xi32, #tpu.memory_space<hbm>>) dst(%arg5 : memref<80x128xi32, #tpu.memory_space<vmem>>)
      tpu.yield
    }) : () -> ()
    %dma_start3A_210 = arith.constant 0 : i32
    %dma_start3A_211 = arith.constant 0 : i32
    %dma_start3A_212 = arith.constant 0 : i32
    %dma_start3A_213 = arith.constant 0 : i32
    %dma_start3A_214 = tpu.memref_slice %arg7[%dma_start3A_211, %dma_start3A_212, %dma_start3A_213] : memref<8x128x32xf32, #tpu.memory_space<vmem>> -> memref<1x128x32xf32, #tpu.memory_space<vmem>>
    %dma_start3A_215 = tpu.memref_squeeze %dma_start3A_214 : memref<1x128x32xf32, #tpu.memory_space<vmem>> -> memref<128x32xf32, #tpu.memory_space<vmem>>
    %dma_start3A_216 = arith.constant 0 : i32
    %dma_start3A_217 = tpu.memref_slice %arg5[%dma_start3A_210, %dma_start3A_216] : memref<80x128xi32, #tpu.memory_space<vmem>> -> memref<1x128xi32, #tpu.memory_space<vmem>>
    %dma_start3A_218 = tpu.memref_squeeze %dma_start3A_217 : memref<1x128xi32, #tpu.memory_space<vmem>> -> memref<128xi32, #tpu.memory_space<vmem>>
    %dma_start3A_219 = arith.constant 0 : i32
    %dma_start3A_220 = arith.constant 0 : i32
    %dma_start3A_221 = tpu.memref_slice %arg9[%dma_start3A_219, %dma_start3A_220] : memref<10240x32xf32, #tpu.memory_space<vmem_shared>> -> memref<10240x32xf32, #tpu.memory_space<vmem_shared>>
    tpu.enqueue_indirect_dma source(%dma_start3A_221 : memref<10240x32xf32, #tpu.memory_space<vmem_shared>>) target(%dma_start3A_215 : memref<128x32xf32, #tpu.memory_space<vmem>>) offsets(%dma_start3A_218 : memref<128xi32, #tpu.memory_space<vmem>>) semaphore(%arg10 : memref<!tpu.dma_semaphore, #tpu.memory_space<semaphore_mem>>)
    %dma_start3A_222 = arith.constant 1 : i32
    %dma_start3A_223 = arith.constant 1 : i32
    %dma_start3A_224 = arith.constant 0 : i32
    %dma_start3A_225 = arith.constant 0 : i32
    %dma_start3A_226 = tpu.memref_slice %arg7[%dma_start3A_223, %dma_start3A_224, %dma_start3A_225] : memref<8x128x32xf32, #tpu.memory_space<vmem>> -> memref<1x128x32xf32, #tpu.memory_space<vmem>>
    %dma_start3A_227 = tpu.memref_squeeze %dma_start3A_226 : memref<1x128x32xf32, #tpu.memory_space<vmem>> -> memref<128x32xf32, #tpu.memory_space<vmem>>
    %dma_start3A_228 = arith.constant 0 : i32
    %dma_start3A_229 = tpu.memref_slice %arg5[%dma_start3A_222, %dma_start3A_228] : memref<80x128xi32, #tpu.memory_space<vmem>> -> memref<1x128xi32, #tpu.memory_space<vmem>>
    %dma_start3A_230 = tpu.memref_squeeze %dma_start3A_229 : memref<1x128xi32, #tpu.memory_space<vmem>> -> memref<128xi32, #tpu.memory_space<vmem>>
    %dma_start3A_231 = arith.constant 0 : i32
    %dma_start3A_232 = arith.constant 0 : i32
    %dma_start3A_233 = tpu.memref_slice %arg9[%dma_start3A_231, %dma_start3A_232] : memref<10240x32xf32, #tpu.memory_space<vmem_shared>> -> memref<10240x32xf32, #tpu.memory_space<vmem_shared>>
    tpu.enqueue_indirect_dma source(%dma_start3A_233 : memref<10240x32xf32, #tpu.memory_space<vmem_shared>>) target(%dma_start3A_227 : memref<128x32xf32, #tpu.memory_space<vmem>>) offsets(%dma_start3A_230 : memref<128xi32, #tpu.memory_space<vmem>>) semaphore(%arg10 : memref<!tpu.dma_semaphore, #tpu.memory_space<semaphore_mem>>)
    %dma_start3A_234 = arith.constant 2 : i32
    %dma_start3A_235 = arith.constant 2 : i32
    %dma_start3A_236 = arith.constant 0 : i32
    %dma_start3A_237 = arith.constant 0 : i32
    %dma_start3A_238 = tpu.memref_slice %arg7[%dma_start3A_235, %dma_start3A_236, %dma_start3A_237] : memref<8x128x32xf32, #tpu.memory_space<vmem>> -> memref<1x128x32xf32, #tpu.memory_space<vmem>>
    %dma_start3A_239 = tpu.memref_squeeze %dma_start3A_238 : memref<1x128x32xf32, #tpu.memory_space<vmem>> -> memref<128x32xf32, #tpu.memory_space<vmem>>
    %dma_start3A_240 = arith.constant 0 : i32
    %dma_start3A_241 = tpu.memref_slice %arg5[%dma_start3A_234, %dma_start3A_240] : memref<80x128xi32, #tpu.memory_space<vmem>> -> memref<1x128xi32, #tpu.memory_space<vmem>>
    %dma_start3A_242 = tpu.memref_squeeze %dma_start3A_241 : memref<1x128xi32, #tpu.memory_space<vmem>> -> memref<128xi32, #tpu.memory_space<vmem>>
    %dma_start3A_243 = arith.constant 0 : i32
    %dma_start3A_244 = arith.constant 0 : i32
    %dma_start3A_245 = tpu.memref_slice %arg9[%dma_start3A_243, %dma_start3A_244] : memref<10240x32xf32, #tpu.memory_space<vmem_shared>> -> memref<10240x32xf32, #tpu.memory_space<vmem_shared>>
    tpu.enqueue_indirect_dma source(%dma_start3A_245 : memref<10240x32xf32, #tpu.memory_space<vmem_shared>>) target(%dma_start3A_239 : memref<128x32xf32, #tpu.memory_space<vmem>>) offsets(%dma_start3A_242 : memref<128xi32, #tpu.memory_space<vmem>>) semaphore(%arg10 : memref<!tpu.dma_semaphore, #tpu.memory_space<semaphore_mem>>)
    %dma_start3A_246 = arith.constant 3 : i32
    %dma_start3A_247 = arith.constant 3 : i32
    %dma_start3A_248 = arith.constant 0 : i32
    %dma_start3A_249 = arith.constant 0 : i32
    %dma_start3A_250 = tpu.memref_slice %arg7[%dma_start3A_247, %dma_start3A_248, %dma_start3A_249] : memref<8x128x32xf32, #tpu.memory_space<vmem>> -> memref<1x128x32xf32, #tpu.memory_space<vmem>>
    %dma_start3A_251 = tpu.memref_squeeze %dma_start3A_250 : memref<1x128x32xf32, #tpu.memory_space<vmem>> -> memref<128x32xf32, #tpu.memory_space<vmem>>
    %dma_start3A_252 = arith.constant 0 : i32
    %dma_start3A_253 = tpu.memref_slice %arg5[%dma_start3A_246, %dma_start3A_252] : memref<80x128xi32, #tpu.memory_space<vmem>> -> memref<1x128xi32, #tpu.memory_space<vmem>>
    %dma_start3A_254 = tpu.memref_squeeze %dma_start3A_253 : memref<1x128xi32, #tpu.memory_space<vmem>> -> memref<128xi32, #tpu.memory_space<vmem>>
    %dma_start3A_255 = arith.constant 0 : i32
    %dma_start3A_256 = arith.constant 0 : i32
    %dma_start3A_257 = tpu.memref_slice %arg9[%dma_start3A_255, %dma_start3A_256] : memref<10240x32xf32, #tpu.memory_space<vmem_shared>> -> memref<10240x32xf32, #tpu.memory_space<vmem_shared>>
    tpu.enqueue_indirect_dma source(%dma_start3A_257 : memref<10240x32xf32, #tpu.memory_space<vmem_shared>>) target(%dma_start3A_251 : memref<128x32xf32, #tpu.memory_space<vmem>>) offsets(%dma_start3A_254 : memref<128xi32, #tpu.memory_space<vmem>>) semaphore(%arg10 : memref<!tpu.dma_semaphore, #tpu.memory_space<semaphore_mem>>)
    %scan3A_258 = arith.constant 0 : i32
    %scan3A_259 = arith.constant 10 : i32
    %scan3A_260 = arith.addi %scan3A_258, %scan3A_259 : i32
    %scan3A_261 = arith.constant 1 : i32
    scf.for %scan3A_316 = %scan3A_258 to %scan3A_260 step %scan3A_261  : i32 {
      %mul3A_317 = arith.constant 1 : i32
      %mul3A_318 = arith.muli %scan3A_316, %mul3A_317 : i32
      %add3A_319 = arith.constant 0 : i32
      %add3A_320 = arith.addi %add3A_319, %mul3A_318 : i32
      %mul3A_321 = arith.constant 2 : i32
      %mul3A_322 = arith.muli %add3A_320, %mul3A_321 : i32
      %mul3A_323 = arith.constant 4 : i32
      %mul3A_324 = arith.muli %mul3A_322, %mul3A_323 : i32
      %gt3A = arith.constant 0 : i32
      %gt3A_325 = arith.cmpi sgt, %add3A_320, %gt3A : i32
      %convert_element_type3A = arith.extui %gt3A_325 : i1 to i32
      %cond3A = arith.constant 0 : i32
      %cond3A_326 = arith.cmpi ne, %convert_element_type3A, %cond3A : i32
      scf.if %cond3A_326 {
        %dma_wait3A_647 = arith.constant 4 : i32
        %dma_wait3A_648 = arith.constant 0 : i32
        %dma_wait3A_649 = arith.constant 0 : i32
        %dma_wait3A_650 = arith.constant 0 : i32
        %dma_wait3A_651 = tpu.memref_slice %arg7[%dma_wait3A_647, %dma_wait3A_649, %dma_wait3A_650] : memref<8x128x32xf32, #tpu.memory_space<vmem>> -> memref<1x128x32xf32, #tpu.memory_space<vmem>>
        %dma_wait3A_652 = tpu.memref_squeeze %dma_wait3A_651 : memref<1x128x32xf32, #tpu.memory_space<vmem>> -> memref<128x32xf32, #tpu.memory_space<vmem>>
        %dma_wait3A_653 = arith.constant 0 : i32
        %dma_wait3A_654 = tpu.memref_slice %arg6[%dma_wait3A_648, %dma_wait3A_653] : memref<80x128xi32, #tpu.memory_space<vmem>> -> memref<1x128xi32, #tpu.memory_space<vmem>>
        %dma_wait3A_655 = tpu.memref_squeeze %dma_wait3A_654 : memref<1x128xi32, #tpu.memory_space<vmem>> -> memref<128xi32, #tpu.memory_space<vmem>>
        %dma_wait3A_656 = arith.constant 0 : i32
        %dma_wait3A_657 = arith.constant 0 : i32
        %dma_wait3A_658 = tpu.memref_slice %arg8[%dma_wait3A_656, %dma_wait3A_657] : memref<10240x32xf32, #tpu.memory_space<vmem_shared>> -> memref<10240x32xf32, #tpu.memory_space<vmem_shared>>
        tpu.wait_indirect_dma semaphore(%arg13 : memref<!tpu.dma_semaphore, #tpu.memory_space<semaphore_mem>>) src(%dma_wait3A_652 : memref<128x32xf32, #tpu.memory_space<vmem>>) dst(%dma_wait3A_658 : memref<10240x32xf32, #tpu.memory_space<vmem_shared>>)
        %dma_wait3A_659 = arith.constant 5 : i32
        %dma_wait3A_660 = arith.constant 0 : i32
        %dma_wait3A_661 = arith.constant 0 : i32
        %dma_wait3A_662 = arith.constant 0 : i32
        %dma_wait3A_663 = tpu.memref_slice %arg7[%dma_wait3A_659, %dma_wait3A_661, %dma_wait3A_662] : memref<8x128x32xf32, #tpu.memory_space<vmem>> -> memref<1x128x32xf32, #tpu.memory_space<vmem>>
        %dma_wait3A_664 = tpu.memref_squeeze %dma_wait3A_663 : memref<1x128x32xf32, #tpu.memory_space<vmem>> -> memref<128x32xf32, #tpu.memory_space<vmem>>
        %dma_wait3A_665 = arith.constant 0 : i32
        %dma_wait3A_666 = tpu.memref_slice %arg6[%dma_wait3A_660, %dma_wait3A_665] : memref<80x128xi32, #tpu.memory_space<vmem>> -> memref<1x128xi32, #tpu.memory_space<vmem>>
        %dma_wait3A_667 = tpu.memref_squeeze %dma_wait3A_666 : memref<1x128xi32, #tpu.memory_space<vmem>> -> memref<128xi32, #tpu.memory_space<vmem>>
        %dma_wait3A_668 = arith.constant 0 : i32
        %dma_wait3A_669 = arith.constant 0 : i32
        %dma_wait3A_670 = tpu.memref_slice %arg8[%dma_wait3A_668, %dma_wait3A_669] : memref<10240x32xf32, #tpu.memory_space<vmem_shared>> -> memref<10240x32xf32, #tpu.memory_space<vmem_shared>>
        tpu.wait_indirect_dma semaphore(%arg13 : memref<!tpu.dma_semaphore, #tpu.memory_space<semaphore_mem>>) src(%dma_wait3A_664 : memref<128x32xf32, #tpu.memory_space<vmem>>) dst(%dma_wait3A_670 : memref<10240x32xf32, #tpu.memory_space<vmem_shared>>)
        %dma_wait3A_671 = arith.constant 6 : i32
        %dma_wait3A_672 = arith.constant 0 : i32
        %dma_wait3A_673 = arith.constant 0 : i32
        %dma_wait3A_674 = arith.constant 0 : i32
        %dma_wait3A_675 = tpu.memref_slice %arg7[%dma_wait3A_671, %dma_wait3A_673, %dma_wait3A_674] : memref<8x128x32xf32, #tpu.memory_space<vmem>> -> memref<1x128x32xf32, #tpu.memory_space<vmem>>
        %dma_wait3A_676 = tpu.memref_squeeze %dma_wait3A_675 : memref<1x128x32xf32, #tpu.memory_space<vmem>> -> memref<128x32xf32, #tpu.memory_space<vmem>>
        %dma_wait3A_677 = arith.constant 0 : i32
        %dma_wait3A_678 = tpu.memref_slice %arg6[%dma_wait3A_672, %dma_wait3A_677] : memref<80x128xi32, #tpu.memory_space<vmem>> -> memref<1x128xi32, #tpu.memory_space<vmem>>
        %dma_wait3A_679 = tpu.memref_squeeze %dma_wait3A_678 : memref<1x128xi32, #tpu.memory_space<vmem>> -> memref<128xi32, #tpu.memory_space<vmem>>
        %dma_wait3A_680 = arith.constant 0 : i32
        %dma_wait3A_681 = arith.constant 0 : i32
        %dma_wait3A_682 = tpu.memref_slice %arg8[%dma_wait3A_680, %dma_wait3A_681] : memref<10240x32xf32, #tpu.memory_space<vmem_shared>> -> memref<10240x32xf32, #tpu.memory_space<vmem_shared>>
        tpu.wait_indirect_dma semaphore(%arg13 : memref<!tpu.dma_semaphore, #tpu.memory_space<semaphore_mem>>) src(%dma_wait3A_676 : memref<128x32xf32, #tpu.memory_space<vmem>>) dst(%dma_wait3A_682 : memref<10240x32xf32, #tpu.memory_space<vmem_shared>>)
        %dma_wait3A_683 = arith.constant 7 : i32
        %dma_wait3A_684 = arith.constant 0 : i32
        %dma_wait3A_685 = arith.constant 0 : i32
        %dma_wait3A_686 = arith.constant 0 : i32
        %dma_wait3A_687 = tpu.memref_slice %arg7[%dma_wait3A_683, %dma_wait3A_685, %dma_wait3A_686] : memref<8x128x32xf32, #tpu.memory_space<vmem>> -> memref<1x128x32xf32, #tpu.memory_space<vmem>>
        %dma_wait3A_688 = tpu.memref_squeeze %dma_wait3A_687 : memref<1x128x32xf32, #tpu.memory_space<vmem>> -> memref<128x32xf32, #tpu.memory_space<vmem>>
        %dma_wait3A_689 = arith.constant 0 : i32
        %dma_wait3A_690 = tpu.memref_slice %arg6[%dma_wait3A_684, %dma_wait3A_689] : memref<80x128xi32, #tpu.memory_space<vmem>> -> memref<1x128xi32, #tpu.memory_space<vmem>>
        %dma_wait3A_691 = tpu.memref_squeeze %dma_wait3A_690 : memref<1x128xi32, #tpu.memory_space<vmem>> -> memref<128xi32, #tpu.memory_space<vmem>>
        %dma_wait3A_692 = arith.constant 0 : i32
        %dma_wait3A_693 = arith.constant 0 : i32
        %dma_wait3A_694 = tpu.memref_slice %arg8[%dma_wait3A_692, %dma_wait3A_693] : memref<10240x32xf32, #tpu.memory_space<vmem_shared>> -> memref<10240x32xf32, #tpu.memory_space<vmem_shared>>
        tpu.wait_indirect_dma semaphore(%arg13 : memref<!tpu.dma_semaphore, #tpu.memory_space<semaphore_mem>>) src(%dma_wait3A_688 : memref<128x32xf32, #tpu.memory_space<vmem>>) dst(%dma_wait3A_694 : memref<10240x32xf32, #tpu.memory_space<vmem_shared>>)
      } else {
      }
      %add3A_327 = arith.constant 4 : i32
      %add3A_328 = arith.addi %mul3A_324, %add3A_327 : i32
      %add3A_329 = arith.constant 0 : i32
      %add3A_330 = arith.addi %add3A_328, %add3A_329 : i32
      %dma_start3A_331 = arith.constant 4 : i32
      %dma_start3A_332 = arith.constant 0 : i32
      %dma_start3A_333 = arith.constant 0 : i32
      %dma_start3A_334 = tpu.memref_slice %arg7[%dma_start3A_331, %dma_start3A_332, %dma_start3A_333] : memref<8x128x32xf32, #tpu.memory_space<vmem>> -> memref<1x128x32xf32, #tpu.memory_space<vmem>>
      %dma_start3A_335 = tpu.memref_squeeze %dma_start3A_334 : memref<1x128x32xf32, #tpu.memory_space<vmem>> -> memref<128x32xf32, #tpu.memory_space<vmem>>
      %dma_start3A_336 = arith.constant 0 : i32
      %dma_start3A_337 = tpu.memref_slice %arg5[%add3A_330, %dma_start3A_336] : memref<80x128xi32, #tpu.memory_space<vmem>> -> memref<1x128xi32, #tpu.memory_space<vmem>>
      %dma_start3A_338 = tpu.memref_squeeze %dma_start3A_337 : memref<1x128xi32, #tpu.memory_space<vmem>> -> memref<128xi32, #tpu.memory_space<vmem>>
      %dma_start3A_339 = arith.constant 0 : i32
      %dma_start3A_340 = arith.constant 0 : i32
      %dma_start3A_341 = tpu.memref_slice %arg9[%dma_start3A_339, %dma_start3A_340] : memref<10240x32xf32, #tpu.memory_space<vmem_shared>> -> memref<10240x32xf32, #tpu.memory_space<vmem_shared>>
      tpu.enqueue_indirect_dma source(%dma_start3A_341 : memref<10240x32xf32, #tpu.memory_space<vmem_shared>>) target(%dma_start3A_335 : memref<128x32xf32, #tpu.memory_space<vmem>>) offsets(%dma_start3A_338 : memref<128xi32, #tpu.memory_space<vmem>>) semaphore(%arg11 : memref<!tpu.dma_semaphore, #tpu.memory_space<semaphore_mem>>)
      %add3A_342 = arith.constant 4 : i32
      %add3A_343 = arith.addi %mul3A_324, %add3A_342 : i32
      %add3A_344 = arith.constant 1 : i32
      %add3A_345 = arith.addi %add3A_343, %add3A_344 : i32
      %dma_start3A_346 = arith.constant 5 : i32
      %dma_start3A_347 = arith.constant 0 : i32
      %dma_start3A_348 = arith.constant 0 : i32
      %dma_start3A_349 = tpu.memref_slice %arg7[%dma_start3A_346, %dma_start3A_347, %dma_start3A_348] : memref<8x128x32xf32, #tpu.memory_space<vmem>> -> memref<1x128x32xf32, #tpu.memory_space<vmem>>
      %dma_start3A_350 = tpu.memref_squeeze %dma_start3A_349 : memref<1x128x32xf32, #tpu.memory_space<vmem>> -> memref<128x32xf32, #tpu.memory_space<vmem>>
      %dma_start3A_351 = arith.constant 0 : i32
      %dma_start3A_352 = tpu.memref_slice %arg5[%add3A_345, %dma_start3A_351] : memref<80x128xi32, #tpu.memory_space<vmem>> -> memref<1x128xi32, #tpu.memory_space<vmem>>
      %dma_start3A_353 = tpu.memref_squeeze %dma_start3A_352 : memref<1x128xi32, #tpu.memory_space<vmem>> -> memref<128xi32, #tpu.memory_space<vmem>>
      %dma_start3A_354 = arith.constant 0 : i32
      %dma_start3A_355 = arith.constant 0 : i32
      %dma_start3A_356 = tpu.memref_slice %arg9[%dma_start3A_354, %dma_start3A_355] : memref<10240x32xf32, #tpu.memory_space<vmem_shared>> -> memref<10240x32xf32, #tpu.memory_space<vmem_shared>>
      tpu.enqueue_indirect_dma source(%dma_start3A_356 : memref<10240x32xf32, #tpu.memory_space<vmem_shared>>) target(%dma_start3A_350 : memref<128x32xf32, #tpu.memory_space<vmem>>) offsets(%dma_start3A_353 : memref<128xi32, #tpu.memory_space<vmem>>) semaphore(%arg11 : memref<!tpu.dma_semaphore, #tpu.memory_space<semaphore_mem>>)
      %add3A_357 = arith.constant 4 : i32
      %add3A_358 = arith.addi %mul3A_324, %add3A_357 : i32
      %add3A_359 = arith.constant 2 : i32
      %add3A_360 = arith.addi %add3A_358, %add3A_359 : i32
      %dma_start3A_361 = arith.constant 6 : i32
      %dma_start3A_362 = arith.constant 0 : i32
      %dma_start3A_363 = arith.constant 0 : i32
      %dma_start3A_364 = tpu.memref_slice %arg7[%dma_start3A_361, %dma_start3A_362, %dma_start3A_363] : memref<8x128x32xf32, #tpu.memory_space<vmem>> -> memref<1x128x32xf32, #tpu.memory_space<vmem>>
      %dma_start3A_365 = tpu.memref_squeeze %dma_start3A_364 : memref<1x128x32xf32, #tpu.memory_space<vmem>> -> memref<128x32xf32, #tpu.memory_space<vmem>>
      %dma_start3A_366 = arith.constant 0 : i32
      %dma_start3A_367 = tpu.memref_slice %arg5[%add3A_360, %dma_start3A_366] : memref<80x128xi32, #tpu.memory_space<vmem>> -> memref<1x128xi32, #tpu.memory_space<vmem>>
      %dma_start3A_368 = tpu.memref_squeeze %dma_start3A_367 : memref<1x128xi32, #tpu.memory_space<vmem>> -> memref<128xi32, #tpu.memory_space<vmem>>
      %dma_start3A_369 = arith.constant 0 : i32
      %dma_start3A_370 = arith.constant 0 : i32
      %dma_start3A_371 = tpu.memref_slice %arg9[%dma_start3A_369, %dma_start3A_370] : memref<10240x32xf32, #tpu.memory_space<vmem_shared>> -> memref<10240x32xf32, #tpu.memory_space<vmem_shared>>
      tpu.enqueue_indirect_dma source(%dma_start3A_371 : memref<10240x32xf32, #tpu.memory_space<vmem_shared>>) target(%dma_start3A_365 : memref<128x32xf32, #tpu.memory_space<vmem>>) offsets(%dma_start3A_368 : memref<128xi32, #tpu.memory_space<vmem>>) semaphore(%arg11 : memref<!tpu.dma_semaphore, #tpu.memory_space<semaphore_mem>>)
      %add3A_372 = arith.constant 4 : i32
      %add3A_373 = arith.addi %mul3A_324, %add3A_372 : i32
      %add3A_374 = arith.constant 3 : i32
      %add3A_375 = arith.addi %add3A_373, %add3A_374 : i32
      %dma_start3A_376 = arith.constant 7 : i32
      %dma_start3A_377 = arith.constant 0 : i32
      %dma_start3A_378 = arith.constant 0 : i32
      %dma_start3A_379 = tpu.memref_slice %arg7[%dma_start3A_376, %dma_start3A_377, %dma_start3A_378] : memref<8x128x32xf32, #tpu.memory_space<vmem>> -> memref<1x128x32xf32, #tpu.memory_space<vmem>>
      %dma_start3A_380 = tpu.memref_squeeze %dma_start3A_379 : memref<1x128x32xf32, #tpu.memory_space<vmem>> -> memref<128x32xf32, #tpu.memory_space<vmem>>
      %dma_start3A_381 = arith.constant 0 : i32
      %dma_start3A_382 = tpu.memref_slice %arg5[%add3A_375, %dma_start3A_381] : memref<80x128xi32, #tpu.memory_space<vmem>> -> memref<1x128xi32, #tpu.memory_space<vmem>>
      %dma_start3A_383 = tpu.memref_squeeze %dma_start3A_382 : memref<1x128xi32, #tpu.memory_space<vmem>> -> memref<128xi32, #tpu.memory_space<vmem>>
      %dma_start3A_384 = arith.constant 0 : i32
      %dma_start3A_385 = arith.constant 0 : i32
      %dma_start3A_386 = tpu.memref_slice %arg9[%dma_start3A_384, %dma_start3A_385] : memref<10240x32xf32, #tpu.memory_space<vmem_shared>> -> memref<10240x32xf32, #tpu.memory_space<vmem_shared>>
      tpu.enqueue_indirect_dma source(%dma_start3A_386 : memref<10240x32xf32, #tpu.memory_space<vmem_shared>>) target(%dma_start3A_380 : memref<128x32xf32, #tpu.memory_space<vmem>>) offsets(%dma_start3A_383 : memref<128xi32, #tpu.memory_space<vmem>>) semaphore(%arg11 : memref<!tpu.dma_semaphore, #tpu.memory_space<semaphore_mem>>)
      %dma_wait3A_387 = arith.constant 0 : i32
      %dma_wait3A_388 = arith.constant 0 : i32
      %dma_wait3A_389 = arith.constant 0 : i32
      %dma_wait3A_390 = arith.constant 0 : i32
      %dma_wait3A_391 = tpu.memref_slice %arg7[%dma_wait3A_388, %dma_wait3A_389, %dma_wait3A_390] : memref<8x128x32xf32, #tpu.memory_space<vmem>> -> memref<1x128x32xf32, #tpu.memory_space<vmem>>
      %dma_wait3A_392 = tpu.memref_squeeze %dma_wait3A_391 : memref<1x128x32xf32, #tpu.memory_space<vmem>> -> memref<128x32xf32, #tpu.memory_space<vmem>>
      %dma_wait3A_393 = arith.constant 0 : i32
      %dma_wait3A_394 = tpu.memref_slice %arg5[%dma_wait3A_387, %dma_wait3A_393] : memref<80x128xi32, #tpu.memory_space<vmem>> -> memref<1x128xi32, #tpu.memory_space<vmem>>
      %dma_wait3A_395 = tpu.memref_squeeze %dma_wait3A_394 : memref<1x128xi32, #tpu.memory_space<vmem>> -> memref<128xi32, #tpu.memory_space<vmem>>
      %dma_wait3A_396 = arith.constant 0 : i32
      %dma_wait3A_397 = arith.constant 0 : i32
      %dma_wait3A_398 = tpu.memref_slice %arg9[%dma_wait3A_396, %dma_wait3A_397] : memref<10240x32xf32, #tpu.memory_space<vmem_shared>> -> memref<10240x32xf32, #tpu.memory_space<vmem_shared>>
      tpu.wait_indirect_dma semaphore(%arg10 : memref<!tpu.dma_semaphore, #tpu.memory_space<semaphore_mem>>) src(%dma_wait3A_398 : memref<10240x32xf32, #tpu.memory_space<vmem_shared>>) dst(%dma_wait3A_392 : memref<128x32xf32, #tpu.memory_space<vmem>>)
      %dma_wait3A_399 = arith.constant 0 : i32
      %dma_wait3A_400 = arith.constant 1 : i32
      %dma_wait3A_401 = arith.constant 0 : i32
      %dma_wait3A_402 = arith.constant 0 : i32
      %dma_wait3A_403 = tpu.memref_slice %arg7[%dma_wait3A_400, %dma_wait3A_401, %dma_wait3A_402] : memref<8x128x32xf32, #tpu.memory_space<vmem>> -> memref<1x128x32xf32, #tpu.memory_space<vmem>>
      %dma_wait3A_404 = tpu.memref_squeeze %dma_wait3A_403 : memref<1x128x32xf32, #tpu.memory_space<vmem>> -> memref<128x32xf32, #tpu.memory_space<vmem>>
      %dma_wait3A_405 = arith.constant 0 : i32
      %dma_wait3A_406 = tpu.memref_slice %arg5[%dma_wait3A_399, %dma_wait3A_405] : memref<80x128xi32, #tpu.memory_space<vmem>> -> memref<1x128xi32, #tpu.memory_space<vmem>>
      %dma_wait3A_407 = tpu.memref_squeeze %dma_wait3A_406 : memref<1x128xi32, #tpu.memory_space<vmem>> -> memref<128xi32, #tpu.memory_space<vmem>>
      %dma_wait3A_408 = arith.constant 0 : i32
      %dma_wait3A_409 = arith.constant 0 : i32
      %dma_wait3A_410 = tpu.memref_slice %arg9[%dma_wait3A_408, %dma_wait3A_409] : memref<10240x32xf32, #tpu.memory_space<vmem_shared>> -> memref<10240x32xf32, #tpu.memory_space<vmem_shared>>
      tpu.wait_indirect_dma semaphore(%arg10 : memref<!tpu.dma_semaphore, #tpu.memory_space<semaphore_mem>>) src(%dma_wait3A_410 : memref<10240x32xf32, #tpu.memory_space<vmem_shared>>) dst(%dma_wait3A_404 : memref<128x32xf32, #tpu.memory_space<vmem>>)
      %dma_wait3A_411 = arith.constant 0 : i32
      %dma_wait3A_412 = arith.constant 2 : i32
      %dma_wait3A_413 = arith.constant 0 : i32
      %dma_wait3A_414 = arith.constant 0 : i32
      %dma_wait3A_415 = tpu.memref_slice %arg7[%dma_wait3A_412, %dma_wait3A_413, %dma_wait3A_414] : memref<8x128x32xf32, #tpu.memory_space<vmem>> -> memref<1x128x32xf32, #tpu.memory_space<vmem>>
      %dma_wait3A_416 = tpu.memref_squeeze %dma_wait3A_415 : memref<1x128x32xf32, #tpu.memory_space<vmem>> -> memref<128x32xf32, #tpu.memory_space<vmem>>
      %dma_wait3A_417 = arith.constant 0 : i32
      %dma_wait3A_418 = tpu.memref_slice %arg5[%dma_wait3A_411, %dma_wait3A_417] : memref<80x128xi32, #tpu.memory_space<vmem>> -> memref<1x128xi32, #tpu.memory_space<vmem>>
      %dma_wait3A_419 = tpu.memref_squeeze %dma_wait3A_418 : memref<1x128xi32, #tpu.memory_space<vmem>> -> memref<128xi32, #tpu.memory_space<vmem>>
      %dma_wait3A_420 = arith.constant 0 : i32
      %dma_wait3A_421 = arith.constant 0 : i32
      %dma_wait3A_422 = tpu.memref_slice %arg9[%dma_wait3A_420, %dma_wait3A_421] : memref<10240x32xf32, #tpu.memory_space<vmem_shared>> -> memref<10240x32xf32, #tpu.memory_space<vmem_shared>>
      tpu.wait_indirect_dma semaphore(%arg10 : memref<!tpu.dma_semaphore, #tpu.memory_space<semaphore_mem>>) src(%dma_wait3A_422 : memref<10240x32xf32, #tpu.memory_space<vmem_shared>>) dst(%dma_wait3A_416 : memref<128x32xf32, #tpu.memory_space<vmem>>)
      %dma_wait3A_423 = arith.constant 0 : i32
      %dma_wait3A_424 = arith.constant 3 : i32
      %dma_wait3A_425 = arith.constant 0 : i32
      %dma_wait3A_426 = arith.constant 0 : i32
      %dma_wait3A_427 = tpu.memref_slice %arg7[%dma_wait3A_424, %dma_wait3A_425, %dma_wait3A_426] : memref<8x128x32xf32, #tpu.memory_space<vmem>> -> memref<1x128x32xf32, #tpu.memory_space<vmem>>
      %dma_wait3A_428 = tpu.memref_squeeze %dma_wait3A_427 : memref<1x128x32xf32, #tpu.memory_space<vmem>> -> memref<128x32xf32, #tpu.memory_space<vmem>>
      %dma_wait3A_429 = arith.constant 0 : i32
      %dma_wait3A_430 = tpu.memref_slice %arg5[%dma_wait3A_423, %dma_wait3A_429] : memref<80x128xi32, #tpu.memory_space<vmem>> -> memref<1x128xi32, #tpu.memory_space<vmem>>
      %dma_wait3A_431 = tpu.memref_squeeze %dma_wait3A_430 : memref<1x128xi32, #tpu.memory_space<vmem>> -> memref<128xi32, #tpu.memory_space<vmem>>
      %dma_wait3A_432 = arith.constant 0 : i32
      %dma_wait3A_433 = arith.constant 0 : i32
      %dma_wait3A_434 = tpu.memref_slice %arg9[%dma_wait3A_432, %dma_wait3A_433] : memref<10240x32xf32, #tpu.memory_space<vmem_shared>> -> memref<10240x32xf32, #tpu.memory_space<vmem_shared>>
      tpu.wait_indirect_dma semaphore(%arg10 : memref<!tpu.dma_semaphore, #tpu.memory_space<semaphore_mem>>) src(%dma_wait3A_434 : memref<10240x32xf32, #tpu.memory_space<vmem_shared>>) dst(%dma_wait3A_428 : memref<128x32xf32, #tpu.memory_space<vmem>>)
      %add3A_435 = arith.constant 0 : i32
      %add3A_436 = arith.addi %mul3A_324, %add3A_435 : i32
      %dma_start3A_437 = arith.constant 0 : i32
      %dma_start3A_438 = arith.constant 0 : i32
      %dma_start3A_439 = arith.constant 0 : i32
      %dma_start3A_440 = tpu.memref_slice %arg7[%dma_start3A_437, %dma_start3A_438, %dma_start3A_439] : memref<8x128x32xf32, #tpu.memory_space<vmem>> -> memref<1x128x32xf32, #tpu.memory_space<vmem>>
      %dma_start3A_441 = tpu.memref_squeeze %dma_start3A_440 : memref<1x128x32xf32, #tpu.memory_space<vmem>> -> memref<128x32xf32, #tpu.memory_space<vmem>>
      %dma_start3A_442 = arith.constant 0 : i32
      %dma_start3A_443 = tpu.memref_slice %arg6[%add3A_436, %dma_start3A_442] : memref<80x128xi32, #tpu.memory_space<vmem>> -> memref<1x128xi32, #tpu.memory_space<vmem>>
      %dma_start3A_444 = tpu.memref_squeeze %dma_start3A_443 : memref<1x128xi32, #tpu.memory_space<vmem>> -> memref<128xi32, #tpu.memory_space<vmem>>
      %dma_start3A_445 = arith.constant 0 : i32
      %dma_start3A_446 = arith.constant 0 : i32
      %dma_start3A_447 = tpu.memref_slice %arg8[%dma_start3A_445, %dma_start3A_446] : memref<10240x32xf32, #tpu.memory_space<vmem_shared>> -> memref<10240x32xf32, #tpu.memory_space<vmem_shared>>
      tpu.enqueue_indirect_dma source(%dma_start3A_441 : memref<128x32xf32, #tpu.memory_space<vmem>>) target(%dma_start3A_447 : memref<10240x32xf32, #tpu.memory_space<vmem_shared>>) offsets(%dma_start3A_444 : memref<128xi32, #tpu.memory_space<vmem>>) semaphore(%arg12 : memref<!tpu.dma_semaphore, #tpu.memory_space<semaphore_mem>>) {add = true}
      %add3A_448 = arith.constant 1 : i32
      %add3A_449 = arith.addi %mul3A_324, %add3A_448 : i32
      %dma_start3A_450 = arith.constant 1 : i32
      %dma_start3A_451 = arith.constant 0 : i32
      %dma_start3A_452 = arith.constant 0 : i32
      %dma_start3A_453 = tpu.memref_slice %arg7[%dma_start3A_450, %dma_start3A_451, %dma_start3A_452] : memref<8x128x32xf32, #tpu.memory_space<vmem>> -> memref<1x128x32xf32, #tpu.memory_space<vmem>>
      %dma_start3A_454 = tpu.memref_squeeze %dma_start3A_453 : memref<1x128x32xf32, #tpu.memory_space<vmem>> -> memref<128x32xf32, #tpu.memory_space<vmem>>
      %dma_start3A_455 = arith.constant 0 : i32
      %dma_start3A_456 = tpu.memref_slice %arg6[%add3A_449, %dma_start3A_455] : memref<80x128xi32, #tpu.memory_space<vmem>> -> memref<1x128xi32, #tpu.memory_space<vmem>>
      %dma_start3A_457 = tpu.memref_squeeze %dma_start3A_456 : memref<1x128xi32, #tpu.memory_space<vmem>> -> memref<128xi32, #tpu.memory_space<vmem>>
      %dma_start3A_458 = arith.constant 0 : i32
      %dma_start3A_459 = arith.constant 0 : i32
      %dma_start3A_460 = tpu.memref_slice %arg8[%dma_start3A_458, %dma_start3A_459] : memref<10240x32xf32, #tpu.memory_space<vmem_shared>> -> memref<10240x32xf32, #tpu.memory_space<vmem_shared>>
      tpu.enqueue_indirect_dma source(%dma_start3A_454 : memref<128x32xf32, #tpu.memory_space<vmem>>) target(%dma_start3A_460 : memref<10240x32xf32, #tpu.memory_space<vmem_shared>>) offsets(%dma_start3A_457 : memref<128xi32, #tpu.memory_space<vmem>>) semaphore(%arg12 : memref<!tpu.dma_semaphore, #tpu.memory_space<semaphore_mem>>) {add = true}
      %add3A_461 = arith.constant 2 : i32
      %add3A_462 = arith.addi %mul3A_324, %add3A_461 : i32
      %dma_start3A_463 = arith.constant 2 : i32
      %dma_start3A_464 = arith.constant 0 : i32
      %dma_start3A_465 = arith.constant 0 : i32
      %dma_start3A_466 = tpu.memref_slice %arg7[%dma_start3A_463, %dma_start3A_464, %dma_start3A_465] : memref<8x128x32xf32, #tpu.memory_space<vmem>> -> memref<1x128x32xf32, #tpu.memory_space<vmem>>
      %dma_start3A_467 = tpu.memref_squeeze %dma_start3A_466 : memref<1x128x32xf32, #tpu.memory_space<vmem>> -> memref<128x32xf32, #tpu.memory_space<vmem>>
      %dma_start3A_468 = arith.constant 0 : i32
      %dma_start3A_469 = tpu.memref_slice %arg6[%add3A_462, %dma_start3A_468] : memref<80x128xi32, #tpu.memory_space<vmem>> -> memref<1x128xi32, #tpu.memory_space<vmem>>
      %dma_start3A_470 = tpu.memref_squeeze %dma_start3A_469 : memref<1x128xi32, #tpu.memory_space<vmem>> -> memref<128xi32, #tpu.memory_space<vmem>>
      %dma_start3A_471 = arith.constant 0 : i32
      %dma_start3A_472 = arith.constant 0 : i32
      %dma_start3A_473 = tpu.memref_slice %arg8[%dma_start3A_471, %dma_start3A_472] : memref<10240x32xf32, #tpu.memory_space<vmem_shared>> -> memref<10240x32xf32, #tpu.memory_space<vmem_shared>>
      tpu.enqueue_indirect_dma source(%dma_start3A_467 : memref<128x32xf32, #tpu.memory_space<vmem>>) target(%dma_start3A_473 : memref<10240x32xf32, #tpu.memory_space<vmem_shared>>) offsets(%dma_start3A_470 : memref<128xi32, #tpu.memory_space<vmem>>) semaphore(%arg12 : memref<!tpu.dma_semaphore, #tpu.memory_space<semaphore_mem>>) {add = true}
      %add3A_474 = arith.constant 3 : i32
      %add3A_475 = arith.addi %mul3A_324, %add3A_474 : i32
      %dma_start3A_476 = arith.constant 3 : i32
      %dma_start3A_477 = arith.constant 0 : i32
      %dma_start3A_478 = arith.constant 0 : i32
      %dma_start3A_479 = tpu.memref_slice %arg7[%dma_start3A_476, %dma_start3A_477, %dma_start3A_478] : memref<8x128x32xf32, #tpu.memory_space<vmem>> -> memref<1x128x32xf32, #tpu.memory_space<vmem>>
      %dma_start3A_480 = tpu.memref_squeeze %dma_start3A_479 : memref<1x128x32xf32, #tpu.memory_space<vmem>> -> memref<128x32xf32, #tpu.memory_space<vmem>>
      %dma_start3A_481 = arith.constant 0 : i32
      %dma_start3A_482 = tpu.memref_slice %arg6[%add3A_475, %dma_start3A_481] : memref<80x128xi32, #tpu.memory_space<vmem>> -> memref<1x128xi32, #tpu.memory_space<vmem>>
      %dma_start3A_483 = tpu.memref_squeeze %dma_start3A_482 : memref<1x128xi32, #tpu.memory_space<vmem>> -> memref<128xi32, #tpu.memory_space<vmem>>
      %dma_start3A_484 = arith.constant 0 : i32
      %dma_start3A_485 = arith.constant 0 : i32
      %dma_start3A_486 = tpu.memref_slice %arg8[%dma_start3A_484, %dma_start3A_485] : memref<10240x32xf32, #tpu.memory_space<vmem_shared>> -> memref<10240x32xf32, #tpu.memory_space<vmem_shared>>
      tpu.enqueue_indirect_dma source(%dma_start3A_480 : memref<128x32xf32, #tpu.memory_space<vmem>>) target(%dma_start3A_486 : memref<10240x32xf32, #tpu.memory_space<vmem_shared>>) offsets(%dma_start3A_483 : memref<128xi32, #tpu.memory_space<vmem>>) semaphore(%arg12 : memref<!tpu.dma_semaphore, #tpu.memory_space<semaphore_mem>>) {add = true}
      %dma_wait3A_487 = arith.constant 0 : i32
      %dma_wait3A_488 = arith.constant 0 : i32
      %dma_wait3A_489 = arith.constant 0 : i32
      %dma_wait3A_490 = arith.constant 0 : i32
      %dma_wait3A_491 = tpu.memref_slice %arg7[%dma_wait3A_487, %dma_wait3A_489, %dma_wait3A_490] : memref<8x128x32xf32, #tpu.memory_space<vmem>> -> memref<1x128x32xf32, #tpu.memory_space<vmem>>
      %dma_wait3A_492 = tpu.memref_squeeze %dma_wait3A_491 : memref<1x128x32xf32, #tpu.memory_space<vmem>> -> memref<128x32xf32, #tpu.memory_space<vmem>>
      %dma_wait3A_493 = arith.constant 0 : i32
      %dma_wait3A_494 = tpu.memref_slice %arg6[%dma_wait3A_488, %dma_wait3A_493] : memref<80x128xi32, #tpu.memory_space<vmem>> -> memref<1x128xi32, #tpu.memory_space<vmem>>
      %dma_wait3A_495 = tpu.memref_squeeze %dma_wait3A_494 : memref<1x128xi32, #tpu.memory_space<vmem>> -> memref<128xi32, #tpu.memory_space<vmem>>
      %dma_wait3A_496 = arith.constant 0 : i32
      %dma_wait3A_497 = arith.constant 0 : i32
      %dma_wait3A_498 = tpu.memref_slice %arg8[%dma_wait3A_496, %dma_wait3A_497] : memref<10240x32xf32, #tpu.memory_space<vmem_shared>> -> memref<10240x32xf32, #tpu.memory_space<vmem_shared>>
      tpu.wait_indirect_dma semaphore(%arg12 : memref<!tpu.dma_semaphore, #tpu.memory_space<semaphore_mem>>) src(%dma_wait3A_492 : memref<128x32xf32, #tpu.memory_space<vmem>>) dst(%dma_wait3A_498 : memref<10240x32xf32, #tpu.memory_space<vmem_shared>>)
      %dma_wait3A_499 = arith.constant 1 : i32
      %dma_wait3A_500 = arith.constant 0 : i32
      %dma_wait3A_501 = arith.constant 0 : i32
      %dma_wait3A_502 = arith.constant 0 : i32
      %dma_wait3A_503 = tpu.memref_slice %arg7[%dma_wait3A_499, %dma_wait3A_501, %dma_wait3A_502] : memref<8x128x32xf32, #tpu.memory_space<vmem>> -> memref<1x128x32xf32, #tpu.memory_space<vmem>>
      %dma_wait3A_504 = tpu.memref_squeeze %dma_wait3A_503 : memref<1x128x32xf32, #tpu.memory_space<vmem>> -> memref<128x32xf32, #tpu.memory_space<vmem>>
      %dma_wait3A_505 = arith.constant 0 : i32
      %dma_wait3A_506 = tpu.memref_slice %arg6[%dma_wait3A_500, %dma_wait3A_505] : memref<80x128xi32, #tpu.memory_space<vmem>> -> memref<1x128xi32, #tpu.memory_space<vmem>>
      %dma_wait3A_507 = tpu.memref_squeeze %dma_wait3A_506 : memref<1x128xi32, #tpu.memory_space<vmem>> -> memref<128xi32, #tpu.memory_space<vmem>>
      %dma_wait3A_508 = arith.constant 0 : i32
      %dma_wait3A_509 = arith.constant 0 : i32
      %dma_wait3A_510 = tpu.memref_slice %arg8[%dma_wait3A_508, %dma_wait3A_509] : memref<10240x32xf32, #tpu.memory_space<vmem_shared>> -> memref<10240x32xf32, #tpu.memory_space<vmem_shared>>
      tpu.wait_indirect_dma semaphore(%arg12 : memref<!tpu.dma_semaphore, #tpu.memory_space<semaphore_mem>>) src(%dma_wait3A_504 : memref<128x32xf32, #tpu.memory_space<vmem>>) dst(%dma_wait3A_510 : memref<10240x32xf32, #tpu.memory_space<vmem_shared>>)
      %dma_wait3A_511 = arith.constant 2 : i32
      %dma_wait3A_512 = arith.constant 0 : i32
      %dma_wait3A_513 = arith.constant 0 : i32
      %dma_wait3A_514 = arith.constant 0 : i32
      %dma_wait3A_515 = tpu.memref_slice %arg7[%dma_wait3A_511, %dma_wait3A_513, %dma_wait3A_514] : memref<8x128x32xf32, #tpu.memory_space<vmem>> -> memref<1x128x32xf32, #tpu.memory_space<vmem>>
      %dma_wait3A_516 = tpu.memref_squeeze %dma_wait3A_515 : memref<1x128x32xf32, #tpu.memory_space<vmem>> -> memref<128x32xf32, #tpu.memory_space<vmem>>
      %dma_wait3A_517 = arith.constant 0 : i32
      %dma_wait3A_518 = tpu.memref_slice %arg6[%dma_wait3A_512, %dma_wait3A_517] : memref<80x128xi32, #tpu.memory_space<vmem>> -> memref<1x128xi32, #tpu.memory_space<vmem>>
      %dma_wait3A_519 = tpu.memref_squeeze %dma_wait3A_518 : memref<1x128xi32, #tpu.memory_space<vmem>> -> memref<128xi32, #tpu.memory_space<vmem>>
      %dma_wait3A_520 = arith.constant 0 : i32
      %dma_wait3A_521 = arith.constant 0 : i32
      %dma_wait3A_522 = tpu.memref_slice %arg8[%dma_wait3A_520, %dma_wait3A_521] : memref<10240x32xf32, #tpu.memory_space<vmem_shared>> -> memref<10240x32xf32, #tpu.memory_space<vmem_shared>>
      tpu.wait_indirect_dma semaphore(%arg12 : memref<!tpu.dma_semaphore, #tpu.memory_space<semaphore_mem>>) src(%dma_wait3A_516 : memref<128x32xf32, #tpu.memory_space<vmem>>) dst(%dma_wait3A_522 : memref<10240x32xf32, #tpu.memory_space<vmem_shared>>)
      %dma_wait3A_523 = arith.constant 3 : i32
      %dma_wait3A_524 = arith.constant 0 : i32
      %dma_wait3A_525 = arith.constant 0 : i32
      %dma_wait3A_526 = arith.constant 0 : i32
      %dma_wait3A_527 = tpu.memref_slice %arg7[%dma_wait3A_523, %dma_wait3A_525, %dma_wait3A_526] : memref<8x128x32xf32, #tpu.memory_space<vmem>> -> memref<1x128x32xf32, #tpu.memory_space<vmem>>
      %dma_wait3A_528 = tpu.memref_squeeze %dma_wait3A_527 : memref<1x128x32xf32, #tpu.memory_space<vmem>> -> memref<128x32xf32, #tpu.memory_space<vmem>>
      %dma_wait3A_529 = arith.constant 0 : i32
      %dma_wait3A_530 = tpu.memref_slice %arg6[%dma_wait3A_524, %dma_wait3A_529] : memref<80x128xi32, #tpu.memory_space<vmem>> -> memref<1x128xi32, #tpu.memory_space<vmem>>
      %dma_wait3A_531 = tpu.memref_squeeze %dma_wait3A_530 : memref<1x128xi32, #tpu.memory_space<vmem>> -> memref<128xi32, #tpu.memory_space<vmem>>
      %dma_wait3A_532 = arith.constant 0 : i32
      %dma_wait3A_533 = arith.constant 0 : i32
      %dma_wait3A_534 = tpu.memref_slice %arg8[%dma_wait3A_532, %dma_wait3A_533] : memref<10240x32xf32, #tpu.memory_space<vmem_shared>> -> memref<10240x32xf32, #tpu.memory_space<vmem_shared>>
      tpu.wait_indirect_dma semaphore(%arg12 : memref<!tpu.dma_semaphore, #tpu.memory_space<semaphore_mem>>) src(%dma_wait3A_528 : memref<128x32xf32, #tpu.memory_space<vmem>>) dst(%dma_wait3A_534 : memref<10240x32xf32, #tpu.memory_space<vmem_shared>>)
      %lt3A = arith.constant 9 : i32
      %lt3A_535 = arith.cmpi slt, %add3A_320, %lt3A : i32
      %convert_element_type3A_536 = arith.extui %lt3A_535 : i1 to i32
      %cond3A_537 = arith.constant 0 : i32
      %cond3A_538 = arith.cmpi ne, %convert_element_type3A_536, %cond3A_537 : i32
      scf.if %cond3A_538 {
        %add3A_647 = arith.constant 8 : i32
        %add3A_648 = arith.addi %mul3A_324, %add3A_647 : i32
        %add3A_649 = arith.constant 0 : i32
        %add3A_650 = arith.addi %add3A_648, %add3A_649 : i32
        %dma_start3A_651 = arith.constant 0 : i32
        %dma_start3A_652 = arith.constant 0 : i32
        %dma_start3A_653 = arith.constant 0 : i32
        %dma_start3A_654 = tpu.memref_slice %arg7[%dma_start3A_651, %dma_start3A_652, %dma_start3A_653] : memref<8x128x32xf32, #tpu.memory_space<vmem>> -> memref<1x128x32xf32, #tpu.memory_space<vmem>>
        %dma_start3A_655 = tpu.memref_squeeze %dma_start3A_654 : memref<1x128x32xf32, #tpu.memory_space<vmem>> -> memref<128x32xf32, #tpu.memory_space<vmem>>
        %dma_start3A_656 = arith.constant 0 : i32
        %dma_start3A_657 = tpu.memref_slice %arg5[%add3A_650, %dma_start3A_656] : memref<80x128xi32, #tpu.memory_space<vmem>> -> memref<1x128xi32, #tpu.memory_space<vmem>>
        %dma_start3A_658 = tpu.memref_squeeze %dma_start3A_657 : memref<1x128xi32, #tpu.memory_space<vmem>> -> memref<128xi32, #tpu.memory_space<vmem>>
        %dma_start3A_659 = arith.constant 0 : i32
        %dma_start3A_660 = arith.constant 0 : i32
        %dma_start3A_661 = tpu.memref_slice %arg9[%dma_start3A_659, %dma_start3A_660] : memref<10240x32xf32, #tpu.memory_space<vmem_shared>> -> memref<10240x32xf32, #tpu.memory_space<vmem_shared>>
        tpu.enqueue_indirect_dma source(%dma_start3A_661 : memref<10240x32xf32, #tpu.memory_space<vmem_shared>>) target(%dma_start3A_655 : memref<128x32xf32, #tpu.memory_space<vmem>>) offsets(%dma_start3A_658 : memref<128xi32, #tpu.memory_space<vmem>>) semaphore(%arg10 : memref<!tpu.dma_semaphore, #tpu.memory_space<semaphore_mem>>)
        %add3A_662 = arith.constant 8 : i32
        %add3A_663 = arith.addi %mul3A_324, %add3A_662 : i32
        %add3A_664 = arith.constant 1 : i32
        %add3A_665 = arith.addi %add3A_663, %add3A_664 : i32
        %dma_start3A_666 = arith.constant 1 : i32
        %dma_start3A_667 = arith.constant 0 : i32
        %dma_start3A_668 = arith.constant 0 : i32
        %dma_start3A_669 = tpu.memref_slice %arg7[%dma_start3A_666, %dma_start3A_667, %dma_start3A_668] : memref<8x128x32xf32, #tpu.memory_space<vmem>> -> memref<1x128x32xf32, #tpu.memory_space<vmem>>
        %dma_start3A_670 = tpu.memref_squeeze %dma_start3A_669 : memref<1x128x32xf32, #tpu.memory_space<vmem>> -> memref<128x32xf32, #tpu.memory_space<vmem>>
        %dma_start3A_671 = arith.constant 0 : i32
        %dma_start3A_672 = tpu.memref_slice %arg5[%add3A_665, %dma_start3A_671] : memref<80x128xi32, #tpu.memory_space<vmem>> -> memref<1x128xi32, #tpu.memory_space<vmem>>
        %dma_start3A_673 = tpu.memref_squeeze %dma_start3A_672 : memref<1x128xi32, #tpu.memory_space<vmem>> -> memref<128xi32, #tpu.memory_space<vmem>>
        %dma_start3A_674 = arith.constant 0 : i32
        %dma_start3A_675 = arith.constant 0 : i32
        %dma_start3A_676 = tpu.memref_slice %arg9[%dma_start3A_674, %dma_start3A_675] : memref<10240x32xf32, #tpu.memory_space<vmem_shared>> -> memref<10240x32xf32, #tpu.memory_space<vmem_shared>>
        tpu.enqueue_indirect_dma source(%dma_start3A_676 : memref<10240x32xf32, #tpu.memory_space<vmem_shared>>) target(%dma_start3A_670 : memref<128x32xf32, #tpu.memory_space<vmem>>) offsets(%dma_start3A_673 : memref<128xi32, #tpu.memory_space<vmem>>) semaphore(%arg10 : memref<!tpu.dma_semaphore, #tpu.memory_space<semaphore_mem>>)
        %add3A_677 = arith.constant 8 : i32
        %add3A_678 = arith.addi %mul3A_324, %add3A_677 : i32
        %add3A_679 = arith.constant 2 : i32
        %add3A_680 = arith.addi %add3A_678, %add3A_679 : i32
        %dma_start3A_681 = arith.constant 2 : i32
        %dma_start3A_682 = arith.constant 0 : i32
        %dma_start3A_683 = arith.constant 0 : i32
        %dma_start3A_684 = tpu.memref_slice %arg7[%dma_start3A_681, %dma_start3A_682, %dma_start3A_683] : memref<8x128x32xf32, #tpu.memory_space<vmem>> -> memref<1x128x32xf32, #tpu.memory_space<vmem>>
        %dma_start3A_685 = tpu.memref_squeeze %dma_start3A_684 : memref<1x128x32xf32, #tpu.memory_space<vmem>> -> memref<128x32xf32, #tpu.memory_space<vmem>>
        %dma_start3A_686 = arith.constant 0 : i32
        %dma_start3A_687 = tpu.memref_slice %arg5[%add3A_680, %dma_start3A_686] : memref<80x128xi32, #tpu.memory_space<vmem>> -> memref<1x128xi32, #tpu.memory_space<vmem>>
        %dma_start3A_688 = tpu.memref_squeeze %dma_start3A_687 : memref<1x128xi32, #tpu.memory_space<vmem>> -> memref<128xi32, #tpu.memory_space<vmem>>
        %dma_start3A_689 = arith.constant 0 : i32
        %dma_start3A_690 = arith.constant 0 : i32
        %dma_start3A_691 = tpu.memref_slice %arg9[%dma_start3A_689, %dma_start3A_690] : memref<10240x32xf32, #tpu.memory_space<vmem_shared>> -> memref<10240x32xf32, #tpu.memory_space<vmem_shared>>
        tpu.enqueue_indirect_dma source(%dma_start3A_691 : memref<10240x32xf32, #tpu.memory_space<vmem_shared>>) target(%dma_start3A_685 : memref<128x32xf32, #tpu.memory_space<vmem>>) offsets(%dma_start3A_688 : memref<128xi32, #tpu.memory_space<vmem>>) semaphore(%arg10 : memref<!tpu.dma_semaphore, #tpu.memory_space<semaphore_mem>>)
        %add3A_692 = arith.constant 8 : i32
        %add3A_693 = arith.addi %mul3A_324, %add3A_692 : i32
        %add3A_694 = arith.constant 3 : i32
        %add3A_695 = arith.addi %add3A_693, %add3A_694 : i32
        %dma_start3A_696 = arith.constant 3 : i32
        %dma_start3A_697 = arith.constant 0 : i32
        %dma_start3A_698 = arith.constant 0 : i32
        %dma_start3A_699 = tpu.memref_slice %arg7[%dma_start3A_696, %dma_start3A_697, %dma_start3A_698] : memref<8x128x32xf32, #tpu.memory_space<vmem>> -> memref<1x128x32xf32, #tpu.memory_space<vmem>>
        %dma_start3A_700 = tpu.memref_squeeze %dma_start3A_699 : memref<1x128x32xf32, #tpu.memory_space<vmem>> -> memref<128x32xf32, #tpu.memory_space<vmem>>
        %dma_start3A_701 = arith.constant 0 : i32
        %dma_start3A_702 = tpu.memref_slice %arg5[%add3A_695, %dma_start3A_701] : memref<80x128xi32, #tpu.memory_space<vmem>> -> memref<1x128xi32, #tpu.memory_space<vmem>>
        %dma_start3A_703 = tpu.memref_squeeze %dma_start3A_702 : memref<1x128xi32, #tpu.memory_space<vmem>> -> memref<128xi32, #tpu.memory_space<vmem>>
        %dma_start3A_704 = arith.constant 0 : i32
        %dma_start3A_705 = arith.constant 0 : i32
        %dma_start3A_706 = tpu.memref_slice %arg9[%dma_start3A_704, %dma_start3A_705] : memref<10240x32xf32, #tpu.memory_space<vmem_shared>> -> memref<10240x32xf32, #tpu.memory_space<vmem_shared>>
        tpu.enqueue_indirect_dma source(%dma_start3A_706 : memref<10240x32xf32, #tpu.memory_space<vmem_shared>>) target(%dma_start3A_700 : memref<128x32xf32, #tpu.memory_space<vmem>>) offsets(%dma_start3A_703 : memref<128xi32, #tpu.memory_space<vmem>>) semaphore(%arg10 : memref<!tpu.dma_semaphore, #tpu.memory_space<semaphore_mem>>)
      } else {
      }
      %dma_wait3A_539 = arith.constant 0 : i32
      %dma_wait3A_540 = arith.constant 4 : i32
      %dma_wait3A_541 = arith.constant 0 : i32
      %dma_wait3A_542 = arith.constant 0 : i32
      %dma_wait3A_543 = tpu.memref_slice %arg7[%dma_wait3A_540, %dma_wait3A_541, %dma_wait3A_542] : memref<8x128x32xf32, #tpu.memory_space<vmem>> -> memref<1x128x32xf32, #tpu.memory_space<vmem>>
      %dma_wait3A_544 = tpu.memref_squeeze %dma_wait3A_543 : memref<1x128x32xf32, #tpu.memory_space<vmem>> -> memref<128x32xf32, #tpu.memory_space<vmem>>
      %dma_wait3A_545 = arith.constant 0 : i32
      %dma_wait3A_546 = tpu.memref_slice %arg5[%dma_wait3A_539, %dma_wait3A_545] : memref<80x128xi32, #tpu.memory_space<vmem>> -> memref<1x128xi32, #tpu.memory_space<vmem>>
      %dma_wait3A_547 = tpu.memref_squeeze %dma_wait3A_546 : memref<1x128xi32, #tpu.memory_space<vmem>> -> memref<128xi32, #tpu.memory_space<vmem>>
      %dma_wait3A_548 = arith.constant 0 : i32
      %dma_wait3A_549 = arith.constant 0 : i32
      %dma_wait3A_550 = tpu.memref_slice %arg9[%dma_wait3A_548, %dma_wait3A_549] : memref<10240x32xf32, #tpu.memory_space<vmem_shared>> -> memref<10240x32xf32, #tpu.memory_space<vmem_shared>>
      tpu.wait_indirect_dma semaphore(%arg11 : memref<!tpu.dma_semaphore, #tpu.memory_space<semaphore_mem>>) src(%dma_wait3A_550 : memref<10240x32xf32, #tpu.memory_space<vmem_shared>>) dst(%dma_wait3A_544 : memref<128x32xf32, #tpu.memory_space<vmem>>)
      %dma_wait3A_551 = arith.constant 0 : i32
      %dma_wait3A_552 = arith.constant 5 : i32
      %dma_wait3A_553 = arith.constant 0 : i32
      %dma_wait3A_554 = arith.constant 0 : i32
      %dma_wait3A_555 = tpu.memref_slice %arg7[%dma_wait3A_552, %dma_wait3A_553, %dma_wait3A_554] : memref<8x128x32xf32, #tpu.memory_space<vmem>> -> memref<1x128x32xf32, #tpu.memory_space<vmem>>
      %dma_wait3A_556 = tpu.memref_squeeze %dma_wait3A_555 : memref<1x128x32xf32, #tpu.memory_space<vmem>> -> memref<128x32xf32, #tpu.memory_space<vmem>>
      %dma_wait3A_557 = arith.constant 0 : i32
      %dma_wait3A_558 = tpu.memref_slice %arg5[%dma_wait3A_551, %dma_wait3A_557] : memref<80x128xi32, #tpu.memory_space<vmem>> -> memref<1x128xi32, #tpu.memory_space<vmem>>
      %dma_wait3A_559 = tpu.memref_squeeze %dma_wait3A_558 : memref<1x128xi32, #tpu.memory_space<vmem>> -> memref<128xi32, #tpu.memory_space<vmem>>
      %dma_wait3A_560 = arith.constant 0 : i32
      %dma_wait3A_561 = arith.constant 0 : i32
      %dma_wait3A_562 = tpu.memref_slice %arg9[%dma_wait3A_560, %dma_wait3A_561] : memref<10240x32xf32, #tpu.memory_space<vmem_shared>> -> memref<10240x32xf32, #tpu.memory_space<vmem_shared>>
      tpu.wait_indirect_dma semaphore(%arg11 : memref<!tpu.dma_semaphore, #tpu.memory_space<semaphore_mem>>) src(%dma_wait3A_562 : memref<10240x32xf32, #tpu.memory_space<vmem_shared>>) dst(%dma_wait3A_556 : memref<128x32xf32, #tpu.memory_space<vmem>>)
      %dma_wait3A_563 = arith.constant 0 : i32
      %dma_wait3A_564 = arith.constant 6 : i32
      %dma_wait3A_565 = arith.constant 0 : i32
      %dma_wait3A_566 = arith.constant 0 : i32
      %dma_wait3A_567 = tpu.memref_slice %arg7[%dma_wait3A_564, %dma_wait3A_565, %dma_wait3A_566] : memref<8x128x32xf32, #tpu.memory_space<vmem>> -> memref<1x128x32xf32, #tpu.memory_space<vmem>>
      %dma_wait3A_568 = tpu.memref_squeeze %dma_wait3A_567 : memref<1x128x32xf32, #tpu.memory_space<vmem>> -> memref<128x32xf32, #tpu.memory_space<vmem>>
      %dma_wait3A_569 = arith.constant 0 : i32
      %dma_wait3A_570 = tpu.memref_slice %arg5[%dma_wait3A_563, %dma_wait3A_569] : memref<80x128xi32, #tpu.memory_space<vmem>> -> memref<1x128xi32, #tpu.memory_space<vmem>>
      %dma_wait3A_571 = tpu.memref_squeeze %dma_wait3A_570 : memref<1x128xi32, #tpu.memory_space<vmem>> -> memref<128xi32, #tpu.memory_space<vmem>>
      %dma_wait3A_572 = arith.constant 0 : i32
      %dma_wait3A_573 = arith.constant 0 : i32
      %dma_wait3A_574 = tpu.memref_slice %arg9[%dma_wait3A_572, %dma_wait3A_573] : memref<10240x32xf32, #tpu.memory_space<vmem_shared>> -> memref<10240x32xf32, #tpu.memory_space<vmem_shared>>
      tpu.wait_indirect_dma semaphore(%arg11 : memref<!tpu.dma_semaphore, #tpu.memory_space<semaphore_mem>>) src(%dma_wait3A_574 : memref<10240x32xf32, #tpu.memory_space<vmem_shared>>) dst(%dma_wait3A_568 : memref<128x32xf32, #tpu.memory_space<vmem>>)
      %dma_wait3A_575 = arith.constant 0 : i32
      %dma_wait3A_576 = arith.constant 7 : i32
      %dma_wait3A_577 = arith.constant 0 : i32
      %dma_wait3A_578 = arith.constant 0 : i32
      %dma_wait3A_579 = tpu.memref_slice %arg7[%dma_wait3A_576, %dma_wait3A_577, %dma_wait3A_578] : memref<8x128x32xf32, #tpu.memory_space<vmem>> -> memref<1x128x32xf32, #tpu.memory_space<vmem>>
      %dma_wait3A_580 = tpu.memref_squeeze %dma_wait3A_579 : memref<1x128x32xf32, #tpu.memory_space<vmem>> -> memref<128x32xf32, #tpu.memory_space<vmem>>
      %dma_wait3A_581 = arith.constant 0 : i32
      %dma_wait3A_582 = tpu.memref_slice %arg5[%dma_wait3A_575, %dma_wait3A_581] : memref<80x128xi32, #tpu.memory_space<vmem>> -> memref<1x128xi32, #tpu.memory_space<vmem>>
      %dma_wait3A_583 = tpu.memref_squeeze %dma_wait3A_582 : memref<1x128xi32, #tpu.memory_space<vmem>> -> memref<128xi32, #tpu.memory_space<vmem>>
      %dma_wait3A_584 = arith.constant 0 : i32
      %dma_wait3A_585 = arith.constant 0 : i32
      %dma_wait3A_586 = tpu.memref_slice %arg9[%dma_wait3A_584, %dma_wait3A_585] : memref<10240x32xf32, #tpu.memory_space<vmem_shared>> -> memref<10240x32xf32, #tpu.memory_space<vmem_shared>>
      tpu.wait_indirect_dma semaphore(%arg11 : memref<!tpu.dma_semaphore, #tpu.memory_space<semaphore_mem>>) src(%dma_wait3A_586 : memref<10240x32xf32, #tpu.memory_space<vmem_shared>>) dst(%dma_wait3A_580 : memref<128x32xf32, #tpu.memory_space<vmem>>)
      %add3A_587 = arith.constant 4 : i32
      %add3A_588 = arith.addi %mul3A_324, %add3A_587 : i32
      %add3A_589 = arith.constant 0 : i32
      %add3A_590 = arith.addi %add3A_588, %add3A_589 : i32
      %dma_start3A_591 = arith.constant 4 : i32
      %dma_start3A_592 = arith.constant 0 : i32
      %dma_start3A_593 = arith.constant 0 : i32
      %dma_start3A_594 = tpu.memref_slice %arg7[%dma_start3A_591, %dma_start3A_592, %dma_start3A_593] : memref<8x128x32xf32, #tpu.memory_space<vmem>> -> memref<1x128x32xf32, #tpu.memory_space<vmem>>
      %dma_start3A_595 = tpu.memref_squeeze %dma_start3A_594 : memref<1x128x32xf32, #tpu.memory_space<vmem>> -> memref<128x32xf32, #tpu.memory_space<vmem>>
      %dma_start3A_596 = arith.constant 0 : i32
      %dma_start3A_597 = tpu.memref_slice %arg6[%add3A_590, %dma_start3A_596] : memref<80x128xi32, #tpu.memory_space<vmem>> -> memref<1x128xi32, #tpu.memory_space<vmem>>
      %dma_start3A_598 = tpu.memref_squeeze %dma_start3A_597 : memref<1x128xi32, #tpu.memory_space<vmem>> -> memref<128xi32, #tpu.memory_space<vmem>>
      %dma_start3A_599 = arith.constant 0 : i32
      %dma_start3A_600 = arith.constant 0 : i32
      %dma_start3A_601 = tpu.memref_slice %arg8[%dma_start3A_599, %dma_start3A_600] : memref<10240x32xf32, #tpu.memory_space<vmem_shared>> -> memref<10240x32xf32, #tpu.memory_space<vmem_shared>>
      tpu.enqueue_indirect_dma source(%dma_start3A_595 : memref<128x32xf32, #tpu.memory_space<vmem>>) target(%dma_start3A_601 : memref<10240x32xf32, #tpu.memory_space<vmem_shared>>) offsets(%dma_start3A_598 : memref<128xi32, #tpu.memory_space<vmem>>) semaphore(%arg13 : memref<!tpu.dma_semaphore, #tpu.memory_space<semaphore_mem>>) {add = true}
      %add3A_602 = arith.constant 4 : i32
      %add3A_603 = arith.addi %mul3A_324, %add3A_602 : i32
      %add3A_604 = arith.constant 1 : i32
      %add3A_605 = arith.addi %add3A_603, %add3A_604 : i32
      %dma_start3A_606 = arith.constant 5 : i32
      %dma_start3A_607 = arith.constant 0 : i32
      %dma_start3A_608 = arith.constant 0 : i32
      %dma_start3A_609 = tpu.memref_slice %arg7[%dma_start3A_606, %dma_start3A_607, %dma_start3A_608] : memref<8x128x32xf32, #tpu.memory_space<vmem>> -> memref<1x128x32xf32, #tpu.memory_space<vmem>>
      %dma_start3A_610 = tpu.memref_squeeze %dma_start3A_609 : memref<1x128x32xf32, #tpu.memory_space<vmem>> -> memref<128x32xf32, #tpu.memory_space<vmem>>
      %dma_start3A_611 = arith.constant 0 : i32
      %dma_start3A_612 = tpu.memref_slice %arg6[%add3A_605, %dma_start3A_611] : memref<80x128xi32, #tpu.memory_space<vmem>> -> memref<1x128xi32, #tpu.memory_space<vmem>>
      %dma_start3A_613 = tpu.memref_squeeze %dma_start3A_612 : memref<1x128xi32, #tpu.memory_space<vmem>> -> memref<128xi32, #tpu.memory_space<vmem>>
      %dma_start3A_614 = arith.constant 0 : i32
      %dma_start3A_615 = arith.constant 0 : i32
      %dma_start3A_616 = tpu.memref_slice %arg8[%dma_start3A_614, %dma_start3A_615] : memref<10240x32xf32, #tpu.memory_space<vmem_shared>> -> memref<10240x32xf32, #tpu.memory_space<vmem_shared>>
      tpu.enqueue_indirect_dma source(%dma_start3A_610 : memref<128x32xf32, #tpu.memory_space<vmem>>) target(%dma_start3A_616 : memref<10240x32xf32, #tpu.memory_space<vmem_shared>>) offsets(%dma_start3A_613 : memref<128xi32, #tpu.memory_space<vmem>>) semaphore(%arg13 : memref<!tpu.dma_semaphore, #tpu.memory_space<semaphore_mem>>) {add = true}
      %add3A_617 = arith.constant 4 : i32
      %add3A_618 = arith.addi %mul3A_324, %add3A_617 : i32
      %add3A_619 = arith.constant 2 : i32
      %add3A_620 = arith.addi %add3A_618, %add3A_619 : i32
      %dma_start3A_621 = arith.constant 6 : i32
      %dma_start3A_622 = arith.constant 0 : i32
      %dma_start3A_623 = arith.constant 0 : i32
      %dma_start3A_624 = tpu.memref_slice %arg7[%dma_start3A_621, %dma_start3A_622, %dma_start3A_623] : memref<8x128x32xf32, #tpu.memory_space<vmem>> -> memref<1x128x32xf32, #tpu.memory_space<vmem>>
      %dma_start3A_625 = tpu.memref_squeeze %dma_start3A_624 : memref<1x128x32xf32, #tpu.memory_space<vmem>> -> memref<128x32xf32, #tpu.memory_space<vmem>>
      %dma_start3A_626 = arith.constant 0 : i32
      %dma_start3A_627 = tpu.memref_slice %arg6[%add3A_620, %dma_start3A_626] : memref<80x128xi32, #tpu.memory_space<vmem>> -> memref<1x128xi32, #tpu.memory_space<vmem>>
      %dma_start3A_628 = tpu.memref_squeeze %dma_start3A_627 : memref<1x128xi32, #tpu.memory_space<vmem>> -> memref<128xi32, #tpu.memory_space<vmem>>
      %dma_start3A_629 = arith.constant 0 : i32
      %dma_start3A_630 = arith.constant 0 : i32
      %dma_start3A_631 = tpu.memref_slice %arg8[%dma_start3A_629, %dma_start3A_630] : memref<10240x32xf32, #tpu.memory_space<vmem_shared>> -> memref<10240x32xf32, #tpu.memory_space<vmem_shared>>
      tpu.enqueue_indirect_dma source(%dma_start3A_625 : memref<128x32xf32, #tpu.memory_space<vmem>>) target(%dma_start3A_631 : memref<10240x32xf32, #tpu.memory_space<vmem_shared>>) offsets(%dma_start3A_628 : memref<128xi32, #tpu.memory_space<vmem>>) semaphore(%arg13 : memref<!tpu.dma_semaphore, #tpu.memory_space<semaphore_mem>>) {add = true}
      %add3A_632 = arith.constant 4 : i32
      %add3A_633 = arith.addi %mul3A_324, %add3A_632 : i32
      %add3A_634 = arith.constant 3 : i32
      %add3A_635 = arith.addi %add3A_633, %add3A_634 : i32
      %dma_start3A_636 = arith.constant 7 : i32
      %dma_start3A_637 = arith.constant 0 : i32
      %dma_start3A_638 = arith.constant 0 : i32
      %dma_start3A_639 = tpu.memref_slice %arg7[%dma_start3A_636, %dma_start3A_637, %dma_start3A_638] : memref<8x128x32xf32, #tpu.memory_space<vmem>> -> memref<1x128x32xf32, #tpu.memory_space<vmem>>
      %dma_start3A_640 = tpu.memref_squeeze %dma_start3A_639 : memref<1x128x32xf32, #tpu.memory_space<vmem>> -> memref<128x32xf32, #tpu.memory_space<vmem>>
      %dma_start3A_641 = arith.constant 0 : i32
      %dma_start3A_642 = tpu.memref_slice %arg6[%add3A_635, %dma_start3A_641] : memref<80x128xi32, #tpu.memory_space<vmem>> -> memref<1x128xi32, #tpu.memory_space<vmem>>
      %dma_start3A_643 = tpu.memref_squeeze %dma_start3A_642 : memref<1x128xi32, #tpu.memory_space<vmem>> -> memref<128xi32, #tpu.memory_space<vmem>>
      %dma_start3A_644 = arith.constant 0 : i32
      %dma_start3A_645 = arith.constant 0 : i32
      %dma_start3A_646 = tpu.memref_slice %arg8[%dma_start3A_644, %dma_start3A_645] : memref<10240x32xf32, #tpu.memory_space<vmem_shared>> -> memref<10240x32xf32, #tpu.memory_space<vmem_shared>>
      tpu.enqueue_indirect_dma source(%dma_start3A_640 : memref<128x32xf32, #tpu.memory_space<vmem>>) target(%dma_start3A_646 : memref<10240x32xf32, #tpu.memory_space<vmem_shared>>) offsets(%dma_start3A_643 : memref<128xi32, #tpu.memory_space<vmem>>) semaphore(%arg13 : memref<!tpu.dma_semaphore, #tpu.memory_space<semaphore_mem>>) {add = true}
    }
    %scan3A_262 = arith.constant 10 : i32
    %dma_wait3A_263 = arith.constant 4 : i32
    %dma_wait3A_264 = arith.constant 0 : i32
    %dma_wait3A_265 = arith.constant 0 : i32
    %dma_wait3A_266 = arith.constant 0 : i32
    %dma_wait3A_267 = tpu.memref_slice %arg7[%dma_wait3A_263, %dma_wait3A_265, %dma_wait3A_266] : memref<8x128x32xf32, #tpu.memory_space<vmem>> -> memref<1x128x32xf32, #tpu.memory_space<vmem>>
    %dma_wait3A_268 = tpu.memref_squeeze %dma_wait3A_267 : memref<1x128x32xf32, #tpu.memory_space<vmem>> -> memref<128x32xf32, #tpu.memory_space<vmem>>
    %dma_wait3A_269 = arith.constant 0 : i32
    %dma_wait3A_270 = tpu.memref_slice %arg6[%dma_wait3A_264, %dma_wait3A_269] : memref<80x128xi32, #tpu.memory_space<vmem>> -> memref<1x128xi32, #tpu.memory_space<vmem>>
    %dma_wait3A_271 = tpu.memref_squeeze %dma_wait3A_270 : memref<1x128xi32, #tpu.memory_space<vmem>> -> memref<128xi32, #tpu.memory_space<vmem>>
    %dma_wait3A_272 = arith.constant 0 : i32
    %dma_wait3A_273 = arith.constant 0 : i32
    %dma_wait3A_274 = tpu.memref_slice %arg8[%dma_wait3A_272, %dma_wait3A_273] : memref<10240x32xf32, #tpu.memory_space<vmem_shared>> -> memref<10240x32xf32, #tpu.memory_space<vmem_shared>>
    tpu.wait_indirect_dma semaphore(%arg13 : memref<!tpu.dma_semaphore, #tpu.memory_space<semaphore_mem>>) src(%dma_wait3A_268 : memref<128x32xf32, #tpu.memory_space<vmem>>) dst(%dma_wait3A_274 : memref<10240x32xf32, #tpu.memory_space<vmem_shared>>)
    %dma_wait3A_275 = arith.constant 5 : i32
    %dma_wait3A_276 = arith.constant 0 : i32
    %dma_wait3A_277 = arith.constant 0 : i32
    %dma_wait3A_278 = arith.constant 0 : i32
    %dma_wait3A_279 = tpu.memref_slice %arg7[%dma_wait3A_275, %dma_wait3A_277, %dma_wait3A_278] : memref<8x128x32xf32, #tpu.memory_space<vmem>> -> memref<1x128x32xf32, #tpu.memory_space<vmem>>
    %dma_wait3A_280 = tpu.memref_squeeze %dma_wait3A_279 : memref<1x128x32xf32, #tpu.memory_space<vmem>> -> memref<128x32xf32, #tpu.memory_space<vmem>>
    %dma_wait3A_281 = arith.constant 0 : i32
    %dma_wait3A_282 = tpu.memref_slice %arg6[%dma_wait3A_276, %dma_wait3A_281] : memref<80x128xi32, #tpu.memory_space<vmem>> -> memref<1x128xi32, #tpu.memory_space<vmem>>
    %dma_wait3A_283 = tpu.memref_squeeze %dma_wait3A_282 : memref<1x128xi32, #tpu.memory_space<vmem>> -> memref<128xi32, #tpu.memory_space<vmem>>
    %dma_wait3A_284 = arith.constant 0 : i32
    %dma_wait3A_285 = arith.constant 0 : i32
    %dma_wait3A_286 = tpu.memref_slice %arg8[%dma_wait3A_284, %dma_wait3A_285] : memref<10240x32xf32, #tpu.memory_space<vmem_shared>> -> memref<10240x32xf32, #tpu.memory_space<vmem_shared>>
    tpu.wait_indirect_dma semaphore(%arg13 : memref<!tpu.dma_semaphore, #tpu.memory_space<semaphore_mem>>) src(%dma_wait3A_280 : memref<128x32xf32, #tpu.memory_space<vmem>>) dst(%dma_wait3A_286 : memref<10240x32xf32, #tpu.memory_space<vmem_shared>>)
    %dma_wait3A_287 = arith.constant 6 : i32
    %dma_wait3A_288 = arith.constant 0 : i32
    %dma_wait3A_289 = arith.constant 0 : i32
    %dma_wait3A_290 = arith.constant 0 : i32
    %dma_wait3A_291 = tpu.memref_slice %arg7[%dma_wait3A_287, %dma_wait3A_289, %dma_wait3A_290] : memref<8x128x32xf32, #tpu.memory_space<vmem>> -> memref<1x128x32xf32, #tpu.memory_space<vmem>>
    %dma_wait3A_292 = tpu.memref_squeeze %dma_wait3A_291 : memref<1x128x32xf32, #tpu.memory_space<vmem>> -> memref<128x32xf32, #tpu.memory_space<vmem>>
    %dma_wait3A_293 = arith.constant 0 : i32
    %dma_wait3A_294 = tpu.memref_slice %arg6[%dma_wait3A_288, %dma_wait3A_293] : memref<80x128xi32, #tpu.memory_space<vmem>> -> memref<1x128xi32, #tpu.memory_space<vmem>>
    %dma_wait3A_295 = tpu.memref_squeeze %dma_wait3A_294 : memref<1x128xi32, #tpu.memory_space<vmem>> -> memref<128xi32, #tpu.memory_space<vmem>>
    %dma_wait3A_296 = arith.constant 0 : i32
    %dma_wait3A_297 = arith.constant 0 : i32
    %dma_wait3A_298 = tpu.memref_slice %arg8[%dma_wait3A_296, %dma_wait3A_297] : memref<10240x32xf32, #tpu.memory_space<vmem_shared>> -> memref<10240x32xf32, #tpu.memory_space<vmem_shared>>
    tpu.wait_indirect_dma semaphore(%arg13 : memref<!tpu.dma_semaphore, #tpu.memory_space<semaphore_mem>>) src(%dma_wait3A_292 : memref<128x32xf32, #tpu.memory_space<vmem>>) dst(%dma_wait3A_298 : memref<10240x32xf32, #tpu.memory_space<vmem_shared>>)
    %dma_wait3A_299 = arith.constant 7 : i32
    %dma_wait3A_300 = arith.constant 0 : i32
    %dma_wait3A_301 = arith.constant 0 : i32
    %dma_wait3A_302 = arith.constant 0 : i32
    %dma_wait3A_303 = tpu.memref_slice %arg7[%dma_wait3A_299, %dma_wait3A_301, %dma_wait3A_302] : memref<8x128x32xf32, #tpu.memory_space<vmem>> -> memref<1x128x32xf32, #tpu.memory_space<vmem>>
    %dma_wait3A_304 = tpu.memref_squeeze %dma_wait3A_303 : memref<1x128x32xf32, #tpu.memory_space<vmem>> -> memref<128x32xf32, #tpu.memory_space<vmem>>
    %dma_wait3A_305 = arith.constant 0 : i32
    %dma_wait3A_306 = tpu.memref_slice %arg6[%dma_wait3A_300, %dma_wait3A_305] : memref<80x128xi32, #tpu.memory_space<vmem>> -> memref<1x128xi32, #tpu.memory_space<vmem>>
    %dma_wait3A_307 = tpu.memref_squeeze %dma_wait3A_306 : memref<1x128xi32, #tpu.memory_space<vmem>> -> memref<128xi32, #tpu.memory_space<vmem>>
    %dma_wait3A_308 = arith.constant 0 : i32
    %dma_wait3A_309 = arith.constant 0 : i32
    %dma_wait3A_310 = tpu.memref_slice %arg8[%dma_wait3A_308, %dma_wait3A_309] : memref<10240x32xf32, #tpu.memory_space<vmem_shared>> -> memref<10240x32xf32, #tpu.memory_space<vmem_shared>>
    tpu.wait_indirect_dma semaphore(%arg13 : memref<!tpu.dma_semaphore, #tpu.memory_space<semaphore_mem>>) src(%dma_wait3A_304 : memref<128x32xf32, #tpu.memory_space<vmem>>) dst(%dma_wait3A_310 : memref<10240x32xf32, #tpu.memory_space<vmem_shared>>)
    %barrier3A_311 = arith.constant 0 : index
    tpu.barrier barrier_id(%barrier3A_311)
    %mul3A_312 = arith.constant 640 : i32
    %mul3A_313 = arith.muli %arg1, %mul3A_312 : i32
    %mul3A_314 = arith.constant 640 : i32
    %mul3A_315 = arith.muli %arg1, %mul3A_314 : i32
    "tpu.region"() ({
      %run_scoped3A_316 = tpu.sem_alloc : memref<!tpu.dma_semaphore, #tpu.memory_space<semaphore_mem>>
      %dma_start3A_317 = arith.constant 0 : i32
      %dma_start3A_318 = tpu.memref_slice %arg4[%arg0, %mul3A_315, %dma_start3A_317] : memref<2x10240x32xf32, #tpu.memory_space<hbm>> -> memref<1x640x32xf32, #tpu.memory_space<hbm>>
      %dma_start3A_319 = tpu.memref_squeeze %dma_start3A_318 : memref<1x640x32xf32, #tpu.memory_space<hbm>> -> memref<640x32xf32, #tpu.memory_space<hbm>>
      %dma_start3A_320 = arith.constant 0 : i32
      %dma_start3A_321 = tpu.memref_slice %arg8[%mul3A_313, %dma_start3A_320] : memref<10240x32xf32, #tpu.memory_space<vmem_shared>> -> memref<640x32xf32, #tpu.memory_space<vmem_shared>>
      tpu.enqueue_dma source(%dma_start3A_321 : memref<640x32xf32, #tpu.memory_space<vmem_shared>>) target(%dma_start3A_319 : memref<640x32xf32, #tpu.memory_space<hbm>>) target_semaphore(%run_scoped3A_316 : memref<!tpu.dma_semaphore, #tpu.memory_space<semaphore_mem>>)
      %dma_wait3A_322 = arith.constant 0 : i32
      %dma_wait3A_323 = tpu.memref_slice %arg4[%arg0, %mul3A_315, %dma_wait3A_322] : memref<2x10240x32xf32, #tpu.memory_space<hbm>> -> memref<1x640x32xf32, #tpu.memory_space<hbm>>
      %dma_wait3A_324 = tpu.memref_squeeze %dma_wait3A_323 : memref<1x640x32xf32, #tpu.memory_space<hbm>> -> memref<640x32xf32, #tpu.memory_space<hbm>>
      %dma_wait3A_325 = arith.constant 0 : i32
      %dma_wait3A_326 = tpu.memref_slice %arg8[%mul3A_313, %dma_wait3A_325] : memref<10240x32xf32, #tpu.memory_space<vmem_shared>> -> memref<640x32xf32, #tpu.memory_space<vmem_shared>>
      tpu.wait_dma2 semaphore(%run_scoped3A_316 : memref<!tpu.dma_semaphore, #tpu.memory_space<semaphore_mem>>) src(%dma_wait3A_326 : memref<640x32xf32, #tpu.memory_space<vmem_shared>>) dst(%dma_wait3A_324 : memref<640x32xf32, #tpu.memory_space<hbm>>)
      tpu.yield
    }) : () -> ()
    return
  }
}

module attributes {stable_mosaic.version = 14 : i64} {
  func.func @_stage_a_body(%arg0: memref<32x10240xf32, #tpu.memory_space<vmem>>, %arg1: memref<10000x128xf32, #tpu.memory_space<vmem>>, %arg2: memref<128x64xf32, #tpu.memory_space<vmem>>, %arg3: memref<10240x64xf32, #tpu.memory_space<vmem>>, %arg4: memref<10000x1xf32, #tpu.memory_space<vmem>>, %arg5: memref<10240xf32, #tpu.memory_space<vmem>>) attributes {dimension_semantics = [], scalar_prefetch = 0 : i64, scratch_operands = 0 : i64, tpu.core_type = #tpu.core_type<tc>} {
    %broadcast_in_dim3A = arith.constant 1.000000e+00 : f32
    %broadcast_in_dim3A_0 = vector.broadcast %broadcast_in_dim3A : f32 to vector<32x1xf32>
    %get3A = arith.constant 0 : index
    %get3A_1 = arith.constant 0 : index
    %get3A_2 = vector.load %arg0[%get3A, %get3A_1] : memref<32x10240xf32, #tpu.memory_space<vmem>>, vector<32x10240xf32>
    %dot_general3A = arith.constant dense<0.000000e+00> : vector<10240x1xf32>
    %dot_general3A_3 = tpu.matmul %get3A_2, %broadcast_in_dim3A_0, %dot_general3A {dimension_numbers = #tpu.dot_dimension_numbers<[0], [0], [1], [1], [0, 1, 1, 1], [], []>, transpose_lhs_hint = false} : vector<32x10240xf32>, vector<32x1xf32>, vector<10240x1xf32> -> vector<10240x1xf32>
    %slice3A = vector.extract_strided_slice %dot_general3A_3 {offsets = [0, 0], sizes = [10000, 1], strides = [1, 1]} : vector<10240x1xf32> to vector<10000x1xf32>
    %add3A = arith.constant 1.000000e+00 : f32
    %add3A_4 = vector.broadcast %add3A : f32 to vector<10000x1xf32>
    %add3A_5 = arith.addf %slice3A, %add3A_4 : vector<10000x1xf32>
    %rsqrt3A = math.rsqrt %add3A_5 : vector<10000x1xf32>
    %swap3A = arith.constant 0 : index
    %swap3A_6 = arith.constant 0 : index
    %swap3A_7 = vector.load %arg4[%swap3A, %swap3A_6] : memref<10000x1xf32, #tpu.memory_space<vmem>>, vector<10000x1xf32>
    tpu.vector_store %arg4[%swap3A, %swap3A_6], %rsqrt3A {strides = array<i32>} : memref<10000x1xf32, #tpu.memory_space<vmem>>, vector<10000x1xf32>,
    %get3A_8 = arith.constant 0 : index
    %get3A_9 = arith.constant 0 : index
    %get3A_10 = vector.load %arg0[%get3A_8, %get3A_9] : memref<32x10240xf32, #tpu.memory_space<vmem>>, vector<32x10240xf32>
    %reduce_sum3A = arith.constant dense<0.000000e+00> : vector<10240xf32>
    %reduce_sum3A_11 = vector.multi_reduction <add>, %get3A_10, %reduce_sum3A [0] : vector<32x10240xf32> to vector<10240xf32>
    %add3A_12 = arith.constant 1.000000e+00 : f32
    %add3A_13 = vector.broadcast %add3A_12 : f32 to vector<10240xf32>
    %add3A_14 = arith.addf %reduce_sum3A_11, %add3A_13 : vector<10240xf32>
    %rsqrt3A_15 = math.rsqrt %add3A_14 : vector<10240xf32>
    %swap3A_16 = arith.constant 0 : index
    %swap3A_17 = vector.load %arg5[%swap3A_16] : memref<10240xf32, #tpu.memory_space<vmem>>, vector<10240xf32>
    tpu.vector_store %arg5[%swap3A_16], %rsqrt3A_15 {strides = array<i32>} : memref<10240xf32, #tpu.memory_space<vmem>>, vector<10240xf32>,
    %get3A_18 = arith.constant 0 : index
    %get3A_19 = arith.constant 0 : index
    %get3A_20 = vector.load %arg1[%get3A_18, %get3A_19] : memref<10000x128xf32, #tpu.memory_space<vmem>>, vector<10000x128xf32>
    %get3A_21 = arith.constant 0 : index
    %get3A_22 = arith.constant 0 : index
    %get3A_23 = vector.load %arg2[%get3A_21, %get3A_22] : memref<128x64xf32, #tpu.memory_space<vmem>>, vector<128x64xf32>
    %dot_general3A_24 = arith.constant dense<0.000000e+00> : vector<10000x64xf32>
    %dot_general3A_25 = tpu.matmul %get3A_20, %get3A_23, %dot_general3A_24 {dimension_numbers = #tpu.dot_dimension_numbers<[1], [0], [0], [1], [0, 0, 1, 1], [], []>, transpose_lhs_hint = false} : vector<10000x128xf32>, vector<128x64xf32>, vector<10000x64xf32> -> vector<10000x64xf32>
    %mul3A = vector.broadcast %rsqrt3A : vector<10000x1xf32> to vector<10000x64xf32>
    %mul3A_26 = arith.mulf %dot_general3A_25, %mul3A : vector<10000x64xf32>
    %swap3A_27 = arith.constant 0 : index
    %swap3A_28 = arith.constant 0 : index
    %swap3A_29 = vector.load %arg3[%swap3A_27, %swap3A_28] : memref<10240x64xf32, #tpu.memory_space<vmem>>, vector<10000x64xf32>
    tpu.vector_store %arg3[%swap3A_27, %swap3A_28], %mul3A_26 {strides = array<i32>} : memref<10240x64xf32, #tpu.memory_space<vmem>>, vector<10000x64xf32>,
    return
  }
}

module attributes {stable_mosaic.version = 14 : i64} {
  func.func @_stage_mid_body(%arg0: memref<2x10240x64xf32, #tpu.memory_space<vmem>>, %arg1: memref<10240x64xf32, #tpu.memory_space<vmem>>, %arg2: memref<10000x1xf32, #tpu.memory_space<vmem>>, %arg3: memref<1x64xf32, #tpu.memory_space<vmem>>, %arg4: memref<64x32xf32, #tpu.memory_space<vmem>>, %arg5: memref<10240x32xf32, #tpu.memory_space<vmem>>) attributes {dimension_semantics = [], scalar_prefetch = 0 : i64, scratch_operands = 0 : i64, tpu.core_type = #tpu.core_type<tc>} {
    %get3A = arith.constant 0 : index
    %get3A_0 = arith.constant 0 : index
    %get3A_1 = arith.constant 0 : index
    %get3A_2 = vector.load %arg0[%get3A, %get3A_0, %get3A_1] : memref<2x10240x64xf32, #tpu.memory_space<vmem>>, vector<1x10000x64xf32>
    %get3A_3 = vector.shape_cast %get3A_2 : vector<1x10000x64xf32> to vector<10000x64xf32>
    %get3A_4 = arith.constant 1 : index
    %get3A_5 = arith.constant 0 : index
    %get3A_6 = arith.constant 0 : index
    %get3A_7 = vector.load %arg0[%get3A_4, %get3A_5, %get3A_6] : memref<2x10240x64xf32, #tpu.memory_space<vmem>>, vector<1x10000x64xf32>
    %get3A_8 = vector.shape_cast %get3A_7 : vector<1x10000x64xf32> to vector<10000x64xf32>
    %add3A = arith.addf %get3A_3, %get3A_8 : vector<10000x64xf32>
    %get3A_9 = arith.constant 0 : index
    %get3A_10 = arith.constant 0 : index
    %get3A_11 = vector.load %arg1[%get3A_9, %get3A_10] : memref<10240x64xf32, #tpu.memory_space<vmem>>, vector<10000x64xf32>
    %add3A_12 = arith.addf %add3A, %get3A_11 : vector<10000x64xf32>
    %get3A_13 = arith.constant 0 : index
    %get3A_14 = arith.constant 0 : index
    %get3A_15 = vector.load %arg2[%get3A_13, %get3A_14] : memref<10000x1xf32, #tpu.memory_space<vmem>>, vector<10000x1xf32>
    %mul3A = vector.broadcast %get3A_15 : vector<10000x1xf32> to vector<10000x64xf32>
    %mul3A_16 = arith.mulf %add3A_12, %mul3A : vector<10000x64xf32>
    %get3A_17 = arith.constant 0 : index
    %get3A_18 = arith.constant 0 : index
    %get3A_19 = vector.load %arg3[%get3A_17, %get3A_18] : memref<1x64xf32, #tpu.memory_space<vmem>>, vector<1x64xf32>
    %add3A_20 = vector.broadcast %get3A_19 : vector<1x64xf32> to vector<10000x64xf32>
    %add3A_21 = arith.addf %mul3A_16, %add3A_20 : vector<10000x64xf32>
    %max3A = arith.constant 0.000000e+00 : f32
    %max3A_22 = vector.broadcast %max3A : f32 to vector<10000x64xf32>
    %max3A_23 = arith.maximumf %add3A_21, %max3A_22 : vector<10000x64xf32>
    %get3A_24 = arith.constant 0 : index
    %get3A_25 = arith.constant 0 : index
    %get3A_26 = vector.load %arg4[%get3A_24, %get3A_25] : memref<64x32xf32, #tpu.memory_space<vmem>>, vector<64x32xf32>
    %dot_general3A = arith.constant dense<0.000000e+00> : vector<10000x32xf32>
    %dot_general3A_27 = tpu.matmul %max3A_23, %get3A_26, %dot_general3A {dimension_numbers = #tpu.dot_dimension_numbers<[1], [0], [0], [1], [0, 0, 1, 1], [], []>, transpose_lhs_hint = false} : vector<10000x64xf32>, vector<64x32xf32>, vector<10000x32xf32> -> vector<10000x32xf32>
    %get3A_28 = arith.constant 0 : index
    %get3A_29 = arith.constant 0 : index
    %get3A_30 = vector.load %arg2[%get3A_28, %get3A_29] : memref<10000x1xf32, #tpu.memory_space<vmem>>, vector<10000x1xf32>
    %mul3A_31 = vector.broadcast %get3A_30 : vector<10000x1xf32> to vector<10000x32xf32>
    %mul3A_32 = arith.mulf %dot_general3A_27, %mul3A_31 : vector<10000x32xf32>
    %swap3A = arith.constant 0 : index
    %swap3A_33 = arith.constant 0 : index
    %swap3A_34 = vector.load %arg5[%swap3A, %swap3A_33] : memref<10240x32xf32, #tpu.memory_space<vmem>>, vector<10000x32xf32>
    tpu.vector_store %arg5[%swap3A, %swap3A_33], %mul3A_32 {strides = array<i32>} : memref<10240x32xf32, #tpu.memory_space<vmem>>, vector<10000x32xf32>,
    return
  }
}

module attributes {stable_mosaic.version = 14 : i64} {
  func.func @_stage_c_body(%arg0: memref<2x10240x32xf32, #tpu.memory_space<vmem>>, %arg1: memref<10240x32xf32, #tpu.memory_space<vmem>>, %arg2: memref<10000x1xf32, #tpu.memory_space<vmem>>, %arg3: memref<1x32xf32, #tpu.memory_space<vmem>>, %arg4: memref<32x1xf32, #tpu.memory_space<vmem>>, %arg5: memref<10240x1xf32, #tpu.memory_space<vmem>>) attributes {dimension_semantics = [], scalar_prefetch = 0 : i64, scratch_operands = 0 : i64, tpu.core_type = #tpu.core_type<tc>} {
    %get3A = arith.constant 0 : index
    %get3A_0 = arith.constant 0 : index
    %get3A_1 = arith.constant 0 : index
    %get3A_2 = vector.load %arg0[%get3A, %get3A_0, %get3A_1] : memref<2x10240x32xf32, #tpu.memory_space<vmem>>, vector<1x10000x32xf32>
    %get3A_3 = vector.shape_cast %get3A_2 : vector<1x10000x32xf32> to vector<10000x32xf32>
    %get3A_4 = arith.constant 1 : index
    %get3A_5 = arith.constant 0 : index
    %get3A_6 = arith.constant 0 : index
    %get3A_7 = vector.load %arg0[%get3A_4, %get3A_5, %get3A_6] : memref<2x10240x32xf32, #tpu.memory_space<vmem>>, vector<1x10000x32xf32>
    %get3A_8 = vector.shape_cast %get3A_7 : vector<1x10000x32xf32> to vector<10000x32xf32>
    %add3A = arith.addf %get3A_3, %get3A_8 : vector<10000x32xf32>
    %get3A_9 = arith.constant 0 : index
    %get3A_10 = arith.constant 0 : index
    %get3A_11 = vector.load %arg1[%get3A_9, %get3A_10] : memref<10240x32xf32, #tpu.memory_space<vmem>>, vector<10000x32xf32>
    %add3A_12 = arith.addf %add3A, %get3A_11 : vector<10000x32xf32>
    %get3A_13 = arith.constant 0 : index
    %get3A_14 = arith.constant 0 : index
    %get3A_15 = vector.load %arg2[%get3A_13, %get3A_14] : memref<10000x1xf32, #tpu.memory_space<vmem>>, vector<10000x1xf32>
    %mul3A = vector.broadcast %get3A_15 : vector<10000x1xf32> to vector<10000x32xf32>
    %mul3A_16 = arith.mulf %add3A_12, %mul3A : vector<10000x32xf32>
    %get3A_17 = arith.constant 0 : index
    %get3A_18 = arith.constant 0 : index
    %get3A_19 = vector.load %arg3[%get3A_17, %get3A_18] : memref<1x32xf32, #tpu.memory_space<vmem>>, vector<1x32xf32>
    %add3A_20 = vector.broadcast %get3A_19 : vector<1x32xf32> to vector<10000x32xf32>
    %add3A_21 = arith.addf %mul3A_16, %add3A_20 : vector<10000x32xf32>
    %max3A = arith.constant 0.000000e+00 : f32
    %max3A_22 = vector.broadcast %max3A : f32 to vector<10000x32xf32>
    %max3A_23 = arith.maximumf %add3A_21, %max3A_22 : vector<10000x32xf32>
    %get3A_24 = arith.constant 0 : index
    %get3A_25 = arith.constant 0 : index
    %get3A_26 = vector.load %arg4[%get3A_24, %get3A_25] : memref<32x1xf32, #tpu.memory_space<vmem>>, vector<32x1xf32>
    %dot_general3A = arith.constant dense<0.000000e+00> : vector<10000x1xf32>
    %dot_general3A_27 = tpu.matmul %max3A_23, %get3A_26, %dot_general3A {dimension_numbers = #tpu.dot_dimension_numbers<[1], [0], [0], [1], [0, 0, 1, 1], [], []>, transpose_lhs_hint = false} : vector<10000x32xf32>, vector<32x1xf32>, vector<10000x1xf32> -> vector<10000x1xf32>
    %get3A_28 = arith.constant 0 : index
    %get3A_29 = arith.constant 0 : index
    %get3A_30 = vector.load %arg2[%get3A_28, %get3A_29] : memref<10000x1xf32, #tpu.memory_space<vmem>>, vector<10000x1xf32>
    %mul3A_31 = arith.mulf %dot_general3A_27, %get3A_30 : vector<10000x1xf32>
    %swap3A = arith.constant 0 : index
    %swap3A_32 = arith.constant 0 : index
    %swap3A_33 = vector.load %arg5[%swap3A, %swap3A_32] : memref<10240x1xf32, #tpu.memory_space<vmem>>, vector<10000x1xf32>
    tpu.vector_store %arg5[%swap3A, %swap3A_32], %mul3A_31 {strides = array<i32>} : memref<10240x1xf32, #tpu.memory_space<vmem>>, vector<10000x1xf32>,
    return
  }
}

module attributes {stable_mosaic.version = 14 : i64} {
  func.func @_stage_d_body(%arg0: memref<32x10240xf32, #tpu.memory_space<vmem>>, %arg1: memref<10240xf32, #tpu.memory_space<vmem>>, %arg2: memref<1x1xf32, #tpu.memory_space<vmem>>, %arg3: memref<10240xf32, #tpu.memory_space<vmem>>) attributes {dimension_semantics = [], scalar_prefetch = 0 : i64, scratch_operands = 0 : i64, tpu.core_type = #tpu.core_type<tc>} {
    %get3A = arith.constant 0 : index
    %get3A_0 = arith.constant 0 : index
    %get3A_1 = vector.load %arg0[%get3A, %get3A_0] : memref<32x10240xf32, #tpu.memory_space<vmem>>, vector<32x10240xf32>
    %reduce_sum3A = arith.constant dense<0.000000e+00> : vector<10240xf32>
    %reduce_sum3A_2 = vector.multi_reduction <add>, %get3A_1, %reduce_sum3A [0] : vector<32x10240xf32> to vector<10240xf32>
    %get3A_3 = arith.constant 0 : index
    %get3A_4 = vector.load %arg1[%get3A_3] : memref<10240xf32, #tpu.memory_space<vmem>>, vector<10240xf32>
    %mul3A = arith.mulf %reduce_sum3A_2, %get3A_4 : vector<10240xf32>
    %get3A_5 = arith.constant 0 : index
    %get3A_6 = arith.constant 0 : index
    %get3A_7 = vector.load %arg2[%get3A_5, %get3A_6] : memref<1x1xf32, #tpu.memory_space<vmem>>, vector<1x1xf32>
    %get3A_8 = vector.extract %get3A_7[0, 0] : f32 from vector<1x1xf32>
    %add3A = vector.broadcast %get3A_8 : f32 to vector<10240xf32>
    %add3A_9 = arith.addf %mul3A, %add3A : vector<10240xf32>
    %swap3A = arith.constant 0 : index
    %swap3A_10 = vector.load %arg3[%swap3A] : memref<10240xf32, #tpu.memory_space<vmem>>, vector<10240xf32>
    tpu.vector_store %arg3[%swap3A], %add3A_9 {strides = array<i32>} : memref<10240xf32, #tpu.memory_space<vmem>>, vector<10240xf32>,
    return
  }
}

</mosaic_0001>

<sc_bundles>
// kernel: kernel.10.cloned.1.call-start
scs
__scs_entry_jumppad:
0x0: {  	(pc) =	sbr.rel $0x88, $3  }
0x1: {  	(tag) =	ssettag $0x0;
	lr =	simm.s32 $0x1  }
0x2: {  	[smem:$0x3F99] =	sst lr;
	_ =	strace $0xD0000000  }
0x3: {  	_ = 	snop  }
0x4: {  	_ = 	snop  }
0x5: {  	_ = 	snop  }
0x6: {  	_ = 	snop  }
0x7: {  	_ = 	snop  }
__scs_overlays_trampoline_lowered:
0x8: {  	[smem:$0x3FA8] =	sst s0  }
0x9: {  	[smem:$0x3FA9] =	sst s1  }
0xa: {  	[smem:$0x3FAA] =	sst s2  }
0xb: {  	[smem:$0x3FAB] =	sst s3  }
0xc: {  	[smem:$0x3FAC] =	sst s4  }
0xd: {  	[smem:$0x3FAD] =	sst s5  }
0xe: {  	[smem:$0x3FAE] =	sst s6  }
0xf: {  	[smem:$0x3FAF] =	sst s7  }
0x10: {  	[smem:$0x3FB0] =	sst s8  }
0x11: {  	[smem:$0x3FB1] =	sst s9;
	s0 =	simm.s32 @!p0 $0x0  }
0x12: {  	s1 =	sld [smem:$0x3F97];
	s0 =	simm.s32 @p0 $0x1  }
0x13: {  	[smem:$0x3FB2] =	sst s0;
	s0 =	simm.s32 @!p1 $0x0  }
0x14: {  	s2 =	sld [smem:$0x3F96];
	s0 =	simm.s32 @p1 $0x1  }
0x15: {  	[smem:$0x3FB3] =	sst s0;
	s0 =	simm.s32 @!p2 $0x0  }
0x16: {  	s3 =	sld [smem:$0x3FDB];
	s0 =	simm.s32 @p2 $0x1  }
0x17: {  	s4 =	simm.s32 $0x1BF5;
	[smem:$0x3FB5] =	sst s0  }
0x18: {  	s0 =	sld [smem:$0x3F98];
	_ =	swait.ge [sflag:s4], $0x0  }
0x19: {  	s7 =	sld [smem:$0x3F99]  }
0x1a: {  	s8 =	sadd.s32 $0xFFFFE003, lr  }
0x1b: {  	s9 =	sadd.s32 $0xFFFFFEF7, lr;
	s5 =	simm.s32 $0xFFFFFFFF;
	p2 =	slt.u32 s8, $0xFFFFF086  }
0x1c: {  	p1 =	slt.u32 s9, $0xF7A;
	s5 =	simm.s32 @!p2 $0x0  }
0x1d: {  	s5 =	simm.s32 @p1 $0x1;
	p0 =	seq.s32 s7, s2  }
0x1e: {  	s7 =	smul.u32 @!p0 $0xF7A, s2;
	p2 =	seq.s32 @!p0 s5, $0x0  }
0x1f: {  	s9 =	smul.u32 $0xF7A, s1;
	s8 =	simm.s32 @!p0 $0x1BF5;
	p2 =	por !p2, p0  }
0x20: {  	[sflag:s8] =	ssyncset.s32 @!p0 $0xFFFFF086;
	s6 =	sadd.s32 @!p0 s3, s7;
	s7 =	simm.s32 @!p0 $0x108  }
0x21: {  	s3 =	sadd.s32 s3, s9;
	s6 =	sadd.s32 @!p0 $0x88, s6;
	s7 =	simm.s32 @p2 $0x1082  }
0x22: {  	[simem:s7], [sflag:s8] =	dma.local @!p0 [hbm:s6], $0xF7A  }
0x23: {  	s9 =	sor.u32 $0xD0000000, s2;
	s6 =	simm.s32 $0x108;
	_ =	swait.ge @!p0 [sflag:s8], $0x0  }
0x24: {  	s3 =	sadd.s32 $0x88, s3;
	s6 =	simm.s32 @!p1 $0x1082;
	[sflag:s4] =	ssyncset.s32 $0xFFFFF086  }
0x25: {  	[simem:s6], [sflag:s4] =	dma.local [hbm:s3], $0xF7A  }
0x26: {  	[smem:$0x3F99] =	sst s1;
	(tag) =	ssettag s2;
	_ =	strace s9  }
0x27: {  	s1 =	sld [smem:$0x3FA9]  }
0x28: {  	s2 =	sld [smem:$0x3FAA]  }
0x29: {  	s4 =	sld [smem:$0x3FAC]  }
0x2a: {  	p0 =	seq.s32 s5, $0x0;
	s5 =	sld [smem:$0x3FAD]  }
0x2b: {  	s6 =	sld [smem:$0x3FAE]  }
0x2c: {  	s7 =	sld [smem:$0x3FAF]  }
0x2d: {  	s3 =	simm.s32 $0x108;
	s8 =	sld [smem:$0x3FB0]  }
0x2e: {  	s3 =	simm.s32 @!p0 $0x1082;
	s9 =	sld [smem:$0x3FB1]  }
0x2f: {  	lr =	sadd.s32 s0, s3;
	s0 =	sld [smem:$0x3FA8]  }
0x30: {  	s3 =	sld [smem:$0x3FAB]  }
0x31: {  	[smem:$0x3FB4] =	sst s10  }
0x32: {  	s10 =	sld [smem:$0x3FB2];
	_ =	sdelay $0x3  }
0x33: {  	p0 =	seq.s32 s10, $0x1;
	s10 =	sld [smem:$0x3FB4];
	_ =	sdelay $0x3  }
0x34: {  	[smem:$0x3FB4] =	sst s10  }
0x35: {  	s10 =	sld [smem:$0x3FB3];
	_ =	sdelay $0x3  }
0x36: {  	p1 =	seq.s32 s10, $0x1;
	s10 =	sld [smem:$0x3FB4];
	_ =	sdelay $0x3  }
0x37: {  	[smem:$0x3FB4] =	sst s10  }
0x38: {  	s10 =	sld [smem:$0x3FB5]  }
0x39: {  	_ = 	snop;
	(pc) =	sbr.ind lr, $3  }
0x3a: {  	_ = 	snop  }
0x3b: {  	_ = 	snop  }
0x3c: {  	p2 =	seq.s32 s10, $0x1;
	s10 =	sld [smem:$0x3FB4]  }
0x3d: {  	_ =	shalt  }
0x3e: {  	_ =	shalt  }
0x3f: {  	_ =	shalt  }
0x40: {  	_ =	shalt  }
0x41: {  	_ =	shalt  }
0x42: {  	_ =	shalt  }
0x43: {  	_ =	shalt  }
0x44: {  	_ =	shalt  }
0x45: {  	_ =	shalt  }
0x46: {  	_ =	shalt  }
0x47: {  	_ =	shalt  }
0x48: {  	_ =	shalt  }
0x49: {  	_ =	shalt  }
0x4a: {  	_ =	shalt  }
0x4b: {  	_ =	shalt  }
0x4c: {  	_ =	shalt  }
0x4d: {  	_ =	shalt  }
0x4e: {  	_ =	shalt  }
0x4f: {  	_ =	shalt  }
0x50: {  	_ =	shalt  }
0x51: {  	_ =	shalt  }
0x52: {  	_ =	shalt  }
0x53: {  	_ =	shalt  }
0x54: {  	_ =	shalt  }
0x55: {  	_ =	shalt  }
0x56: {  	_ =	shalt  }
0x57: {  	_ =	shalt  }
0x58: {  	_ =	shalt  }
0x59: {  	_ =	shalt  }
0x5a: {  	_ =	shalt  }
0x5b: {  	_ =	shalt  }
0x5c: {  	_ =	shalt  }
0x5d: {  	_ =	shalt  }
0x5e: {  	_ =	shalt  }
0x5f: {  	_ =	shalt  }
0x60: {  	_ =	shalt  }
0x61: {  	_ =	shalt  }
0x62: {  	_ =	shalt  }
0x63: {  	_ =	shalt  }
0x64: {  	_ =	shalt  }
0x65: {  	_ =	shalt  }
0x66: {  	_ =	shalt  }
0x67: {  	_ =	shalt  }
0x68: {  	_ =	shalt  }
0x69: {  	_ =	shalt  }
0x6a: {  	_ =	shalt  }
0x6b: {  	_ =	shalt  }
0x6c: {  	_ =	shalt  }
0x6d: {  	_ =	shalt  }
0x6e: {  	_ =	shalt  }
0x6f: {  	_ =	shalt  }
0x70: {  	_ =	shalt  }
0x71: {  	_ =	shalt  }
0x72: {  	_ =	shalt  }
0x73: {  	_ =	shalt  }
0x74: {  	_ =	shalt  }
0x75: {  	_ =	shalt  }
0x76: {  	_ =	shalt  }
0x77: {  	_ =	shalt  }
0x78: {  	_ =	shalt  }
0x79: {  	_ =	shalt  }
0x7a: {  	_ =	shalt  }
0x7b: {  	_ =	shalt  }
0x7c: {  	_ =	shalt  }
0x7d: {  	_ =	shalt  }
0x7e: {  	_ =	shalt  }
0x7f: {  	_ =	shalt  }
0x80: {  	_ =	shalt  }
0x81: {  	_ =	shalt  }
0x82: {  	_ =	shalt  }
0x83: {  	_ =	shalt  }
0x84: {  	_ =	shalt  }
0x85: {  	_ =	shalt  }
0x86: {  	_ =	shalt  }
0x87: {  	_ =	shalt  }
.Lfunc_end0:
.L_simem_size_0:
called_computation_lowered:
.L_overlay_start_0:
0x88: {  	s2 =	sld [smem:$0x3FD9]  }
0x89: {  	s3 =	sld [smem:$0x3FFE];
	_ =	sdelay $0x1  }
0x8a: {  	s1 =	srdreg.scid  }
0x8b: {  	s0 =	sand.u32 $0x1, s1  }
0x8c: {  	s16 =	sshll.u32 s0, $0xA;
	s2 =	sadd.s32 s3, s2  }
0x8d: {  	s2 =	sadd.s32 s2, s16  }
0x8e: {  	[smem:$0x3FC0] =	sst s2  }
0x8f: {  	_ = 	snop  }
0x90: {  	(tm) =	ssettm $0x1  }
0x91: {  	s17 =	sld [smem:$0x3FFB];
	_ =	sdelay $0x3  }
0x92: {  	_ =	strace s17  }
0x93: {  	s2 =	sld [smem:$0x3FFC];
	_ =	sdelay $0x3  }
0x94: {  	_ =	strace s2  }
0x95: {  	s2 =	sld [smem:$0x3FFD];
	_ =	sdelay $0x3  }
0x96: {  	_ =	strace s2  }
0x97: {  	_ =	strace $0x8FFFFFFF  }
0x98: {  	s18 =	sld [smem:$0x3FDB];
	_ =	sdelay $0x1  }
0x99: {  	s19 =	simm.s32 $_scs_section_size  }
0x9a: {  	s4 =	simm.s32 $_size__tile_overlayer_lowered;
	s5 =	simm.s32 $_tile_overlayer_lowered  }
0x9b: {  	s22 =	simm.s32 $0x1BFF;
	s21 =	sshll.u32 s5, $0x1;
	s2 =	sadd.s32 s19, s18  }
0x9c: {  	s6 =	simm.s32 $0x0;
	s20 =	sshll.u32 s4, $0x1;
	s4 =	sadd.s32 s21, s2  }
0x9d: {  	[timem:s6], [sflag:s22] =	dma.local [hbm:s4], s20  }
0x9e: {  	_ =	swait.ge [sflag:s22], s20  }
0x9f: {  	s3 =	ssub.s32 $0x0, s20;
	[sflag:s22] =	ssyncset.done $0x0  }
0xa0: {  	[sflag:s22] =	ssyncadd.s32 s3;
	_ =	sdelay $0x1  }
0xa1: {  	s23 =	simm.s32 $0x1B8B  }
0xa2: {  	_ =	swait.ge [sflag:s23], $0x1  }
0xa3: {  	[sflag:s23] =	ssyncset.done $0x0  }
0xa4: {  	s25 =	simm.s32 $0x1B8E;
	s24 =	sld [smem:$0x3FFE];
	[sflag:s23] =	ssyncadd.s32 $0xFFFFFFFF  }
0xa5: {  	s26 =	simm.s32 $execute0_lowered;
	[smem:$0x3FD2] =	sst s25  }
0xa6: {  	s4 =	sshll.u32 s26, $0x1;
	_ =	strace $0x80000046;
	[dreg:$0x1] =	wrdreg $0xFFFFFFFF  }
0xa7: {  	s28 =	simm.s32 $_size_execute0_lowered;
	s2 =	sadd.s32 s2, s4;
	[dreg:$0x0] =	wrdreg $0x0  }
0xa8: {  	s4 =	sshll.u32 s28, $0x1;
	[dreg:$0x2] =	wrdreg s2  }
0xa9: {  	[dreg:$0x3] =	wrdreg s4  }
0xaa: {  	[dreg:$0x4] =	wrdreg $0xC0  }
0xab: {  	_ =	task [dreg:s6], $0x5FFFF  }
0xac: {  	[dreg:$0x1] =	wrdreg $0xFFFFFFFF  }
0xad: {  	[dreg:$0x0] =	wrdreg $0x60  }
0xae: {  	[dreg:$0x2] =	wrdreg s24  }
0xaf: {  	[dreg:$0x3] =	wrdreg $0x9  }
0xb0: {  	_ =	task.clear_ibuf [dreg:s6], $0x4FFFF;
	_ =	strace $0x90000046  }
0xb1: {  	s29 =	simm.s32 $0x9;
	_ =	strace $0x80000048  }
0xb2: {  	_ =	swait.ge [sflag:s29], $0x1  }
0xb3: {  	[sflag:s29] =	ssyncadd.s32 $0xFFFFFFFF  }
0xb4: {  	_ =	strace $0x90000048  }
0xb5: {  	_ =	sfence  }
0xb6: {  	s30 =	sld [smem:$0x0];
	_ =	sdelay $0x2  }
0xb7: {  	s31 =	sshll.u32 s1, $0xD;
	s1 =	sshrl.u32 s1, $0x2  }
0xb8: {  	s3 =	sand.u32 $0x4000, s31;
	s1 =	sadd.s32 s1, s30  }
0xb9: {  	s0 =	sor.u32 s3, s0;
	s1 =	sshll.u32 s1, $0x11  }
0xba: {  	s0 =	sor.u32 s1, s0  }
0xbb: {  	s0 =	sadd.s32 $0x8F2B, s0  }
0xbc: {  	[sflag:s0] =	ssyncadd.remote.s32 $0x1  }
0xbd: {  	_ =	sfence.sel $0xFFFF  }
0xbe: {  	[dreg:$0x0] =	wrdreg $0xFFFFFFFF;
	(pc) =	sbr.abs _section_cstart, $3  }
0xbf: {  	[dreg:$0x1] =	wrdreg $0xFFFFFFFF  }
0xc0: {  	_ =	task.clear_ibuf [dreg:s6], $0x2FFFF;
	_ =	strace $0x9FFFFFFF  }
0xc1: {  	(tm) =	ssettm $0x7FFFFFFF  }
tec
execute0_lowered:
.L_overlay_start_1:
0x0: {  	(tag) =	ssettag $0x1  }
0x1: {  	s0 =	srdreg.scid  }
0x2: {  	s3 =	sand.u32 $0x1, s0  }
0x3: {  	s0 =	stileid.u32;
	s1 =	sshll.u32 s3, $0x4  }
0x4: {  	s4 =	rddreg [dreg:$0x0];
	s5 =	sor.u32 s0, s1  }
0x5: {  	s2 =	simm.s32 $0x0;
	s8 =	simm.s32 $0x0;
	s6 =	smul.u32 $0x2800, s5  }
0x6: {  	[smem:$0x7FF] =	sst s2;
	s3 =	ssub.s32 $0x2, s3;
	s5 =	smul.u32 $0x500, s5  }
0x7: {  	s1 =	rddreg [dreg:$0x1];
	_ =	strace $0x80000047;
	s7 =	sshrl.u32 s3, $0x1  }
0x8: {  	s7 =	ssub.s32 s3, s7;
	s6 =	sshrl.u32 s6, $0x3;
	s5 =	sadd.s32 s5, s4  }
0x9: {  	s31 =	sadd.s32 s4, s6;
	s4 =	sadd.s32 $0x16000, s5;
	s5 =	smax.u32 s7, $0x1  }
0xa: {  	v0 =	vimm.f32 $0.0e+00;
	v1 =	vimm.f32 $1.000000000e+00;
	s6 =	simm.s32 $0x1;
	s7 =	simm.s32 $0x2800;
	s3 =	sadd.s32 $0xC000, s31  }
.LBB2_1:
0xb: {  	s9 =	simm.s32 $0x40;
	s10 =	simm.s32 $0x0  }
.LBB2_2:
0xc: {  	p0 =	sne.s32 s9, $0x9FC0;
	[tilespmem:s10+$0x2800] =	vst v0;
	s10 =	smov.u32 s9;
	s9 =	sadd.s32 $0x40, s9  }
.Ltmp0:
0xd: {  	(pc) =	sbr.rel @p0 .LBB2_2-.Ltmp0, $2  }
0xe: {  	_ =	sdelay $0x2  }
0xf: {  	s10 =	sshra.s32 s10, $0x2  }
0x10: {  	[tilespmem:s10+$0x2800] =	vst v0;
	s9 =	simm.s32 $0x0  }
0x11: {  	[tilespmem:s9], [sflag:$0x1] =	stream.linear.gather [hbm4b:s3+s9], $0x2800, $0x38;
	[tilespmem:$0x5000] =	vst v63  }
0x12: {  	_ =	swait.ge [sflag:s6], $0x2800  }
0x13: {  	[sflag:s6] =	ssyncset.done $0x0  }
0x14: {  	[sflag:s6] =	ssyncadd.s32 $0xFFFFD800  }
.LBB2_4:
0x15: {  	s10 =	sshra.s32 s9, $0x2  }
0x16: {  	v2 =	vld [tilespmem:s10+$0x0];
	_ =	sdelay $0x7  }
0x17: {  	[tilespmem:v2+s7+$0x0] =	vst.idx.add.f32.msk $0xffff, v1  }
0x18: {  	v2 =	vld [tilespmem:s10+$0x10];
	_ =	sdelay $0x7  }
0x19: {  	[tilespmem:v2+s7+$0x0] =	vst.idx.add.f32.msk $0xffff, v1  }
0x1a: {  	v2 =	vld [tilespmem:s10+$0x20];
	_ =	sdelay $0x7  }
0x1b: {  	[tilespmem:v2+s7+$0x0] =	vst.idx.add.f32.msk $0xffff, v1  }
0x1c: {  	v2 =	vld [tilespmem:s10+$0x30];
	_ =	sdelay $0x7  }
0x1d: {  	[tilespmem:v2+s7+$0x0] =	vst.idx.add.f32.msk $0xffff, v1  }
0x1e: {  	v2 =	vld [tilespmem:s10+$0x40];
	_ =	sdelay $0x7  }
0x1f: {  	[tilespmem:v2+s7+$0x0] =	vst.idx.add.f32.msk $0xffff, v1  }
0x20: {  	v2 =	vld [tilespmem:s10+$0x50];
	_ =	sdelay $0x7  }
0x21: {  	[tilespmem:v2+s7+$0x0] =	vst.idx.add.f32.msk $0xffff, v1  }
0x22: {  	v2 =	vld [tilespmem:s10+$0x60];
	_ =	sdelay $0x7  }
0x23: {  	[tilespmem:v2+s7+$0x0] =	vst.idx.add.f32.msk $0xffff, v1  }
0x24: {  	v2 =	vld [tilespmem:s10+$0x70];
	_ =	sdelay $0x2  }
0x25: {  	p0 =	sne.s32 s9, $0x9E00  }
.Ltmp1:
0x26: {  	_ = 	snop;
	(pc) =	sbr.rel @p0 .LBB2_4-.Ltmp1, $2  }
0x27: {  	_ =	sdelay $0x2  }
0x28: {  	s9 =	sadd.s32 $0x200, s9;
	[tilespmem:v2+s7+$0x0] =	vst.idx.add.f32.msk $0xffff, v1  }
0x29: {  	s8 =	sadd.s32 $0x1, s8  }
0x2a: {  	p0 =	sne.s32 s8, s5  }
.Ltmp2:
0x2b: {  	_ = 	snop;
	(pc) =	sbr.rel @p0 .LBB2_1-.Ltmp2, $4  }
0x2c: {  	[hbm4b:s4+s2] =	stream.linear.scatter [tilespmem:s7], [sflag:$0x1], $0x2800, $0x38;
	[tilespmem:$0x5000] =	vst v63  }
0x2d: {  	_ =	swait.ge [sflag:s6], $0x2800  }
0x2e: {  	[sflag:s6] =	ssyncset.done $0x0  }
0x2f: {  	[sflag:s6] =	ssyncadd.s32 $0xFFFFD800  }
0x30: {  	_ =	sfence.sel $0x180000  }
0x31: {  	[bflag:$0x0] =	sbarrier.arrive $0xFFFF  }
0x32: {  	p0 =	sne.s32 s0, $0x0;
	_ =	strace $0x90000047  }
0x33: {  	s0 =	sadd.s32 @!p0 $0x100000, s1;
	[bflag:$0x2] =	sbarrier.arrive $0xFFFF  }
0x34: {  	[sflag:s0] =	ssyncadd.tile.s32 @!p0 $0x1;
	_ =	shalt  }
.Lfunc_end2:
_tile_overlayer_lowered:
.L_overlay_start_2:
0x35: {  	(tag) =	ssettag $0x2  }
0x36: {  	s0 =	rddreg [dreg:$0x0];
	s2 =	stileid.u32  }
0x37: {  	s1 =	rddreg [dreg:$0x1];
	p0 =	sne.s32 s2, $0x0  }
0x38: {  	s3 =	rddreg [dreg:$0x2];
	[bflag:$0x3] =	sbarrier.arrive $0xFFFF;
	s2 =	simm.s32 @!p0 $0x1C01  }
0x39: {  	[timem:s3], [sflag:s2] =	dma.local @!p0 [hbm:s0], s1  }
0x3a: {  	s0 =	simm.s32 @!p0 $0x1  }
0x3b: {  	_ =	swait.ge @!p0 [sflag:s0], s1  }
0x3c: {  	s1 =	ssub.s32 @!p0 $0x0, s1;
	[sflag:s0] =	ssyncset.done @!p0 $0x0  }
0x3d: {  	[sflag:s0] =	ssyncadd.s32 @!p0 s1  }
0x3e: {  	[bflag:$0x3] =	sbarrier.arrive $0xFFFF  }
0x3f: {  	_ =	shalt  }

// kernel: kernel.13.cloned.1.call-start
scs
__scs_entry_jumppad:
0x0: {  	(pc) =	sbr.rel $0x88, $3  }
0x1: {  	(tag) =	ssettag $0x0;
	lr =	simm.s32 $0x1  }
0x2: {  	[smem:$0x3F99] =	sst lr;
	_ =	strace $0xD0000000  }
0x3: {  	_ = 	snop  }
0x4: {  	_ = 	snop  }
0x5: {  	_ = 	snop  }
0x6: {  	_ = 	snop  }
0x7: {  	_ = 	snop  }
__scs_overlays_trampoline_lowered:
0x8: {  	[smem:$0x3FA8] =	sst s0  }
0x9: {  	[smem:$0x3FA9] =	sst s1  }
0xa: {  	[smem:$0x3FAA] =	sst s2  }
0xb: {  	[smem:$0x3FAB] =	sst s3  }
0xc: {  	[smem:$0x3FAC] =	sst s4  }
0xd: {  	[smem:$0x3FAD] =	sst s5  }
0xe: {  	[smem:$0x3FAE] =	sst s6  }
0xf: {  	[smem:$0x3FAF] =	sst s7  }
0x10: {  	[smem:$0x3FB0] =	sst s8  }
0x11: {  	[smem:$0x3FB1] =	sst s9;
	s0 =	simm.s32 @!p0 $0x0  }
0x12: {  	s1 =	sld [smem:$0x3F97];
	s0 =	simm.s32 @p0 $0x1  }
0x13: {  	[smem:$0x3FB2] =	sst s0;
	s0 =	simm.s32 @!p1 $0x0  }
0x14: {  	s2 =	sld [smem:$0x3F96];
	s0 =	simm.s32 @p1 $0x1  }
0x15: {  	[smem:$0x3FB3] =	sst s0;
	s0 =	simm.s32 @!p2 $0x0  }
0x16: {  	s3 =	sld [smem:$0x3FDB];
	s0 =	simm.s32 @p2 $0x1  }
0x17: {  	s4 =	simm.s32 $0x1BF5;
	[smem:$0x3FB5] =	sst s0  }
0x18: {  	s0 =	sld [smem:$0x3F98];
	_ =	swait.ge [sflag:s4], $0x0  }
0x19: {  	s7 =	sld [smem:$0x3F99]  }
0x1a: {  	s8 =	sadd.s32 $0xFFFFE003, lr  }
0x1b: {  	s9 =	sadd.s32 $0xFFFFFEF7, lr;
	s5 =	simm.s32 $0xFFFFFFFF;
	p2 =	slt.u32 s8, $0xFFFFF086  }
0x1c: {  	p1 =	slt.u32 s9, $0xF7A;
	s5 =	simm.s32 @!p2 $0x0  }
0x1d: {  	s5 =	simm.s32 @p1 $0x1;
	p0 =	seq.s32 s7, s2  }
0x1e: {  	s7 =	smul.u32 @!p0 $0xF7A, s2;
	p2 =	seq.s32 @!p0 s5, $0x0  }
0x1f: {  	s9 =	smul.u32 $0xF7A, s1;
	s8 =	simm.s32 @!p0 $0x1BF5;
	p2 =	por !p2, p0  }
0x20: {  	[sflag:s8] =	ssyncset.s32 @!p0 $0xFFFFF086;
	s6 =	sadd.s32 @!p0 s3, s7;
	s7 =	simm.s32 @!p0 $0x108  }
0x21: {  	s3 =	sadd.s32 s3, s9;
	s6 =	sadd.s32 @!p0 $0x88, s6;
	s7 =	simm.s32 @p2 $0x1082  }
0x22: {  	[simem:s7], [sflag:s8] =	dma.local @!p0 [hbm:s6], $0xF7A  }
0x23: {  	s9 =	sor.u32 $0xD0000000, s2;
	s6 =	simm.s32 $0x108;
	_ =	swait.ge @!p0 [sflag:s8], $0x0  }
0x24: {  	s3 =	sadd.s32 $0x88, s3;
	s6 =	simm.s32 @!p1 $0x1082;
	[sflag:s4] =	ssyncset.s32 $0xFFFFF086  }
0x25: {  	[simem:s6], [sflag:s4] =	dma.local [hbm:s3], $0xF7A  }
0x26: {  	[smem:$0x3F99] =	sst s1;
	(tag) =	ssettag s2;
	_ =	strace s9  }
0x27: {  	s1 =	sld [smem:$0x3FA9]  }
0x28: {  	s2 =	sld [smem:$0x3FAA]  }
0x29: {  	s4 =	sld [smem:$0x3FAC]  }
0x2a: {  	p0 =	seq.s32 s5, $0x0;
	s5 =	sld [smem:$0x3FAD]  }
0x2b: {  	s6 =	sld [smem:$0x3FAE]  }
0x2c: {  	s7 =	sld [smem:$0x3FAF]  }
0x2d: {  	s3 =	simm.s32 $0x108;
	s8 =	sld [smem:$0x3FB0]  }
0x2e: {  	s3 =	simm.s32 @!p0 $0x1082;
	s9 =	sld [smem:$0x3FB1]  }
0x2f: {  	lr =	sadd.s32 s0, s3;
	s0 =	sld [smem:$0x3FA8]  }
0x30: {  	s3 =	sld [smem:$0x3FAB]  }
0x31: {  	[smem:$0x3FB4] =	sst s10  }
0x32: {  	s10 =	sld [smem:$0x3FB2];
	_ =	sdelay $0x3  }
0x33: {  	p0 =	seq.s32 s10, $0x1;
	s10 =	sld [smem:$0x3FB4];
	_ =	sdelay $0x3  }
0x34: {  	[smem:$0x3FB4] =	sst s10  }
0x35: {  	s10 =	sld [smem:$0x3FB3];
	_ =	sdelay $0x3  }
0x36: {  	p1 =	seq.s32 s10, $0x1;
	s10 =	sld [smem:$0x3FB4];
	_ =	sdelay $0x3  }
0x37: {  	[smem:$0x3FB4] =	sst s10  }
0x38: {  	s10 =	sld [smem:$0x3FB5]  }
0x39: {  	_ = 	snop;
	(pc) =	sbr.ind lr, $3  }
0x3a: {  	_ = 	snop  }
0x3b: {  	_ = 	snop  }
0x3c: {  	p2 =	seq.s32 s10, $0x1;
	s10 =	sld [smem:$0x3FB4]  }
0x3d: {  	_ =	shalt  }
0x3e: {  	_ =	shalt  }
0x3f: {  	_ =	shalt  }
0x40: {  	_ =	shalt  }
0x41: {  	_ =	shalt  }
0x42: {  	_ =	shalt  }
0x43: {  	_ =	shalt  }
0x44: {  	_ =	shalt  }
0x45: {  	_ =	shalt  }
0x46: {  	_ =	shalt  }
0x47: {  	_ =	shalt  }
0x48: {  	_ =	shalt  }
0x49: {  	_ =	shalt  }
0x4a: {  	_ =	shalt  }
0x4b: {  	_ =	shalt  }
0x4c: {  	_ =	shalt  }
0x4d: {  	_ =	shalt  }
0x4e: {  	_ =	shalt  }
0x4f: {  	_ =	shalt  }
0x50: {  	_ =	shalt  }
0x51: {  	_ =	shalt  }
0x52: {  	_ =	shalt  }
0x53: {  	_ =	shalt  }
0x54: {  	_ =	shalt  }
0x55: {  	_ =	shalt  }
0x56: {  	_ =	shalt  }
0x57: {  	_ =	shalt  }
0x58: {  	_ =	shalt  }
0x59: {  	_ =	shalt  }
0x5a: {  	_ =	shalt  }
0x5b: {  	_ =	shalt  }
0x5c: {  	_ =	shalt  }
0x5d: {  	_ =	shalt  }
0x5e: {  	_ =	shalt  }
0x5f: {  	_ =	shalt  }
0x60: {  	_ =	shalt  }
0x61: {  	_ =	shalt  }
0x62: {  	_ =	shalt  }
0x63: {  	_ =	shalt  }
0x64: {  	_ =	shalt  }
0x65: {  	_ =	shalt  }
0x66: {  	_ =	shalt  }
0x67: {  	_ =	shalt  }
0x68: {  	_ =	shalt  }
0x69: {  	_ =	shalt  }
0x6a: {  	_ =	shalt  }
0x6b: {  	_ =	shalt  }
0x6c: {  	_ =	shalt  }
0x6d: {  	_ =	shalt  }
0x6e: {  	_ =	shalt  }
0x6f: {  	_ =	shalt  }
0x70: {  	_ =	shalt  }
0x71: {  	_ =	shalt  }
0x72: {  	_ =	shalt  }
0x73: {  	_ =	shalt  }
0x74: {  	_ =	shalt  }
0x75: {  	_ =	shalt  }
0x76: {  	_ =	shalt  }
0x77: {  	_ =	shalt  }
0x78: {  	_ =	shalt  }
0x79: {  	_ =	shalt  }
0x7a: {  	_ =	shalt  }
0x7b: {  	_ =	shalt  }
0x7c: {  	_ =	shalt  }
0x7d: {  	_ =	shalt  }
0x7e: {  	_ =	shalt  }
0x7f: {  	_ =	shalt  }
0x80: {  	_ =	shalt  }
0x81: {  	_ =	shalt  }
0x82: {  	_ =	shalt  }
0x83: {  	_ =	shalt  }
0x84: {  	_ =	shalt  }
0x85: {  	_ =	shalt  }
0x86: {  	_ =	shalt  }
0x87: {  	_ =	shalt  }
.Lfunc_end0:
.L_simem_size_0:
called_computation.1_lowered:
.L_overlay_start_0:
0x88: {  	s2 =	sld [smem:$0x3FD9]  }
0x89: {  	s3 =	sld [smem:$0x3FFE];
	_ =	sdelay $0x1  }
0x8a: {  	s1 =	srdreg.scid  }
0x8b: {  	s0 =	sand.u32 $0x1, s1  }
0x8c: {  	s16 =	sshll.u32 s0, $0xA;
	s2 =	sadd.s32 s3, s2  }
0x8d: {  	s2 =	sadd.s32 s2, s16  }
0x8e: {  	[smem:$0x3FC0] =	sst s2  }
0x8f: {  	_ = 	snop  }
0x90: {  	(tm) =	ssettm $0x1  }
0x91: {  	s17 =	sld [smem:$0x3FFB];
	_ =	sdelay $0x3  }
0x92: {  	_ =	strace s17  }
0x93: {  	s2 =	sld [smem:$0x3FFC];
	_ =	sdelay $0x3  }
0x94: {  	_ =	strace s2  }
0x95: {  	s2 =	sld [smem:$0x3FFD];
	_ =	sdelay $0x3  }
0x96: {  	_ =	strace s2  }
0x97: {  	_ =	strace $0x8FFFFFFF  }
0x98: {  	s18 =	sld [smem:$0x3FDB];
	_ =	sdelay $0x1  }
0x99: {  	s19 =	simm.s32 $_scs_section_size  }
0x9a: {  	s4 =	simm.s32 $_size__tile_overlayer_lowered;
	s5 =	simm.s32 $_tile_overlayer_lowered  }
0x9b: {  	s22 =	simm.s32 $0x1BFF;
	s21 =	sshll.u32 s5, $0x1;
	s2 =	sadd.s32 s19, s18  }
0x9c: {  	s6 =	simm.s32 $0x0;
	s20 =	sshll.u32 s4, $0x1;
	s4 =	sadd.s32 s21, s2  }
0x9d: {  	[timem:s6], [sflag:s22] =	dma.local [hbm:s4], s20  }
0x9e: {  	_ =	swait.ge [sflag:s22], s20  }
0x9f: {  	s3 =	ssub.s32 $0x0, s20;
	[sflag:s22] =	ssyncset.done $0x0  }
0xa0: {  	[sflag:s22] =	ssyncadd.s32 s3;
	_ =	sdelay $0x1  }
0xa1: {  	s23 =	simm.s32 $0x1B8B  }
0xa2: {  	_ =	swait.ge [sflag:s23], $0x1  }
0xa3: {  	[sflag:s23] =	ssyncset.done $0x0  }
0xa4: {  	s25 =	simm.s32 $0x1B8E;
	s24 =	sld [smem:$0x3FFE];
	[sflag:s23] =	ssyncadd.s32 $0xFFFFFFFF  }
0xa5: {  	s26 =	simm.s32 $execute0_lowered;
	[smem:$0x3FD2] =	sst s25  }
0xa6: {  	s4 =	sshll.u32 s26, $0x1;
	_ =	strace $0x80000049;
	[dreg:$0x1] =	wrdreg $0xFFFFFFFF  }
0xa7: {  	s28 =	simm.s32 $_size_execute0_lowered;
	s2 =	sadd.s32 s2, s4;
	[dreg:$0x0] =	wrdreg $0x0  }
0xa8: {  	s4 =	sshll.u32 s28, $0x1;
	[dreg:$0x2] =	wrdreg s2  }
0xa9: {  	[dreg:$0x3] =	wrdreg s4  }
0xaa: {  	[dreg:$0x4] =	wrdreg $0xC0  }
0xab: {  	_ =	task [dreg:s6], $0x5FFFF  }
0xac: {  	[dreg:$0x1] =	wrdreg $0xFFFFFFFF  }
0xad: {  	[dreg:$0x0] =	wrdreg $0x60  }
0xae: {  	[dreg:$0x2] =	wrdreg s24  }
0xaf: {  	[dreg:$0x3] =	wrdreg $0xD0000  }
0xb0: {  	[dreg:$0x4] =	wrdreg $0x120000  }
0xb1: {  	[dreg:$0x5] =	wrdreg $0x170000  }
0xb2: {  	[dreg:$0x6] =	wrdreg $0x9  }
0xb3: {  	_ =	task.clear_ibuf [dreg:s6], $0x7FFFF;
	_ =	strace $0x90000049  }
0xb4: {  	s29 =	simm.s32 $0x9;
	_ =	strace $0x8000004B  }
0xb5: {  	_ =	swait.ge [sflag:s29], $0x1  }
0xb6: {  	[sflag:s29] =	ssyncadd.s32 $0xFFFFFFFF  }
0xb7: {  	_ =	strace $0x9000004B  }
0xb8: {  	_ =	sfence  }
0xb9: {  	s30 =	sld [smem:$0x0];
	_ =	sdelay $0x2  }
0xba: {  	s31 =	sshll.u32 s1, $0xD;
	s1 =	sshrl.u32 s1, $0x2  }
0xbb: {  	s3 =	sand.u32 $0x4000, s31;
	s1 =	sadd.s32 s1, s30  }
0xbc: {  	s0 =	sor.u32 s3, s0;
	s1 =	sshll.u32 s1, $0x11  }
0xbd: {  	s0 =	sor.u32 s1, s0  }
0xbe: {  	s0 =	sadd.s32 $0x8F2B, s0  }
0xbf: {  	[sflag:s0] =	ssyncadd.remote.s32 $0x1  }
0xc0: {  	_ =	sfence.sel $0xFFFF  }
0xc1: {  	[dreg:$0x0] =	wrdreg $0xFFFFFFFF;
	(pc) =	sbr.abs _section_cstart, $3  }
0xc2: {  	[dreg:$0x1] =	wrdreg $0xFFFFFFFF  }
0xc3: {  	_ =	task.clear_ibuf [dreg:s6], $0x2FFFF;
	_ =	strace $0x9FFFFFFF  }
0xc4: {  	(tm) =	ssettm $0x7FFFFFFF  }
0xc5: {  	_ =	shalt  }
tec
execute0_lowered:
.L_overlay_start_1:
0x0: {  	(tag) =	ssettag $0x1  }
0x1: {  	s0 =	rddreg [dreg:$0x0]  }
0x2: {  	s2 =	rddreg [dreg:$0x1]  }
0x3: {  	s3 =	rddreg [dreg:$0x2]  }
0x4: {  	s4 =	rddreg [dreg:$0x3];
	s14 =	stileid.u32  }
0x5: {  	s1 =	srdreg.scid;
	s6 =	simm.s32 $0x0;
	s28 =	simm.s32 $0x6000  }
0x6: {  	s29 =	simm.s32 $0x7000;
	s30 =	simm.s32 $0x8000;
	s5 =	smul.u32 $0xA000, s14  }
0x7: {  	s31 =	simm.s32 $0x1;
	s1 =	sand.u32 $0x1, s1;
	s10 =	smul.u32 $0x5000, s14  }
0x8: {  	[smem:$0x7FF] =	sst s6;
	s24 =	sshll.u32 s1, $0x4;
	s7 =	smul.u32 $0xA0000, s1  }
0x9: {  	_ =	strace $0x8000004A;
	s1 =	ssub.s32 $0x2, s1;
	s8 =	sshrl.u32 s5, $0x3  }
0xa: {  	s6 =	sor.u32 s14, s24;
	s25 =	sshrl.u32 s1, $0x1;
	s12 =	sadd.s32 $0x1000, s10  }
0xb: {  	s26 =	sadd.s32 $0x2000, s10;
	s16 =	sadd.s32 $0x3000, s10;
	s18 =	sadd.s32 $0x4000, s10  }
0xc: {  	s8 =	sadd.s32 s8, s0;
	s9 =	smul.u32 $0x500, s6;
	s13 =	sadd.s32 s12, s2  }
0xd: {  	s5 =	sadd.s32 s5, s7;
	s12 =	sadd.s32 s12, s3;
	[dreg:$0x5] =	wrdreg s13  }
0xe: {  	s1 =	ssub.s32 s1, s25;
	s15 =	sadd.s32 s26, s2;
	[dreg:$0x6] =	wrdreg s12  }
0xf: {  	s6 =	sadd.s32 s10, s2;
	s17 =	sadd.s32 s16, s2;
	[dreg:$0x7] =	wrdreg s15  }
0x10: {  	s7 =	sadd.s32 s10, s3;
	s19 =	sadd.s32 s18, s2;
	[dreg:$0x9] =	wrdreg s17  }
0x11: {  	s20 =	sadd.s32 s18, s3;
	s10 =	sadd.s32 s10, s4;
	[dreg:$0xb] =	wrdreg s19  }
0x12: {  	s18 =	sshll.u32 s14, $0x6;
	s14 =	simm.s32 $0xB000;
	[dreg:$0xc] =	wrdreg s20  }
0x13: {  	s5 =	sshrl.u32 s5, $0x3;
	s13 =	sadd.s32 s26, s3;
	[dreg:$0xd] =	wrdreg s10  }
0x14: {  	s12 =	sadd.s32 s16, s3;
	s21 =	sadd.s32 $0x16000, s8;
	[dreg:$0x8] =	wrdreg s13  }
0x15: {  	s22 =	sor.u32 $0x1C02, s18;
	s8 =	sadd.s32 $0x16004, s8;
	[dreg:$0xa] =	wrdreg s12  }
0x16: {  	s26 =	smax.u32 s1, $0x1;
	s1 =	simm.s32 $0x8;
	[dreg:$0xe] =	wrdreg s21  }
0x17: {  	s15 =	simm.s32 $0xC000;
	s16 =	simm.s32 $0x3;
	[dreg:$0xf] =	wrdreg s22  }
0x18: {  	s17 =	simm.s32 $0x0;
	s11 =	sadd.s32 s9, s0;
	[dreg:$0x11] =	wrdreg s8  }
0x19: {  	s5 =	sadd.s32 s5, s0;
	s0 =	sadd.s32 $0xC000, s0;
	[dreg:$0x15] =	wrdreg s26  }
0x1a: {  	s26 =	simm.s32 $0x5000;
	s8 =	simm.s32 $0x2;
	s23 =	sadd.s32 $0x2000, s11  }
0x1b: {  	s12 =	simm.s32 $0x9000;
	s0 =	sadd.s32 s9, s0;
	[dreg:$0x10] =	wrdreg s23  }
0x1c: {  	s13 =	simm.s32 $0xA000;
	s24 =	sadd.s32 $0x2A000, s5;
	[dreg:$0x12] =	wrdreg s0  }
0x1d: {  	s25 =	sadd.s32 $0x2A004, s5;
	s5 =	simm.s32 $0x5;
	[dreg:$0x13] =	wrdreg s24  }
0x1e: {  	v0 =	vimm.f32 $0.0e+00;
	s9 =	simm.s32 $0x80;
	[dreg:$0x14] =	wrdreg s25;
	s0 =	simm.s32 $0x4  }
.LBB2_1:
0x1f: {  	s11 =	simm.s32 $0x0  }
0x20: {  	s10 =	sand.u32 $0x3F80, s11  }
0x21: {  	s20 =	sand.u32 $0x10, s11;
	s10 =	sshrl.u32 s10, $0x2  }
0x22: {  	s19 =	simm.s32 $0x40;
	s21 =	sor.u32 s20, s10;
	s20 =	simm.s32 $0x0  }
.LBB2_2:
0x23: {  	p0 =	sne.s32 s19, $0x3FC0  }
0x24: {  	[tilespmem:s21+$0x5000] =	vst v0;
	s20 =	sadd.s32 $0x10, s20;
	s10 =	smov.u32 s19;
	s19 =	sadd.s32 $0x40, s19  }
.Ltmp0:
0x25: {  	(pc) =	sbr.rel @p0 .LBB2_2-.Ltmp0, $4  }
0x26: {  	_ = 	snop  }
0x27: {  	s10 =	sand.u32 $0x3F80, s10  }
0x28: {  	s21 =	sand.u32 $0x10, s20;
	s10 =	sshrl.u32 s10, $0x2  }
0x29: {  	s21 =	sor.u32 s21, s10;
	s10 =	simm.s32 $0x0  }
0x2a: {  	s19 =	sand.u32 $0x3F80, s10  }
0x2b: {  	s20 =	sand.u32 $0x10, s10;
	s22 =	sshrl.u32 s19, $0x2  }
0x2c: {  	[tilespmem:s21+$0x5000] =	vst v0;
	s19 =	simm.s32 $0x40;
	s21 =	sor.u32 s20, s22;
	s20 =	simm.s32 $0x0  }
.LBB2_4:
0x2d: {  	p0 =	sne.s32 s19, $0x3FC0  }
0x2e: {  	[tilespmem:s21+$0x6000] =	vst v0;
	s20 =	sadd.s32 $0x10, s20;
	s21 =	smov.u32 s19;
	s19 =	sadd.s32 $0x40, s19  }
.Ltmp1:
0x2f: {  	(pc) =	sbr.rel @p0 .LBB2_4-.Ltmp1, $4  }
0x30: {  	_ = 	snop  }
0x31: {  	s21 =	sand.u32 $0x3F80, s21  }
0x32: {  	s22 =	sand.u32 $0x10, s20;
	s21 =	sshrl.u32 s21, $0x2  }
0x33: {  	s21 =	sor.u32 s22, s21  }
0x34: {  	[tilespmem:s21+$0x6000] =	vst v0;
	s19 =	simm.s32 $0x0  }
.LBB2_6:
0x35: {  	p0 =	sne.s32 s19, $0x3FC0  }
.Ltmp2:
0x36: {  	_ = 	snop;
	(pc) =	sbr.rel @p0 .LBB2_6-.Ltmp2, $4  }
0x37: {  	s20 =	sand.u32 $0x3F80, s19  }
0x38: {  	s21 =	sand.u32 $0x10, s10;
	s20 =	sshrl.u32 s20, $0x2  }
0x39: {  	s20 =	sor.u32 s21, s20  }
0x3a: {  	s10 =	sadd.s32 $0x10, s10;
	s19 =	sadd.s32 $0x40, s19;
	[tilespmem:s20+$0x7000] =	vst v0  }
0x3b: {  	s10 =	simm.s32 $0x0  }
0x3c: {  	s19 =	sand.u32 $0x3F80, s10  }
0x3d: {  	s20 =	sand.u32 $0x10, s10;
	s21 =	sshrl.u32 s19, $0x2  }
0x3e: {  	s19 =	simm.s32 $0x40;
	s20 =	sor.u32 s20, s21  }
.LBB2_8:
0x3f: {  	p0 =	sne.s32 s19, $0x3FC0  }
0x40: {  	[tilespmem:s20+$0x8000] =	vst v0;
	s10 =	sadd.s32 $0x10, s10;
	s20 =	smov.u32 s19;
	s19 =	sadd.s32 $0x40, s19  }
.Ltmp3:
0x41: {  	(pc) =	sbr.rel @p0 .LBB2_8-.Ltmp3, $4  }
0x42: {  	_ = 	snop  }
0x43: {  	s20 =	sand.u32 $0x3F80, s20  }
0x44: {  	s21 =	sand.u32 $0x10, s10;
	s20 =	sshrl.u32 s20, $0x2  }
0x45: {  	s20 =	sor.u32 s21, s20  }
0x46: {  	s10 =	rddreg [dreg:$0x5]  }
0x47: {  	[tilespmem:s20+$0x8000] =	vst v0;
	s22 =	rddreg [dreg:$0x6]  }
0x48: {  	[spmem:s6] =	stream.linear.scatter [tilespmem:s26], [sflag:$0x1], $0x1000, $0x38;
	[tilespmem:$0x1C000] =	vst v63  }
0x49: {  	s23 =	rddreg [dreg:$0x7]  }
0x4a: {  	[spmem:s7] =	stream.linear.scatter [tilespmem:s26], [sflag:$0x1], $0x1000, $0x38;
	[tilespmem:$0x1C000] =	vst v63  }
0x4b: {  	s24 =	rddreg [dreg:$0x8]  }
0x4c: {  	[spmem:s10] =	stream.linear.scatter [tilespmem:s28], [sflag:$0x1], $0x1000, $0x38;
	[tilespmem:$0x1C000] =	vst v63  }
0x4d: {  	s25 =	rddreg [dreg:$0x9]  }
0x4e: {  	[spmem:s22] =	stream.linear.scatter [tilespmem:s28], [sflag:$0x1], $0x1000, $0x38;
	[tilespmem:$0x1C000] =	vst v63  }
0x4f: {  	s11 =	rddreg [dreg:$0xa]  }
0x50: {  	[spmem:s23] =	stream.linear.scatter [tilespmem:s29], [sflag:$0x1], $0x1000, $0x38;
	[tilespmem:$0x1C000] =	vst v63  }
0x51: {  	s19 =	rddreg [dreg:$0xb]  }
0x52: {  	[spmem:s24] =	stream.linear.scatter [tilespmem:s29], [sflag:$0x1], $0x1000, $0x38;
	[tilespmem:$0x1C000] =	vst v63  }
0x53: {  	s20 =	rddreg [dreg:$0xc]  }
0x54: {  	[spmem:s25] =	stream.linear.scatter [tilespmem:s30], [sflag:$0x1], $0x1000, $0x38;
	[tilespmem:$0x1C000] =	vst v63  }
0x55: {  	s21 =	rddreg [dreg:$0xd]  }
0x56: {  	[spmem:s11] =	stream.linear.scatter [tilespmem:s30], [sflag:$0x1], $0x1000, $0x38;
	[tilespmem:$0x1C000] =	vst v63  }
0x57: {  	s22 =	rddreg [dreg:$0xe]  }
0x58: {  	[spmem:s19] =	stream.linear.scatter [tilespmem:s26], [sflag:$0x1], $0x1000, $0x38;
	[tilespmem:$0x1C000] =	vst v63  }
0x59: {  	s11 =	rddreg [dreg:$0xf];
	s19 =	sshrl.u32 s21, $0x3  }
0x5a: {  	[spmem:s20] =	stream.linear.scatter [tilespmem:s26], [sflag:$0x1], $0x1000, $0x38;
	[tilespmem:$0x1C000] =	vst v63  }
0x5b: {  	[spmem:s19@s0], [sflag:s11] =	dma.strided [hbm:s22@s1], $0xA00, s31, $0x4   }
0x5c: {  	s23 =	simm.s32 $0x0;
	s24 =	simm.s32 $0x2800;
	s11 =	rddreg [dreg:$0x12]  }
0x5d: {  	[tilespmem:s24], [sflag:$0x5] =	stream.linear.gather [hbm4b:s11+s23], $0x2800, $0x38;
	[tilespmem:$0x1C000] =	vst v63  }
0x5e: {  	_ =	swait.ge [sflag:s5], $0x2800  }
0x5f: {  	[sflag:s5] =	ssyncset.done $0x0  }
0x60: {  	s25 =	rddreg [dreg:$0x10];
	[sflag:s5] =	ssyncadd.s32 $0xFFFFD800  }
0x61: {  	[tilespmem:s23], [sflag:$0x5] =	stream.linear.gather [hbm4b:s25+s23], $0x2800, $0x38;
	[tilespmem:$0x1C000] =	vst v63  }
0x62: {  	_ =	swait.ge [sflag:s5], $0x2800  }
0x63: {  	[sflag:s5] =	ssyncset.done $0x0  }
0x64: {  	[sflag:s5] =	ssyncadd.s32 $0xFFFFD800  }
0x65: {  	_ =	swait.ge [sflag:s31], $0x1000  }
0x66: {  	[sflag:s31] =	ssyncset.done $0x0  }
0x67: {  	[sflag:s31] =	ssyncadd.s32 $0xFFFFF000  }
0x68: {  	_ =	swait.ge [sflag:s31], $0x1000  }
0x69: {  	[sflag:s31] =	ssyncset.done $0x0  }
0x6a: {  	[sflag:s31] =	ssyncadd.s32 $0xFFFFF000  }
0x6b: {  	_ =	swait.ge [sflag:s31], $0x1000  }
0x6c: {  	[sflag:s31] =	ssyncset.done $0x0  }
0x6d: {  	[sflag:s31] =	ssyncadd.s32 $0xFFFFF000  }
0x6e: {  	_ =	swait.ge [sflag:s31], $0x1000  }
0x6f: {  	[sflag:s31] =	ssyncset.done $0x0  }
0x70: {  	[sflag:s31] =	ssyncadd.s32 $0xFFFFF000  }
0x71: {  	_ =	swait.ge [sflag:s31], $0x1000  }
0x72: {  	[sflag:s31] =	ssyncset.done $0x0  }
0x73: {  	[sflag:s31] =	ssyncadd.s32 $0xFFFFF000  }
0x74: {  	_ =	swait.ge [sflag:s31], $0x1000  }
0x75: {  	[sflag:s31] =	ssyncset.done $0x0  }
0x76: {  	[sflag:s31] =	ssyncadd.s32 $0xFFFFF000  }
0x77: {  	_ =	swait.ge [sflag:s31], $0x1000  }
0x78: {  	[sflag:s31] =	ssyncset.done $0x0  }
0x79: {  	[sflag:s31] =	ssyncadd.s32 $0xFFFFF000  }
0x7a: {  	_ =	swait.ge [sflag:s31], $0x1000  }
0x7b: {  	[sflag:s31] =	ssyncset.done $0x0  }
0x7c: {  	[sflag:s31] =	ssyncadd.s32 $0xFFFFF000  }
0x7d: {  	_ =	swait.ge [sflag:s31], $0x1000  }
0x7e: {  	[sflag:s31] =	ssyncset.done $0x0  }
0x7f: {  	[sflag:s31] =	ssyncadd.s32 $0xFFFFF000  }
0x80: {  	_ =	swait.ge [sflag:s31], $0x1000  }
0x81: {  	[sflag:s31] =	ssyncset.done $0x0  }
0x82: {  	[sflag:s31] =	ssyncadd.s32 $0xFFFFF000  }
0x83: {  	_ =	swait.ge [sflag:s8], $0xA00  }
0x84: {  	[sflag:s8] =	ssyncset.done $0x0  }
0x85: {  	[sflag:s8] =	ssyncadd.s32 $0xFFFFF600  }
0x86: {  	[bflag:$0x0] =	sbarrier.arrive $0xFFFF  }
0x87: {  	[tilespmem:s26], [sflag:$0x1] =	stream.indirect.gather [spmem:s4], $0x20, s23, s9, $0xb8;
	[tilespmem:$0x1C000] =	vst v63  }
0x88: {  	p0 =	por $0x1, $0x1  }
0x89: {  	[tilespmem:s28], [sflag:$0x1] =	stream.indirect.gather [spmem:s4], $0x20, s9, s9, $0xb8;
	[tilespmem:$0x1C000] =	vst v63  }
0x8a: {  	p0 =	por p0, p0;
	s20 =	simm.s32 $0x100  }
0x8b: {  	[tilespmem:s29], [sflag:$0x1] =	stream.indirect.gather [spmem:s4], $0x20, s20, s9, $0xb8;
	[tilespmem:$0x1C000] =	vst v63  }
0x8c: {  	s10 =	simm.s32 @!p0 $0x4;
	s21 =	simm.s32 $0x180  }
0x8d: {  	[tilespmem:s30], [sflag:$0x1] =	stream.indirect.gather [spmem:s4], $0x20, s21, s9, $0xb8;
	[tilespmem:$0x1C000] =	vst v63  }
0x8e: {  	_ =	swait.ge @!p0 [sflag:s10], $0x1000  }
0x8f: {  	[sflag:s10] =	ssyncset.done @!p0 $0x0  }
0x90: {  	[sflag:s10] =	ssyncadd.s32 @!p0 $0xFFFFF000  }
0x91: {  	_ =	swait.ge @!p0 [sflag:s10], $0x1000  }
0x92: {  	[sflag:s10] =	ssyncset.done @!p0 $0x0  }
0x93: {  	[sflag:s10] =	ssyncadd.s32 @!p0 $0xFFFFF000  }
0x94: {  	_ =	swait.ge @!p0 [sflag:s10], $0x1000  }
0x95: {  	[sflag:s10] =	ssyncset.done @!p0 $0x0  }
0x96: {  	[sflag:s10] =	ssyncadd.s32 @!p0 $0xFFFFF000  }
0x97: {  	_ =	swait.ge @!p0 [sflag:s10], $0x1000  }
0x98: {  	[sflag:s10] =	ssyncset.done @!p0 $0x0  }
0x99: {  	s22 =	simm.s32 $0x200;
	[sflag:s10] =	ssyncadd.s32 @!p0 $0xFFFFF000  }
0x9a: {  	[tilespmem:s12], [sflag:$0x2] =	stream.indirect.gather [spmem:s4], $0x20, s22, s9, $0xb8;
	[tilespmem:$0x1C000] =	vst v63  }
0x9b: {  	s23 =	simm.s32 $0x280  }
0x9c: {  	[tilespmem:s13], [sflag:$0x2] =	stream.indirect.gather [spmem:s4], $0x20, s23, s9, $0xb8;
	[tilespmem:$0x1C000] =	vst v63  }
0x9d: {  	s24 =	simm.s32 $0x300  }
0x9e: {  	[tilespmem:s14], [sflag:$0x2] =	stream.indirect.gather [spmem:s4], $0x20, s24, s9, $0xb8;
	[tilespmem:$0x1C000] =	vst v63  }
0x9f: {  	s25 =	simm.s32 $0x380  }
0xa0: {  	[tilespmem:s15], [sflag:$0x2] =	stream.indirect.gather [spmem:s4], $0x20, s25, s9, $0xb8;
	[tilespmem:$0x1C000] =	vst v63  }
0xa1: {  	_ =	swait.ge [sflag:s31], $0x1000  }
0xa2: {  	[sflag:s31] =	ssyncset.done $0x0  }
0xa3: {  	[sflag:s31] =	ssyncadd.s32 $0xFFFFF000  }
0xa4: {  	_ =	swait.ge [sflag:s31], $0x1000  }
0xa5: {  	[sflag:s31] =	ssyncset.done $0x0  }
0xa6: {  	[sflag:s31] =	ssyncadd.s32 $0xFFFFF000  }
0xa7: {  	_ =	swait.ge [sflag:s31], $0x1000  }
0xa8: {  	[sflag:s31] =	ssyncset.done $0x0  }
0xa9: {  	[sflag:s31] =	ssyncadd.s32 $0xFFFFF000  }
0xaa: {  	_ =	swait.ge [sflag:s31], $0x1000  }
0xab: {  	[sflag:s31] =	ssyncset.done $0x0  }
0xac: {  	s11 =	simm.s32 $0x2800;
	[sflag:s31] =	ssyncadd.s32 $0xFFFFF000  }
0xad: {  	[spmem:s2] =	stream.indirect.scatter.add.f32 [tilespmem:s26], [sflag:$0x3], $0x20, s11, s9, $0xb8;
	[tilespmem:$0x1C000] =	vst v63  }
0xae: {  	s20 =	simm.s32 $0x2880  }
0xaf: {  	[spmem:s2] =	stream.indirect.scatter.add.f32 [tilespmem:s28], [sflag:$0x3], $0x20, s20, s9, $0xb8;
	[tilespmem:$0x1C000] =	vst v63  }
0xb0: {  	s21 =	simm.s32 $0x2900  }
0xb1: {  	[spmem:s2] =	stream.indirect.scatter.add.f32 [tilespmem:s29], [sflag:$0x3], $0x20, s21, s9, $0xb8;
	[tilespmem:$0x1C000] =	vst v63  }
0xb2: {  	s22 =	simm.s32 $0x2980  }
0xb3: {  	[spmem:s2] =	stream.indirect.scatter.add.f32 [tilespmem:s30], [sflag:$0x3], $0x20, s22, s9, $0xb8;
	[tilespmem:$0x1C000] =	vst v63  }
0xb4: {  	_ =	swait.ge [sflag:s16], $0x1000  }
0xb5: {  	[sflag:s16] =	ssyncset.done $0x0  }
0xb6: {  	[sflag:s16] =	ssyncadd.s32 $0xFFFFF000  }
0xb7: {  	_ =	swait.ge [sflag:s16], $0x1000  }
0xb8: {  	[sflag:s16] =	ssyncset.done $0x0  }
0xb9: {  	[sflag:s16] =	ssyncadd.s32 $0xFFFFF000  }
0xba: {  	_ =	swait.ge [sflag:s16], $0x1000  }
0xbb: {  	[sflag:s16] =	ssyncset.done $0x0  }
0xbc: {  	[sflag:s16] =	ssyncadd.s32 $0xFFFFF000  }
0xbd: {  	p0 =	por $0x0, $0x0;
	_ =	swait.ge [sflag:s16], $0x1000  }
0xbe: {  	s10 =	simm.s32 @!p0 $0x5000;
	[sflag:s16] =	ssyncset.done $0x0  }
0xbf: {  	s20 =	simm.s32 @!p0 $0x400;
	s21 =	simm.s32 @!p0 $0x80;
	[sflag:s16] =	ssyncadd.s32 $0xFFFFF000  }
0xc0: {  	[tilespmem:s10], [sflag:$0x1] =	stream.indirect.gather @!p0 [spmem:s4], $0x20, s20, s21, $0xb8;
	[tilespmem:$0x1C000] =	vst v63  }
0xc1: {  	s10 =	simm.s32 @!p0 $0x480;
	s20 =	simm.s32 @!p0 $0x6000  }
0xc2: {  	[tilespmem:s20], [sflag:$0x1] =	stream.indirect.gather @!p0 [spmem:s4], $0x20, s10, s21, $0xb8;
	[tilespmem:$0x1C000] =	vst v63  }
0xc3: {  	s10 =	simm.s32 @!p0 $0x500;
	s20 =	simm.s32 @!p0 $0x7000  }
0xc4: {  	[tilespmem:s20], [sflag:$0x1] =	stream.indirect.gather @!p0 [spmem:s4], $0x20, s10, s21, $0xb8;
	[tilespmem:$0x1C000] =	vst v63  }
0xc5: {  	s10 =	simm.s32 @!p0 $0x580;
	s20 =	simm.s32 @!p0 $0x8000  }
0xc6: {  	[tilespmem:s20], [sflag:$0x1] =	stream.indirect.gather @!p0 [spmem:s4], $0x20, s10, s21, $0xb8;
	[tilespmem:$0x1C000] =	vst v63  }
0xc7: {  	_ =	swait.ge [sflag:s8], $0x1000  }
0xc8: {  	[sflag:s8] =	ssyncset.done $0x0  }
0xc9: {  	[sflag:s8] =	ssyncadd.s32 $0xFFFFF000  }
0xca: {  	_ =	swait.ge [sflag:s8], $0x1000  }
0xcb: {  	[sflag:s8] =	ssyncset.done $0x0  }
0xcc: {  	[sflag:s8] =	ssyncadd.s32 $0xFFFFF000  }
0xcd: {  	_ =	swait.ge [sflag:s8], $0x1000  }
0xce: {  	[sflag:s8] =	ssyncset.done $0x0  }
0xcf: {  	[sflag:s8] =	ssyncadd.s32 $0xFFFFF000  }
0xd0: {  	_ =	swait.ge [sflag:s8], $0x1000  }
0xd1: {  	[sflag:s8] =	ssyncset.done $0x0  }
0xd2: {  	p6 =	por $0x0, $0x0;
	s23 =	simm.s32 $0x2A00;
	[sflag:s8] =	ssyncadd.s32 $0xFFFFF000  }
0xd3: {  	[spmem:s2] =	stream.indirect.scatter.add.f32 [tilespmem:s12], [sflag:$0x4], $0x20, s23, s9, $0xb8;
	[tilespmem:$0x1C000] =	vst v63  }
0xd4: {  	s24 =	simm.s32 $0x2A80;
	s25 =	simm.s32 $0x2B00;
	s20 =	simm.s32 $0x1000  }
0xd5: {  	[spmem:s2] =	stream.indirect.scatter.add.f32 [tilespmem:s13], [sflag:$0x4], $0x20, s24, s9, $0xb8;
	[tilespmem:$0x1C000] =	vst v63  }
0xd6: {  	s21 =	simm.s32 $0x2000;
	p0 =	por p6, p6;
	s10 =	simm.s32 $0x2B80  }
0xd7: {  	[spmem:s2] =	stream.indirect.scatter.add.f32 [tilespmem:s14], [sflag:$0x4], $0x20, s25, s9, $0xb8;
	[tilespmem:$0x1C000] =	vst v63  }
.LBB2_10:
0xd8: {  	[spmem:s2] =	stream.indirect.scatter.add.f32 [tilespmem:s15], [sflag:$0x4], $0x20, s10, s9, $0xb8;
	[tilespmem:$0x1C000] =	vst v63  }
0xd9: {  	s10 =	smov.u32 s21  }
0xda: {  	s21 =	sadd.s32 $0x1000, s21;
	s23 =	simm.s32 @!p0 $0x4;
	p2 =	seq.s32 s10, $0x0  }
0xdb: {  	p1 =	sne.s32 s21, $0xA000;
	_ =	swait.ge @!p0 [sflag:s23], $0x1000  }
0xdc: {  	[sflag:s23] =	ssyncset.done @!p0 $0x0  }
0xdd: {  	[sflag:s23] =	ssyncadd.s32 @!p0 $0xFFFFF000  }
0xde: {  	_ =	swait.ge @!p0 [sflag:s23], $0x1000  }
0xdf: {  	[sflag:s23] =	ssyncset.done @!p0 $0x0  }
0xe0: {  	[sflag:s23] =	ssyncadd.s32 @!p0 $0xFFFFF000  }
0xe1: {  	_ =	swait.ge @!p0 [sflag:s23], $0x1000  }
0xe2: {  	[sflag:s23] =	ssyncset.done @!p0 $0x0  }
0xe3: {  	[sflag:s23] =	ssyncadd.s32 @!p0 $0xFFFFF000  }
0xe4: {  	_ =	swait.ge @!p0 [sflag:s23], $0x1000  }
0xe5: {  	s22 =	sshra.s32 s20, $0x2;
	[sflag:s23] =	ssyncset.done @!p0 $0x0  }
0xe6: {  	[sflag:s23] =	ssyncadd.s32 @!p0 $0xFFFFF000;
	s23 =	sadd.s32 $0x200, s22;
	p0 =	por p2, p2  }
0xe7: {  	[tilespmem:s12], [sflag:$0x2] =	stream.indirect.gather [spmem:s4], $0x20, s23, s9, $0xb8;
	[tilespmem:$0x1C000] =	vst v63  }
0xe8: {  	s23 =	sadd.s32 $0x280, s22  }
0xe9: {  	[tilespmem:s13], [sflag:$0x2] =	stream.indirect.gather [spmem:s4], $0x20, s23, s9, $0xb8;
	[tilespmem:$0x1C000] =	vst v63  }
0xea: {  	s23 =	sadd.s32 $0x300, s22  }
0xeb: {  	[tilespmem:s14], [sflag:$0x2] =	stream.indirect.gather [spmem:s4], $0x20, s23, s9, $0xb8;
	[tilespmem:$0x1C000] =	vst v63  }
0xec: {  	s23 =	sadd.s32 $0x380, s22  }
0xed: {  	[tilespmem:s15], [sflag:$0x2] =	stream.indirect.gather [spmem:s4], $0x20, s23, s9, $0xb8;
	[tilespmem:$0x1C000] =	vst v63  }
0xee: {  	_ =	swait.ge [sflag:s31], $0x1000  }
0xef: {  	[sflag:s31] =	ssyncset.done $0x0  }
0xf0: {  	[sflag:s31] =	ssyncadd.s32 $0xFFFFF000  }
0xf1: {  	_ =	swait.ge [sflag:s31], $0x1000  }
0xf2: {  	[sflag:s31] =	ssyncset.done $0x0  }
0xf3: {  	[sflag:s31] =	ssyncadd.s32 $0xFFFFF000  }
0xf4: {  	_ =	swait.ge [sflag:s31], $0x1000  }
0xf5: {  	[sflag:s31] =	ssyncset.done $0x0  }
0xf6: {  	[sflag:s31] =	ssyncadd.s32 $0xFFFFF000  }
0xf7: {  	_ =	swait.ge [sflag:s31], $0x1000  }
0xf8: {  	[sflag:s31] =	ssyncset.done $0x0  }
0xf9: {  	s23 =	sadd.s32 $0x2800, s22;
	[sflag:s31] =	ssyncadd.s32 $0xFFFFF000  }
0xfa: {  	[spmem:s2] =	stream.indirect.scatter.add.f32 [tilespmem:s26], [sflag:$0x3], $0x20, s23, s9, $0xb8;
	[tilespmem:$0x1C000] =	vst v63  }
0xfb: {  	s23 =	sadd.s32 $0x2880, s22  }
0xfc: {  	[spmem:s2] =	stream.indirect.scatter.add.f32 [tilespmem:s28], [sflag:$0x3], $0x20, s23, s9, $0xb8;
	[tilespmem:$0x1C000] =	vst v63  }
0xfd: {  	s23 =	sadd.s32 $0x2900, s22  }
0xfe: {  	[spmem:s2] =	stream.indirect.scatter.add.f32 [tilespmem:s29], [sflag:$0x3], $0x20, s23, s9, $0xb8;
	[tilespmem:$0x1C000] =	vst v63  }
0xff: {  	s23 =	sadd.s32 $0x2980, s22  }
0x100: {  	[spmem:s2] =	stream.indirect.scatter.add.f32 [tilespmem:s30], [sflag:$0x3], $0x20, s23, s9, $0xb8;
	[tilespmem:$0x1C000] =	vst v63  }
0x101: {  	_ =	swait.ge [sflag:s16], $0x1000  }
0x102: {  	[sflag:s16] =	ssyncset.done $0x0  }
0x103: {  	[sflag:s16] =	ssyncadd.s32 $0xFFFFF000  }
0x104: {  	_ =	swait.ge [sflag:s16], $0x1000  }
0x105: {  	[sflag:s16] =	ssyncset.done $0x0  }
0x106: {  	[sflag:s16] =	ssyncadd.s32 $0xFFFFF000  }
0x107: {  	_ =	swait.ge [sflag:s16], $0x1000  }
0x108: {  	[sflag:s16] =	ssyncset.done $0x0  }
0x109: {  	[sflag:s16] =	ssyncadd.s32 $0xFFFFF000  }
0x10a: {  	p2 =	seq.s32 s20, $0x9000;
	_ =	swait.ge [sflag:s16], $0x1000  }
0x10b: {  	s20 =	sshra.s32 @!p2 s20, $0x2;
	s23 =	simm.s32 @!p2 $0x5000;
	[sflag:s16] =	ssyncset.done $0x0  }
0x10c: {  	s24 =	simm.s32 @!p2 $0x80;
	s11 =	sadd.s32 @!p2 $0x400, s20;
	[sflag:s16] =	ssyncadd.s32 $0xFFFFF000  }
0x10d: {  	[tilespmem:s23], [sflag:$0x1] =	stream.indirect.gather @!p2 [spmem:s4], $0x20, s11, s24, $0xb8;
	[tilespmem:$0x1C000] =	vst v63  }
0x10e: {  	s25 =	sadd.s32 @!p2 $0x500, s20;
	s11 =	sadd.s32 @!p2 $0x480, s20;
	s23 =	simm.s32 @!p2 $0x6000  }
0x10f: {  	[tilespmem:s23], [sflag:$0x1] =	stream.indirect.gather @!p2 [spmem:s4], $0x20, s11, s24, $0xb8;
	[tilespmem:$0x1C000] =	vst v63  }
0x110: {  	s11 =	simm.s32 @!p2 $0x7000;
	s23 =	sadd.s32 @!p2 $0x580, s20;
	s20 =	smov.u32 s10  }
0x111: {  	[tilespmem:s11], [sflag:$0x1] =	stream.indirect.gather @!p2 [spmem:s4], $0x20, s25, s24, $0xb8;
	[tilespmem:$0x1C000] =	vst v63  }
0x112: {  	s10 =	simm.s32 @!p2 $0x8000  }
0x113: {  	[tilespmem:s10], [sflag:$0x1] =	stream.indirect.gather @!p2 [spmem:s4], $0x20, s23, s24, $0xb8;
	[tilespmem:$0x1C000] =	vst v63  }
0x114: {  	_ =	swait.ge [sflag:s8], $0x1000  }
0x115: {  	[sflag:s8] =	ssyncset.done $0x0  }
0x116: {  	[sflag:s8] =	ssyncadd.s32 $0xFFFFF000  }
0x117: {  	_ =	swait.ge [sflag:s8], $0x1000  }
0x118: {  	[sflag:s8] =	ssyncset.done $0x0  }
0x119: {  	[sflag:s8] =	ssyncadd.s32 $0xFFFFF000  }
0x11a: {  	_ =	swait.ge [sflag:s8], $0x1000  }
0x11b: {  	[sflag:s8] =	ssyncset.done $0x0  }
0x11c: {  	[sflag:s8] =	ssyncadd.s32 $0xFFFFF000  }
0x11d: {  	_ =	swait.ge [sflag:s8], $0x1000  }
0x11e: {  	[sflag:s8] =	ssyncset.done $0x0  }
0x11f: {  	s10 =	sadd.s32 $0x2A00, s22;
	[sflag:s8] =	ssyncadd.s32 $0xFFFFF000  }
0x120: {  	[spmem:s2] =	stream.indirect.scatter.add.f32 [tilespmem:s12], [sflag:$0x4], $0x20, s10, s9, $0xb8;
	[tilespmem:$0x1C000] =	vst v63  }
.Ltmp4:
0x121: {  	s10 =	sadd.s32 $0x2A80, s22;
	(pc) =	sbr.rel @p1 .LBB2_10-.Ltmp4, $4  }
0x122: {  	[spmem:s2] =	stream.indirect.scatter.add.f32 [tilespmem:s13], [sflag:$0x4], $0x20, s10, s9, $0xb8;
	[tilespmem:$0x1C000] =	vst v63  }
0x123: {  	s10 =	sadd.s32 $0x2B00, s22  }
0x124: {  	[spmem:s2] =	stream.indirect.scatter.add.f32 [tilespmem:s14], [sflag:$0x4], $0x20, s10, s9, $0xb8;
	[tilespmem:$0x1C000] =	vst v63  }
0x125: {  	s10 =	sadd.s32 $0x2B80, s22  }
0x126: {  	[spmem:s2] =	stream.indirect.scatter.add.f32 [tilespmem:s15], [sflag:$0x4], $0x20, s10, s9, $0xb8;
	[tilespmem:$0x1C000] =	vst v63  }
0x127: {  	s11 =	simm.s32 @!p0 $0x4  }
0x128: {  	_ =	swait.ge @!p0 [sflag:s11], $0x1000  }
0x129: {  	[sflag:s11] =	ssyncset.done @!p0 $0x0  }
0x12a: {  	[sflag:s11] =	ssyncadd.s32 @!p0 $0xFFFFF000  }
0x12b: {  	_ =	swait.ge @!p0 [sflag:s11], $0x1000  }
0x12c: {  	[sflag:s11] =	ssyncset.done @!p0 $0x0  }
0x12d: {  	[sflag:s11] =	ssyncadd.s32 @!p0 $0xFFFFF000  }
0x12e: {  	_ =	swait.ge @!p0 [sflag:s11], $0x1000  }
0x12f: {  	[sflag:s11] =	ssyncset.done @!p0 $0x0  }
0x130: {  	[sflag:s11] =	ssyncadd.s32 @!p0 $0xFFFFF000  }
0x131: {  	_ =	swait.ge @!p0 [sflag:s11], $0x1000  }
0x132: {  	s10 =	sshra.s32 s20, $0x2;
	[sflag:s11] =	ssyncset.done @!p0 $0x0  }
0x133: {  	s24 =	sadd.s32 $0x200, s10;
	[sflag:s11] =	ssyncadd.s32 @!p0 $0xFFFFF000  }
0x134: {  	[tilespmem:s12], [sflag:$0x2] =	stream.indirect.gather [spmem:s4], $0x20, s24, s9, $0xb8;
	[tilespmem:$0x1C000] =	vst v63  }
0x135: {  	s25 =	sadd.s32 $0x280, s10  }
0x136: {  	[tilespmem:s13], [sflag:$0x2] =	stream.indirect.gather [spmem:s4], $0x20, s25, s9, $0xb8;
	[tilespmem:$0x1C000] =	vst v63  }
0x137: {  	s21 =	sadd.s32 $0x300, s10  }
0x138: {  	[tilespmem:s14], [sflag:$0x2] =	stream.indirect.gather [spmem:s4], $0x20, s21, s9, $0xb8;
	[tilespmem:$0x1C000] =	vst v63  }
0x139: {  	s22 =	sadd.s32 $0x380, s10  }
0x13a: {  	[tilespmem:s15], [sflag:$0x2] =	stream.indirect.gather [spmem:s4], $0x20, s22, s9, $0xb8;
	[tilespmem:$0x1C000] =	vst v63  }
0x13b: {  	_ =	swait.ge [sflag:s31], $0x1000  }
0x13c: {  	[sflag:s31] =	ssyncset.done $0x0  }
0x13d: {  	[sflag:s31] =	ssyncadd.s32 $0xFFFFF000  }
0x13e: {  	_ =	swait.ge [sflag:s31], $0x1000  }
0x13f: {  	[sflag:s31] =	ssyncset.done $0x0  }
0x140: {  	[sflag:s31] =	ssyncadd.s32 $0xFFFFF000  }
0x141: {  	_ =	swait.ge [sflag:s31], $0x1000  }
0x142: {  	[sflag:s31] =	ssyncset.done $0x0  }
0x143: {  	[sflag:s31] =	ssyncadd.s32 $0xFFFFF000  }
0x144: {  	_ =	swait.ge [sflag:s31], $0x1000  }
0x145: {  	[sflag:s31] =	ssyncset.done $0x0  }
0x146: {  	s23 =	sadd.s32 $0x2800, s10;
	[sflag:s31] =	ssyncadd.s32 $0xFFFFF000  }
0x147: {  	[spmem:s2] =	stream.indirect.scatter.add.f32 [tilespmem:s26], [sflag:$0x3], $0x20, s23, s9, $0xb8;
	[tilespmem:$0x1C000] =	vst v63  }
0x148: {  	s24 =	sadd.s32 $0x2880, s10  }
0x149: {  	[spmem:s2] =	stream.indirect.scatter.add.f32 [tilespmem:s28], [sflag:$0x3], $0x20, s24, s9, $0xb8;
	[tilespmem:$0x1C000] =	vst v63  }
0x14a: {  	s25 =	sadd.s32 $0x2900, s10  }
0x14b: {  	[spmem:s2] =	stream.indirect.scatter.add.f32 [tilespmem:s29], [sflag:$0x3], $0x20, s25, s9, $0xb8;
	[tilespmem:$0x1C000] =	vst v63  }
0x14c: {  	s21 =	sadd.s32 $0x2980, s10  }
0x14d: {  	[spmem:s2] =	stream.indirect.scatter.add.f32 [tilespmem:s30], [sflag:$0x3], $0x20, s21, s9, $0xb8;
	[tilespmem:$0x1C000] =	vst v63  }
0x14e: {  	_ =	swait.ge [sflag:s16], $0x1000  }
0x14f: {  	[sflag:s16] =	ssyncset.done $0x0  }
0x150: {  	[sflag:s16] =	ssyncadd.s32 $0xFFFFF000  }
0x151: {  	_ =	swait.ge [sflag:s16], $0x1000  }
0x152: {  	[sflag:s16] =	ssyncset.done $0x0  }
0x153: {  	[sflag:s16] =	ssyncadd.s32 $0xFFFFF000  }
0x154: {  	_ =	swait.ge [sflag:s16], $0x1000  }
0x155: {  	[sflag:s16] =	ssyncset.done $0x0  }
0x156: {  	[sflag:s16] =	ssyncadd.s32 $0xFFFFF000  }
0x157: {  	p0 =	seq.s32 s20, $0x9000;
	_ =	swait.ge [sflag:s16], $0x1000  }
0x158: {  	s11 =	sshra.s32 @!p0 s20, $0x2;
	s20 =	simm.s32 @!p0 $0x5000;
	[sflag:s16] =	ssyncset.done $0x0  }
0x159: {  	s22 =	simm.s32 @!p0 $0x80;
	s21 =	sadd.s32 @!p0 $0x400, s11;
	[sflag:s16] =	ssyncadd.s32 $0xFFFFF000  }
0x15a: {  	[tilespmem:s20], [sflag:$0x1] =	stream.indirect.gather @!p0 [spmem:s4], $0x20, s21, s22, $0xb8;
	[tilespmem:$0x1C000] =	vst v63  }
0x15b: {  	s20 =	sadd.s32 @!p0 $0x480, s11;
	s21 =	simm.s32 @!p0 $0x6000  }
0x15c: {  	[tilespmem:s21], [sflag:$0x1] =	stream.indirect.gather @!p0 [spmem:s4], $0x20, s20, s22, $0xb8;
	[tilespmem:$0x1C000] =	vst v63  }
0x15d: {  	s20 =	sadd.s32 @!p0 $0x500, s11;
	s21 =	simm.s32 @!p0 $0x7000  }
0x15e: {  	[tilespmem:s21], [sflag:$0x1] =	stream.indirect.gather @!p0 [spmem:s4], $0x20, s20, s22, $0xb8;
	[tilespmem:$0x1C000] =	vst v63  }
0x15f: {  	s11 =	sadd.s32 @!p0 $0x580, s11;
	s20 =	simm.s32 @!p0 $0x8000  }
0x160: {  	[tilespmem:s20], [sflag:$0x1] =	stream.indirect.gather @!p0 [spmem:s4], $0x20, s11, s22, $0xb8;
	[tilespmem:$0x1C000] =	vst v63  }
0x161: {  	_ =	swait.ge [sflag:s8], $0x1000  }
0x162: {  	[sflag:s8] =	ssyncset.done $0x0  }
0x163: {  	[sflag:s8] =	ssyncadd.s32 $0xFFFFF000  }
0x164: {  	_ =	swait.ge [sflag:s8], $0x1000  }
0x165: {  	[sflag:s8] =	ssyncset.done $0x0  }
0x166: {  	[sflag:s8] =	ssyncadd.s32 $0xFFFFF000  }
0x167: {  	_ =	swait.ge [sflag:s8], $0x1000  }
0x168: {  	[sflag:s8] =	ssyncset.done $0x0  }
0x169: {  	[sflag:s8] =	ssyncadd.s32 $0xFFFFF000  }
0x16a: {  	_ =	swait.ge [sflag:s8], $0x1000  }
0x16b: {  	[sflag:s8] =	ssyncset.done $0x0  }
0x16c: {  	s22 =	sadd.s32 $0x2A00, s10;
	[sflag:s8] =	ssyncadd.s32 $0xFFFFF000  }
0x16d: {  	[spmem:s2] =	stream.indirect.scatter.add.f32 [tilespmem:s12], [sflag:$0x4], $0x20, s22, s9, $0xb8;
	[tilespmem:$0x1C000] =	vst v63  }
0x16e: {  	s23 =	sadd.s32 $0x2A80, s10  }
0x16f: {  	[spmem:s2] =	stream.indirect.scatter.add.f32 [tilespmem:s13], [sflag:$0x4], $0x20, s23, s9, $0xb8;
	[tilespmem:$0x1C000] =	vst v63  }
0x170: {  	s24 =	sadd.s32 $0x2B00, s10  }
0x171: {  	[spmem:s2] =	stream.indirect.scatter.add.f32 [tilespmem:s14], [sflag:$0x4], $0x20, s24, s9, $0xb8;
	[tilespmem:$0x1C000] =	vst v63  }
0x172: {  	s10 =	sadd.s32 $0x2B80, s10  }
0x173: {  	[spmem:s2] =	stream.indirect.scatter.add.f32 [tilespmem:s15], [sflag:$0x4], $0x20, s10, s9, $0xb8;
	[tilespmem:$0x1C000] =	vst v63  }
0x174: {  	_ =	swait.ge [sflag:s0], $0x1000  }
0x175: {  	[sflag:s0] =	ssyncset.done $0x0  }
0x176: {  	[sflag:s0] =	ssyncadd.s32 $0xFFFFF000  }
0x177: {  	_ =	swait.ge [sflag:s0], $0x1000  }
0x178: {  	[sflag:s0] =	ssyncset.done $0x0  }
0x179: {  	[sflag:s0] =	ssyncadd.s32 $0xFFFFF000  }
0x17a: {  	_ =	swait.ge [sflag:s0], $0x1000  }
0x17b: {  	[sflag:s0] =	ssyncset.done $0x0  }
0x17c: {  	[sflag:s0] =	ssyncadd.s32 $0xFFFFF000  }
0x17d: {  	_ =	swait.ge [sflag:s0], $0x1000  }
0x17e: {  	[sflag:s0] =	ssyncset.done $0x0  }
0x17f: {  	[sflag:s0] =	ssyncadd.s32 $0xFFFFF000  }
0x180: {  	[bflag:$0x0] =	sbarrier.arrive $0xFFFF  }
0x181: {  	s20 =	sor.u32 $0x1C05, s18;
	s25 =	rddreg [dreg:$0x11]  }
0x182: {  	[spmem:s19@s0], [sflag:s20] =	dma.strided [hbm:s25@s1], $0xA00, s31, $0x4   }
0x183: {  	_ =	swait.ge [sflag:s5], $0xA00  }
0x184: {  	[sflag:s5] =	ssyncset.done $0x0  }
0x185: {  	[sflag:s5] =	ssyncadd.s32 $0xFFFFF600  }
0x186: {  	s11 =	simm.s32 $0x0;
	[bflag:$0x0] =	sbarrier.arrive $0xFFFF  }
0x187: {  	[tilespmem:s26], [sflag:$0x1] =	stream.indirect.gather [spmem:s4], $0x20, s11, s9, $0xb8;
	[tilespmem:$0x1C000] =	vst v63  }
0x188: {  	p5 =	por $0x1, $0x1  }
0x189: {  	[tilespmem:s28], [sflag:$0x1] =	stream.indirect.gather [spmem:s4], $0x20, s9, s9, $0xb8;
	[tilespmem:$0x1C000] =	vst v63  }
0x18a: {  	p0 =	por p5, p5;
	s19 =	simm.s32 $0x100  }
0x18b: {  	[tilespmem:s29], [sflag:$0x1] =	stream.indirect.gather [spmem:s4], $0x20, s19, s9, $0xb8;
	[tilespmem:$0x1C000] =	vst v63  }
0x18c: {  	s21 =	simm.s32 $0x180;
	s10 =	simm.s32 @!p0 $0x4  }
0x18d: {  	[tilespmem:s30], [sflag:$0x1] =	stream.indirect.gather [spmem:s4], $0x20, s21, s9, $0xb8;
	[tilespmem:$0x1C000] =	vst v63  }
0x18e: {  	_ =	swait.ge @!p0 [sflag:s10], $0x1000  }
0x18f: {  	[sflag:s10] =	ssyncset.done @!p0 $0x0  }
0x190: {  	[sflag:s10] =	ssyncadd.s32 @!p0 $0xFFFFF000  }
0x191: {  	_ =	swait.ge @!p0 [sflag:s10], $0x1000  }
0x192: {  	[sflag:s10] =	ssyncset.done @!p0 $0x0  }
0x193: {  	[sflag:s10] =	ssyncadd.s32 @!p0 $0xFFFFF000  }
0x194: {  	_ =	swait.ge @!p0 [sflag:s10], $0x1000  }
0x195: {  	[sflag:s10] =	ssyncset.done @!p0 $0x0  }
0x196: {  	[sflag:s10] =	ssyncadd.s32 @!p0 $0xFFFFF000  }
0x197: {  	_ =	swait.ge @!p0 [sflag:s10], $0x1000  }
0x198: {  	[sflag:s10] =	ssyncset.done @!p0 $0x0  }
0x199: {  	s22 =	simm.s32 $0x200;
	[sflag:s10] =	ssyncadd.s32 @!p0 $0xFFFFF000  }
0x19a: {  	[tilespmem:s12], [sflag:$0x2] =	stream.indirect.gather [spmem:s4], $0x20, s22, s9, $0xb8;
	[tilespmem:$0x1C000] =	vst v63  }
0x19b: {  	s23 =	simm.s32 $0x280  }
0x19c: {  	[tilespmem:s13], [sflag:$0x2] =	stream.indirect.gather [spmem:s4], $0x20, s23, s9, $0xb8;
	[tilespmem:$0x1C000] =	vst v63  }
0x19d: {  	s24 =	simm.s32 $0x300  }
0x19e: {  	[tilespmem:s14], [sflag:$0x2] =	stream.indirect.gather [spmem:s4], $0x20, s24, s9, $0xb8;
	[tilespmem:$0x1C000] =	vst v63  }
0x19f: {  	s25 =	simm.s32 $0x380  }
0x1a0: {  	[tilespmem:s15], [sflag:$0x2] =	stream.indirect.gather [spmem:s4], $0x20, s25, s9, $0xb8;
	[tilespmem:$0x1C000] =	vst v63  }
0x1a1: {  	_ =	swait.ge [sflag:s31], $0x1000  }
0x1a2: {  	[sflag:s31] =	ssyncset.done $0x0  }
0x1a3: {  	[sflag:s31] =	ssyncadd.s32 $0xFFFFF000  }
0x1a4: {  	_ =	swait.ge [sflag:s31], $0x1000  }
0x1a5: {  	[sflag:s31] =	ssyncset.done $0x0  }
0x1a6: {  	[sflag:s31] =	ssyncadd.s32 $0xFFFFF000  }
0x1a7: {  	_ =	swait.ge [sflag:s31], $0x1000  }
0x1a8: {  	[sflag:s31] =	ssyncset.done $0x0  }
0x1a9: {  	[sflag:s31] =	ssyncadd.s32 $0xFFFFF000  }
0x1aa: {  	_ =	swait.ge [sflag:s31], $0x1000  }
0x1ab: {  	[sflag:s31] =	ssyncset.done $0x0  }
0x1ac: {  	s11 =	simm.s32 $0x2800;
	[sflag:s31] =	ssyncadd.s32 $0xFFFFF000  }
0x1ad: {  	[spmem:s3] =	stream.indirect.scatter.add.f32 [tilespmem:s26], [sflag:$0x3], $0x20, s11, s9, $0xb8;
	[tilespmem:$0x1C000] =	vst v63  }
0x1ae: {  	s19 =	simm.s32 $0x2880  }
0x1af: {  	[spmem:s3] =	stream.indirect.scatter.add.f32 [tilespmem:s28], [sflag:$0x3], $0x20, s19, s9, $0xb8;
	[tilespmem:$0x1C000] =	vst v63  }
0x1b0: {  	s21 =	simm.s32 $0x2900  }
0x1b1: {  	[spmem:s3] =	stream.indirect.scatter.add.f32 [tilespmem:s29], [sflag:$0x3], $0x20, s21, s9, $0xb8;
	[tilespmem:$0x1C000] =	vst v63  }
0x1b2: {  	s22 =	simm.s32 $0x2980  }
0x1b3: {  	[spmem:s3] =	stream.indirect.scatter.add.f32 [tilespmem:s30], [sflag:$0x3], $0x20, s22, s9, $0xb8;
	[tilespmem:$0x1C000] =	vst v63  }
0x1b4: {  	_ =	swait.ge [sflag:s16], $0x1000  }
0x1b5: {  	[sflag:s16] =	ssyncset.done $0x0  }
0x1b6: {  	[sflag:s16] =	ssyncadd.s32 $0xFFFFF000  }
0x1b7: {  	_ =	swait.ge [sflag:s16], $0x1000  }
0x1b8: {  	[sflag:s16] =	ssyncset.done $0x0  }
0x1b9: {  	[sflag:s16] =	ssyncadd.s32 $0xFFFFF000  }
0x1ba: {  	_ =	swait.ge [sflag:s16], $0x1000  }
0x1bb: {  	[sflag:s16] =	ssyncset.done $0x0  }
0x1bc: {  	[sflag:s16] =	ssyncadd.s32 $0xFFFFF000  }
0x1bd: {  	p0 =	por $0x0, $0x0;
	_ =	swait.ge [sflag:s16], $0x1000  }
0x1be: {  	s10 =	simm.s32 @!p0 $0x5000;
	[sflag:s16] =	ssyncset.done $0x0  }
0x1bf: {  	s11 =	simm.s32 @!p0 $0x400;
	s19 =	simm.s32 @!p0 $0x80;
	[sflag:s16] =	ssyncadd.s32 $0xFFFFF000  }
0x1c0: {  	[tilespmem:s10], [sflag:$0x1] =	stream.indirect.gather @!p0 [spmem:s4], $0x20, s11, s19, $0xb8;
	[tilespmem:$0x1C000] =	vst v63  }
0x1c1: {  	s10 =	simm.s32 @!p0 $0x480;
	s11 =	simm.s32 @!p0 $0x6000  }
0x1c2: {  	[tilespmem:s11], [sflag:$0x1] =	stream.indirect.gather @!p0 [spmem:s4], $0x20, s10, s19, $0xb8;
	[tilespmem:$0x1C000] =	vst v63  }
0x1c3: {  	s10 =	simm.s32 @!p0 $0x500;
	s11 =	simm.s32 @!p0 $0x7000  }
0x1c4: {  	[tilespmem:s11], [sflag:$0x1] =	stream.indirect.gather @!p0 [spmem:s4], $0x20, s10, s19, $0xb8;
	[tilespmem:$0x1C000] =	vst v63  }
0x1c5: {  	s10 =	simm.s32 @!p0 $0x580;
	s11 =	simm.s32 @!p0 $0x8000  }
0x1c6: {  	[tilespmem:s11], [sflag:$0x1] =	stream.indirect.gather @!p0 [spmem:s4], $0x20, s10, s19, $0xb8;
	[tilespmem:$0x1C000] =	vst v63  }
0x1c7: {  	_ =	swait.ge [sflag:s8], $0x1000  }
0x1c8: {  	[sflag:s8] =	ssyncset.done $0x0  }
0x1c9: {  	[sflag:s8] =	ssyncadd.s32 $0xFFFFF000  }
0x1ca: {  	_ =	swait.ge [sflag:s8], $0x1000  }
0x1cb: {  	[sflag:s8] =	ssyncset.done $0x0  }
0x1cc: {  	[sflag:s8] =	ssyncadd.s32 $0xFFFFF000  }
0x1cd: {  	_ =	swait.ge [sflag:s8], $0x1000  }
0x1ce: {  	[sflag:s8] =	ssyncset.done $0x0  }
0x1cf: {  	[sflag:s8] =	ssyncadd.s32 $0xFFFFF000  }
0x1d0: {  	_ =	swait.ge [sflag:s8], $0x1000  }
0x1d1: {  	[sflag:s8] =	ssyncset.done $0x0  }
0x1d2: {  	p6 =	por $0x0, $0x0;
	s23 =	simm.s32 $0x2A00;
	[sflag:s8] =	ssyncadd.s32 $0xFFFFF000  }
0x1d3: {  	[spmem:s3] =	stream.indirect.scatter.add.f32 [tilespmem:s12], [sflag:$0x4], $0x20, s23, s9, $0xb8;
	[tilespmem:$0x1C000] =	vst v63  }
0x1d4: {  	s24 =	simm.s32 $0x2A80;
	s25 =	simm.s32 $0x2B00;
	s21 =	simm.s32 $0x2000  }
0x1d5: {  	[spmem:s3] =	stream.indirect.scatter.add.f32 [tilespmem:s13], [sflag:$0x4], $0x20, s24, s9, $0xb8;
	[tilespmem:$0x1C000] =	vst v63  }
0x1d6: {  	s19 =	simm.s32 $0x1000;
	p0 =	por p6, p6;
	s10 =	simm.s32 $0x2B80  }
0x1d7: {  	[spmem:s3] =	stream.indirect.scatter.add.f32 [tilespmem:s14], [sflag:$0x4], $0x20, s25, s9, $0xb8;
	[tilespmem:$0x1C000] =	vst v63  }
.LBB2_12:
0x1d8: {  	[spmem:s3] =	stream.indirect.scatter.add.f32 [tilespmem:s15], [sflag:$0x4], $0x20, s10, s9, $0xb8;
	[tilespmem:$0x1C000] =	vst v63  }
0x1d9: {  	s10 =	smov.u32 s21  }
0x1da: {  	s21 =	sadd.s32 $0x1000, s21;
	s11 =	simm.s32 @!p0 $0x4;
	p2 =	seq.s32 s10, $0x0  }
0x1db: {  	p1 =	sne.s32 s21, $0xA000;
	_ =	swait.ge @!p0 [sflag:s11], $0x1000  }
0x1dc: {  	[sflag:s11] =	ssyncset.done @!p0 $0x0  }
0x1dd: {  	[sflag:s11] =	ssyncadd.s32 @!p0 $0xFFFFF000  }
0x1de: {  	_ =	swait.ge @!p0 [sflag:s11], $0x1000  }
0x1df: {  	[sflag:s11] =	ssyncset.done @!p0 $0x0  }
0x1e0: {  	[sflag:s11] =	ssyncadd.s32 @!p0 $0xFFFFF000  }
0x1e1: {  	_ =	swait.ge @!p0 [sflag:s11], $0x1000  }
0x1e2: {  	[sflag:s11] =	ssyncset.done @!p0 $0x0  }
0x1e3: {  	[sflag:s11] =	ssyncadd.s32 @!p0 $0xFFFFF000  }
0x1e4: {  	_ =	swait.ge @!p0 [sflag:s11], $0x1000  }
0x1e5: {  	s22 =	sshra.s32 s19, $0x2;
	[sflag:s11] =	ssyncset.done @!p0 $0x0  }
0x1e6: {  	[sflag:s11] =	ssyncadd.s32 @!p0 $0xFFFFF000;
	s11 =	sadd.s32 $0x200, s22;
	p0 =	por p2, p2  }
0x1e7: {  	[tilespmem:s12], [sflag:$0x2] =	stream.indirect.gather [spmem:s4], $0x20, s11, s9, $0xb8;
	[tilespmem:$0x1C000] =	vst v63  }
0x1e8: {  	s11 =	sadd.s32 $0x280, s22  }
0x1e9: {  	[tilespmem:s13], [sflag:$0x2] =	stream.indirect.gather [spmem:s4], $0x20, s11, s9, $0xb8;
	[tilespmem:$0x1C000] =	vst v63  }
0x1ea: {  	s11 =	sadd.s32 $0x300, s22  }
0x1eb: {  	[tilespmem:s14], [sflag:$0x2] =	stream.indirect.gather [spmem:s4], $0x20, s11, s9, $0xb8;
	[tilespmem:$0x1C000] =	vst v63  }
0x1ec: {  	s11 =	sadd.s32 $0x380, s22  }
0x1ed: {  	[tilespmem:s15], [sflag:$0x2] =	stream.indirect.gather [spmem:s4], $0x20, s11, s9, $0xb8;
	[tilespmem:$0x1C000] =	vst v63  }
0x1ee: {  	_ =	swait.ge [sflag:s31], $0x1000  }
0x1ef: {  	[sflag:s31] =	ssyncset.done $0x0  }
0x1f0: {  	[sflag:s31] =	ssyncadd.s32 $0xFFFFF000  }
0x1f1: {  	_ =	swait.ge [sflag:s31], $0x1000  }
0x1f2: {  	[sflag:s31] =	ssyncset.done $0x0  }
0x1f3: {  	[sflag:s31] =	ssyncadd.s32 $0xFFFFF000  }
0x1f4: {  	_ =	swait.ge [sflag:s31], $0x1000  }
0x1f5: {  	[sflag:s31] =	ssyncset.done $0x0  }
0x1f6: {  	[sflag:s31] =	ssyncadd.s32 $0xFFFFF000  }
0x1f7: {  	_ =	swait.ge [sflag:s31], $0x1000  }
0x1f8: {  	[sflag:s31] =	ssyncset.done $0x0  }
0x1f9: {  	s11 =	sadd.s32 $0x2800, s22;
	[sflag:s31] =	ssyncadd.s32 $0xFFFFF000  }
0x1fa: {  	[spmem:s3] =	stream.indirect.scatter.add.f32 [tilespmem:s26], [sflag:$0x3], $0x20, s11, s9, $0xb8;
	[tilespmem:$0x1C000] =	vst v63  }
0x1fb: {  	s11 =	sadd.s32 $0x2880, s22  }
0x1fc: {  	[spmem:s3] =	stream.indirect.scatter.add.f32 [tilespmem:s28], [sflag:$0x3], $0x20, s11, s9, $0xb8;
	[tilespmem:$0x1C000] =	vst v63  }
0x1fd: {  	s11 =	sadd.s32 $0x2900, s22  }
0x1fe: {  	[spmem:s3] =	stream.indirect.scatter.add.f32 [tilespmem:s29], [sflag:$0x3], $0x20, s11, s9, $0xb8;
	[tilespmem:$0x1C000] =	vst v63  }
0x1ff: {  	s11 =	sadd.s32 $0x2980, s22  }
0x200: {  	[spmem:s3] =	stream.indirect.scatter.add.f32 [tilespmem:s30], [sflag:$0x3], $0x20, s11, s9, $0xb8;
	[tilespmem:$0x1C000] =	vst v63  }
0x201: {  	_ =	swait.ge [sflag:s16], $0x1000  }
0x202: {  	[sflag:s16] =	ssyncset.done $0x0  }
0x203: {  	[sflag:s16] =	ssyncadd.s32 $0xFFFFF000  }
0x204: {  	_ =	swait.ge [sflag:s16], $0x1000  }
0x205: {  	[sflag:s16] =	ssyncset.done $0x0  }
0x206: {  	[sflag:s16] =	ssyncadd.s32 $0xFFFFF000  }
0x207: {  	_ =	swait.ge [sflag:s16], $0x1000  }
0x208: {  	[sflag:s16] =	ssyncset.done $0x0  }
0x209: {  	[sflag:s16] =	ssyncadd.s32 $0xFFFFF000  }
0x20a: {  	p2 =	seq.s32 s19, $0x9000;
	_ =	swait.ge [sflag:s16], $0x1000  }
0x20b: {  	s11 =	sshra.s32 @!p2 s19, $0x2;
	s19 =	simm.s32 @!p2 $0x5000;
	[sflag:s16] =	ssyncset.done $0x0  }
0x20c: {  	s24 =	simm.s32 @!p2 $0x80;
	s23 =	sadd.s32 @!p2 $0x400, s11;
	[sflag:s16] =	ssyncadd.s32 $0xFFFFF000  }
0x20d: {  	[tilespmem:s19], [sflag:$0x1] =	stream.indirect.gather @!p2 [spmem:s4], $0x20, s23, s24, $0xb8;
	[tilespmem:$0x1C000] =	vst v63  }
0x20e: {  	s25 =	sadd.s32 @!p2 $0x500, s11;
	s19 =	sadd.s32 @!p2 $0x480, s11;
	s23 =	simm.s32 @!p2 $0x6000  }
0x20f: {  	[tilespmem:s23], [sflag:$0x1] =	stream.indirect.gather @!p2 [spmem:s4], $0x20, s19, s24, $0xb8;
	[tilespmem:$0x1C000] =	vst v63  }
0x210: {  	s11 =	sadd.s32 @!p2 $0x580, s11;
	s23 =	simm.s32 @!p2 $0x7000;
	s19 =	smov.u32 s10  }
0x211: {  	[tilespmem:s23], [sflag:$0x1] =	stream.indirect.gather @!p2 [spmem:s4], $0x20, s25, s24, $0xb8;
	[tilespmem:$0x1C000] =	vst v63  }
0x212: {  	s10 =	simm.s32 @!p2 $0x8000  }
0x213: {  	[tilespmem:s10], [sflag:$0x1] =	stream.indirect.gather @!p2 [spmem:s4], $0x20, s11, s24, $0xb8;
	[tilespmem:$0x1C000] =	vst v63  }
0x214: {  	_ =	swait.ge [sflag:s8], $0x1000  }
0x215: {  	[sflag:s8] =	ssyncset.done $0x0  }
0x216: {  	[sflag:s8] =	ssyncadd.s32 $0xFFFFF000  }
0x217: {  	_ =	swait.ge [sflag:s8], $0x1000  }
0x218: {  	[sflag:s8] =	ssyncset.done $0x0  }
0x219: {  	[sflag:s8] =	ssyncadd.s32 $0xFFFFF000  }
0x21a: {  	_ =	swait.ge [sflag:s8], $0x1000  }
0x21b: {  	[sflag:s8] =	ssyncset.done $0x0  }
0x21c: {  	[sflag:s8] =	ssyncadd.s32 $0xFFFFF000  }
0x21d: {  	_ =	swait.ge [sflag:s8], $0x1000  }
0x21e: {  	[sflag:s8] =	ssyncset.done $0x0  }
0x21f: {  	s10 =	sadd.s32 $0x2A00, s22;
	[sflag:s8] =	ssyncadd.s32 $0xFFFFF000  }
0x220: {  	[spmem:s3] =	stream.indirect.scatter.add.f32 [tilespmem:s12], [sflag:$0x4], $0x20, s10, s9, $0xb8;
	[tilespmem:$0x1C000] =	vst v63  }
.Ltmp5:
0x221: {  	s10 =	sadd.s32 $0x2A80, s22;
	(pc) =	sbr.rel @p1 .LBB2_12-.Ltmp5, $4  }
0x222: {  	[spmem:s3] =	stream.indirect.scatter.add.f32 [tilespmem:s13], [sflag:$0x4], $0x20, s10, s9, $0xb8;
	[tilespmem:$0x1C000] =	vst v63  }
0x223: {  	s10 =	sadd.s32 $0x2B00, s22  }
0x224: {  	[spmem:s3] =	stream.indirect.scatter.add.f32 [tilespmem:s14], [sflag:$0x4], $0x20, s10, s9, $0xb8;
	[tilespmem:$0x1C000] =	vst v63  }
0x225: {  	s10 =	sadd.s32 $0x2B80, s22  }
0x226: {  	[spmem:s3] =	stream.indirect.scatter.add.f32 [tilespmem:s15], [sflag:$0x4], $0x20, s10, s9, $0xb8;
	[tilespmem:$0x1C000] =	vst v63  }
0x227: {  	s11 =	simm.s32 @!p0 $0x4  }
0x228: {  	_ =	swait.ge @!p0 [sflag:s11], $0x1000  }
0x229: {  	[sflag:s11] =	ssyncset.done @!p0 $0x0  }
0x22a: {  	[sflag:s11] =	ssyncadd.s32 @!p0 $0xFFFFF000  }
0x22b: {  	_ =	swait.ge @!p0 [sflag:s11], $0x1000  }
0x22c: {  	[sflag:s11] =	ssyncset.done @!p0 $0x0  }
0x22d: {  	[sflag:s11] =	ssyncadd.s32 @!p0 $0xFFFFF000  }
0x22e: {  	_ =	swait.ge @!p0 [sflag:s11], $0x1000  }
0x22f: {  	[sflag:s11] =	ssyncset.done @!p0 $0x0  }
0x230: {  	[sflag:s11] =	ssyncadd.s32 @!p0 $0xFFFFF000  }
0x231: {  	_ =	swait.ge @!p0 [sflag:s11], $0x1000  }
0x232: {  	s10 =	sshra.s32 s19, $0x2;
	[sflag:s11] =	ssyncset.done @!p0 $0x0  }
0x233: {  	s21 =	sadd.s32 $0x200, s10;
	[sflag:s11] =	ssyncadd.s32 @!p0 $0xFFFFF000  }
0x234: {  	[tilespmem:s12], [sflag:$0x2] =	stream.indirect.gather [spmem:s4], $0x20, s21, s9, $0xb8;
	[tilespmem:$0x1C000] =	vst v63  }
0x235: {  	s22 =	sadd.s32 $0x280, s10  }
0x236: {  	[tilespmem:s13], [sflag:$0x2] =	stream.indirect.gather [spmem:s4], $0x20, s22, s9, $0xb8;
	[tilespmem:$0x1C000] =	vst v63  }
0x237: {  	s23 =	sadd.s32 $0x300, s10  }
0x238: {  	[tilespmem:s14], [sflag:$0x2] =	stream.indirect.gather [spmem:s4], $0x20, s23, s9, $0xb8;
	[tilespmem:$0x1C000] =	vst v63  }
0x239: {  	s24 =	sadd.s32 $0x380, s10  }
0x23a: {  	[tilespmem:s15], [sflag:$0x2] =	stream.indirect.gather [spmem:s4], $0x20, s24, s9, $0xb8;
	[tilespmem:$0x1C000] =	vst v63  }
0x23b: {  	_ =	swait.ge [sflag:s31], $0x1000  }
0x23c: {  	[sflag:s31] =	ssyncset.done $0x0  }
0x23d: {  	[sflag:s31] =	ssyncadd.s32 $0xFFFFF000  }
0x23e: {  	_ =	swait.ge [sflag:s31], $0x1000  }
0x23f: {  	[sflag:s31] =	ssyncset.done $0x0  }
0x240: {  	[sflag:s31] =	ssyncadd.s32 $0xFFFFF000  }
0x241: {  	_ =	swait.ge [sflag:s31], $0x1000  }
0x242: {  	[sflag:s31] =	ssyncset.done $0x0  }
0x243: {  	[sflag:s31] =	ssyncadd.s32 $0xFFFFF000  }
0x244: {  	_ =	swait.ge [sflag:s31], $0x1000  }
0x245: {  	[sflag:s31] =	ssyncset.done $0x0  }
0x246: {  	s25 =	sadd.s32 $0x2800, s10;
	[sflag:s31] =	ssyncadd.s32 $0xFFFFF000  }
0x247: {  	[spmem:s3] =	stream.indirect.scatter.add.f32 [tilespmem:s26], [sflag:$0x3], $0x20, s25, s9, $0xb8;
	[tilespmem:$0x1C000] =	vst v63  }
0x248: {  	s21 =	sadd.s32 $0x2880, s10  }
0x249: {  	[spmem:s3] =	stream.indirect.scatter.add.f32 [tilespmem:s28], [sflag:$0x3], $0x20, s21, s9, $0xb8;
	[tilespmem:$0x1C000] =	vst v63  }
0x24a: {  	s22 =	sadd.s32 $0x2900, s10  }
0x24b: {  	[spmem:s3] =	stream.indirect.scatter.add.f32 [tilespmem:s29], [sflag:$0x3], $0x20, s22, s9, $0xb8;
	[tilespmem:$0x1C000] =	vst v63  }
0x24c: {  	s23 =	sadd.s32 $0x2980, s10  }
0x24d: {  	[spmem:s3] =	stream.indirect.scatter.add.f32 [tilespmem:s30], [sflag:$0x3], $0x20, s23, s9, $0xb8;
	[tilespmem:$0x1C000] =	vst v63  }
0x24e: {  	_ =	swait.ge [sflag:s16], $0x1000  }
0x24f: {  	[sflag:s16] =	ssyncset.done $0x0  }
0x250: {  	[sflag:s16] =	ssyncadd.s32 $0xFFFFF000  }
0x251: {  	_ =	swait.ge [sflag:s16], $0x1000  }
0x252: {  	[sflag:s16] =	ssyncset.done $0x0  }
0x253: {  	[sflag:s16] =	ssyncadd.s32 $0xFFFFF000  }
0x254: {  	_ =	swait.ge [sflag:s16], $0x1000  }
0x255: {  	[sflag:s16] =	ssyncset.done $0x0  }
0x256: {  	[sflag:s16] =	ssyncadd.s32 $0xFFFFF000  }
0x257: {  	p0 =	seq.s32 s19, $0x9000;
	_ =	swait.ge [sflag:s16], $0x1000  }
0x258: {  	s11 =	sshra.s32 @!p0 s19, $0x2;
	s19 =	simm.s32 @!p0 $0x5000;
	[sflag:s16] =	ssyncset.done $0x0  }
0x259: {  	s21 =	sadd.s32 @!p0 $0x400, s11;
	s22 =	simm.s32 @!p0 $0x80;
	[sflag:s16] =	ssyncadd.s32 $0xFFFFF000  }
0x25a: {  	[tilespmem:s19], [sflag:$0x1] =	stream.indirect.gather @!p0 [spmem:s4], $0x20, s21, s22, $0xb8;
	[tilespmem:$0x1C000] =	vst v63  }
0x25b: {  	s19 =	sadd.s32 @!p0 $0x480, s11;
	s21 =	simm.s32 @!p0 $0x6000  }
0x25c: {  	[tilespmem:s21], [sflag:$0x1] =	stream.indirect.gather @!p0 [spmem:s4], $0x20, s19, s22, $0xb8;
	[tilespmem:$0x1C000] =	vst v63  }
0x25d: {  	s19 =	sadd.s32 @!p0 $0x500, s11;
	s21 =	simm.s32 @!p0 $0x7000  }
0x25e: {  	[tilespmem:s21], [sflag:$0x1] =	stream.indirect.gather @!p0 [spmem:s4], $0x20, s19, s22, $0xb8;
	[tilespmem:$0x1C000] =	vst v63  }
0x25f: {  	s11 =	sadd.s32 @!p0 $0x580, s11;
	s19 =	simm.s32 @!p0 $0x8000  }
0x260: {  	[tilespmem:s19], [sflag:$0x1] =	stream.indirect.gather @!p0 [spmem:s4], $0x20, s11, s22, $0xb8;
	[tilespmem:$0x1C000] =	vst v63  }
0x261: {  	_ =	swait.ge [sflag:s8], $0x1000  }
0x262: {  	[sflag:s8] =	ssyncset.done $0x0  }
0x263: {  	[sflag:s8] =	ssyncadd.s32 $0xFFFFF000  }
0x264: {  	_ =	swait.ge [sflag:s8], $0x1000  }
0x265: {  	[sflag:s8] =	ssyncset.done $0x0  }
0x266: {  	[sflag:s8] =	ssyncadd.s32 $0xFFFFF000  }
0x267: {  	_ =	swait.ge [sflag:s8], $0x1000  }
0x268: {  	[sflag:s8] =	ssyncset.done $0x0  }
0x269: {  	[sflag:s8] =	ssyncadd.s32 $0xFFFFF000  }
0x26a: {  	_ =	swait.ge [sflag:s8], $0x1000  }
0x26b: {  	[sflag:s8] =	ssyncset.done $0x0  }
0x26c: {  	s24 =	sadd.s32 $0x2A00, s10;
	[sflag:s8] =	ssyncadd.s32 $0xFFFFF000  }
0x26d: {  	[spmem:s3] =	stream.indirect.scatter.add.f32 [tilespmem:s12], [sflag:$0x4], $0x20, s24, s9, $0xb8;
	[tilespmem:$0x1C000] =	vst v63  }
0x26e: {  	s25 =	sadd.s32 $0x2A80, s10  }
0x26f: {  	[spmem:s3] =	stream.indirect.scatter.add.f32 [tilespmem:s13], [sflag:$0x4], $0x20, s25, s9, $0xb8;
	[tilespmem:$0x1C000] =	vst v63  }
0x270: {  	s19 =	sadd.s32 $0x2B00, s10  }
0x271: {  	[spmem:s3] =	stream.indirect.scatter.add.f32 [tilespmem:s14], [sflag:$0x4], $0x20, s19, s9, $0xb8;
	[tilespmem:$0x1C000] =	vst v63  }
0x272: {  	s10 =	sadd.s32 $0x2B80, s10  }
0x273: {  	[spmem:s3] =	stream.indirect.scatter.add.f32 [tilespmem:s15], [sflag:$0x4], $0x20, s10, s9, $0xb8;
	[tilespmem:$0x1C000] =	vst v63  }
0x274: {  	_ =	swait.ge [sflag:s0], $0x1000  }
0x275: {  	[sflag:s0] =	ssyncset.done $0x0  }
0x276: {  	[sflag:s0] =	ssyncadd.s32 $0xFFFFF000  }
0x277: {  	_ =	swait.ge [sflag:s0], $0x1000  }
0x278: {  	[sflag:s0] =	ssyncset.done $0x0  }
0x279: {  	[sflag:s0] =	ssyncadd.s32 $0xFFFFF000  }
0x27a: {  	_ =	swait.ge [sflag:s0], $0x1000  }
0x27b: {  	[sflag:s0] =	ssyncset.done $0x0  }
0x27c: {  	[sflag:s0] =	ssyncadd.s32 $0xFFFFF000  }
0x27d: {  	_ =	swait.ge [sflag:s0], $0x1000  }
0x27e: {  	[sflag:s0] =	ssyncset.done $0x0  }
0x27f: {  	[sflag:s0] =	ssyncadd.s32 $0xFFFFF000  }
0x280: {  	[bflag:$0x0] =	sbarrier.arrive $0xFFFF  }
0x281: {  	s21 =	sshrl.u32 s6, $0x3;
	s22 =	rddreg [dreg:$0x13]  }
0x282: {  	[hbm:s22@s1], [sflag:s20] =	dma.strided [spmem:s21@s0], $0xA00, s31, $0x4   }
0x283: {  	_ =	swait.ge [sflag:s5], $0xA00  }
0x284: {  	[sflag:s5] =	ssyncset.done $0x0  }
0x285: {  	s23 =	sshrl.u32 s7, $0x3;
	s24 =	rddreg [dreg:$0x14];
	[sflag:s5] =	ssyncadd.s32 $0xFFFFF600  }
0x286: {  	[hbm:s24@s1], [sflag:s20] =	dma.strided [spmem:s23@s0], $0xA00, s31, $0x4   }
0x287: {  	_ =	swait.ge [sflag:s5], $0xA00  }
0x288: {  	s17 =	sadd.s32 $0x1, s17;
	s25 =	rddreg [dreg:$0x15]  }
0x289: {  	p0 =	sne.s32 s17, s25  }
.Ltmp6:
0x28a: {  	_ = 	snop;
	(pc) =	sbr.rel @p0 .LBB2_1-.Ltmp6, $3  }
0x28b: {  	_ =	sdelay $0x1  }
0x28c: {  	[sflag:s5] =	ssyncset.done $0x0  }
0x28d: {  	[sflag:s5] =	ssyncadd.s32 $0xFFFFF600  }
0x28e: {  	_ =	sfence.sel $0x180000  }
0x28f: {  	[bflag:$0x0] =	sbarrier.arrive $0xFFFF  }
0x290: {  	_ =	strace $0x9000004A  }
0x291: {  	s0 =	stileid.u32;
	[bflag:$0x2] =	sbarrier.arrive $0xFFFF  }
0x292: {  	p0 =	sne.s32 s0, $0x0;
	s0 =	rddreg [dreg:$0x4]  }
0x293: {  	s0 =	sadd.s32 @!p0 $0x100000, s0  }
0x294: {  	[sflag:s0] =	ssyncadd.tile.s32 @!p0 $0x1;
	_ =	shalt  }
.Lfunc_end2:
_tile_overlayer_lowered:
.L_overlay_start_2:
0x295: {  	(tag) =	ssettag $0x2  }
0x296: {  	s0 =	rddreg [dreg:$0x0];
	s2 =	stileid.u32  }
0x297: {  	s1 =	rddreg [dreg:$0x1];
	p0 =	sne.s32 s2, $0x0  }
0x298: {  	s3 =	rddreg [dreg:$0x2];
	[bflag:$0x3] =	sbarrier.arrive $0xFFFF;
	s2 =	simm.s32 @!p0 $0x1C05  }
0x299: {  	[timem:s3], [sflag:s2] =	dma.local @!p0 [hbm:s0], s1  }
0x29a: {  	s0 =	simm.s32 @!p0 $0x5  }
0x29b: {  	_ =	swait.ge @!p0 [sflag:s0], s1  }
0x29c: {  	s1 =	ssub.s32 @!p0 $0x0, s1;
	[sflag:s0] =	ssyncset.done @!p0 $0x0  }
0x29d: {  	[sflag:s0] =	ssyncadd.s32 @!p0 s1  }
0x29e: {  	[bflag:$0x3] =	sbarrier.arrive $0xFFFF  }
0x29f: {  	_ =	shalt  }

// kernel: kernel.16.cloned.1.call-start
scs
__scs_entry_jumppad:
0x0: {  	(pc) =	sbr.rel $0x88, $3  }
0x1: {  	(tag) =	ssettag $0x0;
	lr =	simm.s32 $0x1  }
0x2: {  	[smem:$0x3F99] =	sst lr;
	_ =	strace $0xD0000000  }
0x3: {  	_ = 	snop  }
0x4: {  	_ = 	snop  }
0x5: {  	_ = 	snop  }
0x6: {  	_ = 	snop  }
0x7: {  	_ = 	snop  }
__scs_overlays_trampoline_lowered:
0x8: {  	[smem:$0x3FA8] =	sst s0  }
0x9: {  	[smem:$0x3FA9] =	sst s1  }
0xa: {  	[smem:$0x3FAA] =	sst s2  }
0xb: {  	[smem:$0x3FAB] =	sst s3  }
0xc: {  	[smem:$0x3FAC] =	sst s4  }
0xd: {  	[smem:$0x3FAD] =	sst s5  }
0xe: {  	[smem:$0x3FAE] =	sst s6  }
0xf: {  	[smem:$0x3FAF] =	sst s7  }
0x10: {  	[smem:$0x3FB0] =	sst s8  }
0x11: {  	[smem:$0x3FB1] =	sst s9;
	s0 =	simm.s32 @!p0 $0x0  }
0x12: {  	s1 =	sld [smem:$0x3F97];
	s0 =	simm.s32 @p0 $0x1  }
0x13: {  	[smem:$0x3FB2] =	sst s0;
	s0 =	simm.s32 @!p1 $0x0  }
0x14: {  	s2 =	sld [smem:$0x3F96];
	s0 =	simm.s32 @p1 $0x1  }
0x15: {  	[smem:$0x3FB3] =	sst s0;
	s0 =	simm.s32 @!p2 $0x0  }
0x16: {  	s3 =	sld [smem:$0x3FDB];
	s0 =	simm.s32 @p2 $0x1  }
0x17: {  	s4 =	simm.s32 $0x1BF5;
	[smem:$0x3FB5] =	sst s0  }
0x18: {  	s0 =	sld [smem:$0x3F98];
	_ =	swait.ge [sflag:s4], $0x0  }
0x19: {  	s7 =	sld [smem:$0x3F99]  }
0x1a: {  	s8 =	sadd.s32 $0xFFFFE003, lr  }
0x1b: {  	s9 =	sadd.s32 $0xFFFFFEF7, lr;
	s5 =	simm.s32 $0xFFFFFFFF;
	p2 =	slt.u32 s8, $0xFFFFF086  }
0x1c: {  	p1 =	slt.u32 s9, $0xF7A;
	s5 =	simm.s32 @!p2 $0x0  }
0x1d: {  	s5 =	simm.s32 @p1 $0x1;
	p0 =	seq.s32 s7, s2  }
0x1e: {  	s7 =	smul.u32 @!p0 $0xF7A, s2;
	p2 =	seq.s32 @!p0 s5, $0x0  }
0x1f: {  	s9 =	smul.u32 $0xF7A, s1;
	s8 =	simm.s32 @!p0 $0x1BF5;
	p2 =	por !p2, p0  }
0x20: {  	[sflag:s8] =	ssyncset.s32 @!p0 $0xFFFFF086;
	s6 =	sadd.s32 @!p0 s3, s7;
	s7 =	simm.s32 @!p0 $0x108  }
0x21: {  	s3 =	sadd.s32 s3, s9;
	s6 =	sadd.s32 @!p0 $0x88, s6;
	s7 =	simm.s32 @p2 $0x1082  }
0x22: {  	[simem:s7], [sflag:s8] =	dma.local @!p0 [hbm:s6], $0xF7A  }
0x23: {  	s9 =	sor.u32 $0xD0000000, s2;
	s6 =	simm.s32 $0x108;
	_ =	swait.ge @!p0 [sflag:s8], $0x0  }
0x24: {  	s3 =	sadd.s32 $0x88, s3;
	s6 =	simm.s32 @!p1 $0x1082;
	[sflag:s4] =	ssyncset.s32 $0xFFFFF086  }
0x25: {  	[simem:s6], [sflag:s4] =	dma.local [hbm:s3], $0xF7A  }
0x26: {  	[smem:$0x3F99] =	sst s1;
	(tag) =	ssettag s2;
	_ =	strace s9  }
0x27: {  	s1 =	sld [smem:$0x3FA9]  }
0x28: {  	s2 =	sld [smem:$0x3FAA]  }
0x29: {  	s4 =	sld [smem:$0x3FAC]  }
0x2a: {  	p0 =	seq.s32 s5, $0x0;
	s5 =	sld [smem:$0x3FAD]  }
0x2b: {  	s6 =	sld [smem:$0x3FAE]  }
0x2c: {  	s7 =	sld [smem:$0x3FAF]  }
0x2d: {  	s3 =	simm.s32 $0x108;
	s8 =	sld [smem:$0x3FB0]  }
0x2e: {  	s3 =	simm.s32 @!p0 $0x1082;
	s9 =	sld [smem:$0x3FB1]  }
0x2f: {  	lr =	sadd.s32 s0, s3;
	s0 =	sld [smem:$0x3FA8]  }
0x30: {  	s3 =	sld [smem:$0x3FAB]  }
0x31: {  	[smem:$0x3FB4] =	sst s10  }
0x32: {  	s10 =	sld [smem:$0x3FB2];
	_ =	sdelay $0x3  }
0x33: {  	p0 =	seq.s32 s10, $0x1;
	s10 =	sld [smem:$0x3FB4];
	_ =	sdelay $0x3  }
0x34: {  	[smem:$0x3FB4] =	sst s10  }
0x35: {  	s10 =	sld [smem:$0x3FB3];
	_ =	sdelay $0x3  }
0x36: {  	p1 =	seq.s32 s10, $0x1;
	s10 =	sld [smem:$0x3FB4];
	_ =	sdelay $0x3  }
0x37: {  	[smem:$0x3FB4] =	sst s10  }
0x38: {  	s10 =	sld [smem:$0x3FB5]  }
0x39: {  	_ = 	snop;
	(pc) =	sbr.ind lr, $3  }
0x3a: {  	_ = 	snop  }
0x3b: {  	_ = 	snop  }
0x3c: {  	p2 =	seq.s32 s10, $0x1;
	s10 =	sld [smem:$0x3FB4]  }
0x3d: {  	_ =	shalt  }
0x3e: {  	_ =	shalt  }
0x3f: {  	_ =	shalt  }
0x40: {  	_ =	shalt  }
0x41: {  	_ =	shalt  }
0x42: {  	_ =	shalt  }
0x43: {  	_ =	shalt  }
0x44: {  	_ =	shalt  }
0x45: {  	_ =	shalt  }
0x46: {  	_ =	shalt  }
0x47: {  	_ =	shalt  }
0x48: {  	_ =	shalt  }
0x49: {  	_ =	shalt  }
0x4a: {  	_ =	shalt  }
0x4b: {  	_ =	shalt  }
0x4c: {  	_ =	shalt  }
0x4d: {  	_ =	shalt  }
0x4e: {  	_ =	shalt  }
0x4f: {  	_ =	shalt  }
0x50: {  	_ =	shalt  }
0x51: {  	_ =	shalt  }
0x52: {  	_ =	shalt  }
0x53: {  	_ =	shalt  }
0x54: {  	_ =	shalt  }
0x55: {  	_ =	shalt  }
0x56: {  	_ =	shalt  }
0x57: {  	_ =	shalt  }
0x58: {  	_ =	shalt  }
0x59: {  	_ =	shalt  }
0x5a: {  	_ =	shalt  }
0x5b: {  	_ =	shalt  }
0x5c: {  	_ =	shalt  }
0x5d: {  	_ =	shalt  }
0x5e: {  	_ =	shalt  }
0x5f: {  	_ =	shalt  }
0x60: {  	_ =	shalt  }
0x61: {  	_ =	shalt  }
0x62: {  	_ =	shalt  }
0x63: {  	_ =	shalt  }
0x64: {  	_ =	shalt  }
0x65: {  	_ =	shalt  }
0x66: {  	_ =	shalt  }
0x67: {  	_ =	shalt  }
0x68: {  	_ =	shalt  }
0x69: {  	_ =	shalt  }
0x6a: {  	_ =	shalt  }
0x6b: {  	_ =	shalt  }
0x6c: {  	_ =	shalt  }
0x6d: {  	_ =	shalt  }
0x6e: {  	_ =	shalt  }
0x6f: {  	_ =	shalt  }
0x70: {  	_ =	shalt  }
0x71: {  	_ =	shalt  }
0x72: {  	_ =	shalt  }
0x73: {  	_ =	shalt  }
0x74: {  	_ =	shalt  }
0x75: {  	_ =	shalt  }
0x76: {  	_ =	shalt  }
0x77: {  	_ =	shalt  }
0x78: {  	_ =	shalt  }
0x79: {  	_ =	shalt  }
0x7a: {  	_ =	shalt  }
0x7b: {  	_ =	shalt  }
0x7c: {  	_ =	shalt  }
0x7d: {  	_ =	shalt  }
0x7e: {  	_ =	shalt  }
0x7f: {  	_ =	shalt  }
0x80: {  	_ =	shalt  }
0x81: {  	_ =	shalt  }
0x82: {  	_ =	shalt  }
0x83: {  	_ =	shalt  }
0x84: {  	_ =	shalt  }
0x85: {  	_ =	shalt  }
0x86: {  	_ =	shalt  }
0x87: {  	_ =	shalt  }
.Lfunc_end0:
.L_simem_size_0:
called_computation.2_lowered:
.L_overlay_start_0:
0x88: {  	s2 =	sld [smem:$0x3FD9]  }
0x89: {  	s3 =	sld [smem:$0x3FFE];
	_ =	sdelay $0x1  }
0x8a: {  	s1 =	srdreg.scid  }
0x8b: {  	s0 =	sand.u32 $0x1, s1  }
0x8c: {  	s16 =	sshll.u32 s0, $0xA;
	s2 =	sadd.s32 s3, s2  }
0x8d: {  	s2 =	sadd.s32 s2, s16  }
0x8e: {  	[smem:$0x3FC0] =	sst s2  }
0x8f: {  	_ = 	snop  }
0x90: {  	(tm) =	ssettm $0x1  }
0x91: {  	s17 =	sld [smem:$0x3FFB];
	_ =	sdelay $0x3  }
0x92: {  	_ =	strace s17  }
0x93: {  	s2 =	sld [smem:$0x3FFC];
	_ =	sdelay $0x3  }
0x94: {  	_ =	strace s2  }
0x95: {  	s2 =	sld [smem:$0x3FFD];
	_ =	sdelay $0x3  }
0x96: {  	_ =	strace s2  }
0x97: {  	_ =	strace $0x8FFFFFFF  }
0x98: {  	s18 =	sld [smem:$0x3FDB];
	_ =	sdelay $0x1  }
0x99: {  	s19 =	simm.s32 $_scs_section_size  }
0x9a: {  	s4 =	simm.s32 $_size__tile_overlayer_lowered;
	s5 =	simm.s32 $_tile_overlayer_lowered  }
0x9b: {  	s22 =	simm.s32 $0x1BFF;
	s21 =	sshll.u32 s5, $0x1;
	s2 =	sadd.s32 s19, s18  }
0x9c: {  	s6 =	simm.s32 $0x0;
	s20 =	sshll.u32 s4, $0x1;
	s4 =	sadd.s32 s21, s2  }
0x9d: {  	[timem:s6], [sflag:s22] =	dma.local [hbm:s4], s20  }
0x9e: {  	_ =	swait.ge [sflag:s22], s20  }
0x9f: {  	s3 =	ssub.s32 $0x0, s20;
	[sflag:s22] =	ssyncset.done $0x0  }
0xa0: {  	[sflag:s22] =	ssyncadd.s32 s3;
	_ =	sdelay $0x1  }
0xa1: {  	s23 =	simm.s32 $0x1B8B  }
0xa2: {  	_ =	swait.ge [sflag:s23], $0x1  }
0xa3: {  	[sflag:s23] =	ssyncset.done $0x0  }
0xa4: {  	s25 =	simm.s32 $0x1B8E;
	s24 =	sld [smem:$0x3FFE];
	[sflag:s23] =	ssyncadd.s32 $0xFFFFFFFF  }
0xa5: {  	s26 =	simm.s32 $execute0_lowered;
	[smem:$0x3FD2] =	sst s25  }
0xa6: {  	s4 =	sshll.u32 s26, $0x1;
	_ =	strace $0x8000004C;
	[dreg:$0x1] =	wrdreg $0xFFFFFFFF  }
0xa7: {  	s28 =	simm.s32 $_size_execute0_lowered;
	s2 =	sadd.s32 s2, s4;
	[dreg:$0x0] =	wrdreg $0x0  }
0xa8: {  	s4 =	sshll.u32 s28, $0x1;
	[dreg:$0x2] =	wrdreg s2  }
0xa9: {  	[dreg:$0x3] =	wrdreg s4  }
0xaa: {  	[dreg:$0x4] =	wrdreg $0xC0  }
0xab: {  	_ =	task [dreg:s6], $0x5FFFF  }
0xac: {  	[dreg:$0x1] =	wrdreg $0xFFFFFFFF  }
0xad: {  	[dreg:$0x0] =	wrdreg $0x60  }
0xae: {  	[dreg:$0x2] =	wrdreg s24  }
0xaf: {  	[dreg:$0x3] =	wrdreg $0xD0000  }
0xb0: {  	[dreg:$0x4] =	wrdreg $0x120000  }
0xb1: {  	[dreg:$0x5] =	wrdreg $0x9  }
0xb2: {  	_ =	task.clear_ibuf [dreg:s6], $0x6FFFF;
	_ =	strace $0x9000004C  }
0xb3: {  	s29 =	simm.s32 $0x9;
	_ =	strace $0x8000004E  }
0xb4: {  	_ =	swait.ge [sflag:s29], $0x1  }
0xb5: {  	[sflag:s29] =	ssyncadd.s32 $0xFFFFFFFF  }
0xb6: {  	_ =	strace $0x9000004E  }
0xb7: {  	_ =	sfence  }
0xb8: {  	s30 =	sld [smem:$0x0];
	_ =	sdelay $0x2  }
0xb9: {  	s31 =	sshll.u32 s1, $0xD;
	s1 =	sshrl.u32 s1, $0x2  }
0xba: {  	s3 =	sand.u32 $0x4000, s31;
	s1 =	sadd.s32 s1, s30  }
0xbb: {  	s0 =	sor.u32 s3, s0;
	s1 =	sshll.u32 s1, $0x11  }
0xbc: {  	s0 =	sor.u32 s1, s0  }
0xbd: {  	s0 =	sadd.s32 $0x8F2B, s0  }
0xbe: {  	[sflag:s0] =	ssyncadd.remote.s32 $0x1  }
0xbf: {  	_ =	sfence.sel $0xFFFF  }
0xc0: {  	[dreg:$0x0] =	wrdreg $0xFFFFFFFF;
	(pc) =	sbr.abs _section_cstart, $3  }
0xc1: {  	[dreg:$0x1] =	wrdreg $0xFFFFFFFF  }
0xc2: {  	_ =	task.clear_ibuf [dreg:s6], $0x2FFFF;
	_ =	strace $0x9FFFFFFF  }
0xc3: {  	(tm) =	ssettm $0x7FFFFFFF  }
tec
execute0_lowered:
.L_overlay_start_1:
0x0: {  	(tag) =	ssettag $0x1  }
0x1: {  	s1 =	rddreg [dreg:$0x0]  }
0x2: {  	s0 =	srdreg.scid;
	s2 =	rddreg [dreg:$0x1]  }
0x3: {  	s10 =	stileid.u32;
	s3 =	rddreg [dreg:$0x2];
	s5 =	simm.s32 $0x0  }
0x4: {  	s16 =	simm.s32 $0x5000;
	s17 =	simm.s32 $0x6000;
	s18 =	simm.s32 $0x7000  }
0x5: {  	s19 =	simm.s32 $0x8000;
	s30 =	simm.s32 $0x9000;
	s31 =	simm.s32 $0xA000  }
0x6: {  	s28 =	simm.s32 $0x4;
	s29 =	simm.s32 $0x0;
	s6 =	smul.u32 $0x5000, s10  }
0x7: {  	s0 =	sand.u32 $0x1, s0;
	[smem:$0x7FF] =	sst s5;
	s21 =	smul.u32 $0x14000, s10  }
0x8: {  	s4 =	sshll.u32 s0, $0x4;
	s7 =	smul.u32 $0x50000, s0;
	_ =	strace $0x8000004D  }
0x9: {  	s0 =	ssub.s32 $0x2, s0;
	s4 =	sor.u32 s10, s4;
	s20 =	sshrl.u32 s6, $0x3  }
0xa: {  	s9 =	sshrl.u32 s0, $0x1;
	s5 =	sshrl.u32 s21, $0x2;
	s10 =	sshll.u32 s10, $0x6  }
0xb: {  	s21 =	simm.s32 $0x1;
	s4 =	smul.u32 $0x500, s4;
	s8 =	sadd.s32 s20, s1  }
0xc: {  	s7 =	sadd.s32 s6, s7;
	s0 =	ssub.s32 s0, s9;
	s22 =	sadd.s32 s5, s2  }
0xd: {  	s5 =	sadd.s32 s6, s2;
	s6 =	sadd.s32 s6, s3;
	s25 =	sor.u32 $0x1C02, s10  }
0xe: {  	s7 =	sshrl.u32 s7, $0x3;
	s11 =	sadd.s32 $0x1000, s22;
	s23 =	sadd.s32 $0x2000, s22  }
0xf: {  	s24 =	sadd.s32 $0x3000, s22;
	s9 =	sadd.s32 $0x4000, s22;
	[dreg:$0x9] =	wrdreg s25  }
0x10: {  	s8 =	sadd.s32 $0x16000, s8;
	s15 =	smax.u32 s0, $0x1;
	[dreg:$0x4] =	wrdreg s11  }
0x11: {  	s20 =	sshrl.u32 s6, $0x3;
	s22 =	simm.s32 $0x2;
	[dreg:$0x5] =	wrdreg s23  }
0x12: {  	s25 =	simm.s32 $0x5;
	s0 =	simm.s32 $0xC000;
	[dreg:$0x6] =	wrdreg s24  }
0x13: {  	s13 =	sadd.s32 s4, s1;
	s7 =	sadd.s32 s7, s1;
	[dreg:$0x7] =	wrdreg s9  }
0x14: {  	[dreg:$0x8] =	wrdreg s8;
	s1 =	sadd.s32 $0xC000, s1;
	s24 =	simm.s32 $0x3  }
0x15: {  	s26 =	sadd.s32 $0x2000, s13;
	s14 =	sadd.s32 $0x20000, s7;
	s23 =	sadd.s32 s4, s1  }
0x16: {  	v0 =	vimm.f32 $0.0e+00;
	s1 =	simm.s32 $0xB000;
	[dreg:$0xa] =	wrdreg s26;
	s26 =	simm.s32 $0x80  }
.LBB2_1:
0x17: {  	s6 =	simm.s32 $0x0  }
0x18: {  	s4 =	sand.u32 $0x3F80, s6  }
0x19: {  	s7 =	sand.u32 $0x10, s6;
	s4 =	sshrl.u32 s4, $0x2  }
0x1a: {  	s6 =	simm.s32 $0x40;
	s8 =	sor.u32 s7, s4;
	s7 =	simm.s32 $0x0  }
.LBB2_2:
0x1b: {  	p0 =	sne.s32 s6, $0x3FC0  }
0x1c: {  	[tilespmem:s8+$0x5000] =	vst v0;
	s7 =	sadd.s32 $0x10, s7;
	s4 =	smov.u32 s6;
	s6 =	sadd.s32 $0x40, s6  }
.Ltmp0:
0x1d: {  	(pc) =	sbr.rel @p0 .LBB2_2-.Ltmp0, $4  }
0x1e: {  	_ = 	snop  }
0x1f: {  	s4 =	sand.u32 $0x3F80, s4  }
0x20: {  	s8 =	sand.u32 $0x10, s7;
	s4 =	sshrl.u32 s4, $0x2  }
0x21: {  	s8 =	sor.u32 s8, s4;
	s4 =	simm.s32 $0x0  }
0x22: {  	s6 =	sand.u32 $0x3F80, s4  }
0x23: {  	s7 =	sand.u32 $0x10, s4;
	s9 =	sshrl.u32 s6, $0x2  }
0x24: {  	[tilespmem:s8+$0x5000] =	vst v0;
	s6 =	simm.s32 $0x40;
	s8 =	sor.u32 s7, s9;
	s7 =	simm.s32 $0x0  }
.LBB2_4:
0x25: {  	p0 =	sne.s32 s6, $0x3FC0  }
0x26: {  	[tilespmem:s8+$0x6000] =	vst v0;
	s7 =	sadd.s32 $0x10, s7;
	s8 =	smov.u32 s6;
	s6 =	sadd.s32 $0x40, s6  }
.Ltmp1:
0x27: {  	(pc) =	sbr.rel @p0 .LBB2_4-.Ltmp1, $4  }
0x28: {  	_ = 	snop  }
0x29: {  	s8 =	sand.u32 $0x3F80, s8  }
0x2a: {  	s9 =	sand.u32 $0x10, s7;
	s8 =	sshrl.u32 s8, $0x2  }
0x2b: {  	s8 =	sor.u32 s9, s8  }
0x2c: {  	[tilespmem:s8+$0x6000] =	vst v0;
	s6 =	simm.s32 $0x0  }
.LBB2_6:
0x2d: {  	p0 =	sne.s32 s6, $0x3FC0  }
.Ltmp2:
0x2e: {  	_ = 	snop;
	(pc) =	sbr.rel @p0 .LBB2_6-.Ltmp2, $4  }
0x2f: {  	s7 =	sand.u32 $0x3F80, s6  }
0x30: {  	s8 =	sand.u32 $0x10, s4;
	s7 =	sshrl.u32 s7, $0x2  }
0x31: {  	s7 =	sor.u32 s8, s7  }
0x32: {  	s4 =	sadd.s32 $0x10, s4;
	s6 =	sadd.s32 $0x40, s6;
	[tilespmem:s7+$0x7000] =	vst v0  }
0x33: {  	s4 =	simm.s32 $0x0  }
0x34: {  	s6 =	sand.u32 $0x3F80, s4  }
0x35: {  	s7 =	sand.u32 $0x10, s4;
	s8 =	sshrl.u32 s6, $0x2  }
0x36: {  	s6 =	simm.s32 $0x40;
	s7 =	sor.u32 s7, s8  }
.LBB2_8:
0x37: {  	p0 =	sne.s32 s6, $0x3FC0  }
0x38: {  	[tilespmem:s7+$0x8000] =	vst v0;
	s4 =	sadd.s32 $0x10, s4;
	s7 =	smov.u32 s6;
	s6 =	sadd.s32 $0x40, s6  }
.Ltmp3:
0x39: {  	(pc) =	sbr.rel @p0 .LBB2_8-.Ltmp3, $4  }
0x3a: {  	_ = 	snop  }
0x3b: {  	s7 =	sand.u32 $0x3F80, s7  }
0x3c: {  	s8 =	sand.u32 $0x10, s4;
	s7 =	sshrl.u32 s7, $0x2  }
0x3d: {  	s7 =	sor.u32 s8, s7  }
0x3e: {  	s4 =	rddreg [dreg:$0x4]  }
0x3f: {  	[tilespmem:s7+$0x8000] =	vst v0;
	s6 =	rddreg [dreg:$0x5]  }
0x40: {  	[spmem:s5] =	stream.linear.scatter [tilespmem:s16], [sflag:$0x1], $0x1000, $0x38;
	[tilespmem:$0x17000] =	vst v63  }
0x41: {  	s7 =	rddreg [dreg:$0x6]  }
0x42: {  	[spmem:s4] =	stream.linear.scatter [tilespmem:s17], [sflag:$0x1], $0x1000, $0x38;
	[tilespmem:$0x17000] =	vst v63  }
0x43: {  	s8 =	rddreg [dreg:$0x7]  }
0x44: {  	[spmem:s6] =	stream.linear.scatter [tilespmem:s18], [sflag:$0x1], $0x1000, $0x38;
	[tilespmem:$0x17000] =	vst v63  }
0x45: {  	s9 =	rddreg [dreg:$0x8]  }
0x46: {  	[spmem:s7] =	stream.linear.scatter [tilespmem:s19], [sflag:$0x1], $0x1000, $0x38;
	[tilespmem:$0x17000] =	vst v63  }
0x47: {  	s6 =	rddreg [dreg:$0x9]  }
0x48: {  	[spmem:s8] =	stream.linear.scatter [tilespmem:s16], [sflag:$0x1], $0x1000, $0x38;
	[tilespmem:$0x17000] =	vst v63  }
0x49: {  	[spmem:s20], [sflag:s6] =	dma.local [hbm:s9], $0xA00  }
0x4a: {  	_ =	swait.ge [sflag:s21], $0x1000  }
0x4b: {  	[sflag:s21] =	ssyncset.done $0x0  }
0x4c: {  	[sflag:s21] =	ssyncadd.s32 $0xFFFFF000  }
0x4d: {  	_ =	swait.ge [sflag:s21], $0x1000  }
0x4e: {  	[sflag:s21] =	ssyncset.done $0x0  }
0x4f: {  	[sflag:s21] =	ssyncadd.s32 $0xFFFFF000  }
0x50: {  	_ =	swait.ge [sflag:s21], $0x1000  }
0x51: {  	[sflag:s21] =	ssyncset.done $0x0  }
0x52: {  	[sflag:s21] =	ssyncadd.s32 $0xFFFFF000  }
0x53: {  	_ =	swait.ge [sflag:s21], $0x1000  }
0x54: {  	[sflag:s21] =	ssyncset.done $0x0  }
0x55: {  	[sflag:s21] =	ssyncadd.s32 $0xFFFFF000  }
0x56: {  	_ =	swait.ge [sflag:s21], $0x1000  }
0x57: {  	[sflag:s21] =	ssyncset.done $0x0  }
0x58: {  	[sflag:s21] =	ssyncadd.s32 $0xFFFFF000  }
0x59: {  	_ =	swait.ge [sflag:s22], $0xA00  }
0x5a: {  	[sflag:s22] =	ssyncset.done $0x0  }
0x5b: {  	[sflag:s22] =	ssyncadd.s32 $0xFFFFF600  }
0x5c: {  	s11 =	simm.s32 $0x0;
	s12 =	simm.s32 $0x2800;
	[bflag:$0x0] =	sbarrier.arrive $0xFFFF  }
0x5d: {  	[tilespmem:s12], [sflag:$0x5] =	stream.linear.gather [hbm4b:s23+s11], $0x2800, $0x38;
	[tilespmem:$0x17000] =	vst v63  }
0x5e: {  	_ =	swait.ge [sflag:s25], $0x2800  }
0x5f: {  	[sflag:s25] =	ssyncset.done $0x0  }
0x60: {  	s13 =	rddreg [dreg:$0xa];
	[sflag:s25] =	ssyncadd.s32 $0xFFFFD800  }
0x61: {  	[tilespmem:s11], [sflag:$0x5] =	stream.linear.gather [hbm4b:s13+s11], $0x2800, $0x38;
	[tilespmem:$0x17000] =	vst v63  }
0x62: {  	_ =	swait.ge [sflag:s25], $0x2800  }
0x63: {  	[sflag:s25] =	ssyncset.done $0x0  }
0x64: {  	[sflag:s25] =	ssyncadd.s32 $0xFFFFD800  }
0x65: {  	[tilespmem:s16], [sflag:$0x1] =	stream.indirect.gather [spmem:s3], $0x20, s11, s26, $0xb8;
	[tilespmem:$0x17000] =	vst v63  }
0x66: {  	p0 =	por $0x1, $0x1  }
0x67: {  	[tilespmem:s17], [sflag:$0x1] =	stream.indirect.gather [spmem:s3], $0x20, s26, s26, $0xb8;
	[tilespmem:$0x17000] =	vst v63  }
0x68: {  	p0 =	por p0, p0;
	s7 =	simm.s32 $0x100  }
0x69: {  	[tilespmem:s18], [sflag:$0x1] =	stream.indirect.gather [spmem:s3], $0x20, s7, s26, $0xb8;
	[tilespmem:$0x17000] =	vst v63  }
0x6a: {  	s4 =	simm.s32 @!p0 $0x4;
	s8 =	simm.s32 $0x180  }
0x6b: {  	[tilespmem:s19], [sflag:$0x1] =	stream.indirect.gather [spmem:s3], $0x20, s8, s26, $0xb8;
	[tilespmem:$0x17000] =	vst v63  }
0x6c: {  	_ =	swait.ge @!p0 [sflag:s4], $0x1000  }
0x6d: {  	[sflag:s4] =	ssyncset.done @!p0 $0x0  }
0x6e: {  	[sflag:s4] =	ssyncadd.s32 @!p0 $0xFFFFF000  }
0x6f: {  	_ =	swait.ge @!p0 [sflag:s4], $0x1000  }
0x70: {  	[sflag:s4] =	ssyncset.done @!p0 $0x0  }
0x71: {  	[sflag:s4] =	ssyncadd.s32 @!p0 $0xFFFFF000  }
0x72: {  	_ =	swait.ge @!p0 [sflag:s4], $0x1000  }
0x73: {  	[sflag:s4] =	ssyncset.done @!p0 $0x0  }
0x74: {  	[sflag:s4] =	ssyncadd.s32 @!p0 $0xFFFFF000  }
0x75: {  	_ =	swait.ge @!p0 [sflag:s4], $0x1000  }
0x76: {  	[sflag:s4] =	ssyncset.done @!p0 $0x0  }
0x77: {  	s9 =	simm.s32 $0x200;
	[sflag:s4] =	ssyncadd.s32 @!p0 $0xFFFFF000  }
0x78: {  	[tilespmem:s30], [sflag:$0x2] =	stream.indirect.gather [spmem:s3], $0x20, s9, s26, $0xb8;
	[tilespmem:$0x17000] =	vst v63  }
0x79: {  	s11 =	simm.s32 $0x280  }
0x7a: {  	[tilespmem:s31], [sflag:$0x2] =	stream.indirect.gather [spmem:s3], $0x20, s11, s26, $0xb8;
	[tilespmem:$0x17000] =	vst v63  }
0x7b: {  	s12 =	simm.s32 $0x300  }
0x7c: {  	[tilespmem:s1], [sflag:$0x2] =	stream.indirect.gather [spmem:s3], $0x20, s12, s26, $0xb8;
	[tilespmem:$0x17000] =	vst v63  }
0x7d: {  	s13 =	simm.s32 $0x380  }
0x7e: {  	[tilespmem:s0], [sflag:$0x2] =	stream.indirect.gather [spmem:s3], $0x20, s13, s26, $0xb8;
	[tilespmem:$0x17000] =	vst v63  }
0x7f: {  	_ =	swait.ge [sflag:s21], $0x1000  }
0x80: {  	[sflag:s21] =	ssyncset.done $0x0  }
0x81: {  	[sflag:s21] =	ssyncadd.s32 $0xFFFFF000  }
0x82: {  	_ =	swait.ge [sflag:s21], $0x1000  }
0x83: {  	[sflag:s21] =	ssyncset.done $0x0  }
0x84: {  	[sflag:s21] =	ssyncadd.s32 $0xFFFFF000  }
0x85: {  	_ =	swait.ge [sflag:s21], $0x1000  }
0x86: {  	[sflag:s21] =	ssyncset.done $0x0  }
0x87: {  	[sflag:s21] =	ssyncadd.s32 $0xFFFFF000  }
0x88: {  	_ =	swait.ge [sflag:s21], $0x1000  }
0x89: {  	[sflag:s21] =	ssyncset.done $0x0  }
0x8a: {  	s6 =	simm.s32 $0x2800;
	[sflag:s21] =	ssyncadd.s32 $0xFFFFF000  }
0x8b: {  	[spmem:s2] =	stream.indirect.scatter.add.f32 [tilespmem:s16], [sflag:$0x3], $0x20, s6, s26, $0xb8;
	[tilespmem:$0x17000] =	vst v63  }
0x8c: {  	s7 =	simm.s32 $0x2880  }
0x8d: {  	[spmem:s2] =	stream.indirect.scatter.add.f32 [tilespmem:s17], [sflag:$0x3], $0x20, s7, s26, $0xb8;
	[tilespmem:$0x17000] =	vst v63  }
0x8e: {  	s8 =	simm.s32 $0x2900  }
0x8f: {  	[spmem:s2] =	stream.indirect.scatter.add.f32 [tilespmem:s18], [sflag:$0x3], $0x20, s8, s26, $0xb8;
	[tilespmem:$0x17000] =	vst v63  }
0x90: {  	s9 =	simm.s32 $0x2980  }
0x91: {  	[spmem:s2] =	stream.indirect.scatter.add.f32 [tilespmem:s19], [sflag:$0x3], $0x20, s9, s26, $0xb8;
	[tilespmem:$0x17000] =	vst v63  }
0x92: {  	_ =	swait.ge [sflag:s24], $0x1000  }
0x93: {  	[sflag:s24] =	ssyncset.done $0x0  }
0x94: {  	[sflag:s24] =	ssyncadd.s32 $0xFFFFF000  }
0x95: {  	_ =	swait.ge [sflag:s24], $0x1000  }
0x96: {  	[sflag:s24] =	ssyncset.done $0x0  }
0x97: {  	[sflag:s24] =	ssyncadd.s32 $0xFFFFF000  }
0x98: {  	_ =	swait.ge [sflag:s24], $0x1000  }
0x99: {  	[sflag:s24] =	ssyncset.done $0x0  }
0x9a: {  	[sflag:s24] =	ssyncadd.s32 $0xFFFFF000  }
0x9b: {  	p0 =	por $0x0, $0x0;
	_ =	swait.ge [sflag:s24], $0x1000  }
0x9c: {  	s4 =	simm.s32 @!p0 $0x5000;
	[sflag:s24] =	ssyncset.done $0x0  }
0x9d: {  	s6 =	simm.s32 @!p0 $0x400;
	s7 =	simm.s32 @!p0 $0x80;
	[sflag:s24] =	ssyncadd.s32 $0xFFFFF000  }
0x9e: {  	[tilespmem:s4], [sflag:$0x1] =	stream.indirect.gather @!p0 [spmem:s3], $0x20, s6, s7, $0xb8;
	[tilespmem:$0x17000] =	vst v63  }
0x9f: {  	s4 =	simm.s32 @!p0 $0x480;
	s6 =	simm.s32 @!p0 $0x6000  }
0xa0: {  	[tilespmem:s6], [sflag:$0x1] =	stream.indirect.gather @!p0 [spmem:s3], $0x20, s4, s7, $0xb8;
	[tilespmem:$0x17000] =	vst v63  }
0xa1: {  	s4 =	simm.s32 @!p0 $0x500;
	s6 =	simm.s32 @!p0 $0x7000  }
0xa2: {  	[tilespmem:s6], [sflag:$0x1] =	stream.indirect.gather @!p0 [spmem:s3], $0x20, s4, s7, $0xb8;
	[tilespmem:$0x17000] =	vst v63  }
0xa3: {  	s4 =	simm.s32 @!p0 $0x580;
	s6 =	simm.s32 @!p0 $0x8000  }
0xa4: {  	[tilespmem:s6], [sflag:$0x1] =	stream.indirect.gather @!p0 [spmem:s3], $0x20, s4, s7, $0xb8;
	[tilespmem:$0x17000] =	vst v63  }
0xa5: {  	_ =	swait.ge [sflag:s22], $0x1000  }
0xa6: {  	[sflag:s22] =	ssyncset.done $0x0  }
0xa7: {  	[sflag:s22] =	ssyncadd.s32 $0xFFFFF000  }
0xa8: {  	_ =	swait.ge [sflag:s22], $0x1000  }
0xa9: {  	[sflag:s22] =	ssyncset.done $0x0  }
0xaa: {  	[sflag:s22] =	ssyncadd.s32 $0xFFFFF000  }
0xab: {  	_ =	swait.ge [sflag:s22], $0x1000  }
0xac: {  	[sflag:s22] =	ssyncset.done $0x0  }
0xad: {  	[sflag:s22] =	ssyncadd.s32 $0xFFFFF000  }
0xae: {  	_ =	swait.ge [sflag:s22], $0x1000  }
0xaf: {  	[sflag:s22] =	ssyncset.done $0x0  }
0xb0: {  	p6 =	por $0x0, $0x0;
	s11 =	simm.s32 $0x2A00;
	[sflag:s22] =	ssyncadd.s32 $0xFFFFF000  }
0xb1: {  	[spmem:s2] =	stream.indirect.scatter.add.f32 [tilespmem:s30], [sflag:$0x4], $0x20, s11, s26, $0xb8;
	[tilespmem:$0x17000] =	vst v63  }
0xb2: {  	s12 =	simm.s32 $0x2A80;
	s13 =	simm.s32 $0x2B00;
	s4 =	simm.s32 $0x1000  }
0xb3: {  	[spmem:s2] =	stream.indirect.scatter.add.f32 [tilespmem:s31], [sflag:$0x4], $0x20, s12, s26, $0xb8;
	[tilespmem:$0x17000] =	vst v63  }
0xb4: {  	s6 =	simm.s32 $0x2000;
	p0 =	por p6, p6;
	s7 =	simm.s32 $0x2B80  }
0xb5: {  	[spmem:s2] =	stream.indirect.scatter.add.f32 [tilespmem:s1], [sflag:$0x4], $0x20, s13, s26, $0xb8;
	[tilespmem:$0x17000] =	vst v63  }
.LBB2_10:
0xb6: {  	[spmem:s2] =	stream.indirect.scatter.add.f32 [tilespmem:s0], [sflag:$0x4], $0x20, s7, s26, $0xb8;
	[tilespmem:$0x17000] =	vst v63  }
0xb7: {  	s8 =	smov.u32 s6  }
0xb8: {  	s6 =	sadd.s32 $0x1000, s6;
	s9 =	simm.s32 @!p0 $0x4;
	p2 =	seq.s32 s8, $0x0  }
0xb9: {  	p1 =	sne.s32 s6, $0xA000;
	_ =	swait.ge @!p0 [sflag:s9], $0x1000  }
0xba: {  	[sflag:s9] =	ssyncset.done @!p0 $0x0  }
0xbb: {  	[sflag:s9] =	ssyncadd.s32 @!p0 $0xFFFFF000  }
0xbc: {  	_ =	swait.ge @!p0 [sflag:s9], $0x1000  }
0xbd: {  	[sflag:s9] =	ssyncset.done @!p0 $0x0  }
0xbe: {  	[sflag:s9] =	ssyncadd.s32 @!p0 $0xFFFFF000  }
0xbf: {  	_ =	swait.ge @!p0 [sflag:s9], $0x1000  }
0xc0: {  	[sflag:s9] =	ssyncset.done @!p0 $0x0  }
0xc1: {  	[sflag:s9] =	ssyncadd.s32 @!p0 $0xFFFFF000  }
0xc2: {  	_ =	swait.ge @!p0 [sflag:s9], $0x1000  }
0xc3: {  	s7 =	sshra.s32 s4, $0x2;
	[sflag:s9] =	ssyncset.done @!p0 $0x0  }
0xc4: {  	[sflag:s9] =	ssyncadd.s32 @!p0 $0xFFFFF000;
	s9 =	sadd.s32 $0x200, s7;
	p0 =	por p2, p2  }
0xc5: {  	[tilespmem:s30], [sflag:$0x2] =	stream.indirect.gather [spmem:s3], $0x20, s9, s26, $0xb8;
	[tilespmem:$0x17000] =	vst v63  }
0xc6: {  	s9 =	sadd.s32 $0x280, s7  }
0xc7: {  	[tilespmem:s31], [sflag:$0x2] =	stream.indirect.gather [spmem:s3], $0x20, s9, s26, $0xb8;
	[tilespmem:$0x17000] =	vst v63  }
0xc8: {  	s9 =	sadd.s32 $0x300, s7  }
0xc9: {  	[tilespmem:s1], [sflag:$0x2] =	stream.indirect.gather [spmem:s3], $0x20, s9, s26, $0xb8;
	[tilespmem:$0x17000] =	vst v63  }
0xca: {  	s9 =	sadd.s32 $0x380, s7  }
0xcb: {  	[tilespmem:s0], [sflag:$0x2] =	stream.indirect.gather [spmem:s3], $0x20, s9, s26, $0xb8;
	[tilespmem:$0x17000] =	vst v63  }
0xcc: {  	_ =	swait.ge [sflag:s21], $0x1000  }
0xcd: {  	[sflag:s21] =	ssyncset.done $0x0  }
0xce: {  	[sflag:s21] =	ssyncadd.s32 $0xFFFFF000  }
0xcf: {  	_ =	swait.ge [sflag:s21], $0x1000  }
0xd0: {  	[sflag:s21] =	ssyncset.done $0x0  }
0xd1: {  	[sflag:s21] =	ssyncadd.s32 $0xFFFFF000  }
0xd2: {  	_ =	swait.ge [sflag:s21], $0x1000  }
0xd3: {  	[sflag:s21] =	ssyncset.done $0x0  }
0xd4: {  	[sflag:s21] =	ssyncadd.s32 $0xFFFFF000  }
0xd5: {  	_ =	swait.ge [sflag:s21], $0x1000  }
0xd6: {  	[sflag:s21] =	ssyncset.done $0x0  }
0xd7: {  	s9 =	sadd.s32 $0x2800, s7;
	[sflag:s21] =	ssyncadd.s32 $0xFFFFF000  }
0xd8: {  	[spmem:s2] =	stream.indirect.scatter.add.f32 [tilespmem:s16], [sflag:$0x3], $0x20, s9, s26, $0xb8;
	[tilespmem:$0x17000] =	vst v63  }
0xd9: {  	s9 =	sadd.s32 $0x2880, s7  }
0xda: {  	[spmem:s2] =	stream.indirect.scatter.add.f32 [tilespmem:s17], [sflag:$0x3], $0x20, s9, s26, $0xb8;
	[tilespmem:$0x17000] =	vst v63  }
0xdb: {  	s9 =	sadd.s32 $0x2900, s7  }
0xdc: {  	[spmem:s2] =	stream.indirect.scatter.add.f32 [tilespmem:s18], [sflag:$0x3], $0x20, s9, s26, $0xb8;
	[tilespmem:$0x17000] =	vst v63  }
0xdd: {  	s9 =	sadd.s32 $0x2980, s7  }
0xde: {  	[spmem:s2] =	stream.indirect.scatter.add.f32 [tilespmem:s19], [sflag:$0x3], $0x20, s9, s26, $0xb8;
	[tilespmem:$0x17000] =	vst v63  }
0xdf: {  	_ =	swait.ge [sflag:s24], $0x1000  }
0xe0: {  	[sflag:s24] =	ssyncset.done $0x0  }
0xe1: {  	[sflag:s24] =	ssyncadd.s32 $0xFFFFF000  }
0xe2: {  	_ =	swait.ge [sflag:s24], $0x1000  }
0xe3: {  	[sflag:s24] =	ssyncset.done $0x0  }
0xe4: {  	[sflag:s24] =	ssyncadd.s32 $0xFFFFF000  }
0xe5: {  	_ =	swait.ge [sflag:s24], $0x1000  }
0xe6: {  	[sflag:s24] =	ssyncset.done $0x0  }
0xe7: {  	[sflag:s24] =	ssyncadd.s32 $0xFFFFF000  }
0xe8: {  	p2 =	seq.s32 s4, $0x9000;
	_ =	swait.ge [sflag:s24], $0x1000  }
0xe9: {  	s4 =	sshra.s32 @!p2 s4, $0x2;
	s9 =	simm.s32 @!p2 $0x5000;
	[sflag:s24] =	ssyncset.done $0x0  }
0xea: {  	s12 =	simm.s32 @!p2 $0x80;
	s11 =	sadd.s32 @!p2 $0x400, s4;
	[sflag:s24] =	ssyncadd.s32 $0xFFFFF000  }
0xeb: {  	[tilespmem:s9], [sflag:$0x1] =	stream.indirect.gather @!p2 [spmem:s3], $0x20, s11, s12, $0xb8;
	[tilespmem:$0x17000] =	vst v63  }
0xec: {  	s13 =	sadd.s32 @!p2 $0x500, s4;
	s9 =	sadd.s32 @!p2 $0x480, s4;
	s11 =	simm.s32 @!p2 $0x6000  }
0xed: {  	[tilespmem:s11], [sflag:$0x1] =	stream.indirect.gather @!p2 [spmem:s3], $0x20, s9, s12, $0xb8;
	[tilespmem:$0x17000] =	vst v63  }
0xee: {  	s9 =	simm.s32 @!p2 $0x7000;
	s11 =	sadd.s32 @!p2 $0x580, s4;
	s4 =	smov.u32 s8  }
0xef: {  	[tilespmem:s9], [sflag:$0x1] =	stream.indirect.gather @!p2 [spmem:s3], $0x20, s13, s12, $0xb8;
	[tilespmem:$0x17000] =	vst v63  }
0xf0: {  	s8 =	simm.s32 @!p2 $0x8000  }
0xf1: {  	[tilespmem:s8], [sflag:$0x1] =	stream.indirect.gather @!p2 [spmem:s3], $0x20, s11, s12, $0xb8;
	[tilespmem:$0x17000] =	vst v63  }
0xf2: {  	_ =	swait.ge [sflag:s22], $0x1000  }
0xf3: {  	[sflag:s22] =	ssyncset.done $0x0  }
0xf4: {  	[sflag:s22] =	ssyncadd.s32 $0xFFFFF000  }
0xf5: {  	_ =	swait.ge [sflag:s22], $0x1000  }
0xf6: {  	[sflag:s22] =	ssyncset.done $0x0  }
0xf7: {  	[sflag:s22] =	ssyncadd.s32 $0xFFFFF000  }
0xf8: {  	_ =	swait.ge [sflag:s22], $0x1000  }
0xf9: {  	[sflag:s22] =	ssyncset.done $0x0  }
0xfa: {  	[sflag:s22] =	ssyncadd.s32 $0xFFFFF000  }
0xfb: {  	_ =	swait.ge [sflag:s22], $0x1000  }
0xfc: {  	[sflag:s22] =	ssyncset.done $0x0  }
0xfd: {  	s8 =	sadd.s32 $0x2A00, s7;
	[sflag:s22] =	ssyncadd.s32 $0xFFFFF000  }
0xfe: {  	[spmem:s2] =	stream.indirect.scatter.add.f32 [tilespmem:s30], [sflag:$0x4], $0x20, s8, s26, $0xb8;
	[tilespmem:$0x17000] =	vst v63  }
.Ltmp4:
0xff: {  	s8 =	sadd.s32 $0x2A80, s7;
	(pc) =	sbr.rel @p1 .LBB2_10-.Ltmp4, $4  }
0x100: {  	[spmem:s2] =	stream.indirect.scatter.add.f32 [tilespmem:s31], [sflag:$0x4], $0x20, s8, s26, $0xb8;
	[tilespmem:$0x17000] =	vst v63  }
0x101: {  	s8 =	sadd.s32 $0x2B00, s7  }
0x102: {  	[spmem:s2] =	stream.indirect.scatter.add.f32 [tilespmem:s1], [sflag:$0x4], $0x20, s8, s26, $0xb8;
	[tilespmem:$0x17000] =	vst v63  }
0x103: {  	s7 =	sadd.s32 $0x2B80, s7  }
0x104: {  	[spmem:s2] =	stream.indirect.scatter.add.f32 [tilespmem:s0], [sflag:$0x4], $0x20, s7, s26, $0xb8;
	[tilespmem:$0x17000] =	vst v63  }
0x105: {  	s7 =	simm.s32 @!p0 $0x4  }
0x106: {  	_ =	swait.ge @!p0 [sflag:s7], $0x1000  }
0x107: {  	[sflag:s7] =	ssyncset.done @!p0 $0x0  }
0x108: {  	[sflag:s7] =	ssyncadd.s32 @!p0 $0xFFFFF000  }
0x109: {  	_ =	swait.ge @!p0 [sflag:s7], $0x1000  }
0x10a: {  	[sflag:s7] =	ssyncset.done @!p0 $0x0  }
0x10b: {  	[sflag:s7] =	ssyncadd.s32 @!p0 $0xFFFFF000  }
0x10c: {  	_ =	swait.ge @!p0 [sflag:s7], $0x1000  }
0x10d: {  	[sflag:s7] =	ssyncset.done @!p0 $0x0  }
0x10e: {  	[sflag:s7] =	ssyncadd.s32 @!p0 $0xFFFFF000  }
0x10f: {  	_ =	swait.ge @!p0 [sflag:s7], $0x1000  }
0x110: {  	s6 =	sshra.s32 s4, $0x2;
	[sflag:s7] =	ssyncset.done @!p0 $0x0  }
0x111: {  	s11 =	sadd.s32 $0x200, s6;
	[sflag:s7] =	ssyncadd.s32 @!p0 $0xFFFFF000  }
0x112: {  	[tilespmem:s30], [sflag:$0x2] =	stream.indirect.gather [spmem:s3], $0x20, s11, s26, $0xb8;
	[tilespmem:$0x17000] =	vst v63  }
0x113: {  	s12 =	sadd.s32 $0x280, s6  }
0x114: {  	[tilespmem:s31], [sflag:$0x2] =	stream.indirect.gather [spmem:s3], $0x20, s12, s26, $0xb8;
	[tilespmem:$0x17000] =	vst v63  }
0x115: {  	s13 =	sadd.s32 $0x300, s6  }
0x116: {  	[tilespmem:s1], [sflag:$0x2] =	stream.indirect.gather [spmem:s3], $0x20, s13, s26, $0xb8;
	[tilespmem:$0x17000] =	vst v63  }
0x117: {  	s8 =	sadd.s32 $0x380, s6  }
0x118: {  	[tilespmem:s0], [sflag:$0x2] =	stream.indirect.gather [spmem:s3], $0x20, s8, s26, $0xb8;
	[tilespmem:$0x17000] =	vst v63  }
0x119: {  	_ =	swait.ge [sflag:s21], $0x1000  }
0x11a: {  	[sflag:s21] =	ssyncset.done $0x0  }
0x11b: {  	[sflag:s21] =	ssyncadd.s32 $0xFFFFF000  }
0x11c: {  	_ =	swait.ge [sflag:s21], $0x1000  }
0x11d: {  	[sflag:s21] =	ssyncset.done $0x0  }
0x11e: {  	[sflag:s21] =	ssyncadd.s32 $0xFFFFF000  }
0x11f: {  	_ =	swait.ge [sflag:s21], $0x1000  }
0x120: {  	[sflag:s21] =	ssyncset.done $0x0  }
0x121: {  	[sflag:s21] =	ssyncadd.s32 $0xFFFFF000  }
0x122: {  	_ =	swait.ge [sflag:s21], $0x1000  }
0x123: {  	[sflag:s21] =	ssyncset.done $0x0  }
0x124: {  	s9 =	sadd.s32 $0x2800, s6;
	[sflag:s21] =	ssyncadd.s32 $0xFFFFF000  }
0x125: {  	[spmem:s2] =	stream.indirect.scatter.add.f32 [tilespmem:s16], [sflag:$0x3], $0x20, s9, s26, $0xb8;
	[tilespmem:$0x17000] =	vst v63  }
0x126: {  	s11 =	sadd.s32 $0x2880, s6  }
0x127: {  	[spmem:s2] =	stream.indirect.scatter.add.f32 [tilespmem:s17], [sflag:$0x3], $0x20, s11, s26, $0xb8;
	[tilespmem:$0x17000] =	vst v63  }
0x128: {  	s12 =	sadd.s32 $0x2900, s6  }
0x129: {  	[spmem:s2] =	stream.indirect.scatter.add.f32 [tilespmem:s18], [sflag:$0x3], $0x20, s12, s26, $0xb8;
	[tilespmem:$0x17000] =	vst v63  }
0x12a: {  	s13 =	sadd.s32 $0x2980, s6  }
0x12b: {  	[spmem:s2] =	stream.indirect.scatter.add.f32 [tilespmem:s19], [sflag:$0x3], $0x20, s13, s26, $0xb8;
	[tilespmem:$0x17000] =	vst v63  }
0x12c: {  	_ =	swait.ge [sflag:s24], $0x1000  }
0x12d: {  	[sflag:s24] =	ssyncset.done $0x0  }
0x12e: {  	[sflag:s24] =	ssyncadd.s32 $0xFFFFF000  }
0x12f: {  	_ =	swait.ge [sflag:s24], $0x1000  }
0x130: {  	[sflag:s24] =	ssyncset.done $0x0  }
0x131: {  	[sflag:s24] =	ssyncadd.s32 $0xFFFFF000  }
0x132: {  	_ =	swait.ge [sflag:s24], $0x1000  }
0x133: {  	[sflag:s24] =	ssyncset.done $0x0  }
0x134: {  	[sflag:s24] =	ssyncadd.s32 $0xFFFFF000  }
0x135: {  	p0 =	seq.s32 s4, $0x9000;
	_ =	swait.ge [sflag:s24], $0x1000  }
0x136: {  	s4 =	sshra.s32 @!p0 s4, $0x2;
	s7 =	simm.s32 @!p0 $0x5000;
	[sflag:s24] =	ssyncset.done $0x0  }
0x137: {  	s8 =	sadd.s32 @!p0 $0x400, s4;
	s9 =	simm.s32 @!p0 $0x80;
	[sflag:s24] =	ssyncadd.s32 $0xFFFFF000  }
0x138: {  	[tilespmem:s7], [sflag:$0x1] =	stream.indirect.gather @!p0 [spmem:s3], $0x20, s8, s9, $0xb8;
	[tilespmem:$0x17000] =	vst v63  }
0x139: {  	s7 =	sadd.s32 @!p0 $0x480, s4;
	s8 =	simm.s32 @!p0 $0x6000  }
0x13a: {  	[tilespmem:s8], [sflag:$0x1] =	stream.indirect.gather @!p0 [spmem:s3], $0x20, s7, s9, $0xb8;
	[tilespmem:$0x17000] =	vst v63  }
0x13b: {  	s7 =	sadd.s32 @!p0 $0x500, s4;
	s8 =	simm.s32 @!p0 $0x7000  }
0x13c: {  	[tilespmem:s8], [sflag:$0x1] =	stream.indirect.gather @!p0 [spmem:s3], $0x20, s7, s9, $0xb8;
	[tilespmem:$0x17000] =	vst v63  }
0x13d: {  	s4 =	sadd.s32 @!p0 $0x580, s4;
	s7 =	simm.s32 @!p0 $0x8000  }
0x13e: {  	[tilespmem:s7], [sflag:$0x1] =	stream.indirect.gather @!p0 [spmem:s3], $0x20, s4, s9, $0xb8;
	[tilespmem:$0x17000] =	vst v63  }
0x13f: {  	_ =	swait.ge [sflag:s22], $0x1000  }
0x140: {  	[sflag:s22] =	ssyncset.done $0x0  }
0x141: {  	[sflag:s22] =	ssyncadd.s32 $0xFFFFF000  }
0x142: {  	_ =	swait.ge [sflag:s22], $0x1000  }
0x143: {  	[sflag:s22] =	ssyncset.done $0x0  }
0x144: {  	[sflag:s22] =	ssyncadd.s32 $0xFFFFF000  }
0x145: {  	_ =	swait.ge [sflag:s22], $0x1000  }
0x146: {  	[sflag:s22] =	ssyncset.done $0x0  }
0x147: {  	[sflag:s22] =	ssyncadd.s32 $0xFFFFF000  }
0x148: {  	_ =	swait.ge [sflag:s22], $0x1000  }
0x149: {  	[sflag:s22] =	ssyncset.done $0x0  }
0x14a: {  	s7 =	sadd.s32 $0x2A00, s6;
	[sflag:s22] =	ssyncadd.s32 $0xFFFFF000  }
0x14b: {  	[spmem:s2] =	stream.indirect.scatter.add.f32 [tilespmem:s30], [sflag:$0x4], $0x20, s7, s26, $0xb8;
	[tilespmem:$0x17000] =	vst v63  }
0x14c: {  	s8 =	sadd.s32 $0x2A80, s6  }
0x14d: {  	[spmem:s2] =	stream.indirect.scatter.add.f32 [tilespmem:s31], [sflag:$0x4], $0x20, s8, s26, $0xb8;
	[tilespmem:$0x17000] =	vst v63  }
0x14e: {  	s9 =	sadd.s32 $0x2B00, s6  }
0x14f: {  	[spmem:s2] =	stream.indirect.scatter.add.f32 [tilespmem:s1], [sflag:$0x4], $0x20, s9, s26, $0xb8;
	[tilespmem:$0x17000] =	vst v63  }
0x150: {  	s11 =	sadd.s32 $0x2B80, s6  }
0x151: {  	[spmem:s2] =	stream.indirect.scatter.add.f32 [tilespmem:s0], [sflag:$0x4], $0x20, s11, s26, $0xb8;
	[tilespmem:$0x17000] =	vst v63  }
0x152: {  	_ =	swait.ge [sflag:s28], $0x1000  }
0x153: {  	[sflag:s28] =	ssyncset.done $0x0  }
0x154: {  	[sflag:s28] =	ssyncadd.s32 $0xFFFFF000  }
0x155: {  	_ =	swait.ge [sflag:s28], $0x1000  }
0x156: {  	[sflag:s28] =	ssyncset.done $0x0  }
0x157: {  	[sflag:s28] =	ssyncadd.s32 $0xFFFFF000  }
0x158: {  	_ =	swait.ge [sflag:s28], $0x1000  }
0x159: {  	[sflag:s28] =	ssyncset.done $0x0  }
0x15a: {  	[sflag:s28] =	ssyncadd.s32 $0xFFFFF000  }
0x15b: {  	_ =	swait.ge [sflag:s28], $0x1000  }
0x15c: {  	s29 =	sadd.s32 $0x1, s29;
	[sflag:s28] =	ssyncset.done $0x0  }
0x15d: {  	s12 =	sor.u32 $0x1C05, s10;
	p0 =	sne.s32 s29, s15;
	[sflag:s28] =	ssyncadd.s32 $0xFFFFF000  }
.Ltmp5:
0x15e: {  	s13 =	sshrl.u32 s5, $0x3;
	[bflag:$0x0] =	sbarrier.arrive $0xFFFF;
	(pc) =	sbr.rel @p0 .LBB2_1-.Ltmp5, $4  }
0x15f: {  	[hbm:s14], [sflag:s12] =	dma.local [spmem:s13], $0xA00  }
0x160: {  	_ =	swait.ge [sflag:s25], $0xA00  }
0x161: {  	[sflag:s25] =	ssyncset.done $0x0  }
0x162: {  	[sflag:s25] =	ssyncadd.s32 $0xFFFFF600  }
0x163: {  	_ =	sfence.sel $0x180000  }
0x164: {  	[bflag:$0x0] =	sbarrier.arrive $0xFFFF  }
0x165: {  	_ =	strace $0x9000004D  }
0x166: {  	s0 =	stileid.u32;
	[bflag:$0x2] =	sbarrier.arrive $0xFFFF  }
0x167: {  	p0 =	sne.s32 s0, $0x0;
	s0 =	rddreg [dreg:$0x3]  }
0x168: {  	s0 =	sadd.s32 @!p0 $0x100000, s0  }
0x169: {  	[sflag:s0] =	ssyncadd.tile.s32 @!p0 $0x1;
	_ =	shalt  }
.Lfunc_end2:
_tile_overlayer_lowered:
.L_overlay_start_2:
0x16a: {  	(tag) =	ssettag $0x2  }
0x16b: {  	s0 =	rddreg [dreg:$0x0];
	s2 =	stileid.u32  }
0x16c: {  	s1 =	rddreg [dreg:$0x1];
	p0 =	sne.s32 s2, $0x0  }
0x16d: {  	s3 =	rddreg [dreg:$0x2];
	[bflag:$0x3] =	sbarrier.arrive $0xFFFF;
	s2 =	simm.s32 @!p0 $0x1C05  }
0x16e: {  	[timem:s3], [sflag:s2] =	dma.local @!p0 [hbm:s0], s1  }
0x16f: {  	s0 =	simm.s32 @!p0 $0x5  }
0x170: {  	_ =	swait.ge @!p0 [sflag:s0], s1  }
0x171: {  	s1 =	ssub.s32 @!p0 $0x0, s1;
	[sflag:s0] =	ssyncset.done @!p0 $0x0  }
0x172: {  	[sflag:s0] =	ssyncadd.s32 @!p0 s1  }
0x173: {  	[bflag:$0x3] =	sbarrier.arrive $0xFFFF  }
0x174: {  	_ =	shalt  }

// kernel: kernel.19.cloned.1.call-start
scs
__scs_entry_jumppad:
0x0: {  	(pc) =	sbr.rel $0x88, $3  }
0x1: {  	(tag) =	ssettag $0x0;
	lr =	simm.s32 $0x1  }
0x2: {  	[smem:$0x3F99] =	sst lr;
	_ =	strace $0xD0000000  }
0x3: {  	_ = 	snop  }
0x4: {  	_ = 	snop  }
0x5: {  	_ = 	snop  }
0x6: {  	_ = 	snop  }
0x7: {  	_ = 	snop  }
__scs_overlays_trampoline_lowered:
0x8: {  	[smem:$0x3FA8] =	sst s0  }
0x9: {  	[smem:$0x3FA9] =	sst s1  }
0xa: {  	[smem:$0x3FAA] =	sst s2  }
0xb: {  	[smem:$0x3FAB] =	sst s3  }
0xc: {  	[smem:$0x3FAC] =	sst s4  }
0xd: {  	[smem:$0x3FAD] =	sst s5  }
0xe: {  	[smem:$0x3FAE] =	sst s6  }
0xf: {  	[smem:$0x3FAF] =	sst s7  }
0x10: {  	[smem:$0x3FB0] =	sst s8  }
0x11: {  	[smem:$0x3FB1] =	sst s9;
	s0 =	simm.s32 @!p0 $0x0  }
0x12: {  	s1 =	sld [smem:$0x3F97];
	s0 =	simm.s32 @p0 $0x1  }
0x13: {  	[smem:$0x3FB2] =	sst s0;
	s0 =	simm.s32 @!p1 $0x0  }
0x14: {  	s2 =	sld [smem:$0x3F96];
	s0 =	simm.s32 @p1 $0x1  }
0x15: {  	[smem:$0x3FB3] =	sst s0;
	s0 =	simm.s32 @!p2 $0x0  }
0x16: {  	s3 =	sld [smem:$0x3FDB];
	s0 =	simm.s32 @p2 $0x1  }
0x17: {  	s4 =	simm.s32 $0x1BF5;
	[smem:$0x3FB5] =	sst s0  }
0x18: {  	s0 =	sld [smem:$0x3F98];
	_ =	swait.ge [sflag:s4], $0x0  }
0x19: {  	s7 =	sld [smem:$0x3F99]  }
0x1a: {  	s8 =	sadd.s32 $0xFFFFE003, lr  }
0x1b: {  	s9 =	sadd.s32 $0xFFFFFEF7, lr;
	s5 =	simm.s32 $0xFFFFFFFF;
	p2 =	slt.u32 s8, $0xFFFFF086  }
0x1c: {  	p1 =	slt.u32 s9, $0xF7A;
	s5 =	simm.s32 @!p2 $0x0  }
0x1d: {  	s5 =	simm.s32 @p1 $0x1;
	p0 =	seq.s32 s7, s2  }
0x1e: {  	s7 =	smul.u32 @!p0 $0xF7A, s2;
	p2 =	seq.s32 @!p0 s5, $0x0  }
0x1f: {  	s9 =	smul.u32 $0xF7A, s1;
	s8 =	simm.s32 @!p0 $0x1BF5;
	p2 =	por !p2, p0  }
0x20: {  	[sflag:s8] =	ssyncset.s32 @!p0 $0xFFFFF086;
	s6 =	sadd.s32 @!p0 s3, s7;
	s7 =	simm.s32 @!p0 $0x108  }
0x21: {  	s3 =	sadd.s32 s3, s9;
	s6 =	sadd.s32 @!p0 $0x88, s6;
	s7 =	simm.s32 @p2 $0x1082  }
0x22: {  	[simem:s7], [sflag:s8] =	dma.local @!p0 [hbm:s6], $0xF7A  }
0x23: {  	s9 =	sor.u32 $0xD0000000, s2;
	s6 =	simm.s32 $0x108;
	_ =	swait.ge @!p0 [sflag:s8], $0x0  }
0x24: {  	s3 =	sadd.s32 $0x88, s3;
	s6 =	simm.s32 @!p1 $0x1082;
	[sflag:s4] =	ssyncset.s32 $0xFFFFF086  }
0x25: {  	[simem:s6], [sflag:s4] =	dma.local [hbm:s3], $0xF7A  }
0x26: {  	[smem:$0x3F99] =	sst s1;
	(tag) =	ssettag s2;
	_ =	strace s9  }
0x27: {  	s1 =	sld [smem:$0x3FA9]  }
0x28: {  	s2 =	sld [smem:$0x3FAA]  }
0x29: {  	s4 =	sld [smem:$0x3FAC]  }
0x2a: {  	p0 =	seq.s32 s5, $0x0;
	s5 =	sld [smem:$0x3FAD]  }
0x2b: {  	s6 =	sld [smem:$0x3FAE]  }
0x2c: {  	s7 =	sld [smem:$0x3FAF]  }
0x2d: {  	s3 =	simm.s32 $0x108;
	s8 =	sld [smem:$0x3FB0]  }
0x2e: {  	s3 =	simm.s32 @!p0 $0x1082;
	s9 =	sld [smem:$0x3FB1]  }
0x2f: {  	lr =	sadd.s32 s0, s3;
	s0 =	sld [smem:$0x3FA8]  }
0x30: {  	s3 =	sld [smem:$0x3FAB]  }
0x31: {  	[smem:$0x3FB4] =	sst s10  }
0x32: {  	s10 =	sld [smem:$0x3FB2];
	_ =	sdelay $0x3  }
0x33: {  	p0 =	seq.s32 s10, $0x1;
	s10 =	sld [smem:$0x3FB4];
	_ =	sdelay $0x3  }
0x34: {  	[smem:$0x3FB4] =	sst s10  }
0x35: {  	s10 =	sld [smem:$0x3FB3];
	_ =	sdelay $0x3  }
0x36: {  	p1 =	seq.s32 s10, $0x1;
	s10 =	sld [smem:$0x3FB4];
	_ =	sdelay $0x3  }
0x37: {  	[smem:$0x3FB4] =	sst s10  }
0x38: {  	s10 =	sld [smem:$0x3FB5]  }
0x39: {  	_ = 	snop;
	(pc) =	sbr.ind lr, $3  }
0x3a: {  	_ = 	snop  }
0x3b: {  	_ = 	snop  }
0x3c: {  	p2 =	seq.s32 s10, $0x1;
	s10 =	sld [smem:$0x3FB4]  }
0x3d: {  	_ =	shalt  }
0x3e: {  	_ =	shalt  }
0x3f: {  	_ =	shalt  }
0x40: {  	_ =	shalt  }
0x41: {  	_ =	shalt  }
0x42: {  	_ =	shalt  }
0x43: {  	_ =	shalt  }
0x44: {  	_ =	shalt  }
0x45: {  	_ =	shalt  }
0x46: {  	_ =	shalt  }
0x47: {  	_ =	shalt  }
0x48: {  	_ =	shalt  }
0x49: {  	_ =	shalt  }
0x4a: {  	_ =	shalt  }
0x4b: {  	_ =	shalt  }
0x4c: {  	_ =	shalt  }
0x4d: {  	_ =	shalt  }
0x4e: {  	_ =	shalt  }
0x4f: {  	_ =	shalt  }
0x50: {  	_ =	shalt  }
0x51: {  	_ =	shalt  }
0x52: {  	_ =	shalt  }
0x53: {  	_ =	shalt  }
0x54: {  	_ =	shalt  }
0x55: {  	_ =	shalt  }
0x56: {  	_ =	shalt  }
0x57: {  	_ =	shalt  }
0x58: {  	_ =	shalt  }
0x59: {  	_ =	shalt  }
0x5a: {  	_ =	shalt  }
0x5b: {  	_ =	shalt  }
0x5c: {  	_ =	shalt  }
0x5d: {  	_ =	shalt  }
0x5e: {  	_ =	shalt  }
0x5f: {  	_ =	shalt  }
0x60: {  	_ =	shalt  }
0x61: {  	_ =	shalt  }
0x62: {  	_ =	shalt  }
0x63: {  	_ =	shalt  }
0x64: {  	_ =	shalt  }
0x65: {  	_ =	shalt  }
0x66: {  	_ =	shalt  }
0x67: {  	_ =	shalt  }
0x68: {  	_ =	shalt  }
0x69: {  	_ =	shalt  }
0x6a: {  	_ =	shalt  }
0x6b: {  	_ =	shalt  }
0x6c: {  	_ =	shalt  }
0x6d: {  	_ =	shalt  }
0x6e: {  	_ =	shalt  }
0x6f: {  	_ =	shalt  }
0x70: {  	_ =	shalt  }
0x71: {  	_ =	shalt  }
0x72: {  	_ =	shalt  }
0x73: {  	_ =	shalt  }
0x74: {  	_ =	shalt  }
0x75: {  	_ =	shalt  }
0x76: {  	_ =	shalt  }
0x77: {  	_ =	shalt  }
0x78: {  	_ =	shalt  }
0x79: {  	_ =	shalt  }
0x7a: {  	_ =	shalt  }
0x7b: {  	_ =	shalt  }
0x7c: {  	_ =	shalt  }
0x7d: {  	_ =	shalt  }
0x7e: {  	_ =	shalt  }
0x7f: {  	_ =	shalt  }
0x80: {  	_ =	shalt  }
0x81: {  	_ =	shalt  }
0x82: {  	_ =	shalt  }
0x83: {  	_ =	shalt  }
0x84: {  	_ =	shalt  }
0x85: {  	_ =	shalt  }
0x86: {  	_ =	shalt  }
0x87: {  	_ =	shalt  }
.Lfunc_end0:
.L_simem_size_0:
called_computation.3_lowered:
.L_overlay_start_0:
0x88: {  	s2 =	sld [smem:$0x3FD9]  }
0x89: {  	s3 =	sld [smem:$0x3FFE];
	_ =	sdelay $0x1  }
0x8a: {  	s1 =	srdreg.scid  }
0x8b: {  	s0 =	sand.u32 $0x1, s1  }
0x8c: {  	s17 =	sshll.u32 s0, $0xA;
	s2 =	sadd.s32 s3, s2  }
0x8d: {  	s2 =	sadd.s32 s2, s17  }
0x8e: {  	[smem:$0x3FC0] =	sst s2  }
0x8f: {  	_ = 	snop  }
0x90: {  	s2 =	sld [smem:$0x3FD0];
	(tm) =	ssettm $0x1  }
0x91: {  	s18 =	sld [smem:$0x3FFB];
	_ =	sdelay $0x3  }
0x92: {  	_ =	strace s18  }
0x93: {  	s3 =	sld [smem:$0x3FFC];
	_ =	sdelay $0x3  }
0x94: {  	_ =	strace s3  }
0x95: {  	s3 =	sld [smem:$0x3FFD];
	_ =	sdelay $0x3  }
0x96: {  	_ =	strace s3  }
0x97: {  	_ =	strace $0x8FFFFFFF  }
0x98: {  	s19 =	sld [smem:$0x3FDB];
	_ =	sdelay $0x1  }
0x99: {  	s4 =	simm.s32 $_scs_section_size  }
0x9a: {  	s5 =	simm.s32 $_size__tile_overlayer_lowered;
	s6 =	simm.s32 $_tile_overlayer_lowered  }
0x9b: {  	s22 =	simm.s32 $0x1BFF;
	s21 =	sshll.u32 s6, $0x1;
	s3 =	sadd.s32 s4, s19  }
0x9c: {  	s7 =	simm.s32 $0x0;
	s20 =	sshll.u32 s5, $0x1;
	s5 =	sadd.s32 s21, s3  }
0x9d: {  	[timem:s7], [sflag:s22] =	dma.local [hbm:s5], s20  }
0x9e: {  	_ =	swait.ge [sflag:s22], s20  }
0x9f: {  	s4 =	ssub.s32 $0x0, s20;
	[sflag:s22] =	ssyncset.done $0x0  }
0xa0: {  	[sflag:s22] =	ssyncadd.s32 s4;
	_ =	sdelay $0x1  }
0xa1: {  	s23 =	simm.s32 $0x1B8B  }
0xa2: {  	_ =	swait.ge [sflag:s23], $0x1  }
0xa3: {  	[sflag:s23] =	ssyncset.done $0x0  }
0xa4: {  	s25 =	simm.s32 $0x1B8E;
	s24 =	sld [smem:$0x3FFE];
	[sflag:s23] =	ssyncadd.s32 $0xFFFFFFFF  }
0xa5: {  	s26 =	simm.s32 $execute0_lowered;
	[smem:$0x3FD2] =	sst s25  }
0xa6: {  	s5 =	sshll.u32 s26, $0x1;
	_ =	strace $0x8000004F;
	[dreg:$0x1] =	wrdreg $0xFFFFFFFF  }
0xa7: {  	s28 =	simm.s32 $_size_execute0_lowered;
	s3 =	sadd.s32 s3, s5;
	[dreg:$0x0] =	wrdreg $0x0  }
0xa8: {  	s5 =	sshll.u32 s28, $0x1;
	[dreg:$0x2] =	wrdreg s3  }
0xa9: {  	[dreg:$0x3] =	wrdreg s5  }
0xaa: {  	[dreg:$0x4] =	wrdreg $0xC0  }
0xab: {  	_ =	task [dreg:s7], $0x5FFFF  }
0xac: {  	[dreg:$0x1] =	wrdreg $0xFFFFFFFF  }
0xad: {  	[dreg:$0x0] =	wrdreg $0x60  }
0xae: {  	[dreg:$0x2] =	wrdreg s2  }
0xaf: {  	[dreg:$0x3] =	wrdreg s24  }
0xb0: {  	[dreg:$0x4] =	wrdreg $0x9  }
0xb1: {  	_ =	task.clear_ibuf [dreg:s7], $0x5FFFF;
	_ =	strace $0x9000004F  }
0xb2: {  	s29 =	simm.s32 $0x9;
	_ =	strace $0x80000051  }
0xb3: {  	_ =	swait.ge [sflag:s29], $0x1  }
0xb4: {  	[sflag:s29] =	ssyncadd.s32 $0xFFFFFFFF  }
0xb5: {  	_ =	strace $0x90000051  }
0xb6: {  	_ =	sfence  }
0xb7: {  	s30 =	sld [smem:$0x0];
	_ =	sdelay $0x2  }
0xb8: {  	s31 =	sshll.u32 s1, $0xD;
	s1 =	sshrl.u32 s1, $0x2  }
0xb9: {  	s3 =	sand.u32 $0x4000, s31;
	s1 =	sadd.s32 s1, s30  }
0xba: {  	s0 =	sor.u32 s3, s0;
	s1 =	sshll.u32 s1, $0x11  }
0xbb: {  	s0 =	sor.u32 s1, s0  }
0xbc: {  	s0 =	sadd.s32 $0x8F2B, s0  }
0xbd: {  	[sflag:s0] =	ssyncadd.remote.s32 $0x1  }
0xbe: {  	_ =	sfence.sel $0xFFFF  }
0xbf: {  	[dreg:$0x0] =	wrdreg $0xFFFFFFFF;
	(pc) =	sbr.abs _section_cstart, $3  }
0xc0: {  	[dreg:$0x1] =	wrdreg $0xFFFFFFFF  }
0xc1: {  	_ =	task.clear_ibuf [dreg:s7], $0x2FFFF;
	_ =	strace $0x9FFFFFFF  }
0xc2: {  	(tm) =	ssettm $0x7FFFFFFF  }
0xc3: {  	_ =	shalt  }
tec
execute0_lowered:
.L_overlay_start_1:
0x0: {  	(tag) =	ssettag $0x1  }
0x1: {  	s0 =	srdreg.scid  }
0x2: {  	s4 =	sand.u32 $0x1, s0  }
0x3: {  	s0 =	stileid.u32;
	s9 =	smul.u32 $0x5000, s4  }
0x4: {  	s2 =	rddreg [dreg:$0x0];
	s10 =	smul.u32 $0x500, s0  }
0x5: {  	s5 =	rddreg [dreg:$0x1];
	s3 =	simm.s32 $0x0;
	s1 =	sshll.u32 s4, $0x4  }
0x6: {  	[smem:$0x7FF] =	sst s3;
	s6 =	sor.u32 s0, s1;
	s31 =	sadd.s32 s10, s9  }
0x7: {  	s8 =	ssub.s32 $0x2, s4;
	s7 =	smul.u32 $0x2800, s6;
	s12 =	sshrl.u32 s31, $0x2  }
0x8: {  	s1 =	rddreg [dreg:$0x2];
	s6 =	smul.u32 $0x500, s6;
	s13 =	sadd.s32 $0x7800, s12  }
0x9: {  	_ =	strace $0x80000050;
	s30 =	sshrl.u32 s8, $0x1;
	s9 =	simm.s32 $0x2800;
	v1 =	vmov s13  }
0xa: {  	s10 =	simm.s32 $0x5000;
	s29 =	sshrl.u32 s7, $0x3;
	s6 =	sadd.s32 s6, s5  }
0xb: {  	s7 =	ssub.s32 s8, s30;
	s8 =	simm.s32 $0x1;
	v2 =	vmov s12;
	s12 =	simm.s32 $0x0  }
0xc: {  	s11 =	sadd.s32 s29, s5;
	s6 =	sadd.s32 $0x16000, s6;
	s7 =	smax.u32 s7, $0x1  }
0xd: {  	v0 =	vimm.f32 $0.0e+00;
	s4 =	sadd.s32 $0x2000, s11;
	s5 =	sadd.s32 $0xC000, s11;
	s11 =	simm.s32 $0x7800  }
.LBB2_1:
0xe: {  	s13 =	simm.s32 $0x40;
	s14 =	simm.s32 $0x0  }
.LBB2_2:
0xf: {  	p0 =	sne.s32 s13, $0x9FC0;
	[tilespmem:s14+$0x7800] =	vst v0;
	s14 =	smov.u32 s13;
	s13 =	sadd.s32 $0x40, s13  }
.Ltmp0:
0x10: {  	(pc) =	sbr.rel @p0 .LBB2_2-.Ltmp0, $2  }
0x11: {  	_ =	sdelay $0x2  }
0x12: {  	s14 =	sshra.s32 s14, $0x2  }
0x13: {  	[tilespmem:s14+$0x7800] =	vst v0;
	s13 =	simm.s32 $0x0  }
0x14: {  	[tilespmem:s13], [sflag:$0x1] =	stream.linear.gather [hbm4b:s2+s13], $0x2800, $0x38;
	[tilespmem:$0xA000] =	vst v63  }
0x15: {  	_ =	swait.ge [sflag:s8], $0x2800  }
0x16: {  	[sflag:s8] =	ssyncset.done $0x0  }
0x17: {  	[sflag:s8] =	ssyncadd.s32 $0xFFFFD800  }
0x18: {  	[tilespmem:s9], [sflag:$0x1] =	stream.linear.gather [hbm4b:s4+s13], $0x2800, $0x38;
	[tilespmem:$0xA000] =	vst v63  }
0x19: {  	_ =	swait.ge [sflag:s8], $0x2800  }
0x1a: {  	[sflag:s8] =	ssyncset.done $0x0  }
0x1b: {  	[sflag:s8] =	ssyncadd.s32 $0xFFFFD800  }
0x1c: {  	[tilespmem:s10], [sflag:$0x1] =	stream.linear.gather [hbm4b:s5+s13], $0x2800, $0x38;
	[tilespmem:$0xA000] =	vst v63  }
0x1d: {  	_ =	swait.ge [sflag:s8], $0x2800  }
0x1e: {  	[sflag:s8] =	ssyncset.done $0x0  }
0x1f: {  	s14 =	simm.s32 $0x0;
	[sflag:s8] =	ssyncadd.s32 $0xFFFFD800  }
.LBB2_4:
0x20: {  	s15 =	sshra.s32 s14, $0x2  }
0x21: {  	v3 =	vld [tilespmem:s15+$0x2800];
	_ =	sdelay $0x4  }
0x22: {  	v4 =	vld [tilespmem:s15+$0x5000];
	_ =	sdelay $0x2  }
0x23: {  	v3 =	vld.idx.msk [tilespmem:v3+s13+$0x0], $0xffff;
	_ =	sdelay $0x4  }
0x24: {  	[tilespmem:v4+s11+$0x0] =	vst.idx.add.f32.msk $0xffff, v3  }
0x25: {  	v3 =	vld [tilespmem:s15+$0x2810];
	_ =	sdelay $0x4  }
0x26: {  	v4 =	vld [tilespmem:s15+$0x5010];
	_ =	sdelay $0x2  }
0x27: {  	v3 =	vld.idx.msk [tilespmem:v3+s13+$0x0], $0xffff;
	_ =	sdelay $0x4  }
0x28: {  	[tilespmem:v4+s11+$0x0] =	vst.idx.add.f32.msk $0xffff, v3  }
0x29: {  	v3 =	vld [tilespmem:s15+$0x2820];
	_ =	sdelay $0x4  }
0x2a: {  	v4 =	vld [tilespmem:s15+$0x5020];
	_ =	sdelay $0x2  }
0x2b: {  	v3 =	vld.idx.msk [tilespmem:v3+s13+$0x0], $0xffff;
	_ =	sdelay $0x4  }
0x2c: {  	[tilespmem:v4+s11+$0x0] =	vst.idx.add.f32.msk $0xffff, v3  }
0x2d: {  	v3 =	vld [tilespmem:s15+$0x2830];
	_ =	sdelay $0x4  }
0x2e: {  	v4 =	vld [tilespmem:s15+$0x5030];
	_ =	sdelay $0x2  }
0x2f: {  	v3 =	vld.idx.msk [tilespmem:v3+s13+$0x0], $0xffff;
	_ =	sdelay $0x4  }
0x30: {  	[tilespmem:v4+s11+$0x0] =	vst.idx.add.f32.msk $0xffff, v3  }
0x31: {  	v3 =	vld [tilespmem:s15+$0x2840];
	_ =	sdelay $0x4  }
0x32: {  	v4 =	vld [tilespmem:s15+$0x5040];
	_ =	sdelay $0x2  }
0x33: {  	v3 =	vld.idx.msk [tilespmem:v3+s13+$0x0], $0xffff;
	_ =	sdelay $0x4  }
0x34: {  	[tilespmem:v4+s11+$0x0] =	vst.idx.add.f32.msk $0xffff, v3  }
0x35: {  	v3 =	vld [tilespmem:s15+$0x2850];
	_ =	sdelay $0x4  }
0x36: {  	v4 =	vld [tilespmem:s15+$0x5050];
	_ =	sdelay $0x2  }
0x37: {  	v3 =	vld.idx.msk [tilespmem:v3+s13+$0x0], $0xffff;
	_ =	sdelay $0x4  }
0x38: {  	[tilespmem:v4+s11+$0x0] =	vst.idx.add.f32.msk $0xffff, v3  }
0x39: {  	v3 =	vld [tilespmem:s15+$0x2860];
	_ =	sdelay $0x4  }
0x3a: {  	v4 =	vld [tilespmem:s15+$0x5060];
	_ =	sdelay $0x2  }
0x3b: {  	v3 =	vld.idx.msk [tilespmem:v3+s13+$0x0], $0xffff;
	_ =	sdelay $0x4  }
0x3c: {  	[tilespmem:v4+s11+$0x0] =	vst.idx.add.f32.msk $0xffff, v3  }
0x3d: {  	v3 =	vld [tilespmem:s15+$0x2870];
	_ =	sdelay $0x4  }
0x3e: {  	v4 =	vld [tilespmem:s15+$0x5070];
	_ =	sdelay $0x2  }
0x3f: {  	p0 =	sne.s32 s14, $0x9E00;
	v3 =	vld.idx.msk [tilespmem:v3+s13+$0x0], $0xffff  }
.Ltmp1:
0x40: {  	_ = 	snop;
	(pc) =	sbr.rel @p0 .LBB2_4-.Ltmp1, $2  }
0x41: {  	_ =	sdelay $0x2  }
0x42: {  	s14 =	sadd.s32 $0x200, s14;
	[tilespmem:v4+s11+$0x0] =	vst.idx.add.f32.msk $0xffff, v3  }
0x43: {  	_ =	sdelay $0x2  }
0x44: {  	s14 =	sshra.s32 s13, $0x2  }
0x45: {  	s13 =	sadd.s32 $0x40, s13;
	v3 =	vld.idx.msk [tilespmem:v2+s14+$0x0 ss:$0x1], $0xffff  }
.LBB2_6:
0x46: {  	p0 =	sne.s32 s13, $0x4C0;
	v4 =	vld.idx.msk [tilespmem:v1+s14+$0x0 ss:$0x1], $0xffff;
	_ =	sdelay $0x4  }
.Ltmp2:
0x47: {  	(pc) =	sbr.rel @p0 .LBB2_6-.Ltmp2, $3  }
0x48: {  	v3 =	vadd.f32 v3, v4;
	_ =	sdelay $0x1  }
0x49: {  	[tilespmem:v1+s14+$0x0 ss:$0x1] =	vst.idx.msk $0xffff, v3;
	s14 =	sshra.s32 s13, $0x2  }
0x4a: {  	s13 =	sadd.s32 $0x40, s13;
	v3 =	vld.idx.msk [tilespmem:v2+s14+$0x0 ss:$0x1], $0xffff  }
0x4b: {  	_ =	sdelay $0x3  }
0x4c: {  	v4 =	vld.idx.msk [tilespmem:v1+s14+$0x0 ss:$0x1], $0xffff;
	_ =	sdelay $0x4  }
0x4d: {  	s12 =	sadd.s32 $0x1, s12;
	v3 =	vadd.f32 v3, v4  }
0x4e: {  	p0 =	sne.s32 s12, s7  }
.Ltmp3:
0x4f: {  	[tilespmem:v1+s14+$0x0 ss:$0x1] =	vst.idx.msk $0xffff, v3;
	(pc) =	sbr.rel @p0 .LBB2_1-.Ltmp3, $4  }
0x50: {  	[hbm4b:s6+s3] =	stream.linear.scatter [tilespmem:s11], [sflag:$0x1], $0x2800, $0x38;
	[tilespmem:$0xA000] =	vst v63  }
0x51: {  	_ =	swait.ge [sflag:s8], $0x2800  }
0x52: {  	[sflag:s8] =	ssyncset.done $0x0  }
0x53: {  	[sflag:s8] =	ssyncadd.s32 $0xFFFFD800  }
0x54: {  	_ =	sfence.sel $0x180000  }
0x55: {  	[bflag:$0x0] =	sbarrier.arrive $0xFFFF  }
0x56: {  	p0 =	sne.s32 s0, $0x0;
	_ =	strace $0x90000050  }
0x57: {  	s0 =	sadd.s32 @!p0 $0x100000, s1;
	[bflag:$0x2] =	sbarrier.arrive $0xFFFF  }
0x58: {  	[sflag:s0] =	ssyncadd.tile.s32 @!p0 $0x1;
	_ =	shalt  }
.Lfunc_end2:
_tile_overlayer_lowered:
.L_overlay_start_2:
0x59: {  	(tag) =	ssettag $0x2  }
0x5a: {  	s0 =	rddreg [dreg:$0x0];
	s2 =	stileid.u32  }
0x5b: {  	s1 =	rddreg [dreg:$0x1];
	p0 =	sne.s32 s2, $0x0  }
0x5c: {  	s3 =	rddreg [dreg:$0x2];
	[bflag:$0x3] =	sbarrier.arrive $0xFFFF;
	s2 =	simm.s32 @!p0 $0x1C01  }
0x5d: {  	[timem:s3], [sflag:s2] =	dma.local @!p0 [hbm:s0], s1  }
0x5e: {  	s0 =	simm.s32 @!p0 $0x1  }
0x5f: {  	_ =	swait.ge @!p0 [sflag:s0], s1  }
0x60: {  	s1 =	ssub.s32 @!p0 $0x0, s1;
	[sflag:s0] =	ssyncset.done @!p0 $0x0  }
0x61: {  	[sflag:s0] =	ssyncadd.s32 @!p0 s1  }
0x62: {  	[bflag:$0x3] =	sbarrier.arrive $0xFFFF  }
0x63: {  	_ =	shalt  }

</sc_bundles>
